<compile_context>
chip_gen: v7x
topology: tpu7x:2x2x1
jax: 0.10.2.dev20260603
libtpu: 0.0.44.dev20260713+nightly
codegen_flags: <defaults>
</compile_context>

<pallas_src>
import functools

import jax
import jax.numpy as jnp
from jax import lax
from jax.experimental import pallas as pl
from jax.experimental.pallas import tpu as pltpu
from jax.experimental.pallas import tpu_sc as plsc

R = 128
N = 32768
K = 32
L = 16
NC, NS = 2, 16
NW = NC * NS
ROWS_PER_W = R // NW
NCHUNK = N // L
SUP = 16
NSUP = NCHUNK // SUP
NB = NSUP * L
P2U = 8

_NEG = float("-inf")


def _xlane_max(v):
    iota = lax.iota(jnp.int32, L)
    for sh in (8, 4, 2, 1):
        v = jnp.maximum(v, v.at[iota ^ sh].get(mode="promise_in_bounds"))
    return v


def _popcount(m):
    return plsc.all_reduce_population_count(m)[0]


def _sortd(v):
    s, _ = plsc.sort_key_val(v, v, descending=True)
    return s


def _topk_one_row(row_v, gmax_v, bidx_v, cand_v, out_v, obase):
    ninf = jnp.full((L,), _NEG, dtype=jnp.float32)
    iota = lax.iota(jnp.int32, L)

    def p1(s, carry):
        m1, m2 = carry
        base = s * (SUP * L)
        g0 = row_v[pl.ds(base, L)]
        g1 = row_v[pl.ds(base + L, L)]
        g2 = row_v[pl.ds(base + 2 * L, L)]
        g3 = row_v[pl.ds(base + 3 * L, L)]
        for t in range(4, SUP, 4):
            g0 = jnp.maximum(g0, row_v[pl.ds(base + t * L, L)])
            g1 = jnp.maximum(g1, row_v[pl.ds(base + (t + 1) * L, L)])
            g2 = jnp.maximum(g2, row_v[pl.ds(base + (t + 2) * L, L)])
            g3 = jnp.maximum(g3, row_v[pl.ds(base + (t + 3) * L, L)])
        g = jnp.maximum(jnp.maximum(g0, g1), jnp.maximum(g2, g3))
        gmax_v[pl.ds(s * L, L)] = g
        lo = jnp.minimum(m1, g)
        return jnp.maximum(m1, g), jnp.maximum(m2, lo)

    _, m2 = lax.fori_loop(0, NSUP, p1, (ninf, ninf))
    tvf = -_xlane_max(-m2)

    def p2(c, cntb):
        gvs = [gmax_v[pl.ds((c * P2U + u) * L, L)] for u in range(P2U)]
        ms = [gv >= tvf for gv in gvs]
        pcs = [_popcount(m) for m in ms]
        for u in range(P2U):
            idx = (c * P2U + u) * L + iota
            plsc.store_compressed(bidx_v.at[pl.ds(cntb, L)], idx, mask=ms[u])
            cntb = cntb + pcs[u]
        return cntb

    cntb = lax.fori_loop(0, NSUP // P2U, p2, jnp.int32(0))
    bidx_v[pl.ds(cntb, L)] = jnp.zeros((L,), jnp.int32)
    nbch = cntb // L + 1

    def p3(j, cnt):
        bv = bidx_v[pl.ds(j * L, L)]
        valid = (j * L + iota) < cntb
        sup = lax.shift_right_logical(bv, 4)
        lane = lax.bitwise_and(bv, 15)
        base = sup * (SUP * L) + lane
        vs, ms, pcs = [], [], []
        for t in range(SUP):
            v = plsc.load_gather(row_v, [base + t * L], mask=valid)
            m = jnp.logical_and(v >= tvf, valid)
            vs.append(v)
            ms.append(m)
            pcs.append(_popcount(m))
        for t in range(SUP):
            plsc.store_compressed(cand_v.at[pl.ds(cnt, L)], vs[t], mask=ms[t])
            cnt = cnt + pcs[t]
        return cnt

    cnt3 = lax.fori_loop(0, nbch, p3, jnp.int32(0))
    cand_v[pl.ds(cnt3, L)] = ninf
    nch3 = cnt3 // L + 1

    def fold(j, carry):
        hi, lo = carry
        s = _sortd(cand_v[pl.ds(j * L, L)])
        rs = jnp.flip(s)
        u = jnp.maximum(hi, rs)
        l = jnp.minimum(hi, rs)
        ls = _sortd(l)
        w = jnp.maximum(ls, jnp.flip(lo))
        return _sortd(u), _sortd(w)

    hi, lo = lax.fori_loop(0, nch3, fold, (ninf, ninf))
    out_v[pl.ds(obase, L)] = hi
    out_v[pl.ds(obase + L, L)] = lo


def kernel(x):
    mesh = plsc.VectorSubcoreMesh(
        core_axis_name="c", subcore_axis_name="s",
        num_cores=NC, num_subcores=NS)

    @functools.partial(
        pl.kernel,
        out_type=jax.ShapeDtypeStruct((R * K,), jnp.float32),
        mesh=mesh,
        scratch_types=[
            pltpu.VMEM((N,), jnp.float32),
            pltpu.VMEM((N,), jnp.float32),
            pltpu.VMEM((NB,), jnp.float32),
            pltpu.VMEM((NB + L,), jnp.int32),
            pltpu.VMEM((N + L,), jnp.float32),
            pltpu.VMEM((ROWS_PER_W * K + L,), jnp.float32),
            pltpu.SemaphoreType.DMA,
            pltpu.SemaphoreType.DMA,
        ],
        compiler_params=pltpu.CompilerParams(needs_layout_passes=False),
    )
    def run(x_hbm, out_hbm, row0_v, row1_v, gmax_v, bidx_v, cand_v, out_v,
            sem0, sem1):
        wid = lax.axis_index("s") * NC + lax.axis_index("c")
        r0 = wid * ROWS_PER_W
        bufs = [row0_v, row1_v]
        sems = [sem0, sem1]
        cp = pltpu.async_copy(x_hbm.at[r0], row0_v, sem0)
        for j in range(ROWS_PER_W):
            nxt = None
            if j + 1 < ROWS_PER_W:
                nxt = pltpu.async_copy(
                    x_hbm.at[r0 + j + 1], bufs[(j + 1) % 2], sems[(j + 1) % 2])
            cp.wait()
            _topk_one_row(bufs[j % 2], gmax_v, bidx_v, cand_v, out_v, j * K)
            cp = nxt
        pltpu.sync_copy(
            out_v.at[pl.ds(0, ROWS_PER_W * K)],
            out_hbm.at[pl.ds(r0 * K, ROWS_PER_W * K)])

    return run(x).reshape(R, K)

# --- scband reference (transcript-rebuilt; emitter-appended) ---
"""Pipeline reference for scband-kmax-pool-32487132627245 (READ-ONLY COPY).

The authoritative reference and input builder live on the scoring server;
editing this copy changes nothing except your own understanding.
"""

import jax, jax.numpy as jnp
import numpy as np

K = 32

def setup_inputs(seed: int = 0) -> dict:
    key = jax.random.key(seed)
    x = jax.random.normal(key, (128, 32768), dtype=jnp.float32)
    return {"x": x}

def reference(x):
    # torch: x.topk(k=32, dim=1)[0] -> values sorted descending along dim 1
    # dim=1 is the last axis here, so jax.lax.top_k applies directly.
    vals, _ = jax.lax.top_k(x, K)
    return vals

if __name__ == "__main__":
    import jax
    _d = setup_inputs()
    print(jax.jit(kernel)(*tuple(_d.values())))

</pallas_src>

<mosaic_0001>
#map = affine_map<(d0, d1) -> (0, 0)>
#map1 = affine_map<(d0, d1) -> (0)>
module attributes {stable_mosaic.version = 14 : i64} {
  func.func @run(%arg0: i32, %arg1: i32, %arg2: memref<128x32768xf32, #tpu.memory_space<hbm>>, %arg3: memref<4096xf32, #tpu.memory_space<hbm>>, %arg4: memref<32768xf32, #tpu.memory_space<vmem>>, %arg5: memref<32768xf32, #tpu.memory_space<vmem>>, %arg6: memref<2048xf32, #tpu.memory_space<vmem>>, %arg7: memref<2064xi32, #tpu.memory_space<vmem>>, %arg8: memref<32784xf32, #tpu.memory_space<vmem>>, %arg9: memref<144xf32, #tpu.memory_space<vmem>>, %arg10: memref<!tpu.dma_semaphore, #tpu.memory_space<semaphore_mem>>, %arg11: memref<!tpu.dma_semaphore, #tpu.memory_space<semaphore_mem>>) attributes {dimension_semantics = [#tpu.dimension_semantics<core_parallel>, #tpu.dimension_semantics<subcore_parallel>], iteration_bounds = array<i64: 2, 16>, scalar_prefetch = 0 : i64, scratch_operands = 8 : i64, tpu.core_type = #tpu.core_type<sc_vector_subcore>, window_params = [{transform_indices = #map}, {transform_indices = #map1}]} {
    %mul3A = arith.constant 2 : i32
    %mul3A_0 = arith.muli %arg1, %mul3A : i32
    %add3A = arith.addi %mul3A_0, %arg0 : i32
    %mul3A_1 = arith.constant 4 : i32
    %mul3A_2 = arith.muli %add3A, %mul3A_1 : i32
    %dma_start3A = arith.constant 0 : i32
    %dma_start3A_3 = tpu.memref_slice %arg2[%mul3A_2, %dma_start3A] : memref<128x32768xf32, #tpu.memory_space<hbm>> -> memref<1x32768xf32, #tpu.memory_space<hbm>>
    %dma_start3A_4 = tpu.memref_squeeze %dma_start3A_3 : memref<1x32768xf32, #tpu.memory_space<hbm>> -> memref<32768xf32, #tpu.memory_space<hbm>>
    %dma_start3A_5 = arith.constant 0 : i32
    %dma_start3A_6 = tpu.memref_slice %arg2[%mul3A_2, %dma_start3A_5] : memref<128x32768xf32, #tpu.memory_space<hbm>> -> memref<1x32768xf32, #tpu.memory_space<hbm>>
    %dma_start3A_7 = tpu.memref_squeeze %dma_start3A_6 : memref<1x32768xf32, #tpu.memory_space<hbm>> -> memref<32768xf32, #tpu.memory_space<hbm>>
    tpu.enqueue_dma source(%dma_start3A_7 : memref<32768xf32, #tpu.memory_space<hbm>>) target(%arg4 : memref<32768xf32, #tpu.memory_space<vmem>>) target_semaphore(%arg10 : memref<!tpu.dma_semaphore, #tpu.memory_space<semaphore_mem>>)
    %add3A_8 = arith.constant 0 : i32
    %add3A_9 = arith.addi %mul3A_2, %add3A_8 : i32
    %add3A_10 = arith.constant 1 : i32
    %add3A_11 = arith.addi %add3A_9, %add3A_10 : i32
    %dma_start3A_12 = arith.constant 0 : i32
    %dma_start3A_13 = tpu.memref_slice %arg2[%add3A_11, %dma_start3A_12] : memref<128x32768xf32, #tpu.memory_space<hbm>> -> memref<1x32768xf32, #tpu.memory_space<hbm>>
    %dma_start3A_14 = tpu.memref_squeeze %dma_start3A_13 : memref<1x32768xf32, #tpu.memory_space<hbm>> -> memref<32768xf32, #tpu.memory_space<hbm>>
    %dma_start3A_15 = arith.constant 0 : i32
    %dma_start3A_16 = tpu.memref_slice %arg2[%add3A_11, %dma_start3A_15] : memref<128x32768xf32, #tpu.memory_space<hbm>> -> memref<1x32768xf32, #tpu.memory_space<hbm>>
    %dma_start3A_17 = tpu.memref_squeeze %dma_start3A_16 : memref<1x32768xf32, #tpu.memory_space<hbm>> -> memref<32768xf32, #tpu.memory_space<hbm>>
    tpu.enqueue_dma source(%dma_start3A_17 : memref<32768xf32, #tpu.memory_space<hbm>>) target(%arg5 : memref<32768xf32, #tpu.memory_space<vmem>>) target_semaphore(%arg11 : memref<!tpu.dma_semaphore, #tpu.memory_space<semaphore_mem>>)
    %dma_wait3A = arith.constant 0 : i32
    %dma_wait3A_18 = tpu.memref_slice %arg2[%mul3A_2, %dma_wait3A] : memref<128x32768xf32, #tpu.memory_space<hbm>> -> memref<1x32768xf32, #tpu.memory_space<hbm>>
    %dma_wait3A_19 = tpu.memref_squeeze %dma_wait3A_18 : memref<1x32768xf32, #tpu.memory_space<hbm>> -> memref<32768xf32, #tpu.memory_space<hbm>>
    %dma_wait3A_20 = arith.constant 0 : i32
    %dma_wait3A_21 = tpu.memref_slice %arg2[%mul3A_2, %dma_wait3A_20] : memref<128x32768xf32, #tpu.memory_space<hbm>> -> memref<1x32768xf32, #tpu.memory_space<hbm>>
    %dma_wait3A_22 = tpu.memref_squeeze %dma_wait3A_21 : memref<1x32768xf32, #tpu.memory_space<hbm>> -> memref<32768xf32, #tpu.memory_space<hbm>>
    tpu.wait_dma2 semaphore(%arg10 : memref<!tpu.dma_semaphore, #tpu.memory_space<semaphore_mem>>) src(%dma_wait3A_22 : memref<32768xf32, #tpu.memory_space<hbm>>) dst(%arg4 : memref<32768xf32, #tpu.memory_space<vmem>>)
    %broadcast_in_dim3A = arith.constant 0xFF800000 : f32
    %broadcast_in_dim3A_23 = vector.broadcast %broadcast_in_dim3A : f32 to vector<16xf32>
    %iota3A = tpu.iota {dimensions = array<i32: 0>} : vector<16xi32>
    %scan3A = arith.constant 0 : i32
    %scan3A_24 = arith.constant 128 : i32
    %scan3A_25 = arith.addi %scan3A, %scan3A_24 : i32
    %scan3A_26 = arith.constant 1 : i32
    %scan3A_27:2 = scf.for %scan3A_701 = %scan3A to %scan3A_25 step %scan3A_26 iter_args(%scan3A_702 = %broadcast_in_dim3A_23, %scan3A_703 = %broadcast_in_dim3A_23) -> (vector<16xf32>, vector<16xf32>)  : i32 {
      %mul3A_704 = arith.constant 256 : i32
      %mul3A_705 = arith.muli %scan3A_701, %mul3A_704 : i32
      %get3A = arith.index_cast %mul3A_705 : i32 to index
      %get3A_706 = tpu.vector_load %arg4[%get3A] {strides = array<i32>} : memref<32768xf32, #tpu.memory_space<vmem>>, vector<16xf32>,
      %add3A_707 = arith.constant 16 : i32
      %add3A_708 = arith.addi %mul3A_705, %add3A_707 : i32
      %get3A_709 = arith.index_cast %add3A_708 : i32 to index
      %get3A_710 = tpu.vector_load %arg4[%get3A_709] {strides = array<i32>} : memref<32768xf32, #tpu.memory_space<vmem>>, vector<16xf32>,
      %add3A_711 = arith.constant 32 : i32
      %add3A_712 = arith.addi %mul3A_705, %add3A_711 : i32
      %get3A_713 = arith.index_cast %add3A_712 : i32 to index
      %get3A_714 = tpu.vector_load %arg4[%get3A_713] {strides = array<i32>} : memref<32768xf32, #tpu.memory_space<vmem>>, vector<16xf32>,
      %add3A_715 = arith.constant 48 : i32
      %add3A_716 = arith.addi %mul3A_705, %add3A_715 : i32
      %get3A_717 = arith.index_cast %add3A_716 : i32 to index
      %get3A_718 = tpu.vector_load %arg4[%get3A_717] {strides = array<i32>} : memref<32768xf32, #tpu.memory_space<vmem>>, vector<16xf32>,
      %add3A_719 = arith.constant 64 : i32
      %add3A_720 = arith.addi %mul3A_705, %add3A_719 : i32
      %get3A_721 = arith.index_cast %add3A_720 : i32 to index
      %get3A_722 = tpu.vector_load %arg4[%get3A_721] {strides = array<i32>} : memref<32768xf32, #tpu.memory_space<vmem>>, vector<16xf32>,
      %max3A_723 = arith.maximumf %get3A_706, %get3A_722 : vector<16xf32>
      %add3A_724 = arith.constant 80 : i32
      %add3A_725 = arith.addi %mul3A_705, %add3A_724 : i32
      %get3A_726 = arith.index_cast %add3A_725 : i32 to index
      %get3A_727 = tpu.vector_load %arg4[%get3A_726] {strides = array<i32>} : memref<32768xf32, #tpu.memory_space<vmem>>, vector<16xf32>,
      %max3A_728 = arith.maximumf %get3A_710, %get3A_727 : vector<16xf32>
      %add3A_729 = arith.constant 96 : i32
      %add3A_730 = arith.addi %mul3A_705, %add3A_729 : i32
      %get3A_731 = arith.index_cast %add3A_730 : i32 to index
      %get3A_732 = tpu.vector_load %arg4[%get3A_731] {strides = array<i32>} : memref<32768xf32, #tpu.memory_space<vmem>>, vector<16xf32>,
      %max3A_733 = arith.maximumf %get3A_714, %get3A_732 : vector<16xf32>
      %add3A_734 = arith.constant 112 : i32
      %add3A_735 = arith.addi %mul3A_705, %add3A_734 : i32
      %get3A_736 = arith.index_cast %add3A_735 : i32 to index
      %get3A_737 = tpu.vector_load %arg4[%get3A_736] {strides = array<i32>} : memref<32768xf32, #tpu.memory_space<vmem>>, vector<16xf32>,
      %max3A_738 = arith.maximumf %get3A_718, %get3A_737 : vector<16xf32>
      %add3A_739 = arith.constant 128 : i32
      %add3A_740 = arith.addi %mul3A_705, %add3A_739 : i32
      %get3A_741 = arith.index_cast %add3A_740 : i32 to index
      %get3A_742 = tpu.vector_load %arg4[%get3A_741] {strides = array<i32>} : memref<32768xf32, #tpu.memory_space<vmem>>, vector<16xf32>,
      %max3A_743 = arith.maximumf %max3A_723, %get3A_742 : vector<16xf32>
      %add3A_744 = arith.constant 144 : i32
      %add3A_745 = arith.addi %mul3A_705, %add3A_744 : i32
      %get3A_746 = arith.index_cast %add3A_745 : i32 to index
      %get3A_747 = tpu.vector_load %arg4[%get3A_746] {strides = array<i32>} : memref<32768xf32, #tpu.memory_space<vmem>>, vector<16xf32>,
      %max3A_748 = arith.maximumf %max3A_728, %get3A_747 : vector<16xf32>
      %add3A_749 = arith.constant 160 : i32
      %add3A_750 = arith.addi %mul3A_705, %add3A_749 : i32
      %get3A_751 = arith.index_cast %add3A_750 : i32 to index
      %get3A_752 = tpu.vector_load %arg4[%get3A_751] {strides = array<i32>} : memref<32768xf32, #tpu.memory_space<vmem>>, vector<16xf32>,
      %max3A_753 = arith.maximumf %max3A_733, %get3A_752 : vector<16xf32>
      %add3A_754 = arith.constant 176 : i32
      %add3A_755 = arith.addi %mul3A_705, %add3A_754 : i32
      %get3A_756 = arith.index_cast %add3A_755 : i32 to index
      %get3A_757 = tpu.vector_load %arg4[%get3A_756] {strides = array<i32>} : memref<32768xf32, #tpu.memory_space<vmem>>, vector<16xf32>,
      %max3A_758 = arith.maximumf %max3A_738, %get3A_757 : vector<16xf32>
      %add3A_759 = arith.constant 192 : i32
      %add3A_760 = arith.addi %mul3A_705, %add3A_759 : i32
      %get3A_761 = arith.index_cast %add3A_760 : i32 to index
      %get3A_762 = tpu.vector_load %arg4[%get3A_761] {strides = array<i32>} : memref<32768xf32, #tpu.memory_space<vmem>>, vector<16xf32>,
      %max3A_763 = arith.maximumf %max3A_743, %get3A_762 : vector<16xf32>
      %add3A_764 = arith.constant 208 : i32
      %add3A_765 = arith.addi %mul3A_705, %add3A_764 : i32
      %get3A_766 = arith.index_cast %add3A_765 : i32 to index
      %get3A_767 = tpu.vector_load %arg4[%get3A_766] {strides = array<i32>} : memref<32768xf32, #tpu.memory_space<vmem>>, vector<16xf32>,
      %max3A_768 = arith.maximumf %max3A_748, %get3A_767 : vector<16xf32>
      %add3A_769 = arith.constant 224 : i32
      %add3A_770 = arith.addi %mul3A_705, %add3A_769 : i32
      %get3A_771 = arith.index_cast %add3A_770 : i32 to index
      %get3A_772 = tpu.vector_load %arg4[%get3A_771] {strides = array<i32>} : memref<32768xf32, #tpu.memory_space<vmem>>, vector<16xf32>,
      %max3A_773 = arith.maximumf %max3A_753, %get3A_772 : vector<16xf32>
      %add3A_774 = arith.constant 240 : i32
      %add3A_775 = arith.addi %mul3A_705, %add3A_774 : i32
      %get3A_776 = arith.index_cast %add3A_775 : i32 to index
      %get3A_777 = tpu.vector_load %arg4[%get3A_776] {strides = array<i32>} : memref<32768xf32, #tpu.memory_space<vmem>>, vector<16xf32>,
      %max3A_778 = arith.maximumf %max3A_758, %get3A_777 : vector<16xf32>
      %max3A_779 = arith.maximumf %max3A_763, %max3A_768 : vector<16xf32>
      %max3A_780 = arith.maximumf %max3A_773, %max3A_778 : vector<16xf32>
      %max3A_781 = arith.maximumf %max3A_779, %max3A_780 : vector<16xf32>
      %mul3A_782 = arith.constant 16 : i32
      %mul3A_783 = arith.muli %scan3A_701, %mul3A_782 : i32
      %swap3A_784 = arith.index_cast %mul3A_783 : i32 to index
      %swap3A_785 = tpu.vector_load %arg6[%swap3A_784] {strides = array<i32>} : memref<2048xf32, #tpu.memory_space<vmem>>, vector<16xf32>,
      tpu.vector_store %arg6[%swap3A_784], %max3A_781 {strides = array<i32>} : memref<2048xf32, #tpu.memory_space<vmem>>, vector<16xf32>,
      %min3A = arith.minimumf %scan3A_702, %max3A_781 : vector<16xf32>
      %max3A_786 = arith.maximumf %scan3A_702, %max3A_781 : vector<16xf32>
      %max3A_787 = arith.maximumf %scan3A_703, %min3A : vector<16xf32>
      scf.yield %max3A_786, %max3A_787 : vector<16xf32>, vector<16xf32>
    }
    %scan3A_28 = arith.constant 128 : i32
    %neg3A = arith.constant 0.000000e+00 : f32
    %neg3A_29 = vector.broadcast %neg3A : f32 to vector<16xf32>
    %neg3A_30 = arith.subf %neg3A_29, %scan3A_27#1 : vector<16xf32>
    %iota3A_31 = tpu.iota {dimensions = array<i32: 0>} : vector<16xi32>
    %xor3A = arith.constant 8 : i32
    %xor3A_32 = vector.broadcast %xor3A : i32 to vector<16xi32>
    %xor3A_33 = arith.xori %iota3A_31, %xor3A_32 : vector<16xi32>
    %lt3A = arith.constant 0 : i32
    %lt3A_34 = vector.broadcast %lt3A : i32 to vector<16xi32>
    %lt3A_35 = arith.cmpi slt, %xor3A_33, %lt3A_34 : vector<16xi32>
    %add3A_36 = arith.constant 16 : i32
    %add3A_37 = vector.broadcast %add3A_36 : i32 to vector<16xi32>
    %add3A_38 = arith.addi %xor3A_33, %add3A_37 : vector<16xi32>
    %select_n3A = arith.select %lt3A_35, %add3A_38, %xor3A_33 : vector<16xi1>, vector<16xi32>
    %broadcast_in_dim3A_39 = vector.shape_cast %select_n3A : vector<16xi32> to vector<16x1xi32>
    %gather3A = vector.shape_cast %broadcast_in_dim3A_39 : vector<16x1xi32> to vector<16xi32>
    %gather3A_40 = tpu.dynamic_gather %neg3A_30[%gather3A] in [0] : vector<16xf32>, vector<16xi32> -> vector<16xf32>
    %max3A = arith.maximumf %neg3A_30, %gather3A_40 : vector<16xf32>
    %xor3A_41 = arith.constant 4 : i32
    %xor3A_42 = vector.broadcast %xor3A_41 : i32 to vector<16xi32>
    %xor3A_43 = arith.xori %iota3A_31, %xor3A_42 : vector<16xi32>
    %lt3A_44 = arith.constant 0 : i32
    %lt3A_45 = vector.broadcast %lt3A_44 : i32 to vector<16xi32>
    %lt3A_46 = arith.cmpi slt, %xor3A_43, %lt3A_45 : vector<16xi32>
    %add3A_47 = arith.constant 16 : i32
    %add3A_48 = vector.broadcast %add3A_47 : i32 to vector<16xi32>
    %add3A_49 = arith.addi %xor3A_43, %add3A_48 : vector<16xi32>
    %select_n3A_50 = arith.select %lt3A_46, %add3A_49, %xor3A_43 : vector<16xi1>, vector<16xi32>
    %broadcast_in_dim3A_51 = vector.shape_cast %select_n3A_50 : vector<16xi32> to vector<16x1xi32>
    %gather3A_52 = vector.shape_cast %broadcast_in_dim3A_51 : vector<16x1xi32> to vector<16xi32>
    %gather3A_53 = tpu.dynamic_gather %max3A[%gather3A_52] in [0] : vector<16xf32>, vector<16xi32> -> vector<16xf32>
    %max3A_54 = arith.maximumf %max3A, %gather3A_53 : vector<16xf32>
    %xor3A_55 = arith.constant 2 : i32
    %xor3A_56 = vector.broadcast %xor3A_55 : i32 to vector<16xi32>
    %xor3A_57 = arith.xori %iota3A_31, %xor3A_56 : vector<16xi32>
    %lt3A_58 = arith.constant 0 : i32
    %lt3A_59 = vector.broadcast %lt3A_58 : i32 to vector<16xi32>
    %lt3A_60 = arith.cmpi slt, %xor3A_57, %lt3A_59 : vector<16xi32>
    %add3A_61 = arith.constant 16 : i32
    %add3A_62 = vector.broadcast %add3A_61 : i32 to vector<16xi32>
    %add3A_63 = arith.addi %xor3A_57, %add3A_62 : vector<16xi32>
    %select_n3A_64 = arith.select %lt3A_60, %add3A_63, %xor3A_57 : vector<16xi1>, vector<16xi32>
    %broadcast_in_dim3A_65 = vector.shape_cast %select_n3A_64 : vector<16xi32> to vector<16x1xi32>
    %gather3A_66 = vector.shape_cast %broadcast_in_dim3A_65 : vector<16x1xi32> to vector<16xi32>
    %gather3A_67 = tpu.dynamic_gather %max3A_54[%gather3A_66] in [0] : vector<16xf32>, vector<16xi32> -> vector<16xf32>
    %max3A_68 = arith.maximumf %max3A_54, %gather3A_67 : vector<16xf32>
    %xor3A_69 = arith.constant 1 : i32
    %xor3A_70 = vector.broadcast %xor3A_69 : i32 to vector<16xi32>
    %xor3A_71 = arith.xori %iota3A_31, %xor3A_70 : vector<16xi32>
    %lt3A_72 = arith.constant 0 : i32
    %lt3A_73 = vector.broadcast %lt3A_72 : i32 to vector<16xi32>
    %lt3A_74 = arith.cmpi slt, %xor3A_71, %lt3A_73 : vector<16xi32>
    %add3A_75 = arith.constant 16 : i32
    %add3A_76 = vector.broadcast %add3A_75 : i32 to vector<16xi32>
    %add3A_77 = arith.addi %xor3A_71, %add3A_76 : vector<16xi32>
    %select_n3A_78 = arith.select %lt3A_74, %add3A_77, %xor3A_71 : vector<16xi1>, vector<16xi32>
    %broadcast_in_dim3A_79 = vector.shape_cast %select_n3A_78 : vector<16xi32> to vector<16x1xi32>
    %gather3A_80 = vector.shape_cast %broadcast_in_dim3A_79 : vector<16x1xi32> to vector<16xi32>
    %gather3A_81 = tpu.dynamic_gather %max3A_68[%gather3A_80] in [0] : vector<16xf32>, vector<16xi32> -> vector<16xf32>
    %max3A_82 = arith.maximumf %max3A_68, %gather3A_81 : vector<16xf32>
    %neg3A_83 = arith.constant 0.000000e+00 : f32
    %neg3A_84 = vector.broadcast %neg3A_83 : f32 to vector<16xf32>
    %neg3A_85 = arith.subf %neg3A_84, %max3A_82 : vector<16xf32>
    %scan3A_86 = arith.constant 0 : i32
    %scan3A_87 = arith.constant 0 : i32
    %scan3A_88 = arith.constant 16 : i32
    %scan3A_89 = arith.addi %scan3A_87, %scan3A_88 : i32
    %scan3A_90 = arith.constant 1 : i32
    %scan3A_91 = scf.for %scan3A_701 = %scan3A_87 to %scan3A_89 step %scan3A_90 iter_args(%scan3A_702 = %scan3A_86) -> (i32)  : i32 {
      %mul3A_703 = arith.constant 8 : i32
      %mul3A_704 = arith.muli %scan3A_701, %mul3A_703 : i32
      %add3A_705 = arith.constant 0 : i32
      %add3A_706 = arith.addi %mul3A_704, %add3A_705 : i32
      %mul3A_707 = arith.constant 16 : i32
      %mul3A_708 = arith.muli %add3A_706, %mul3A_707 : i32
      %get3A = arith.index_cast %mul3A_708 : i32 to index
      %get3A_709 = tpu.vector_load %arg6[%get3A] {strides = array<i32>} : memref<2048xf32, #tpu.memory_space<vmem>>, vector<16xf32>,
      %mul3A_710 = arith.constant 8 : i32
      %mul3A_711 = arith.muli %scan3A_701, %mul3A_710 : i32
      %add3A_712 = arith.constant 1 : i32
      %add3A_713 = arith.addi %mul3A_711, %add3A_712 : i32
      %mul3A_714 = arith.constant 16 : i32
      %mul3A_715 = arith.muli %add3A_713, %mul3A_714 : i32
      %get3A_716 = arith.index_cast %mul3A_715 : i32 to index
      %get3A_717 = tpu.vector_load %arg6[%get3A_716] {strides = array<i32>} : memref<2048xf32, #tpu.memory_space<vmem>>, vector<16xf32>,
      %mul3A_718 = arith.constant 8 : i32
      %mul3A_719 = arith.muli %scan3A_701, %mul3A_718 : i32
      %add3A_720 = arith.constant 2 : i32
      %add3A_721 = arith.addi %mul3A_719, %add3A_720 : i32
      %mul3A_722 = arith.constant 16 : i32
      %mul3A_723 = arith.muli %add3A_721, %mul3A_722 : i32
      %get3A_724 = arith.index_cast %mul3A_723 : i32 to index
      %get3A_725 = tpu.vector_load %arg6[%get3A_724] {strides = array<i32>} : memref<2048xf32, #tpu.memory_space<vmem>>, vector<16xf32>,
      %mul3A_726 = arith.constant 8 : i32
      %mul3A_727 = arith.muli %scan3A_701, %mul3A_726 : i32
      %add3A_728 = arith.constant 3 : i32
      %add3A_729 = arith.addi %mul3A_727, %add3A_728 : i32
      %mul3A_730 = arith.constant 16 : i32
      %mul3A_731 = arith.muli %add3A_729, %mul3A_730 : i32
      %get3A_732 = arith.index_cast %mul3A_731 : i32 to index
      %get3A_733 = tpu.vector_load %arg6[%get3A_732] {strides = array<i32>} : memref<2048xf32, #tpu.memory_space<vmem>>, vector<16xf32>,
      %mul3A_734 = arith.constant 8 : i32
      %mul3A_735 = arith.muli %scan3A_701, %mul3A_734 : i32
      %add3A_736 = arith.constant 4 : i32
      %add3A_737 = arith.addi %mul3A_735, %add3A_736 : i32
      %mul3A_738 = arith.constant 16 : i32
      %mul3A_739 = arith.muli %add3A_737, %mul3A_738 : i32
      %get3A_740 = arith.index_cast %mul3A_739 : i32 to index
      %get3A_741 = tpu.vector_load %arg6[%get3A_740] {strides = array<i32>} : memref<2048xf32, #tpu.memory_space<vmem>>, vector<16xf32>,
      %mul3A_742 = arith.constant 8 : i32
      %mul3A_743 = arith.muli %scan3A_701, %mul3A_742 : i32
      %add3A_744 = arith.constant 5 : i32
      %add3A_745 = arith.addi %mul3A_743, %add3A_744 : i32
      %mul3A_746 = arith.constant 16 : i32
      %mul3A_747 = arith.muli %add3A_745, %mul3A_746 : i32
      %get3A_748 = arith.index_cast %mul3A_747 : i32 to index
      %get3A_749 = tpu.vector_load %arg6[%get3A_748] {strides = array<i32>} : memref<2048xf32, #tpu.memory_space<vmem>>, vector<16xf32>,
      %mul3A_750 = arith.constant 8 : i32
      %mul3A_751 = arith.muli %scan3A_701, %mul3A_750 : i32
      %add3A_752 = arith.constant 6 : i32
      %add3A_753 = arith.addi %mul3A_751, %add3A_752 : i32
      %mul3A_754 = arith.constant 16 : i32
      %mul3A_755 = arith.muli %add3A_753, %mul3A_754 : i32
      %get3A_756 = arith.index_cast %mul3A_755 : i32 to index
      %get3A_757 = tpu.vector_load %arg6[%get3A_756] {strides = array<i32>} : memref<2048xf32, #tpu.memory_space<vmem>>, vector<16xf32>,
      %mul3A_758 = arith.constant 8 : i32
      %mul3A_759 = arith.muli %scan3A_701, %mul3A_758 : i32
      %add3A_760 = arith.constant 7 : i32
      %add3A_761 = arith.addi %mul3A_759, %add3A_760 : i32
      %mul3A_762 = arith.constant 16 : i32
      %mul3A_763 = arith.muli %add3A_761, %mul3A_762 : i32
      %get3A_764 = arith.index_cast %mul3A_763 : i32 to index
      %get3A_765 = tpu.vector_load %arg6[%get3A_764] {strides = array<i32>} : memref<2048xf32, #tpu.memory_space<vmem>>, vector<16xf32>,
      %ge3A = arith.cmpf oge, %get3A_709, %neg3A_85 : vector<16xf32>
      %ge3A_766 = arith.cmpf oge, %get3A_717, %neg3A_85 : vector<16xf32>
      %ge3A_767 = arith.cmpf oge, %get3A_725, %neg3A_85 : vector<16xf32>
      %ge3A_768 = arith.cmpf oge, %get3A_733, %neg3A_85 : vector<16xf32>
      %ge3A_769 = arith.cmpf oge, %get3A_741, %neg3A_85 : vector<16xf32>
      %ge3A_770 = arith.cmpf oge, %get3A_749, %neg3A_85 : vector<16xf32>
      %ge3A_771 = arith.cmpf oge, %get3A_757, %neg3A_85 : vector<16xf32>
      %ge3A_772 = arith.cmpf oge, %get3A_765, %neg3A_85 : vector<16xf32>
      %all_reduce_population_count3A = tpu.all_reduce %ge3A {dim = 0 : i64, kind = #tpu.reduction_kind<sum>} : vector<16xi1> -> vector<16xi32>
      %slice3A = vector.extract_strided_slice %all_reduce_population_count3A {offsets = [0], sizes = [1], strides = [1]} : vector<16xi32> to vector<1xi32>
      %squeeze3A = vector.extract %slice3A[0] : i32 from vector<1xi32>
      %all_reduce_population_count3A_773 = tpu.all_reduce %ge3A_766 {dim = 0 : i64, kind = #tpu.reduction_kind<sum>} : vector<16xi1> -> vector<16xi32>
      %slice3A_774 = vector.extract_strided_slice %all_reduce_population_count3A_773 {offsets = [0], sizes = [1], strides = [1]} : vector<16xi32> to vector<1xi32>
      %squeeze3A_775 = vector.extract %slice3A_774[0] : i32 from vector<1xi32>
      %all_reduce_population_count3A_776 = tpu.all_reduce %ge3A_767 {dim = 0 : i64, kind = #tpu.reduction_kind<sum>} : vector<16xi1> -> vector<16xi32>
      %slice3A_777 = vector.extract_strided_slice %all_reduce_population_count3A_776 {offsets = [0], sizes = [1], strides = [1]} : vector<16xi32> to vector<1xi32>
      %squeeze3A_778 = vector.extract %slice3A_777[0] : i32 from vector<1xi32>
      %all_reduce_population_count3A_779 = tpu.all_reduce %ge3A_768 {dim = 0 : i64, kind = #tpu.reduction_kind<sum>} : vector<16xi1> -> vector<16xi32>
      %slice3A_780 = vector.extract_strided_slice %all_reduce_population_count3A_779 {offsets = [0], sizes = [1], strides = [1]} : vector<16xi32> to vector<1xi32>
      %squeeze3A_781 = vector.extract %slice3A_780[0] : i32 from vector<1xi32>
      %all_reduce_population_count3A_782 = tpu.all_reduce %ge3A_769 {dim = 0 : i64, kind = #tpu.reduction_kind<sum>} : vector<16xi1> -> vector<16xi32>
      %slice3A_783 = vector.extract_strided_slice %all_reduce_population_count3A_782 {offsets = [0], sizes = [1], strides = [1]} : vector<16xi32> to vector<1xi32>
      %squeeze3A_784 = vector.extract %slice3A_783[0] : i32 from vector<1xi32>
      %all_reduce_population_count3A_785 = tpu.all_reduce %ge3A_770 {dim = 0 : i64, kind = #tpu.reduction_kind<sum>} : vector<16xi1> -> vector<16xi32>
      %slice3A_786 = vector.extract_strided_slice %all_reduce_population_count3A_785 {offsets = [0], sizes = [1], strides = [1]} : vector<16xi32> to vector<1xi32>
      %squeeze3A_787 = vector.extract %slice3A_786[0] : i32 from vector<1xi32>
      %all_reduce_population_count3A_788 = tpu.all_reduce %ge3A_771 {dim = 0 : i64, kind = #tpu.reduction_kind<sum>} : vector<16xi1> -> vector<16xi32>
      %slice3A_789 = vector.extract_strided_slice %all_reduce_population_count3A_788 {offsets = [0], sizes = [1], strides = [1]} : vector<16xi32> to vector<1xi32>
      %squeeze3A_790 = vector.extract %slice3A_789[0] : i32 from vector<1xi32>
      %all_reduce_population_count3A_791 = tpu.all_reduce %ge3A_772 {dim = 0 : i64, kind = #tpu.reduction_kind<sum>} : vector<16xi1> -> vector<16xi32>
      %slice3A_792 = vector.extract_strided_slice %all_reduce_population_count3A_791 {offsets = [0], sizes = [1], strides = [1]} : vector<16xi32> to vector<1xi32>
      %squeeze3A_793 = vector.extract %slice3A_792[0] : i32 from vector<1xi32>
      %mul3A_794 = arith.constant 8 : i32
      %mul3A_795 = arith.muli %scan3A_701, %mul3A_794 : i32
      %add3A_796 = arith.constant 0 : i32
      %add3A_797 = arith.addi %mul3A_795, %add3A_796 : i32
      %mul3A_798 = arith.constant 16 : i32
      %mul3A_799 = arith.muli %add3A_797, %mul3A_798 : i32
      %add3A_800 = vector.broadcast %mul3A_799 : i32 to vector<16xi32>
      %add3A_801 = arith.addi %add3A_800, %iota3A : vector<16xi32>
      %swap3A_802 = arith.index_cast %scan3A_702 : i32 to index
      %swap3A_803 = tpu.vector_load %arg7[%swap3A_802] masked %ge3A {strides = array<i32>} : memref<2064xi32, #tpu.memory_space<vmem>>, vector<16xi32>, vector<16xi1>
      tpu.vector_store %arg7[%swap3A_802], %add3A_801 masked %ge3A {strides = array<i32>} : memref<2064xi32, #tpu.memory_space<vmem>>, vector<16xi32>, vector<16xi1>
      %add3A_804 = arith.addi %scan3A_702, %squeeze3A : i32
      %mul3A_805 = arith.constant 8 : i32
      %mul3A_806 = arith.muli %scan3A_701, %mul3A_805 : i32
      %add3A_807 = arith.constant 1 : i32
      %add3A_808 = arith.addi %mul3A_806, %add3A_807 : i32
      %mul3A_809 = arith.constant 16 : i32
      %mul3A_810 = arith.muli %add3A_808, %mul3A_809 : i32
      %add3A_811 = vector.broadcast %mul3A_810 : i32 to vector<16xi32>
      %add3A_812 = arith.addi %add3A_811, %iota3A : vector<16xi32>
      %swap3A_813 = arith.index_cast %add3A_804 : i32 to index
      %swap3A_814 = tpu.vector_load %arg7[%swap3A_813] masked %ge3A_766 {strides = array<i32>} : memref<2064xi32, #tpu.memory_space<vmem>>, vector<16xi32>, vector<16xi1>
      tpu.vector_store %arg7[%swap3A_813], %add3A_812 masked %ge3A_766 {strides = array<i32>} : memref<2064xi32, #tpu.memory_space<vmem>>, vector<16xi32>, vector<16xi1>
      %add3A_815 = arith.addi %add3A_804, %squeeze3A_775 : i32
      %mul3A_816 = arith.constant 8 : i32
      %mul3A_817 = arith.muli %scan3A_701, %mul3A_816 : i32
      %add3A_818 = arith.constant 2 : i32
      %add3A_819 = arith.addi %mul3A_817, %add3A_818 : i32
      %mul3A_820 = arith.constant 16 : i32
      %mul3A_821 = arith.muli %add3A_819, %mul3A_820 : i32
      %add3A_822 = vector.broadcast %mul3A_821 : i32 to vector<16xi32>
      %add3A_823 = arith.addi %add3A_822, %iota3A : vector<16xi32>
      %swap3A_824 = arith.index_cast %add3A_815 : i32 to index
      %swap3A_825 = tpu.vector_load %arg7[%swap3A_824] masked %ge3A_767 {strides = array<i32>} : memref<2064xi32, #tpu.memory_space<vmem>>, vector<16xi32>, vector<16xi1>
      tpu.vector_store %arg7[%swap3A_824], %add3A_823 masked %ge3A_767 {strides = array<i32>} : memref<2064xi32, #tpu.memory_space<vmem>>, vector<16xi32>, vector<16xi1>
      %add3A_826 = arith.addi %add3A_815, %squeeze3A_778 : i32
      %mul3A_827 = arith.constant 8 : i32
      %mul3A_828 = arith.muli %scan3A_701, %mul3A_827 : i32
      %add3A_829 = arith.constant 3 : i32
      %add3A_830 = arith.addi %mul3A_828, %add3A_829 : i32
      %mul3A_831 = arith.constant 16 : i32
      %mul3A_832 = arith.muli %add3A_830, %mul3A_831 : i32
      %add3A_833 = vector.broadcast %mul3A_832 : i32 to vector<16xi32>
      %add3A_834 = arith.addi %add3A_833, %iota3A : vector<16xi32>
      %swap3A_835 = arith.index_cast %add3A_826 : i32 to index
      %swap3A_836 = tpu.vector_load %arg7[%swap3A_835] masked %ge3A_768 {strides = array<i32>} : memref<2064xi32, #tpu.memory_space<vmem>>, vector<16xi32>, vector<16xi1>
      tpu.vector_store %arg7[%swap3A_835], %add3A_834 masked %ge3A_768 {strides = array<i32>} : memref<2064xi32, #tpu.memory_space<vmem>>, vector<16xi32>, vector<16xi1>
      %add3A_837 = arith.addi %add3A_826, %squeeze3A_781 : i32
      %mul3A_838 = arith.constant 8 : i32
      %mul3A_839 = arith.muli %scan3A_701, %mul3A_838 : i32
      %add3A_840 = arith.constant 4 : i32
      %add3A_841 = arith.addi %mul3A_839, %add3A_840 : i32
      %mul3A_842 = arith.constant 16 : i32
      %mul3A_843 = arith.muli %add3A_841, %mul3A_842 : i32
      %add3A_844 = vector.broadcast %mul3A_843 : i32 to vector<16xi32>
      %add3A_845 = arith.addi %add3A_844, %iota3A : vector<16xi32>
      %swap3A_846 = arith.index_cast %add3A_837 : i32 to index
      %swap3A_847 = tpu.vector_load %arg7[%swap3A_846] masked %ge3A_769 {strides = array<i32>} : memref<2064xi32, #tpu.memory_space<vmem>>, vector<16xi32>, vector<16xi1>
      tpu.vector_store %arg7[%swap3A_846], %add3A_845 masked %ge3A_769 {strides = array<i32>} : memref<2064xi32, #tpu.memory_space<vmem>>, vector<16xi32>, vector<16xi1>
      %add3A_848 = arith.addi %add3A_837, %squeeze3A_784 : i32
      %mul3A_849 = arith.constant 8 : i32
      %mul3A_850 = arith.muli %scan3A_701, %mul3A_849 : i32
      %add3A_851 = arith.constant 5 : i32
      %add3A_852 = arith.addi %mul3A_850, %add3A_851 : i32
      %mul3A_853 = arith.constant 16 : i32
      %mul3A_854 = arith.muli %add3A_852, %mul3A_853 : i32
      %add3A_855 = vector.broadcast %mul3A_854 : i32 to vector<16xi32>
      %add3A_856 = arith.addi %add3A_855, %iota3A : vector<16xi32>
      %swap3A_857 = arith.index_cast %add3A_848 : i32 to index
      %swap3A_858 = tpu.vector_load %arg7[%swap3A_857] masked %ge3A_770 {strides = array<i32>} : memref<2064xi32, #tpu.memory_space<vmem>>, vector<16xi32>, vector<16xi1>
      tpu.vector_store %arg7[%swap3A_857], %add3A_856 masked %ge3A_770 {strides = array<i32>} : memref<2064xi32, #tpu.memory_space<vmem>>, vector<16xi32>, vector<16xi1>
      %add3A_859 = arith.addi %add3A_848, %squeeze3A_787 : i32
      %mul3A_860 = arith.constant 8 : i32
      %mul3A_861 = arith.muli %scan3A_701, %mul3A_860 : i32
      %add3A_862 = arith.constant 6 : i32
      %add3A_863 = arith.addi %mul3A_861, %add3A_862 : i32
      %mul3A_864 = arith.constant 16 : i32
      %mul3A_865 = arith.muli %add3A_863, %mul3A_864 : i32
      %add3A_866 = vector.broadcast %mul3A_865 : i32 to vector<16xi32>
      %add3A_867 = arith.addi %add3A_866, %iota3A : vector<16xi32>
      %swap3A_868 = arith.index_cast %add3A_859 : i32 to index
      %swap3A_869 = tpu.vector_load %arg7[%swap3A_868] masked %ge3A_771 {strides = array<i32>} : memref<2064xi32, #tpu.memory_space<vmem>>, vector<16xi32>, vector<16xi1>
      tpu.vector_store %arg7[%swap3A_868], %add3A_867 masked %ge3A_771 {strides = array<i32>} : memref<2064xi32, #tpu.memory_space<vmem>>, vector<16xi32>, vector<16xi1>
      %add3A_870 = arith.addi %add3A_859, %squeeze3A_790 : i32
      %mul3A_871 = arith.constant 8 : i32
      %mul3A_872 = arith.muli %scan3A_701, %mul3A_871 : i32
      %add3A_873 = arith.constant 7 : i32
      %add3A_874 = arith.addi %mul3A_872, %add3A_873 : i32
      %mul3A_875 = arith.constant 16 : i32
      %mul3A_876 = arith.muli %add3A_874, %mul3A_875 : i32
      %add3A_877 = vector.broadcast %mul3A_876 : i32 to vector<16xi32>
      %add3A_878 = arith.addi %add3A_877, %iota3A : vector<16xi32>
      %swap3A_879 = arith.index_cast %add3A_870 : i32 to index
      %swap3A_880 = tpu.vector_load %arg7[%swap3A_879] masked %ge3A_772 {strides = array<i32>} : memref<2064xi32, #tpu.memory_space<vmem>>, vector<16xi32>, vector<16xi1>
      tpu.vector_store %arg7[%swap3A_879], %add3A_878 masked %ge3A_772 {strides = array<i32>} : memref<2064xi32, #tpu.memory_space<vmem>>, vector<16xi32>, vector<16xi1>
      %add3A_881 = arith.addi %add3A_870, %squeeze3A_793 : i32
      scf.yield %add3A_881 : i32
    }
    %scan3A_92 = arith.constant 16 : i32
    %broadcast_in_dim3A_93 = arith.constant 0 : i32
    %broadcast_in_dim3A_94 = vector.broadcast %broadcast_in_dim3A_93 : i32 to vector<16xi32>
    %swap3A = arith.index_cast %scan3A_91 : i32 to index
    %swap3A_95 = tpu.vector_load %arg7[%swap3A] {strides = array<i32>} : memref<2064xi32, #tpu.memory_space<vmem>>, vector<16xi32>,
    tpu.vector_store %arg7[%swap3A], %broadcast_in_dim3A_94 {strides = array<i32>} : memref<2064xi32, #tpu.memory_space<vmem>>, vector<16xi32>,
    %jit3A = arith.constant 16 : i32
    %div3A = arith.divsi %scan3A_91, %jit3A : i32
    %sign3A = arith.constant 0 : i32
    %sign3A_96 = arith.cmpi sgt, %scan3A_91, %sign3A : i32
    %sign3A_97 = arith.extui %sign3A_96 : i1 to i32
    %sign3A_98 = arith.constant 0 : i32
    %sign3A_99 = arith.cmpi slt, %scan3A_91, %sign3A_98 : i32
    %sign3A_100 = arith.extui %sign3A_99 : i1 to i32
    %sign3A_101 = arith.subi %sign3A_97, %sign3A_100 : i32
    %sign3A_102 = arith.constant 0 : i32
    %sign3A_103 = arith.cmpi sgt, %jit3A, %sign3A_102 : i32
    %sign3A_104 = arith.extui %sign3A_103 : i1 to i32
    %sign3A_105 = arith.constant 0 : i32
    %sign3A_106 = arith.cmpi slt, %jit3A, %sign3A_105 : i32
    %sign3A_107 = arith.extui %sign3A_106 : i1 to i32
    %sign3A_108 = arith.subi %sign3A_104, %sign3A_107 : i32
    %ne3A = arith.cmpi ne, %sign3A_101, %sign3A_108 : i32
    %rem3A = arith.remsi %scan3A_91, %jit3A : i32
    %ne3A_109 = arith.constant 0 : i32
    %ne3A_110 = arith.cmpi ne, %rem3A, %ne3A_109 : i32
    %and3A = arith.andi %ne3A, %ne3A_110 : i1
    %sub3A = arith.constant 1 : i32
    %sub3A_111 = arith.subi %div3A, %sub3A : i32
    %select_n3A_112 = arith.select %and3A, %sub3A_111, %div3A : i32
    %add3A_113 = arith.constant 1 : i32
    %add3A_114 = arith.addi %select_n3A_112, %add3A_113 : i32
    %while3A = arith.constant 0 : i32
    %while3A_115 = arith.constant 0 : i32
    %while3A_116 = arith.subi %add3A_114, %while3A : i32
    %while3A_117 = arith.addi %while3A, %while3A_116 : i32
    %while3A_118 = arith.constant 1 : i32
    %while3A_119 = arith.divsi %while3A_116, %while3A_118 : i32
    %while3A_120 = arith.muli %while3A_119, %while3A_118 : i32
    %while3A_121 = arith.addi %while3A, %while3A_120 : i32
    %while3A_122 = arith.constant 1 : i32
    %while3A_123 = scf.for %while3A_701 = %while3A to %while3A_121 step %while3A_122 iter_args(%while3A_702 = %while3A_115) -> (i32)  : i32 {
      %mul3A_703 = arith.constant 16 : i32
      %mul3A_704 = arith.muli %while3A_701, %mul3A_703 : i32
      %get3A = arith.index_cast %mul3A_704 : i32 to index
      %get3A_705 = tpu.vector_load %arg7[%get3A] {strides = array<i32>} : memref<2064xi32, #tpu.memory_space<vmem>>, vector<16xi32>,
      %mul3A_706 = arith.constant 16 : i32
      %mul3A_707 = arith.muli %while3A_701, %mul3A_706 : i32
      %add3A_708 = vector.broadcast %mul3A_707 : i32 to vector<16xi32>
      %add3A_709 = arith.addi %add3A_708, %iota3A : vector<16xi32>
      %lt3A_710 = vector.broadcast %scan3A_91 : i32 to vector<16xi32>
      %lt3A_711 = arith.cmpi slt, %add3A_709, %lt3A_710 : vector<16xi32>
      %shift_right_logical3A = arith.constant 4 : i32
      %shift_right_logical3A_712 = vector.broadcast %shift_right_logical3A : i32 to vector<16xi32>
      %shift_right_logical3A_713 = arith.shrui %get3A_705, %shift_right_logical3A_712 : vector<16xi32>
      %and3A_714 = arith.constant 15 : i32
      %and3A_715 = vector.broadcast %and3A_714 : i32 to vector<16xi32>
      %and3A_716 = arith.andi %get3A_705, %and3A_715 : vector<16xi32>
      %mul3A_717 = arith.constant 256 : i32
      %mul3A_718 = vector.broadcast %mul3A_717 : i32 to vector<16xi32>
      %mul3A_719 = arith.muli %shift_right_logical3A_713, %mul3A_718 : vector<16xi32>
      %add3A_720 = arith.addi %mul3A_719, %and3A_716 : vector<16xi32>
      %add3A_721 = arith.constant 0 : i32
      %add3A_722 = vector.broadcast %add3A_721 : i32 to vector<16xi32>
      %add3A_723 = arith.addi %add3A_720, %add3A_722 : vector<16xi32>
      %gather3A_724 = tpu.vector_load_idx %arg4[%add3A_723] masked %lt3A_711 : memref<32768xf32, #tpu.memory_space<vmem>>[vector<16xi32>], vector<16xf32>, vector<16xi1>
      %ge3A = arith.cmpf oge, %gather3A_724, %neg3A_85 : vector<16xf32>
      %and3A_725 = arith.andi %ge3A, %lt3A_711 : vector<16xi1>
      %all_reduce_population_count3A = tpu.all_reduce %and3A_725 {dim = 0 : i64, kind = #tpu.reduction_kind<sum>} : vector<16xi1> -> vector<16xi32>
      %slice3A = vector.extract_strided_slice %all_reduce_population_count3A {offsets = [0], sizes = [1], strides = [1]} : vector<16xi32> to vector<1xi32>
      %squeeze3A = vector.extract %slice3A[0] : i32 from vector<1xi32>
      %add3A_726 = arith.constant 16 : i32
      %add3A_727 = vector.broadcast %add3A_726 : i32 to vector<16xi32>
      %add3A_728 = arith.addi %add3A_720, %add3A_727 : vector<16xi32>
      %gather3A_729 = tpu.vector_load_idx %arg4[%add3A_728] masked %lt3A_711 : memref<32768xf32, #tpu.memory_space<vmem>>[vector<16xi32>], vector<16xf32>, vector<16xi1>
      %ge3A_730 = arith.cmpf oge, %gather3A_729, %neg3A_85 : vector<16xf32>
      %and3A_731 = arith.andi %ge3A_730, %lt3A_711 : vector<16xi1>
      %all_reduce_population_count3A_732 = tpu.all_reduce %and3A_731 {dim = 0 : i64, kind = #tpu.reduction_kind<sum>} : vector<16xi1> -> vector<16xi32>
      %slice3A_733 = vector.extract_strided_slice %all_reduce_population_count3A_732 {offsets = [0], sizes = [1], strides = [1]} : vector<16xi32> to vector<1xi32>
      %squeeze3A_734 = vector.extract %slice3A_733[0] : i32 from vector<1xi32>
      %add3A_735 = arith.constant 32 : i32
      %add3A_736 = vector.broadcast %add3A_735 : i32 to vector<16xi32>
      %add3A_737 = arith.addi %add3A_720, %add3A_736 : vector<16xi32>
      %gather3A_738 = tpu.vector_load_idx %arg4[%add3A_737] masked %lt3A_711 : memref<32768xf32, #tpu.memory_space<vmem>>[vector<16xi32>], vector<16xf32>, vector<16xi1>
      %ge3A_739 = arith.cmpf oge, %gather3A_738, %neg3A_85 : vector<16xf32>
      %and3A_740 = arith.andi %ge3A_739, %lt3A_711 : vector<16xi1>
      %all_reduce_population_count3A_741 = tpu.all_reduce %and3A_740 {dim = 0 : i64, kind = #tpu.reduction_kind<sum>} : vector<16xi1> -> vector<16xi32>
      %slice3A_742 = vector.extract_strided_slice %all_reduce_population_count3A_741 {offsets = [0], sizes = [1], strides = [1]} : vector<16xi32> to vector<1xi32>
      %squeeze3A_743 = vector.extract %slice3A_742[0] : i32 from vector<1xi32>
      %add3A_744 = arith.constant 48 : i32
      %add3A_745 = vector.broadcast %add3A_744 : i32 to vector<16xi32>
      %add3A_746 = arith.addi %add3A_720, %add3A_745 : vector<16xi32>
      %gather3A_747 = tpu.vector_load_idx %arg4[%add3A_746] masked %lt3A_711 : memref<32768xf32, #tpu.memory_space<vmem>>[vector<16xi32>], vector<16xf32>, vector<16xi1>
      %ge3A_748 = arith.cmpf oge, %gather3A_747, %neg3A_85 : vector<16xf32>
      %and3A_749 = arith.andi %ge3A_748, %lt3A_711 : vector<16xi1>
      %all_reduce_population_count3A_750 = tpu.all_reduce %and3A_749 {dim = 0 : i64, kind = #tpu.reduction_kind<sum>} : vector<16xi1> -> vector<16xi32>
      %slice3A_751 = vector.extract_strided_slice %all_reduce_population_count3A_750 {offsets = [0], sizes = [1], strides = [1]} : vector<16xi32> to vector<1xi32>
      %squeeze3A_752 = vector.extract %slice3A_751[0] : i32 from vector<1xi32>
      %add3A_753 = arith.constant 64 : i32
      %add3A_754 = vector.broadcast %add3A_753 : i32 to vector<16xi32>
      %add3A_755 = arith.addi %add3A_720, %add3A_754 : vector<16xi32>
      %gather3A_756 = tpu.vector_load_idx %arg4[%add3A_755] masked %lt3A_711 : memref<32768xf32, #tpu.memory_space<vmem>>[vector<16xi32>], vector<16xf32>, vector<16xi1>
      %ge3A_757 = arith.cmpf oge, %gather3A_756, %neg3A_85 : vector<16xf32>
      %and3A_758 = arith.andi %ge3A_757, %lt3A_711 : vector<16xi1>
      %all_reduce_population_count3A_759 = tpu.all_reduce %and3A_758 {dim = 0 : i64, kind = #tpu.reduction_kind<sum>} : vector<16xi1> -> vector<16xi32>
      %slice3A_760 = vector.extract_strided_slice %all_reduce_population_count3A_759 {offsets = [0], sizes = [1], strides = [1]} : vector<16xi32> to vector<1xi32>
      %squeeze3A_761 = vector.extract %slice3A_760[0] : i32 from vector<1xi32>
      %add3A_762 = arith.constant 80 : i32
      %add3A_763 = vector.broadcast %add3A_762 : i32 to vector<16xi32>
      %add3A_764 = arith.addi %add3A_720, %add3A_763 : vector<16xi32>
      %gather3A_765 = tpu.vector_load_idx %arg4[%add3A_764] masked %lt3A_711 : memref<32768xf32, #tpu.memory_space<vmem>>[vector<16xi32>], vector<16xf32>, vector<16xi1>
      %ge3A_766 = arith.cmpf oge, %gather3A_765, %neg3A_85 : vector<16xf32>
      %and3A_767 = arith.andi %ge3A_766, %lt3A_711 : vector<16xi1>
      %all_reduce_population_count3A_768 = tpu.all_reduce %and3A_767 {dim = 0 : i64, kind = #tpu.reduction_kind<sum>} : vector<16xi1> -> vector<16xi32>
      %slice3A_769 = vector.extract_strided_slice %all_reduce_population_count3A_768 {offsets = [0], sizes = [1], strides = [1]} : vector<16xi32> to vector<1xi32>
      %squeeze3A_770 = vector.extract %slice3A_769[0] : i32 from vector<1xi32>
      %add3A_771 = arith.constant 96 : i32
      %add3A_772 = vector.broadcast %add3A_771 : i32 to vector<16xi32>
      %add3A_773 = arith.addi %add3A_720, %add3A_772 : vector<16xi32>
      %gather3A_774 = tpu.vector_load_idx %arg4[%add3A_773] masked %lt3A_711 : memref<32768xf32, #tpu.memory_space<vmem>>[vector<16xi32>], vector<16xf32>, vector<16xi1>
      %ge3A_775 = arith.cmpf oge, %gather3A_774, %neg3A_85 : vector<16xf32>
      %and3A_776 = arith.andi %ge3A_775, %lt3A_711 : vector<16xi1>
      %all_reduce_population_count3A_777 = tpu.all_reduce %and3A_776 {dim = 0 : i64, kind = #tpu.reduction_kind<sum>} : vector<16xi1> -> vector<16xi32>
      %slice3A_778 = vector.extract_strided_slice %all_reduce_population_count3A_777 {offsets = [0], sizes = [1], strides = [1]} : vector<16xi32> to vector<1xi32>
      %squeeze3A_779 = vector.extract %slice3A_778[0] : i32 from vector<1xi32>
      %add3A_780 = arith.constant 112 : i32
      %add3A_781 = vector.broadcast %add3A_780 : i32 to vector<16xi32>
      %add3A_782 = arith.addi %add3A_720, %add3A_781 : vector<16xi32>
      %gather3A_783 = tpu.vector_load_idx %arg4[%add3A_782] masked %lt3A_711 : memref<32768xf32, #tpu.memory_space<vmem>>[vector<16xi32>], vector<16xf32>, vector<16xi1>
      %ge3A_784 = arith.cmpf oge, %gather3A_783, %neg3A_85 : vector<16xf32>
      %and3A_785 = arith.andi %ge3A_784, %lt3A_711 : vector<16xi1>
      %all_reduce_population_count3A_786 = tpu.all_reduce %and3A_785 {dim = 0 : i64, kind = #tpu.reduction_kind<sum>} : vector<16xi1> -> vector<16xi32>
      %slice3A_787 = vector.extract_strided_slice %all_reduce_population_count3A_786 {offsets = [0], sizes = [1], strides = [1]} : vector<16xi32> to vector<1xi32>
      %squeeze3A_788 = vector.extract %slice3A_787[0] : i32 from vector<1xi32>
      %add3A_789 = arith.constant 128 : i32
      %add3A_790 = vector.broadcast %add3A_789 : i32 to vector<16xi32>
      %add3A_791 = arith.addi %add3A_720, %add3A_790 : vector<16xi32>
      %gather3A_792 = tpu.vector_load_idx %arg4[%add3A_791] masked %lt3A_711 : memref<32768xf32, #tpu.memory_space<vmem>>[vector<16xi32>], vector<16xf32>, vector<16xi1>
      %ge3A_793 = arith.cmpf oge, %gather3A_792, %neg3A_85 : vector<16xf32>
      %and3A_794 = arith.andi %ge3A_793, %lt3A_711 : vector<16xi1>
      %all_reduce_population_count3A_795 = tpu.all_reduce %and3A_794 {dim = 0 : i64, kind = #tpu.reduction_kind<sum>} : vector<16xi1> -> vector<16xi32>
      %slice3A_796 = vector.extract_strided_slice %all_reduce_population_count3A_795 {offsets = [0], sizes = [1], strides = [1]} : vector<16xi32> to vector<1xi32>
      %squeeze3A_797 = vector.extract %slice3A_796[0] : i32 from vector<1xi32>
      %add3A_798 = arith.constant 144 : i32
      %add3A_799 = vector.broadcast %add3A_798 : i32 to vector<16xi32>
      %add3A_800 = arith.addi %add3A_720, %add3A_799 : vector<16xi32>
      %gather3A_801 = tpu.vector_load_idx %arg4[%add3A_800] masked %lt3A_711 : memref<32768xf32, #tpu.memory_space<vmem>>[vector<16xi32>], vector<16xf32>, vector<16xi1>
      %ge3A_802 = arith.cmpf oge, %gather3A_801, %neg3A_85 : vector<16xf32>
      %and3A_803 = arith.andi %ge3A_802, %lt3A_711 : vector<16xi1>
      %all_reduce_population_count3A_804 = tpu.all_reduce %and3A_803 {dim = 0 : i64, kind = #tpu.reduction_kind<sum>} : vector<16xi1> -> vector<16xi32>
      %slice3A_805 = vector.extract_strided_slice %all_reduce_population_count3A_804 {offsets = [0], sizes = [1], strides = [1]} : vector<16xi32> to vector<1xi32>
      %squeeze3A_806 = vector.extract %slice3A_805[0] : i32 from vector<1xi32>
      %add3A_807 = arith.constant 160 : i32
      %add3A_808 = vector.broadcast %add3A_807 : i32 to vector<16xi32>
      %add3A_809 = arith.addi %add3A_720, %add3A_808 : vector<16xi32>
      %gather3A_810 = tpu.vector_load_idx %arg4[%add3A_809] masked %lt3A_711 : memref<32768xf32, #tpu.memory_space<vmem>>[vector<16xi32>], vector<16xf32>, vector<16xi1>
      %ge3A_811 = arith.cmpf oge, %gather3A_810, %neg3A_85 : vector<16xf32>
      %and3A_812 = arith.andi %ge3A_811, %lt3A_711 : vector<16xi1>
      %all_reduce_population_count3A_813 = tpu.all_reduce %and3A_812 {dim = 0 : i64, kind = #tpu.reduction_kind<sum>} : vector<16xi1> -> vector<16xi32>
      %slice3A_814 = vector.extract_strided_slice %all_reduce_population_count3A_813 {offsets = [0], sizes = [1], strides = [1]} : vector<16xi32> to vector<1xi32>
      %squeeze3A_815 = vector.extract %slice3A_814[0] : i32 from vector<1xi32>
      %add3A_816 = arith.constant 176 : i32
      %add3A_817 = vector.broadcast %add3A_816 : i32 to vector<16xi32>
      %add3A_818 = arith.addi %add3A_720, %add3A_817 : vector<16xi32>
      %gather3A_819 = tpu.vector_load_idx %arg4[%add3A_818] masked %lt3A_711 : memref<32768xf32, #tpu.memory_space<vmem>>[vector<16xi32>], vector<16xf32>, vector<16xi1>
      %ge3A_820 = arith.cmpf oge, %gather3A_819, %neg3A_85 : vector<16xf32>
      %and3A_821 = arith.andi %ge3A_820, %lt3A_711 : vector<16xi1>
      %all_reduce_population_count3A_822 = tpu.all_reduce %and3A_821 {dim = 0 : i64, kind = #tpu.reduction_kind<sum>} : vector<16xi1> -> vector<16xi32>
      %slice3A_823 = vector.extract_strided_slice %all_reduce_population_count3A_822 {offsets = [0], sizes = [1], strides = [1]} : vector<16xi32> to vector<1xi32>
      %squeeze3A_824 = vector.extract %slice3A_823[0] : i32 from vector<1xi32>
      %add3A_825 = arith.constant 192 : i32
      %add3A_826 = vector.broadcast %add3A_825 : i32 to vector<16xi32>
      %add3A_827 = arith.addi %add3A_720, %add3A_826 : vector<16xi32>
      %gather3A_828 = tpu.vector_load_idx %arg4[%add3A_827] masked %lt3A_711 : memref<32768xf32, #tpu.memory_space<vmem>>[vector<16xi32>], vector<16xf32>, vector<16xi1>
      %ge3A_829 = arith.cmpf oge, %gather3A_828, %neg3A_85 : vector<16xf32>
      %and3A_830 = arith.andi %ge3A_829, %lt3A_711 : vector<16xi1>
      %all_reduce_population_count3A_831 = tpu.all_reduce %and3A_830 {dim = 0 : i64, kind = #tpu.reduction_kind<sum>} : vector<16xi1> -> vector<16xi32>
      %slice3A_832 = vector.extract_strided_slice %all_reduce_population_count3A_831 {offsets = [0], sizes = [1], strides = [1]} : vector<16xi32> to vector<1xi32>
      %squeeze3A_833 = vector.extract %slice3A_832[0] : i32 from vector<1xi32>
      %add3A_834 = arith.constant 208 : i32
      %add3A_835 = vector.broadcast %add3A_834 : i32 to vector<16xi32>
      %add3A_836 = arith.addi %add3A_720, %add3A_835 : vector<16xi32>
      %gather3A_837 = tpu.vector_load_idx %arg4[%add3A_836] masked %lt3A_711 : memref<32768xf32, #tpu.memory_space<vmem>>[vector<16xi32>], vector<16xf32>, vector<16xi1>
      %ge3A_838 = arith.cmpf oge, %gather3A_837, %neg3A_85 : vector<16xf32>
      %and3A_839 = arith.andi %ge3A_838, %lt3A_711 : vector<16xi1>
      %all_reduce_population_count3A_840 = tpu.all_reduce %and3A_839 {dim = 0 : i64, kind = #tpu.reduction_kind<sum>} : vector<16xi1> -> vector<16xi32>
      %slice3A_841 = vector.extract_strided_slice %all_reduce_population_count3A_840 {offsets = [0], sizes = [1], strides = [1]} : vector<16xi32> to vector<1xi32>
      %squeeze3A_842 = vector.extract %slice3A_841[0] : i32 from vector<1xi32>
      %add3A_843 = arith.constant 224 : i32
      %add3A_844 = vector.broadcast %add3A_843 : i32 to vector<16xi32>
      %add3A_845 = arith.addi %add3A_720, %add3A_844 : vector<16xi32>
      %gather3A_846 = tpu.vector_load_idx %arg4[%add3A_845] masked %lt3A_711 : memref<32768xf32, #tpu.memory_space<vmem>>[vector<16xi32>], vector<16xf32>, vector<16xi1>
      %ge3A_847 = arith.cmpf oge, %gather3A_846, %neg3A_85 : vector<16xf32>
      %and3A_848 = arith.andi %ge3A_847, %lt3A_711 : vector<16xi1>
      %all_reduce_population_count3A_849 = tpu.all_reduce %and3A_848 {dim = 0 : i64, kind = #tpu.reduction_kind<sum>} : vector<16xi1> -> vector<16xi32>
      %slice3A_850 = vector.extract_strided_slice %all_reduce_population_count3A_849 {offsets = [0], sizes = [1], strides = [1]} : vector<16xi32> to vector<1xi32>
      %squeeze3A_851 = vector.extract %slice3A_850[0] : i32 from vector<1xi32>
      %add3A_852 = arith.constant 240 : i32
      %add3A_853 = vector.broadcast %add3A_852 : i32 to vector<16xi32>
      %add3A_854 = arith.addi %add3A_720, %add3A_853 : vector<16xi32>
      %gather3A_855 = tpu.vector_load_idx %arg4[%add3A_854] masked %lt3A_711 : memref<32768xf32, #tpu.memory_space<vmem>>[vector<16xi32>], vector<16xf32>, vector<16xi1>
      %ge3A_856 = arith.cmpf oge, %gather3A_855, %neg3A_85 : vector<16xf32>
      %and3A_857 = arith.andi %ge3A_856, %lt3A_711 : vector<16xi1>
      %all_reduce_population_count3A_858 = tpu.all_reduce %and3A_857 {dim = 0 : i64, kind = #tpu.reduction_kind<sum>} : vector<16xi1> -> vector<16xi32>
      %slice3A_859 = vector.extract_strided_slice %all_reduce_population_count3A_858 {offsets = [0], sizes = [1], strides = [1]} : vector<16xi32> to vector<1xi32>
      %squeeze3A_860 = vector.extract %slice3A_859[0] : i32 from vector<1xi32>
      %swap3A_861 = arith.index_cast %while3A_702 : i32 to index
      %swap3A_862 = tpu.vector_load %arg8[%swap3A_861] masked %and3A_725 {strides = array<i32>} : memref<32784xf32, #tpu.memory_space<vmem>>, vector<16xf32>, vector<16xi1>
      tpu.vector_store %arg8[%swap3A_861], %gather3A_724 masked %and3A_725 {strides = array<i32>} : memref<32784xf32, #tpu.memory_space<vmem>>, vector<16xf32>, vector<16xi1>
      %add3A_863 = arith.addi %while3A_702, %squeeze3A : i32
      %swap3A_864 = arith.index_cast %add3A_863 : i32 to index
      %swap3A_865 = tpu.vector_load %arg8[%swap3A_864] masked %and3A_731 {strides = array<i32>} : memref<32784xf32, #tpu.memory_space<vmem>>, vector<16xf32>, vector<16xi1>
      tpu.vector_store %arg8[%swap3A_864], %gather3A_729 masked %and3A_731 {strides = array<i32>} : memref<32784xf32, #tpu.memory_space<vmem>>, vector<16xf32>, vector<16xi1>
      %add3A_866 = arith.addi %add3A_863, %squeeze3A_734 : i32
      %swap3A_867 = arith.index_cast %add3A_866 : i32 to index
      %swap3A_868 = tpu.vector_load %arg8[%swap3A_867] masked %and3A_740 {strides = array<i32>} : memref<32784xf32, #tpu.memory_space<vmem>>, vector<16xf32>, vector<16xi1>
      tpu.vector_store %arg8[%swap3A_867], %gather3A_738 masked %and3A_740 {strides = array<i32>} : memref<32784xf32, #tpu.memory_space<vmem>>, vector<16xf32>, vector<16xi1>
      %add3A_869 = arith.addi %add3A_866, %squeeze3A_743 : i32
      %swap3A_870 = arith.index_cast %add3A_869 : i32 to index
      %swap3A_871 = tpu.vector_load %arg8[%swap3A_870] masked %and3A_749 {strides = array<i32>} : memref<32784xf32, #tpu.memory_space<vmem>>, vector<16xf32>, vector<16xi1>
      tpu.vector_store %arg8[%swap3A_870], %gather3A_747 masked %and3A_749 {strides = array<i32>} : memref<32784xf32, #tpu.memory_space<vmem>>, vector<16xf32>, vector<16xi1>
      %add3A_872 = arith.addi %add3A_869, %squeeze3A_752 : i32
      %swap3A_873 = arith.index_cast %add3A_872 : i32 to index
      %swap3A_874 = tpu.vector_load %arg8[%swap3A_873] masked %and3A_758 {strides = array<i32>} : memref<32784xf32, #tpu.memory_space<vmem>>, vector<16xf32>, vector<16xi1>
      tpu.vector_store %arg8[%swap3A_873], %gather3A_756 masked %and3A_758 {strides = array<i32>} : memref<32784xf32, #tpu.memory_space<vmem>>, vector<16xf32>, vector<16xi1>
      %add3A_875 = arith.addi %add3A_872, %squeeze3A_761 : i32
      %swap3A_876 = arith.index_cast %add3A_875 : i32 to index
      %swap3A_877 = tpu.vector_load %arg8[%swap3A_876] masked %and3A_767 {strides = array<i32>} : memref<32784xf32, #tpu.memory_space<vmem>>, vector<16xf32>, vector<16xi1>
      tpu.vector_store %arg8[%swap3A_876], %gather3A_765 masked %and3A_767 {strides = array<i32>} : memref<32784xf32, #tpu.memory_space<vmem>>, vector<16xf32>, vector<16xi1>
      %add3A_878 = arith.addi %add3A_875, %squeeze3A_770 : i32
      %swap3A_879 = arith.index_cast %add3A_878 : i32 to index
      %swap3A_880 = tpu.vector_load %arg8[%swap3A_879] masked %and3A_776 {strides = array<i32>} : memref<32784xf32, #tpu.memory_space<vmem>>, vector<16xf32>, vector<16xi1>
      tpu.vector_store %arg8[%swap3A_879], %gather3A_774 masked %and3A_776 {strides = array<i32>} : memref<32784xf32, #tpu.memory_space<vmem>>, vector<16xf32>, vector<16xi1>
      %add3A_881 = arith.addi %add3A_878, %squeeze3A_779 : i32
      %swap3A_882 = arith.index_cast %add3A_881 : i32 to index
      %swap3A_883 = tpu.vector_load %arg8[%swap3A_882] masked %and3A_785 {strides = array<i32>} : memref<32784xf32, #tpu.memory_space<vmem>>, vector<16xf32>, vector<16xi1>
      tpu.vector_store %arg8[%swap3A_882], %gather3A_783 masked %and3A_785 {strides = array<i32>} : memref<32784xf32, #tpu.memory_space<vmem>>, vector<16xf32>, vector<16xi1>
      %add3A_884 = arith.addi %add3A_881, %squeeze3A_788 : i32
      %swap3A_885 = arith.index_cast %add3A_884 : i32 to index
      %swap3A_886 = tpu.vector_load %arg8[%swap3A_885] masked %and3A_794 {strides = array<i32>} : memref<32784xf32, #tpu.memory_space<vmem>>, vector<16xf32>, vector<16xi1>
      tpu.vector_store %arg8[%swap3A_885], %gather3A_792 masked %and3A_794 {strides = array<i32>} : memref<32784xf32, #tpu.memory_space<vmem>>, vector<16xf32>, vector<16xi1>
      %add3A_887 = arith.addi %add3A_884, %squeeze3A_797 : i32
      %swap3A_888 = arith.index_cast %add3A_887 : i32 to index
      %swap3A_889 = tpu.vector_load %arg8[%swap3A_888] masked %and3A_803 {strides = array<i32>} : memref<32784xf32, #tpu.memory_space<vmem>>, vector<16xf32>, vector<16xi1>
      tpu.vector_store %arg8[%swap3A_888], %gather3A_801 masked %and3A_803 {strides = array<i32>} : memref<32784xf32, #tpu.memory_space<vmem>>, vector<16xf32>, vector<16xi1>
      %add3A_890 = arith.addi %add3A_887, %squeeze3A_806 : i32
      %swap3A_891 = arith.index_cast %add3A_890 : i32 to index
      %swap3A_892 = tpu.vector_load %arg8[%swap3A_891] masked %and3A_812 {strides = array<i32>} : memref<32784xf32, #tpu.memory_space<vmem>>, vector<16xf32>, vector<16xi1>
      tpu.vector_store %arg8[%swap3A_891], %gather3A_810 masked %and3A_812 {strides = array<i32>} : memref<32784xf32, #tpu.memory_space<vmem>>, vector<16xf32>, vector<16xi1>
      %add3A_893 = arith.addi %add3A_890, %squeeze3A_815 : i32
      %swap3A_894 = arith.index_cast %add3A_893 : i32 to index
      %swap3A_895 = tpu.vector_load %arg8[%swap3A_894] masked %and3A_821 {strides = array<i32>} : memref<32784xf32, #tpu.memory_space<vmem>>, vector<16xf32>, vector<16xi1>
      tpu.vector_store %arg8[%swap3A_894], %gather3A_819 masked %and3A_821 {strides = array<i32>} : memref<32784xf32, #tpu.memory_space<vmem>>, vector<16xf32>, vector<16xi1>
      %add3A_896 = arith.addi %add3A_893, %squeeze3A_824 : i32
      %swap3A_897 = arith.index_cast %add3A_896 : i32 to index
      %swap3A_898 = tpu.vector_load %arg8[%swap3A_897] masked %and3A_830 {strides = array<i32>} : memref<32784xf32, #tpu.memory_space<vmem>>, vector<16xf32>, vector<16xi1>
      tpu.vector_store %arg8[%swap3A_897], %gather3A_828 masked %and3A_830 {strides = array<i32>} : memref<32784xf32, #tpu.memory_space<vmem>>, vector<16xf32>, vector<16xi1>
      %add3A_899 = arith.addi %add3A_896, %squeeze3A_833 : i32
      %swap3A_900 = arith.index_cast %add3A_899 : i32 to index
      %swap3A_901 = tpu.vector_load %arg8[%swap3A_900] masked %and3A_839 {strides = array<i32>} : memref<32784xf32, #tpu.memory_space<vmem>>, vector<16xf32>, vector<16xi1>
      tpu.vector_store %arg8[%swap3A_900], %gather3A_837 masked %and3A_839 {strides = array<i32>} : memref<32784xf32, #tpu.memory_space<vmem>>, vector<16xf32>, vector<16xi1>
      %add3A_902 = arith.addi %add3A_899, %squeeze3A_842 : i32
      %swap3A_903 = arith.index_cast %add3A_902 : i32 to index
      %swap3A_904 = tpu.vector_load %arg8[%swap3A_903] masked %and3A_848 {strides = array<i32>} : memref<32784xf32, #tpu.memory_space<vmem>>, vector<16xf32>, vector<16xi1>
      tpu.vector_store %arg8[%swap3A_903], %gather3A_846 masked %and3A_848 {strides = array<i32>} : memref<32784xf32, #tpu.memory_space<vmem>>, vector<16xf32>, vector<16xi1>
      %add3A_905 = arith.addi %add3A_902, %squeeze3A_851 : i32
      %swap3A_906 = arith.index_cast %add3A_905 : i32 to index
      %swap3A_907 = tpu.vector_load %arg8[%swap3A_906] masked %and3A_857 {strides = array<i32>} : memref<32784xf32, #tpu.memory_space<vmem>>, vector<16xf32>, vector<16xi1>
      tpu.vector_store %arg8[%swap3A_906], %gather3A_855 masked %and3A_857 {strides = array<i32>} : memref<32784xf32, #tpu.memory_space<vmem>>, vector<16xf32>, vector<16xi1>
      %add3A_908 = arith.addi %add3A_905, %squeeze3A_860 : i32
      scf.yield %add3A_908 : i32
    }
    %while3A_124 = arith.constant 1 : i32
    %while3A_125 = scf.for %while3A_701 = %while3A_121 to %while3A_117 step %while3A_124 iter_args(%while3A_702 = %while3A_123) -> (i32)  : i32 {
      %mul3A_703 = arith.constant 16 : i32
      %mul3A_704 = arith.muli %while3A_701, %mul3A_703 : i32
      %get3A = arith.index_cast %mul3A_704 : i32 to index
      %get3A_705 = tpu.vector_load %arg7[%get3A] {strides = array<i32>} : memref<2064xi32, #tpu.memory_space<vmem>>, vector<16xi32>,
      %mul3A_706 = arith.constant 16 : i32
      %mul3A_707 = arith.muli %while3A_701, %mul3A_706 : i32
      %add3A_708 = vector.broadcast %mul3A_707 : i32 to vector<16xi32>
      %add3A_709 = arith.addi %add3A_708, %iota3A : vector<16xi32>
      %lt3A_710 = vector.broadcast %scan3A_91 : i32 to vector<16xi32>
      %lt3A_711 = arith.cmpi slt, %add3A_709, %lt3A_710 : vector<16xi32>
      %shift_right_logical3A = arith.constant 4 : i32
      %shift_right_logical3A_712 = vector.broadcast %shift_right_logical3A : i32 to vector<16xi32>
      %shift_right_logical3A_713 = arith.shrui %get3A_705, %shift_right_logical3A_712 : vector<16xi32>
      %and3A_714 = arith.constant 15 : i32
      %and3A_715 = vector.broadcast %and3A_714 : i32 to vector<16xi32>
      %and3A_716 = arith.andi %get3A_705, %and3A_715 : vector<16xi32>
      %mul3A_717 = arith.constant 256 : i32
      %mul3A_718 = vector.broadcast %mul3A_717 : i32 to vector<16xi32>
      %mul3A_719 = arith.muli %shift_right_logical3A_713, %mul3A_718 : vector<16xi32>
      %add3A_720 = arith.addi %mul3A_719, %and3A_716 : vector<16xi32>
      %add3A_721 = arith.constant 0 : i32
      %add3A_722 = vector.broadcast %add3A_721 : i32 to vector<16xi32>
      %add3A_723 = arith.addi %add3A_720, %add3A_722 : vector<16xi32>
      %gather3A_724 = tpu.vector_load_idx %arg4[%add3A_723] masked %lt3A_711 : memref<32768xf32, #tpu.memory_space<vmem>>[vector<16xi32>], vector<16xf32>, vector<16xi1>
      %ge3A = arith.cmpf oge, %gather3A_724, %neg3A_85 : vector<16xf32>
      %and3A_725 = arith.andi %ge3A, %lt3A_711 : vector<16xi1>
      %all_reduce_population_count3A = tpu.all_reduce %and3A_725 {dim = 0 : i64, kind = #tpu.reduction_kind<sum>} : vector<16xi1> -> vector<16xi32>
      %slice3A = vector.extract_strided_slice %all_reduce_population_count3A {offsets = [0], sizes = [1], strides = [1]} : vector<16xi32> to vector<1xi32>
      %squeeze3A = vector.extract %slice3A[0] : i32 from vector<1xi32>
      %add3A_726 = arith.constant 16 : i32
      %add3A_727 = vector.broadcast %add3A_726 : i32 to vector<16xi32>
      %add3A_728 = arith.addi %add3A_720, %add3A_727 : vector<16xi32>
      %gather3A_729 = tpu.vector_load_idx %arg4[%add3A_728] masked %lt3A_711 : memref<32768xf32, #tpu.memory_space<vmem>>[vector<16xi32>], vector<16xf32>, vector<16xi1>
      %ge3A_730 = arith.cmpf oge, %gather3A_729, %neg3A_85 : vector<16xf32>
      %and3A_731 = arith.andi %ge3A_730, %lt3A_711 : vector<16xi1>
      %all_reduce_population_count3A_732 = tpu.all_reduce %and3A_731 {dim = 0 : i64, kind = #tpu.reduction_kind<sum>} : vector<16xi1> -> vector<16xi32>
      %slice3A_733 = vector.extract_strided_slice %all_reduce_population_count3A_732 {offsets = [0], sizes = [1], strides = [1]} : vector<16xi32> to vector<1xi32>
      %squeeze3A_734 = vector.extract %slice3A_733[0] : i32 from vector<1xi32>
      %add3A_735 = arith.constant 32 : i32
      %add3A_736 = vector.broadcast %add3A_735 : i32 to vector<16xi32>
      %add3A_737 = arith.addi %add3A_720, %add3A_736 : vector<16xi32>
      %gather3A_738 = tpu.vector_load_idx %arg4[%add3A_737] masked %lt3A_711 : memref<32768xf32, #tpu.memory_space<vmem>>[vector<16xi32>], vector<16xf32>, vector<16xi1>
      %ge3A_739 = arith.cmpf oge, %gather3A_738, %neg3A_85 : vector<16xf32>
      %and3A_740 = arith.andi %ge3A_739, %lt3A_711 : vector<16xi1>
      %all_reduce_population_count3A_741 = tpu.all_reduce %and3A_740 {dim = 0 : i64, kind = #tpu.reduction_kind<sum>} : vector<16xi1> -> vector<16xi32>
      %slice3A_742 = vector.extract_strided_slice %all_reduce_population_count3A_741 {offsets = [0], sizes = [1], strides = [1]} : vector<16xi32> to vector<1xi32>
      %squeeze3A_743 = vector.extract %slice3A_742[0] : i32 from vector<1xi32>
      %add3A_744 = arith.constant 48 : i32
      %add3A_745 = vector.broadcast %add3A_744 : i32 to vector<16xi32>
      %add3A_746 = arith.addi %add3A_720, %add3A_745 : vector<16xi32>
      %gather3A_747 = tpu.vector_load_idx %arg4[%add3A_746] masked %lt3A_711 : memref<32768xf32, #tpu.memory_space<vmem>>[vector<16xi32>], vector<16xf32>, vector<16xi1>
      %ge3A_748 = arith.cmpf oge, %gather3A_747, %neg3A_85 : vector<16xf32>
      %and3A_749 = arith.andi %ge3A_748, %lt3A_711 : vector<16xi1>
      %all_reduce_population_count3A_750 = tpu.all_reduce %and3A_749 {dim = 0 : i64, kind = #tpu.reduction_kind<sum>} : vector<16xi1> -> vector<16xi32>
      %slice3A_751 = vector.extract_strided_slice %all_reduce_population_count3A_750 {offsets = [0], sizes = [1], strides = [1]} : vector<16xi32> to vector<1xi32>
      %squeeze3A_752 = vector.extract %slice3A_751[0] : i32 from vector<1xi32>
      %add3A_753 = arith.constant 64 : i32
      %add3A_754 = vector.broadcast %add3A_753 : i32 to vector<16xi32>
      %add3A_755 = arith.addi %add3A_720, %add3A_754 : vector<16xi32>
      %gather3A_756 = tpu.vector_load_idx %arg4[%add3A_755] masked %lt3A_711 : memref<32768xf32, #tpu.memory_space<vmem>>[vector<16xi32>], vector<16xf32>, vector<16xi1>
      %ge3A_757 = arith.cmpf oge, %gather3A_756, %neg3A_85 : vector<16xf32>
      %and3A_758 = arith.andi %ge3A_757, %lt3A_711 : vector<16xi1>
      %all_reduce_population_count3A_759 = tpu.all_reduce %and3A_758 {dim = 0 : i64, kind = #tpu.reduction_kind<sum>} : vector<16xi1> -> vector<16xi32>
      %slice3A_760 = vector.extract_strided_slice %all_reduce_population_count3A_759 {offsets = [0], sizes = [1], strides = [1]} : vector<16xi32> to vector<1xi32>
      %squeeze3A_761 = vector.extract %slice3A_760[0] : i32 from vector<1xi32>
      %add3A_762 = arith.constant 80 : i32
      %add3A_763 = vector.broadcast %add3A_762 : i32 to vector<16xi32>
      %add3A_764 = arith.addi %add3A_720, %add3A_763 : vector<16xi32>
      %gather3A_765 = tpu.vector_load_idx %arg4[%add3A_764] masked %lt3A_711 : memref<32768xf32, #tpu.memory_space<vmem>>[vector<16xi32>], vector<16xf32>, vector<16xi1>
      %ge3A_766 = arith.cmpf oge, %gather3A_765, %neg3A_85 : vector<16xf32>
      %and3A_767 = arith.andi %ge3A_766, %lt3A_711 : vector<16xi1>
      %all_reduce_population_count3A_768 = tpu.all_reduce %and3A_767 {dim = 0 : i64, kind = #tpu.reduction_kind<sum>} : vector<16xi1> -> vector<16xi32>
      %slice3A_769 = vector.extract_strided_slice %all_reduce_population_count3A_768 {offsets = [0], sizes = [1], strides = [1]} : vector<16xi32> to vector<1xi32>
      %squeeze3A_770 = vector.extract %slice3A_769[0] : i32 from vector<1xi32>
      %add3A_771 = arith.constant 96 : i32
      %add3A_772 = vector.broadcast %add3A_771 : i32 to vector<16xi32>
      %add3A_773 = arith.addi %add3A_720, %add3A_772 : vector<16xi32>
      %gather3A_774 = tpu.vector_load_idx %arg4[%add3A_773] masked %lt3A_711 : memref<32768xf32, #tpu.memory_space<vmem>>[vector<16xi32>], vector<16xf32>, vector<16xi1>
      %ge3A_775 = arith.cmpf oge, %gather3A_774, %neg3A_85 : vector<16xf32>
      %and3A_776 = arith.andi %ge3A_775, %lt3A_711 : vector<16xi1>
      %all_reduce_population_count3A_777 = tpu.all_reduce %and3A_776 {dim = 0 : i64, kind = #tpu.reduction_kind<sum>} : vector<16xi1> -> vector<16xi32>
      %slice3A_778 = vector.extract_strided_slice %all_reduce_population_count3A_777 {offsets = [0], sizes = [1], strides = [1]} : vector<16xi32> to vector<1xi32>
      %squeeze3A_779 = vector.extract %slice3A_778[0] : i32 from vector<1xi32>
      %add3A_780 = arith.constant 112 : i32
      %add3A_781 = vector.broadcast %add3A_780 : i32 to vector<16xi32>
      %add3A_782 = arith.addi %add3A_720, %add3A_781 : vector<16xi32>
      %gather3A_783 = tpu.vector_load_idx %arg4[%add3A_782] masked %lt3A_711 : memref<32768xf32, #tpu.memory_space<vmem>>[vector<16xi32>], vector<16xf32>, vector<16xi1>
      %ge3A_784 = arith.cmpf oge, %gather3A_783, %neg3A_85 : vector<16xf32>
      %and3A_785 = arith.andi %ge3A_784, %lt3A_711 : vector<16xi1>
      %all_reduce_population_count3A_786 = tpu.all_reduce %and3A_785 {dim = 0 : i64, kind = #tpu.reduction_kind<sum>} : vector<16xi1> -> vector<16xi32>
      %slice3A_787 = vector.extract_strided_slice %all_reduce_population_count3A_786 {offsets = [0], sizes = [1], strides = [1]} : vector<16xi32> to vector<1xi32>
      %squeeze3A_788 = vector.extract %slice3A_787[0] : i32 from vector<1xi32>
      %add3A_789 = arith.constant 128 : i32
      %add3A_790 = vector.broadcast %add3A_789 : i32 to vector<16xi32>
      %add3A_791 = arith.addi %add3A_720, %add3A_790 : vector<16xi32>
      %gather3A_792 = tpu.vector_load_idx %arg4[%add3A_791] masked %lt3A_711 : memref<32768xf32, #tpu.memory_space<vmem>>[vector<16xi32>], vector<16xf32>, vector<16xi1>
      %ge3A_793 = arith.cmpf oge, %gather3A_792, %neg3A_85 : vector<16xf32>
      %and3A_794 = arith.andi %ge3A_793, %lt3A_711 : vector<16xi1>
      %all_reduce_population_count3A_795 = tpu.all_reduce %and3A_794 {dim = 0 : i64, kind = #tpu.reduction_kind<sum>} : vector<16xi1> -> vector<16xi32>
      %slice3A_796 = vector.extract_strided_slice %all_reduce_population_count3A_795 {offsets = [0], sizes = [1], strides = [1]} : vector<16xi32> to vector<1xi32>
      %squeeze3A_797 = vector.extract %slice3A_796[0] : i32 from vector<1xi32>
      %add3A_798 = arith.constant 144 : i32
      %add3A_799 = vector.broadcast %add3A_798 : i32 to vector<16xi32>
      %add3A_800 = arith.addi %add3A_720, %add3A_799 : vector<16xi32>
      %gather3A_801 = tpu.vector_load_idx %arg4[%add3A_800] masked %lt3A_711 : memref<32768xf32, #tpu.memory_space<vmem>>[vector<16xi32>], vector<16xf32>, vector<16xi1>
      %ge3A_802 = arith.cmpf oge, %gather3A_801, %neg3A_85 : vector<16xf32>
      %and3A_803 = arith.andi %ge3A_802, %lt3A_711 : vector<16xi1>
      %all_reduce_population_count3A_804 = tpu.all_reduce %and3A_803 {dim = 0 : i64, kind = #tpu.reduction_kind<sum>} : vector<16xi1> -> vector<16xi32>
      %slice3A_805 = vector.extract_strided_slice %all_reduce_population_count3A_804 {offsets = [0], sizes = [1], strides = [1]} : vector<16xi32> to vector<1xi32>
      %squeeze3A_806 = vector.extract %slice3A_805[0] : i32 from vector<1xi32>
      %add3A_807 = arith.constant 160 : i32
      %add3A_808 = vector.broadcast %add3A_807 : i32 to vector<16xi32>
      %add3A_809 = arith.addi %add3A_720, %add3A_808 : vector<16xi32>
      %gather3A_810 = tpu.vector_load_idx %arg4[%add3A_809] masked %lt3A_711 : memref<32768xf32, #tpu.memory_space<vmem>>[vector<16xi32>], vector<16xf32>, vector<16xi1>
      %ge3A_811 = arith.cmpf oge, %gather3A_810, %neg3A_85 : vector<16xf32>
      %and3A_812 = arith.andi %ge3A_811, %lt3A_711 : vector<16xi1>
      %all_reduce_population_count3A_813 = tpu.all_reduce %and3A_812 {dim = 0 : i64, kind = #tpu.reduction_kind<sum>} : vector<16xi1> -> vector<16xi32>
      %slice3A_814 = vector.extract_strided_slice %all_reduce_population_count3A_813 {offsets = [0], sizes = [1], strides = [1]} : vector<16xi32> to vector<1xi32>
      %squeeze3A_815 = vector.extract %slice3A_814[0] : i32 from vector<1xi32>
      %add3A_816 = arith.constant 176 : i32
      %add3A_817 = vector.broadcast %add3A_816 : i32 to vector<16xi32>
      %add3A_818 = arith.addi %add3A_720, %add3A_817 : vector<16xi32>
      %gather3A_819 = tpu.vector_load_idx %arg4[%add3A_818] masked %lt3A_711 : memref<32768xf32, #tpu.memory_space<vmem>>[vector<16xi32>], vector<16xf32>, vector<16xi1>
      %ge3A_820 = arith.cmpf oge, %gather3A_819, %neg3A_85 : vector<16xf32>
      %and3A_821 = arith.andi %ge3A_820, %lt3A_711 : vector<16xi1>
      %all_reduce_population_count3A_822 = tpu.all_reduce %and3A_821 {dim = 0 : i64, kind = #tpu.reduction_kind<sum>} : vector<16xi1> -> vector<16xi32>
      %slice3A_823 = vector.extract_strided_slice %all_reduce_population_count3A_822 {offsets = [0], sizes = [1], strides = [1]} : vector<16xi32> to vector<1xi32>
      %squeeze3A_824 = vector.extract %slice3A_823[0] : i32 from vector<1xi32>
      %add3A_825 = arith.constant 192 : i32
      %add3A_826 = vector.broadcast %add3A_825 : i32 to vector<16xi32>
      %add3A_827 = arith.addi %add3A_720, %add3A_826 : vector<16xi32>
      %gather3A_828 = tpu.vector_load_idx %arg4[%add3A_827] masked %lt3A_711 : memref<32768xf32, #tpu.memory_space<vmem>>[vector<16xi32>], vector<16xf32>, vector<16xi1>
      %ge3A_829 = arith.cmpf oge, %gather3A_828, %neg3A_85 : vector<16xf32>
      %and3A_830 = arith.andi %ge3A_829, %lt3A_711 : vector<16xi1>
      %all_reduce_population_count3A_831 = tpu.all_reduce %and3A_830 {dim = 0 : i64, kind = #tpu.reduction_kind<sum>} : vector<16xi1> -> vector<16xi32>
      %slice3A_832 = vector.extract_strided_slice %all_reduce_population_count3A_831 {offsets = [0], sizes = [1], strides = [1]} : vector<16xi32> to vector<1xi32>
      %squeeze3A_833 = vector.extract %slice3A_832[0] : i32 from vector<1xi32>
      %add3A_834 = arith.constant 208 : i32
      %add3A_835 = vector.broadcast %add3A_834 : i32 to vector<16xi32>
      %add3A_836 = arith.addi %add3A_720, %add3A_835 : vector<16xi32>
      %gather3A_837 = tpu.vector_load_idx %arg4[%add3A_836] masked %lt3A_711 : memref<32768xf32, #tpu.memory_space<vmem>>[vector<16xi32>], vector<16xf32>, vector<16xi1>
      %ge3A_838 = arith.cmpf oge, %gather3A_837, %neg3A_85 : vector<16xf32>
      %and3A_839 = arith.andi %ge3A_838, %lt3A_711 : vector<16xi1>
      %all_reduce_population_count3A_840 = tpu.all_reduce %and3A_839 {dim = 0 : i64, kind = #tpu.reduction_kind<sum>} : vector<16xi1> -> vector<16xi32>
      %slice3A_841 = vector.extract_strided_slice %all_reduce_population_count3A_840 {offsets = [0], sizes = [1], strides = [1]} : vector<16xi32> to vector<1xi32>
      %squeeze3A_842 = vector.extract %slice3A_841[0] : i32 from vector<1xi32>
      %add3A_843 = arith.constant 224 : i32
      %add3A_844 = vector.broadcast %add3A_843 : i32 to vector<16xi32>
      %add3A_845 = arith.addi %add3A_720, %add3A_844 : vector<16xi32>
      %gather3A_846 = tpu.vector_load_idx %arg4[%add3A_845] masked %lt3A_711 : memref<32768xf32, #tpu.memory_space<vmem>>[vector<16xi32>], vector<16xf32>, vector<16xi1>
      %ge3A_847 = arith.cmpf oge, %gather3A_846, %neg3A_85 : vector<16xf32>
      %and3A_848 = arith.andi %ge3A_847, %lt3A_711 : vector<16xi1>
      %all_reduce_population_count3A_849 = tpu.all_reduce %and3A_848 {dim = 0 : i64, kind = #tpu.reduction_kind<sum>} : vector<16xi1> -> vector<16xi32>
      %slice3A_850 = vector.extract_strided_slice %all_reduce_population_count3A_849 {offsets = [0], sizes = [1], strides = [1]} : vector<16xi32> to vector<1xi32>
      %squeeze3A_851 = vector.extract %slice3A_850[0] : i32 from vector<1xi32>
      %add3A_852 = arith.constant 240 : i32
      %add3A_853 = vector.broadcast %add3A_852 : i32 to vector<16xi32>
      %add3A_854 = arith.addi %add3A_720, %add3A_853 : vector<16xi32>
      %gather3A_855 = tpu.vector_load_idx %arg4[%add3A_854] masked %lt3A_711 : memref<32768xf32, #tpu.memory_space<vmem>>[vector<16xi32>], vector<16xf32>, vector<16xi1>
      %ge3A_856 = arith.cmpf oge, %gather3A_855, %neg3A_85 : vector<16xf32>
      %and3A_857 = arith.andi %ge3A_856, %lt3A_711 : vector<16xi1>
      %all_reduce_population_count3A_858 = tpu.all_reduce %and3A_857 {dim = 0 : i64, kind = #tpu.reduction_kind<sum>} : vector<16xi1> -> vector<16xi32>
      %slice3A_859 = vector.extract_strided_slice %all_reduce_population_count3A_858 {offsets = [0], sizes = [1], strides = [1]} : vector<16xi32> to vector<1xi32>
      %squeeze3A_860 = vector.extract %slice3A_859[0] : i32 from vector<1xi32>
      %swap3A_861 = arith.index_cast %while3A_702 : i32 to index
      %swap3A_862 = tpu.vector_load %arg8[%swap3A_861] masked %and3A_725 {strides = array<i32>} : memref<32784xf32, #tpu.memory_space<vmem>>, vector<16xf32>, vector<16xi1>
      tpu.vector_store %arg8[%swap3A_861], %gather3A_724 masked %and3A_725 {strides = array<i32>} : memref<32784xf32, #tpu.memory_space<vmem>>, vector<16xf32>, vector<16xi1>
      %add3A_863 = arith.addi %while3A_702, %squeeze3A : i32
      %swap3A_864 = arith.index_cast %add3A_863 : i32 to index
      %swap3A_865 = tpu.vector_load %arg8[%swap3A_864] masked %and3A_731 {strides = array<i32>} : memref<32784xf32, #tpu.memory_space<vmem>>, vector<16xf32>, vector<16xi1>
      tpu.vector_store %arg8[%swap3A_864], %gather3A_729 masked %and3A_731 {strides = array<i32>} : memref<32784xf32, #tpu.memory_space<vmem>>, vector<16xf32>, vector<16xi1>
      %add3A_866 = arith.addi %add3A_863, %squeeze3A_734 : i32
      %swap3A_867 = arith.index_cast %add3A_866 : i32 to index
      %swap3A_868 = tpu.vector_load %arg8[%swap3A_867] masked %and3A_740 {strides = array<i32>} : memref<32784xf32, #tpu.memory_space<vmem>>, vector<16xf32>, vector<16xi1>
      tpu.vector_store %arg8[%swap3A_867], %gather3A_738 masked %and3A_740 {strides = array<i32>} : memref<32784xf32, #tpu.memory_space<vmem>>, vector<16xf32>, vector<16xi1>
      %add3A_869 = arith.addi %add3A_866, %squeeze3A_743 : i32
      %swap3A_870 = arith.index_cast %add3A_869 : i32 to index
      %swap3A_871 = tpu.vector_load %arg8[%swap3A_870] masked %and3A_749 {strides = array<i32>} : memref<32784xf32, #tpu.memory_space<vmem>>, vector<16xf32>, vector<16xi1>
      tpu.vector_store %arg8[%swap3A_870], %gather3A_747 masked %and3A_749 {strides = array<i32>} : memref<32784xf32, #tpu.memory_space<vmem>>, vector<16xf32>, vector<16xi1>
      %add3A_872 = arith.addi %add3A_869, %squeeze3A_752 : i32
      %swap3A_873 = arith.index_cast %add3A_872 : i32 to index
      %swap3A_874 = tpu.vector_load %arg8[%swap3A_873] masked %and3A_758 {strides = array<i32>} : memref<32784xf32, #tpu.memory_space<vmem>>, vector<16xf32>, vector<16xi1>
      tpu.vector_store %arg8[%swap3A_873], %gather3A_756 masked %and3A_758 {strides = array<i32>} : memref<32784xf32, #tpu.memory_space<vmem>>, vector<16xf32>, vector<16xi1>
      %add3A_875 = arith.addi %add3A_872, %squeeze3A_761 : i32
      %swap3A_876 = arith.index_cast %add3A_875 : i32 to index
      %swap3A_877 = tpu.vector_load %arg8[%swap3A_876] masked %and3A_767 {strides = array<i32>} : memref<32784xf32, #tpu.memory_space<vmem>>, vector<16xf32>, vector<16xi1>
      tpu.vector_store %arg8[%swap3A_876], %gather3A_765 masked %and3A_767 {strides = array<i32>} : memref<32784xf32, #tpu.memory_space<vmem>>, vector<16xf32>, vector<16xi1>
      %add3A_878 = arith.addi %add3A_875, %squeeze3A_770 : i32
      %swap3A_879 = arith.index_cast %add3A_878 : i32 to index
      %swap3A_880 = tpu.vector_load %arg8[%swap3A_879] masked %and3A_776 {strides = array<i32>} : memref<32784xf32, #tpu.memory_space<vmem>>, vector<16xf32>, vector<16xi1>
      tpu.vector_store %arg8[%swap3A_879], %gather3A_774 masked %and3A_776 {strides = array<i32>} : memref<32784xf32, #tpu.memory_space<vmem>>, vector<16xf32>, vector<16xi1>
      %add3A_881 = arith.addi %add3A_878, %squeeze3A_779 : i32
      %swap3A_882 = arith.index_cast %add3A_881 : i32 to index
      %swap3A_883 = tpu.vector_load %arg8[%swap3A_882] masked %and3A_785 {strides = array<i32>} : memref<32784xf32, #tpu.memory_space<vmem>>, vector<16xf32>, vector<16xi1>
      tpu.vector_store %arg8[%swap3A_882], %gather3A_783 masked %and3A_785 {strides = array<i32>} : memref<32784xf32, #tpu.memory_space<vmem>>, vector<16xf32>, vector<16xi1>
      %add3A_884 = arith.addi %add3A_881, %squeeze3A_788 : i32
      %swap3A_885 = arith.index_cast %add3A_884 : i32 to index
      %swap3A_886 = tpu.vector_load %arg8[%swap3A_885] masked %and3A_794 {strides = array<i32>} : memref<32784xf32, #tpu.memory_space<vmem>>, vector<16xf32>, vector<16xi1>
      tpu.vector_store %arg8[%swap3A_885], %gather3A_792 masked %and3A_794 {strides = array<i32>} : memref<32784xf32, #tpu.memory_space<vmem>>, vector<16xf32>, vector<16xi1>
      %add3A_887 = arith.addi %add3A_884, %squeeze3A_797 : i32
      %swap3A_888 = arith.index_cast %add3A_887 : i32 to index
      %swap3A_889 = tpu.vector_load %arg8[%swap3A_888] masked %and3A_803 {strides = array<i32>} : memref<32784xf32, #tpu.memory_space<vmem>>, vector<16xf32>, vector<16xi1>
      tpu.vector_store %arg8[%swap3A_888], %gather3A_801 masked %and3A_803 {strides = array<i32>} : memref<32784xf32, #tpu.memory_space<vmem>>, vector<16xf32>, vector<16xi1>
      %add3A_890 = arith.addi %add3A_887, %squeeze3A_806 : i32
      %swap3A_891 = arith.index_cast %add3A_890 : i32 to index
      %swap3A_892 = tpu.vector_load %arg8[%swap3A_891] masked %and3A_812 {strides = array<i32>} : memref<32784xf32, #tpu.memory_space<vmem>>, vector<16xf32>, vector<16xi1>
      tpu.vector_store %arg8[%swap3A_891], %gather3A_810 masked %and3A_812 {strides = array<i32>} : memref<32784xf32, #tpu.memory_space<vmem>>, vector<16xf32>, vector<16xi1>
      %add3A_893 = arith.addi %add3A_890, %squeeze3A_815 : i32
      %swap3A_894 = arith.index_cast %add3A_893 : i32 to index
      %swap3A_895 = tpu.vector_load %arg8[%swap3A_894] masked %and3A_821 {strides = array<i32>} : memref<32784xf32, #tpu.memory_space<vmem>>, vector<16xf32>, vector<16xi1>
      tpu.vector_store %arg8[%swap3A_894], %gather3A_819 masked %and3A_821 {strides = array<i32>} : memref<32784xf32, #tpu.memory_space<vmem>>, vector<16xf32>, vector<16xi1>
      %add3A_896 = arith.addi %add3A_893, %squeeze3A_824 : i32
      %swap3A_897 = arith.index_cast %add3A_896 : i32 to index
      %swap3A_898 = tpu.vector_load %arg8[%swap3A_897] masked %and3A_830 {strides = array<i32>} : memref<32784xf32, #tpu.memory_space<vmem>>, vector<16xf32>, vector<16xi1>
      tpu.vector_store %arg8[%swap3A_897], %gather3A_828 masked %and3A_830 {strides = array<i32>} : memref<32784xf32, #tpu.memory_space<vmem>>, vector<16xf32>, vector<16xi1>
      %add3A_899 = arith.addi %add3A_896, %squeeze3A_833 : i32
      %swap3A_900 = arith.index_cast %add3A_899 : i32 to index
      %swap3A_901 = tpu.vector_load %arg8[%swap3A_900] masked %and3A_839 {strides = array<i32>} : memref<32784xf32, #tpu.memory_space<vmem>>, vector<16xf32>, vector<16xi1>
      tpu.vector_store %arg8[%swap3A_900], %gather3A_837 masked %and3A_839 {strides = array<i32>} : memref<32784xf32, #tpu.memory_space<vmem>>, vector<16xf32>, vector<16xi1>
      %add3A_902 = arith.addi %add3A_899, %squeeze3A_842 : i32
      %swap3A_903 = arith.index_cast %add3A_902 : i32 to index
      %swap3A_904 = tpu.vector_load %arg8[%swap3A_903] masked %and3A_848 {strides = array<i32>} : memref<32784xf32, #tpu.memory_space<vmem>>, vector<16xf32>, vector<16xi1>
      tpu.vector_store %arg8[%swap3A_903], %gather3A_846 masked %and3A_848 {strides = array<i32>} : memref<32784xf32, #tpu.memory_space<vmem>>, vector<16xf32>, vector<16xi1>
      %add3A_905 = arith.addi %add3A_902, %squeeze3A_851 : i32
      %swap3A_906 = arith.index_cast %add3A_905 : i32 to index
      %swap3A_907 = tpu.vector_load %arg8[%swap3A_906] masked %and3A_857 {strides = array<i32>} : memref<32784xf32, #tpu.memory_space<vmem>>, vector<16xf32>, vector<16xi1>
      tpu.vector_store %arg8[%swap3A_906], %gather3A_855 masked %and3A_857 {strides = array<i32>} : memref<32784xf32, #tpu.memory_space<vmem>>, vector<16xf32>, vector<16xi1>
      %add3A_908 = arith.addi %add3A_905, %squeeze3A_860 : i32
      scf.yield %add3A_908 : i32
    }
    %swap3A_126 = arith.index_cast %while3A_125 : i32 to index
    %swap3A_127 = tpu.vector_load %arg8[%swap3A_126] {strides = array<i32>} : memref<32784xf32, #tpu.memory_space<vmem>>, vector<16xf32>,
    tpu.vector_store %arg8[%swap3A_126], %broadcast_in_dim3A_23 {strides = array<i32>} : memref<32784xf32, #tpu.memory_space<vmem>>, vector<16xf32>,
    %jit3A_128 = arith.constant 16 : i32
    %div3A_129 = arith.divsi %while3A_125, %jit3A_128 : i32
    %sign3A_130 = arith.constant 0 : i32
    %sign3A_131 = arith.cmpi sgt, %while3A_125, %sign3A_130 : i32
    %sign3A_132 = arith.extui %sign3A_131 : i1 to i32
    %sign3A_133 = arith.constant 0 : i32
    %sign3A_134 = arith.cmpi slt, %while3A_125, %sign3A_133 : i32
    %sign3A_135 = arith.extui %sign3A_134 : i1 to i32
    %sign3A_136 = arith.subi %sign3A_132, %sign3A_135 : i32
    %sign3A_137 = arith.constant 0 : i32
    %sign3A_138 = arith.cmpi sgt, %jit3A_128, %sign3A_137 : i32
    %sign3A_139 = arith.extui %sign3A_138 : i1 to i32
    %sign3A_140 = arith.constant 0 : i32
    %sign3A_141 = arith.cmpi slt, %jit3A_128, %sign3A_140 : i32
    %sign3A_142 = arith.extui %sign3A_141 : i1 to i32
    %sign3A_143 = arith.subi %sign3A_139, %sign3A_142 : i32
    %ne3A_144 = arith.cmpi ne, %sign3A_136, %sign3A_143 : i32
    %rem3A_145 = arith.remsi %while3A_125, %jit3A_128 : i32
    %ne3A_146 = arith.constant 0 : i32
    %ne3A_147 = arith.cmpi ne, %rem3A_145, %ne3A_146 : i32
    %and3A_148 = arith.andi %ne3A_144, %ne3A_147 : i1
    %sub3A_149 = arith.constant 1 : i32
    %sub3A_150 = arith.subi %div3A_129, %sub3A_149 : i32
    %select_n3A_151 = arith.select %and3A_148, %sub3A_150, %div3A_129 : i32
    %add3A_152 = arith.constant 1 : i32
    %add3A_153 = arith.addi %select_n3A_151, %add3A_152 : i32
    %while3A_154 = arith.constant 0 : i32
    %while3A_155 = arith.subi %add3A_153, %while3A_154 : i32
    %while3A_156 = arith.addi %while3A_154, %while3A_155 : i32
    %while3A_157 = arith.constant 1 : i32
    %while3A_158 = arith.divsi %while3A_155, %while3A_157 : i32
    %while3A_159 = arith.muli %while3A_158, %while3A_157 : i32
    %while3A_160 = arith.addi %while3A_154, %while3A_159 : i32
    %while3A_161 = arith.constant 1 : i32
    %while3A_162:2 = scf.for %while3A_701 = %while3A_154 to %while3A_160 step %while3A_161 iter_args(%while3A_702 = %broadcast_in_dim3A_23, %while3A_703 = %broadcast_in_dim3A_23) -> (vector<16xf32>, vector<16xf32>)  : i32 {
      %mul3A_704 = arith.constant 16 : i32
      %mul3A_705 = arith.muli %while3A_701, %mul3A_704 : i32
      %get3A = arith.index_cast %mul3A_705 : i32 to index
      %get3A_706 = tpu.vector_load %arg8[%get3A] {strides = array<i32>} : memref<32784xf32, #tpu.memory_space<vmem>>, vector<16xf32>,
      %masked_sort3A = arith.constant dense<true> : vector<16xi1>
      %masked_sort3A_707, %masked_sort3A_708, %masked_sort3A_709 = tpu.sort %get3A_706, %get3A_706 masked %masked_sort3A {descending = true} : (vector<16xf32>, vector<16xf32>, vector<16xi1>) -> (vector<16xi1>, vector<16xf32>, vector<16xf32>)
      %rev3A = arith.constant 15 : i32
      %rev3A_710 = vector.broadcast %rev3A : i32 to vector<16xi32>
      %rev3A_711 = tpu.iota {dimensions = array<i32: 0>} : vector<16xi32>
      %rev3A_712 = arith.subi %rev3A_710, %rev3A_711 : vector<16xi32>
      %rev3A_713 = tpu.dynamic_gather %masked_sort3A_708[%rev3A_712] in [0] : vector<16xf32>, vector<16xi32> -> vector<16xf32>
      %max3A_714 = arith.maximumf %while3A_702, %rev3A_713 : vector<16xf32>
      %min3A = arith.minimumf %while3A_702, %rev3A_713 : vector<16xf32>
      %masked_sort3A_715 = arith.constant dense<true> : vector<16xi1>
      %masked_sort3A_716, %masked_sort3A_717, %masked_sort3A_718 = tpu.sort %min3A, %min3A masked %masked_sort3A_715 {descending = true} : (vector<16xf32>, vector<16xf32>, vector<16xi1>) -> (vector<16xi1>, vector<16xf32>, vector<16xf32>)
      %rev3A_719 = arith.constant 15 : i32
      %rev3A_720 = vector.broadcast %rev3A_719 : i32 to vector<16xi32>
      %rev3A_721 = tpu.iota {dimensions = array<i32: 0>} : vector<16xi32>
      %rev3A_722 = arith.subi %rev3A_720, %rev3A_721 : vector<16xi32>
      %rev3A_723 = tpu.dynamic_gather %while3A_703[%rev3A_722] in [0] : vector<16xf32>, vector<16xi32> -> vector<16xf32>
      %max3A_724 = arith.maximumf %masked_sort3A_717, %rev3A_723 : vector<16xf32>
      %masked_sort3A_725 = arith.constant dense<true> : vector<16xi1>
      %masked_sort3A_726, %masked_sort3A_727, %masked_sort3A_728 = tpu.sort %max3A_714, %max3A_714 masked %masked_sort3A_725 {descending = true} : (vector<16xf32>, vector<16xf32>, vector<16xi1>) -> (vector<16xi1>, vector<16xf32>, vector<16xf32>)
      %masked_sort3A_729 = arith.constant dense<true> : vector<16xi1>
      %masked_sort3A_730, %masked_sort3A_731, %masked_sort3A_732 = tpu.sort %max3A_724, %max3A_724 masked %masked_sort3A_729 {descending = true} : (vector<16xf32>, vector<16xf32>, vector<16xi1>) -> (vector<16xi1>, vector<16xf32>, vector<16xf32>)
      scf.yield %masked_sort3A_727, %masked_sort3A_731 : vector<16xf32>, vector<16xf32>
    }
    %while3A_163 = arith.constant 1 : i32
    %while3A_164:2 = scf.for %while3A_701 = %while3A_160 to %while3A_156 step %while3A_163 iter_args(%while3A_702 = %while3A_162#0, %while3A_703 = %while3A_162#1) -> (vector<16xf32>, vector<16xf32>)  : i32 {
      %mul3A_704 = arith.constant 16 : i32
      %mul3A_705 = arith.muli %while3A_701, %mul3A_704 : i32
      %get3A = arith.index_cast %mul3A_705 : i32 to index
      %get3A_706 = tpu.vector_load %arg8[%get3A] {strides = array<i32>} : memref<32784xf32, #tpu.memory_space<vmem>>, vector<16xf32>,
      %masked_sort3A = arith.constant dense<true> : vector<16xi1>
      %masked_sort3A_707, %masked_sort3A_708, %masked_sort3A_709 = tpu.sort %get3A_706, %get3A_706 masked %masked_sort3A {descending = true} : (vector<16xf32>, vector<16xf32>, vector<16xi1>) -> (vector<16xi1>, vector<16xf32>, vector<16xf32>)
      %rev3A = arith.constant 15 : i32
      %rev3A_710 = vector.broadcast %rev3A : i32 to vector<16xi32>
      %rev3A_711 = tpu.iota {dimensions = array<i32: 0>} : vector<16xi32>
      %rev3A_712 = arith.subi %rev3A_710, %rev3A_711 : vector<16xi32>
      %rev3A_713 = tpu.dynamic_gather %masked_sort3A_708[%rev3A_712] in [0] : vector<16xf32>, vector<16xi32> -> vector<16xf32>
      %max3A_714 = arith.maximumf %while3A_702, %rev3A_713 : vector<16xf32>
      %min3A = arith.minimumf %while3A_702, %rev3A_713 : vector<16xf32>
      %masked_sort3A_715 = arith.constant dense<true> : vector<16xi1>
      %masked_sort3A_716, %masked_sort3A_717, %masked_sort3A_718 = tpu.sort %min3A, %min3A masked %masked_sort3A_715 {descending = true} : (vector<16xf32>, vector<16xf32>, vector<16xi1>) -> (vector<16xi1>, vector<16xf32>, vector<16xf32>)
      %rev3A_719 = arith.constant 15 : i32
      %rev3A_720 = vector.broadcast %rev3A_719 : i32 to vector<16xi32>
      %rev3A_721 = tpu.iota {dimensions = array<i32: 0>} : vector<16xi32>
      %rev3A_722 = arith.subi %rev3A_720, %rev3A_721 : vector<16xi32>
      %rev3A_723 = tpu.dynamic_gather %while3A_703[%rev3A_722] in [0] : vector<16xf32>, vector<16xi32> -> vector<16xf32>
      %max3A_724 = arith.maximumf %masked_sort3A_717, %rev3A_723 : vector<16xf32>
      %masked_sort3A_725 = arith.constant dense<true> : vector<16xi1>
      %masked_sort3A_726, %masked_sort3A_727, %masked_sort3A_728 = tpu.sort %max3A_714, %max3A_714 masked %masked_sort3A_725 {descending = true} : (vector<16xf32>, vector<16xf32>, vector<16xi1>) -> (vector<16xi1>, vector<16xf32>, vector<16xf32>)
      %masked_sort3A_729 = arith.constant dense<true> : vector<16xi1>
      %masked_sort3A_730, %masked_sort3A_731, %masked_sort3A_732 = tpu.sort %max3A_724, %max3A_724 masked %masked_sort3A_729 {descending = true} : (vector<16xf32>, vector<16xf32>, vector<16xi1>) -> (vector<16xi1>, vector<16xf32>, vector<16xf32>)
      scf.yield %masked_sort3A_727, %masked_sort3A_731 : vector<16xf32>, vector<16xf32>
    }
    %swap3A_165 = arith.constant 0 : index
    %swap3A_166 = tpu.vector_load %arg9[%swap3A_165] {strides = array<i32>} : memref<144xf32, #tpu.memory_space<vmem>>, vector<16xf32>,
    tpu.vector_store %arg9[%swap3A_165], %while3A_164#0 {strides = array<i32>} : memref<144xf32, #tpu.memory_space<vmem>>, vector<16xf32>,
    %swap3A_167 = arith.constant 16 : index
    %swap3A_168 = tpu.vector_load %arg9[%swap3A_167] {strides = array<i32>} : memref<144xf32, #tpu.memory_space<vmem>>, vector<16xf32>,
    tpu.vector_store %arg9[%swap3A_167], %while3A_164#1 {strides = array<i32>} : memref<144xf32, #tpu.memory_space<vmem>>, vector<16xf32>,
    %add3A_169 = arith.constant 1 : i32
    %add3A_170 = arith.addi %mul3A_2, %add3A_169 : i32
    %add3A_171 = arith.constant 1 : i32
    %add3A_172 = arith.addi %add3A_170, %add3A_171 : i32
    %dma_start3A_173 = arith.constant 0 : i32
    %dma_start3A_174 = tpu.memref_slice %arg2[%add3A_172, %dma_start3A_173] : memref<128x32768xf32, #tpu.memory_space<hbm>> -> memref<1x32768xf32, #tpu.memory_space<hbm>>
    %dma_start3A_175 = tpu.memref_squeeze %dma_start3A_174 : memref<1x32768xf32, #tpu.memory_space<hbm>> -> memref<32768xf32, #tpu.memory_space<hbm>>
    %dma_start3A_176 = arith.constant 0 : i32
    %dma_start3A_177 = tpu.memref_slice %arg2[%add3A_172, %dma_start3A_176] : memref<128x32768xf32, #tpu.memory_space<hbm>> -> memref<1x32768xf32, #tpu.memory_space<hbm>>
    %dma_start3A_178 = tpu.memref_squeeze %dma_start3A_177 : memref<1x32768xf32, #tpu.memory_space<hbm>> -> memref<32768xf32, #tpu.memory_space<hbm>>
    tpu.enqueue_dma source(%dma_start3A_178 : memref<32768xf32, #tpu.memory_space<hbm>>) target(%arg4 : memref<32768xf32, #tpu.memory_space<vmem>>) target_semaphore(%arg10 : memref<!tpu.dma_semaphore, #tpu.memory_space<semaphore_mem>>)
    %dma_wait3A_179 = arith.constant 0 : i32
    %dma_wait3A_180 = tpu.memref_slice %arg2[%add3A_11, %dma_wait3A_179] : memref<128x32768xf32, #tpu.memory_space<hbm>> -> memref<1x32768xf32, #tpu.memory_space<hbm>>
    %dma_wait3A_181 = tpu.memref_squeeze %dma_wait3A_180 : memref<1x32768xf32, #tpu.memory_space<hbm>> -> memref<32768xf32, #tpu.memory_space<hbm>>
    %dma_wait3A_182 = arith.constant 0 : i32
    %dma_wait3A_183 = tpu.memref_slice %arg2[%add3A_11, %dma_wait3A_182] : memref<128x32768xf32, #tpu.memory_space<hbm>> -> memref<1x32768xf32, #tpu.memory_space<hbm>>
    %dma_wait3A_184 = tpu.memref_squeeze %dma_wait3A_183 : memref<1x32768xf32, #tpu.memory_space<hbm>> -> memref<32768xf32, #tpu.memory_space<hbm>>
    tpu.wait_dma2 semaphore(%arg11 : memref<!tpu.dma_semaphore, #tpu.memory_space<semaphore_mem>>) src(%dma_wait3A_184 : memref<32768xf32, #tpu.memory_space<hbm>>) dst(%arg5 : memref<32768xf32, #tpu.memory_space<vmem>>)
    %broadcast_in_dim3A_185 = arith.constant 0xFF800000 : f32
    %broadcast_in_dim3A_186 = vector.broadcast %broadcast_in_dim3A_185 : f32 to vector<16xf32>
    %iota3A_187 = tpu.iota {dimensions = array<i32: 0>} : vector<16xi32>
    %scan3A_188 = arith.constant 0 : i32
    %scan3A_189 = arith.constant 128 : i32
    %scan3A_190 = arith.addi %scan3A_188, %scan3A_189 : i32
    %scan3A_191 = arith.constant 1 : i32
    %scan3A_192:2 = scf.for %scan3A_701 = %scan3A_188 to %scan3A_190 step %scan3A_191 iter_args(%scan3A_702 = %broadcast_in_dim3A_186, %scan3A_703 = %broadcast_in_dim3A_186) -> (vector<16xf32>, vector<16xf32>)  : i32 {
      %mul3A_704 = arith.constant 256 : i32
      %mul3A_705 = arith.muli %scan3A_701, %mul3A_704 : i32
      %get3A = arith.index_cast %mul3A_705 : i32 to index
      %get3A_706 = tpu.vector_load %arg5[%get3A] {strides = array<i32>} : memref<32768xf32, #tpu.memory_space<vmem>>, vector<16xf32>,
      %add3A_707 = arith.constant 16 : i32
      %add3A_708 = arith.addi %mul3A_705, %add3A_707 : i32
      %get3A_709 = arith.index_cast %add3A_708 : i32 to index
      %get3A_710 = tpu.vector_load %arg5[%get3A_709] {strides = array<i32>} : memref<32768xf32, #tpu.memory_space<vmem>>, vector<16xf32>,
      %add3A_711 = arith.constant 32 : i32
      %add3A_712 = arith.addi %mul3A_705, %add3A_711 : i32
      %get3A_713 = arith.index_cast %add3A_712 : i32 to index
      %get3A_714 = tpu.vector_load %arg5[%get3A_713] {strides = array<i32>} : memref<32768xf32, #tpu.memory_space<vmem>>, vector<16xf32>,
      %add3A_715 = arith.constant 48 : i32
      %add3A_716 = arith.addi %mul3A_705, %add3A_715 : i32
      %get3A_717 = arith.index_cast %add3A_716 : i32 to index
      %get3A_718 = tpu.vector_load %arg5[%get3A_717] {strides = array<i32>} : memref<32768xf32, #tpu.memory_space<vmem>>, vector<16xf32>,
      %add3A_719 = arith.constant 64 : i32
      %add3A_720 = arith.addi %mul3A_705, %add3A_719 : i32
      %get3A_721 = arith.index_cast %add3A_720 : i32 to index
      %get3A_722 = tpu.vector_load %arg5[%get3A_721] {strides = array<i32>} : memref<32768xf32, #tpu.memory_space<vmem>>, vector<16xf32>,
      %max3A_723 = arith.maximumf %get3A_706, %get3A_722 : vector<16xf32>
      %add3A_724 = arith.constant 80 : i32
      %add3A_725 = arith.addi %mul3A_705, %add3A_724 : i32
      %get3A_726 = arith.index_cast %add3A_725 : i32 to index
      %get3A_727 = tpu.vector_load %arg5[%get3A_726] {strides = array<i32>} : memref<32768xf32, #tpu.memory_space<vmem>>, vector<16xf32>,
      %max3A_728 = arith.maximumf %get3A_710, %get3A_727 : vector<16xf32>
      %add3A_729 = arith.constant 96 : i32
      %add3A_730 = arith.addi %mul3A_705, %add3A_729 : i32
      %get3A_731 = arith.index_cast %add3A_730 : i32 to index
      %get3A_732 = tpu.vector_load %arg5[%get3A_731] {strides = array<i32>} : memref<32768xf32, #tpu.memory_space<vmem>>, vector<16xf32>,
      %max3A_733 = arith.maximumf %get3A_714, %get3A_732 : vector<16xf32>
      %add3A_734 = arith.constant 112 : i32
      %add3A_735 = arith.addi %mul3A_705, %add3A_734 : i32
      %get3A_736 = arith.index_cast %add3A_735 : i32 to index
      %get3A_737 = tpu.vector_load %arg5[%get3A_736] {strides = array<i32>} : memref<32768xf32, #tpu.memory_space<vmem>>, vector<16xf32>,
      %max3A_738 = arith.maximumf %get3A_718, %get3A_737 : vector<16xf32>
      %add3A_739 = arith.constant 128 : i32
      %add3A_740 = arith.addi %mul3A_705, %add3A_739 : i32
      %get3A_741 = arith.index_cast %add3A_740 : i32 to index
      %get3A_742 = tpu.vector_load %arg5[%get3A_741] {strides = array<i32>} : memref<32768xf32, #tpu.memory_space<vmem>>, vector<16xf32>,
      %max3A_743 = arith.maximumf %max3A_723, %get3A_742 : vector<16xf32>
      %add3A_744 = arith.constant 144 : i32
      %add3A_745 = arith.addi %mul3A_705, %add3A_744 : i32
      %get3A_746 = arith.index_cast %add3A_745 : i32 to index
      %get3A_747 = tpu.vector_load %arg5[%get3A_746] {strides = array<i32>} : memref<32768xf32, #tpu.memory_space<vmem>>, vector<16xf32>,
      %max3A_748 = arith.maximumf %max3A_728, %get3A_747 : vector<16xf32>
      %add3A_749 = arith.constant 160 : i32
      %add3A_750 = arith.addi %mul3A_705, %add3A_749 : i32
      %get3A_751 = arith.index_cast %add3A_750 : i32 to index
      %get3A_752 = tpu.vector_load %arg5[%get3A_751] {strides = array<i32>} : memref<32768xf32, #tpu.memory_space<vmem>>, vector<16xf32>,
      %max3A_753 = arith.maximumf %max3A_733, %get3A_752 : vector<16xf32>
      %add3A_754 = arith.constant 176 : i32
      %add3A_755 = arith.addi %mul3A_705, %add3A_754 : i32
      %get3A_756 = arith.index_cast %add3A_755 : i32 to index
      %get3A_757 = tpu.vector_load %arg5[%get3A_756] {strides = array<i32>} : memref<32768xf32, #tpu.memory_space<vmem>>, vector<16xf32>,
      %max3A_758 = arith.maximumf %max3A_738, %get3A_757 : vector<16xf32>
      %add3A_759 = arith.constant 192 : i32
      %add3A_760 = arith.addi %mul3A_705, %add3A_759 : i32
      %get3A_761 = arith.index_cast %add3A_760 : i32 to index
      %get3A_762 = tpu.vector_load %arg5[%get3A_761] {strides = array<i32>} : memref<32768xf32, #tpu.memory_space<vmem>>, vector<16xf32>,
      %max3A_763 = arith.maximumf %max3A_743, %get3A_762 : vector<16xf32>
      %add3A_764 = arith.constant 208 : i32
      %add3A_765 = arith.addi %mul3A_705, %add3A_764 : i32
      %get3A_766 = arith.index_cast %add3A_765 : i32 to index
      %get3A_767 = tpu.vector_load %arg5[%get3A_766] {strides = array<i32>} : memref<32768xf32, #tpu.memory_space<vmem>>, vector<16xf32>,
      %max3A_768 = arith.maximumf %max3A_748, %get3A_767 : vector<16xf32>
      %add3A_769 = arith.constant 224 : i32
      %add3A_770 = arith.addi %mul3A_705, %add3A_769 : i32
      %get3A_771 = arith.index_cast %add3A_770 : i32 to index
      %get3A_772 = tpu.vector_load %arg5[%get3A_771] {strides = array<i32>} : memref<32768xf32, #tpu.memory_space<vmem>>, vector<16xf32>,
      %max3A_773 = arith.maximumf %max3A_753, %get3A_772 : vector<16xf32>
      %add3A_774 = arith.constant 240 : i32
      %add3A_775 = arith.addi %mul3A_705, %add3A_774 : i32
      %get3A_776 = arith.index_cast %add3A_775 : i32 to index
      %get3A_777 = tpu.vector_load %arg5[%get3A_776] {strides = array<i32>} : memref<32768xf32, #tpu.memory_space<vmem>>, vector<16xf32>,
      %max3A_778 = arith.maximumf %max3A_758, %get3A_777 : vector<16xf32>
      %max3A_779 = arith.maximumf %max3A_763, %max3A_768 : vector<16xf32>
      %max3A_780 = arith.maximumf %max3A_773, %max3A_778 : vector<16xf32>
      %max3A_781 = arith.maximumf %max3A_779, %max3A_780 : vector<16xf32>
      %mul3A_782 = arith.constant 16 : i32
      %mul3A_783 = arith.muli %scan3A_701, %mul3A_782 : i32
      %swap3A_784 = arith.index_cast %mul3A_783 : i32 to index
      %swap3A_785 = tpu.vector_load %arg6[%swap3A_784] {strides = array<i32>} : memref<2048xf32, #tpu.memory_space<vmem>>, vector<16xf32>,
      tpu.vector_store %arg6[%swap3A_784], %max3A_781 {strides = array<i32>} : memref<2048xf32, #tpu.memory_space<vmem>>, vector<16xf32>,
      %min3A = arith.minimumf %scan3A_702, %max3A_781 : vector<16xf32>
      %max3A_786 = arith.maximumf %scan3A_702, %max3A_781 : vector<16xf32>
      %max3A_787 = arith.maximumf %scan3A_703, %min3A : vector<16xf32>
      scf.yield %max3A_786, %max3A_787 : vector<16xf32>, vector<16xf32>
    }
    %scan3A_193 = arith.constant 128 : i32
    %neg3A_194 = arith.constant 0.000000e+00 : f32
    %neg3A_195 = vector.broadcast %neg3A_194 : f32 to vector<16xf32>
    %neg3A_196 = arith.subf %neg3A_195, %scan3A_192#1 : vector<16xf32>
    %iota3A_197 = tpu.iota {dimensions = array<i32: 0>} : vector<16xi32>
    %xor3A_198 = arith.constant 8 : i32
    %xor3A_199 = vector.broadcast %xor3A_198 : i32 to vector<16xi32>
    %xor3A_200 = arith.xori %iota3A_197, %xor3A_199 : vector<16xi32>
    %lt3A_201 = arith.constant 0 : i32
    %lt3A_202 = vector.broadcast %lt3A_201 : i32 to vector<16xi32>
    %lt3A_203 = arith.cmpi slt, %xor3A_200, %lt3A_202 : vector<16xi32>
    %add3A_204 = arith.constant 16 : i32
    %add3A_205 = vector.broadcast %add3A_204 : i32 to vector<16xi32>
    %add3A_206 = arith.addi %xor3A_200, %add3A_205 : vector<16xi32>
    %select_n3A_207 = arith.select %lt3A_203, %add3A_206, %xor3A_200 : vector<16xi1>, vector<16xi32>
    %broadcast_in_dim3A_208 = vector.shape_cast %select_n3A_207 : vector<16xi32> to vector<16x1xi32>
    %gather3A_209 = vector.shape_cast %broadcast_in_dim3A_208 : vector<16x1xi32> to vector<16xi32>
    %gather3A_210 = tpu.dynamic_gather %neg3A_196[%gather3A_209] in [0] : vector<16xf32>, vector<16xi32> -> vector<16xf32>
    %max3A_211 = arith.maximumf %neg3A_196, %gather3A_210 : vector<16xf32>
    %xor3A_212 = arith.constant 4 : i32
    %xor3A_213 = vector.broadcast %xor3A_212 : i32 to vector<16xi32>
    %xor3A_214 = arith.xori %iota3A_197, %xor3A_213 : vector<16xi32>
    %lt3A_215 = arith.constant 0 : i32
    %lt3A_216 = vector.broadcast %lt3A_215 : i32 to vector<16xi32>
    %lt3A_217 = arith.cmpi slt, %xor3A_214, %lt3A_216 : vector<16xi32>
    %add3A_218 = arith.constant 16 : i32
    %add3A_219 = vector.broadcast %add3A_218 : i32 to vector<16xi32>
    %add3A_220 = arith.addi %xor3A_214, %add3A_219 : vector<16xi32>
    %select_n3A_221 = arith.select %lt3A_217, %add3A_220, %xor3A_214 : vector<16xi1>, vector<16xi32>
    %broadcast_in_dim3A_222 = vector.shape_cast %select_n3A_221 : vector<16xi32> to vector<16x1xi32>
    %gather3A_223 = vector.shape_cast %broadcast_in_dim3A_222 : vector<16x1xi32> to vector<16xi32>
    %gather3A_224 = tpu.dynamic_gather %max3A_211[%gather3A_223] in [0] : vector<16xf32>, vector<16xi32> -> vector<16xf32>
    %max3A_225 = arith.maximumf %max3A_211, %gather3A_224 : vector<16xf32>
    %xor3A_226 = arith.constant 2 : i32
    %xor3A_227 = vector.broadcast %xor3A_226 : i32 to vector<16xi32>
    %xor3A_228 = arith.xori %iota3A_197, %xor3A_227 : vector<16xi32>
    %lt3A_229 = arith.constant 0 : i32
    %lt3A_230 = vector.broadcast %lt3A_229 : i32 to vector<16xi32>
    %lt3A_231 = arith.cmpi slt, %xor3A_228, %lt3A_230 : vector<16xi32>
    %add3A_232 = arith.constant 16 : i32
    %add3A_233 = vector.broadcast %add3A_232 : i32 to vector<16xi32>
    %add3A_234 = arith.addi %xor3A_228, %add3A_233 : vector<16xi32>
    %select_n3A_235 = arith.select %lt3A_231, %add3A_234, %xor3A_228 : vector<16xi1>, vector<16xi32>
    %broadcast_in_dim3A_236 = vector.shape_cast %select_n3A_235 : vector<16xi32> to vector<16x1xi32>
    %gather3A_237 = vector.shape_cast %broadcast_in_dim3A_236 : vector<16x1xi32> to vector<16xi32>
    %gather3A_238 = tpu.dynamic_gather %max3A_225[%gather3A_237] in [0] : vector<16xf32>, vector<16xi32> -> vector<16xf32>
    %max3A_239 = arith.maximumf %max3A_225, %gather3A_238 : vector<16xf32>
    %xor3A_240 = arith.constant 1 : i32
    %xor3A_241 = vector.broadcast %xor3A_240 : i32 to vector<16xi32>
    %xor3A_242 = arith.xori %iota3A_197, %xor3A_241 : vector<16xi32>
    %lt3A_243 = arith.constant 0 : i32
    %lt3A_244 = vector.broadcast %lt3A_243 : i32 to vector<16xi32>
    %lt3A_245 = arith.cmpi slt, %xor3A_242, %lt3A_244 : vector<16xi32>
    %add3A_246 = arith.constant 16 : i32
    %add3A_247 = vector.broadcast %add3A_246 : i32 to vector<16xi32>
    %add3A_248 = arith.addi %xor3A_242, %add3A_247 : vector<16xi32>
    %select_n3A_249 = arith.select %lt3A_245, %add3A_248, %xor3A_242 : vector<16xi1>, vector<16xi32>
    %broadcast_in_dim3A_250 = vector.shape_cast %select_n3A_249 : vector<16xi32> to vector<16x1xi32>
    %gather3A_251 = vector.shape_cast %broadcast_in_dim3A_250 : vector<16x1xi32> to vector<16xi32>
    %gather3A_252 = tpu.dynamic_gather %max3A_239[%gather3A_251] in [0] : vector<16xf32>, vector<16xi32> -> vector<16xf32>
    %max3A_253 = arith.maximumf %max3A_239, %gather3A_252 : vector<16xf32>
    %neg3A_254 = arith.constant 0.000000e+00 : f32
    %neg3A_255 = vector.broadcast %neg3A_254 : f32 to vector<16xf32>
    %neg3A_256 = arith.subf %neg3A_255, %max3A_253 : vector<16xf32>
    %scan3A_257 = arith.constant 0 : i32
    %scan3A_258 = arith.constant 0 : i32
    %scan3A_259 = arith.constant 16 : i32
    %scan3A_260 = arith.addi %scan3A_258, %scan3A_259 : i32
    %scan3A_261 = arith.constant 1 : i32
    %scan3A_262 = scf.for %scan3A_701 = %scan3A_258 to %scan3A_260 step %scan3A_261 iter_args(%scan3A_702 = %scan3A_257) -> (i32)  : i32 {
      %mul3A_703 = arith.constant 8 : i32
      %mul3A_704 = arith.muli %scan3A_701, %mul3A_703 : i32
      %add3A_705 = arith.constant 0 : i32
      %add3A_706 = arith.addi %mul3A_704, %add3A_705 : i32
      %mul3A_707 = arith.constant 16 : i32
      %mul3A_708 = arith.muli %add3A_706, %mul3A_707 : i32
      %get3A = arith.index_cast %mul3A_708 : i32 to index
      %get3A_709 = tpu.vector_load %arg6[%get3A] {strides = array<i32>} : memref<2048xf32, #tpu.memory_space<vmem>>, vector<16xf32>,
      %mul3A_710 = arith.constant 8 : i32
      %mul3A_711 = arith.muli %scan3A_701, %mul3A_710 : i32
      %add3A_712 = arith.constant 1 : i32
      %add3A_713 = arith.addi %mul3A_711, %add3A_712 : i32
      %mul3A_714 = arith.constant 16 : i32
      %mul3A_715 = arith.muli %add3A_713, %mul3A_714 : i32
      %get3A_716 = arith.index_cast %mul3A_715 : i32 to index
      %get3A_717 = tpu.vector_load %arg6[%get3A_716] {strides = array<i32>} : memref<2048xf32, #tpu.memory_space<vmem>>, vector<16xf32>,
      %mul3A_718 = arith.constant 8 : i32
      %mul3A_719 = arith.muli %scan3A_701, %mul3A_718 : i32
      %add3A_720 = arith.constant 2 : i32
      %add3A_721 = arith.addi %mul3A_719, %add3A_720 : i32
      %mul3A_722 = arith.constant 16 : i32
      %mul3A_723 = arith.muli %add3A_721, %mul3A_722 : i32
      %get3A_724 = arith.index_cast %mul3A_723 : i32 to index
      %get3A_725 = tpu.vector_load %arg6[%get3A_724] {strides = array<i32>} : memref<2048xf32, #tpu.memory_space<vmem>>, vector<16xf32>,
      %mul3A_726 = arith.constant 8 : i32
      %mul3A_727 = arith.muli %scan3A_701, %mul3A_726 : i32
      %add3A_728 = arith.constant 3 : i32
      %add3A_729 = arith.addi %mul3A_727, %add3A_728 : i32
      %mul3A_730 = arith.constant 16 : i32
      %mul3A_731 = arith.muli %add3A_729, %mul3A_730 : i32
      %get3A_732 = arith.index_cast %mul3A_731 : i32 to index
      %get3A_733 = tpu.vector_load %arg6[%get3A_732] {strides = array<i32>} : memref<2048xf32, #tpu.memory_space<vmem>>, vector<16xf32>,
      %mul3A_734 = arith.constant 8 : i32
      %mul3A_735 = arith.muli %scan3A_701, %mul3A_734 : i32
      %add3A_736 = arith.constant 4 : i32
      %add3A_737 = arith.addi %mul3A_735, %add3A_736 : i32
      %mul3A_738 = arith.constant 16 : i32
      %mul3A_739 = arith.muli %add3A_737, %mul3A_738 : i32
      %get3A_740 = arith.index_cast %mul3A_739 : i32 to index
      %get3A_741 = tpu.vector_load %arg6[%get3A_740] {strides = array<i32>} : memref<2048xf32, #tpu.memory_space<vmem>>, vector<16xf32>,
      %mul3A_742 = arith.constant 8 : i32
      %mul3A_743 = arith.muli %scan3A_701, %mul3A_742 : i32
      %add3A_744 = arith.constant 5 : i32
      %add3A_745 = arith.addi %mul3A_743, %add3A_744 : i32
      %mul3A_746 = arith.constant 16 : i32
      %mul3A_747 = arith.muli %add3A_745, %mul3A_746 : i32
      %get3A_748 = arith.index_cast %mul3A_747 : i32 to index
      %get3A_749 = tpu.vector_load %arg6[%get3A_748] {strides = array<i32>} : memref<2048xf32, #tpu.memory_space<vmem>>, vector<16xf32>,
      %mul3A_750 = arith.constant 8 : i32
      %mul3A_751 = arith.muli %scan3A_701, %mul3A_750 : i32
      %add3A_752 = arith.constant 6 : i32
      %add3A_753 = arith.addi %mul3A_751, %add3A_752 : i32
      %mul3A_754 = arith.constant 16 : i32
      %mul3A_755 = arith.muli %add3A_753, %mul3A_754 : i32
      %get3A_756 = arith.index_cast %mul3A_755 : i32 to index
      %get3A_757 = tpu.vector_load %arg6[%get3A_756] {strides = array<i32>} : memref<2048xf32, #tpu.memory_space<vmem>>, vector<16xf32>,
      %mul3A_758 = arith.constant 8 : i32
      %mul3A_759 = arith.muli %scan3A_701, %mul3A_758 : i32
      %add3A_760 = arith.constant 7 : i32
      %add3A_761 = arith.addi %mul3A_759, %add3A_760 : i32
      %mul3A_762 = arith.constant 16 : i32
      %mul3A_763 = arith.muli %add3A_761, %mul3A_762 : i32
      %get3A_764 = arith.index_cast %mul3A_763 : i32 to index
      %get3A_765 = tpu.vector_load %arg6[%get3A_764] {strides = array<i32>} : memref<2048xf32, #tpu.memory_space<vmem>>, vector<16xf32>,
      %ge3A = arith.cmpf oge, %get3A_709, %neg3A_256 : vector<16xf32>
      %ge3A_766 = arith.cmpf oge, %get3A_717, %neg3A_256 : vector<16xf32>
      %ge3A_767 = arith.cmpf oge, %get3A_725, %neg3A_256 : vector<16xf32>
      %ge3A_768 = arith.cmpf oge, %get3A_733, %neg3A_256 : vector<16xf32>
      %ge3A_769 = arith.cmpf oge, %get3A_741, %neg3A_256 : vector<16xf32>
      %ge3A_770 = arith.cmpf oge, %get3A_749, %neg3A_256 : vector<16xf32>
      %ge3A_771 = arith.cmpf oge, %get3A_757, %neg3A_256 : vector<16xf32>
      %ge3A_772 = arith.cmpf oge, %get3A_765, %neg3A_256 : vector<16xf32>
      %all_reduce_population_count3A = tpu.all_reduce %ge3A {dim = 0 : i64, kind = #tpu.reduction_kind<sum>} : vector<16xi1> -> vector<16xi32>
      %slice3A = vector.extract_strided_slice %all_reduce_population_count3A {offsets = [0], sizes = [1], strides = [1]} : vector<16xi32> to vector<1xi32>
      %squeeze3A = vector.extract %slice3A[0] : i32 from vector<1xi32>
      %all_reduce_population_count3A_773 = tpu.all_reduce %ge3A_766 {dim = 0 : i64, kind = #tpu.reduction_kind<sum>} : vector<16xi1> -> vector<16xi32>
      %slice3A_774 = vector.extract_strided_slice %all_reduce_population_count3A_773 {offsets = [0], sizes = [1], strides = [1]} : vector<16xi32> to vector<1xi32>
      %squeeze3A_775 = vector.extract %slice3A_774[0] : i32 from vector<1xi32>
      %all_reduce_population_count3A_776 = tpu.all_reduce %ge3A_767 {dim = 0 : i64, kind = #tpu.reduction_kind<sum>} : vector<16xi1> -> vector<16xi32>
      %slice3A_777 = vector.extract_strided_slice %all_reduce_population_count3A_776 {offsets = [0], sizes = [1], strides = [1]} : vector<16xi32> to vector<1xi32>
      %squeeze3A_778 = vector.extract %slice3A_777[0] : i32 from vector<1xi32>
      %all_reduce_population_count3A_779 = tpu.all_reduce %ge3A_768 {dim = 0 : i64, kind = #tpu.reduction_kind<sum>} : vector<16xi1> -> vector<16xi32>
      %slice3A_780 = vector.extract_strided_slice %all_reduce_population_count3A_779 {offsets = [0], sizes = [1], strides = [1]} : vector<16xi32> to vector<1xi32>
      %squeeze3A_781 = vector.extract %slice3A_780[0] : i32 from vector<1xi32>
      %all_reduce_population_count3A_782 = tpu.all_reduce %ge3A_769 {dim = 0 : i64, kind = #tpu.reduction_kind<sum>} : vector<16xi1> -> vector<16xi32>
      %slice3A_783 = vector.extract_strided_slice %all_reduce_population_count3A_782 {offsets = [0], sizes = [1], strides = [1]} : vector<16xi32> to vector<1xi32>
      %squeeze3A_784 = vector.extract %slice3A_783[0] : i32 from vector<1xi32>
      %all_reduce_population_count3A_785 = tpu.all_reduce %ge3A_770 {dim = 0 : i64, kind = #tpu.reduction_kind<sum>} : vector<16xi1> -> vector<16xi32>
      %slice3A_786 = vector.extract_strided_slice %all_reduce_population_count3A_785 {offsets = [0], sizes = [1], strides = [1]} : vector<16xi32> to vector<1xi32>
      %squeeze3A_787 = vector.extract %slice3A_786[0] : i32 from vector<1xi32>
      %all_reduce_population_count3A_788 = tpu.all_reduce %ge3A_771 {dim = 0 : i64, kind = #tpu.reduction_kind<sum>} : vector<16xi1> -> vector<16xi32>
      %slice3A_789 = vector.extract_strided_slice %all_reduce_population_count3A_788 {offsets = [0], sizes = [1], strides = [1]} : vector<16xi32> to vector<1xi32>
      %squeeze3A_790 = vector.extract %slice3A_789[0] : i32 from vector<1xi32>
      %all_reduce_population_count3A_791 = tpu.all_reduce %ge3A_772 {dim = 0 : i64, kind = #tpu.reduction_kind<sum>} : vector<16xi1> -> vector<16xi32>
      %slice3A_792 = vector.extract_strided_slice %all_reduce_population_count3A_791 {offsets = [0], sizes = [1], strides = [1]} : vector<16xi32> to vector<1xi32>
      %squeeze3A_793 = vector.extract %slice3A_792[0] : i32 from vector<1xi32>
      %mul3A_794 = arith.constant 8 : i32
      %mul3A_795 = arith.muli %scan3A_701, %mul3A_794 : i32
      %add3A_796 = arith.constant 0 : i32
      %add3A_797 = arith.addi %mul3A_795, %add3A_796 : i32
      %mul3A_798 = arith.constant 16 : i32
      %mul3A_799 = arith.muli %add3A_797, %mul3A_798 : i32
      %add3A_800 = vector.broadcast %mul3A_799 : i32 to vector<16xi32>
      %add3A_801 = arith.addi %add3A_800, %iota3A_187 : vector<16xi32>
      %swap3A_802 = arith.index_cast %scan3A_702 : i32 to index
      %swap3A_803 = tpu.vector_load %arg7[%swap3A_802] masked %ge3A {strides = array<i32>} : memref<2064xi32, #tpu.memory_space<vmem>>, vector<16xi32>, vector<16xi1>
      tpu.vector_store %arg7[%swap3A_802], %add3A_801 masked %ge3A {strides = array<i32>} : memref<2064xi32, #tpu.memory_space<vmem>>, vector<16xi32>, vector<16xi1>
      %add3A_804 = arith.addi %scan3A_702, %squeeze3A : i32
      %mul3A_805 = arith.constant 8 : i32
      %mul3A_806 = arith.muli %scan3A_701, %mul3A_805 : i32
      %add3A_807 = arith.constant 1 : i32
      %add3A_808 = arith.addi %mul3A_806, %add3A_807 : i32
      %mul3A_809 = arith.constant 16 : i32
      %mul3A_810 = arith.muli %add3A_808, %mul3A_809 : i32
      %add3A_811 = vector.broadcast %mul3A_810 : i32 to vector<16xi32>
      %add3A_812 = arith.addi %add3A_811, %iota3A_187 : vector<16xi32>
      %swap3A_813 = arith.index_cast %add3A_804 : i32 to index
      %swap3A_814 = tpu.vector_load %arg7[%swap3A_813] masked %ge3A_766 {strides = array<i32>} : memref<2064xi32, #tpu.memory_space<vmem>>, vector<16xi32>, vector<16xi1>
      tpu.vector_store %arg7[%swap3A_813], %add3A_812 masked %ge3A_766 {strides = array<i32>} : memref<2064xi32, #tpu.memory_space<vmem>>, vector<16xi32>, vector<16xi1>
      %add3A_815 = arith.addi %add3A_804, %squeeze3A_775 : i32
      %mul3A_816 = arith.constant 8 : i32
      %mul3A_817 = arith.muli %scan3A_701, %mul3A_816 : i32
      %add3A_818 = arith.constant 2 : i32
      %add3A_819 = arith.addi %mul3A_817, %add3A_818 : i32
      %mul3A_820 = arith.constant 16 : i32
      %mul3A_821 = arith.muli %add3A_819, %mul3A_820 : i32
      %add3A_822 = vector.broadcast %mul3A_821 : i32 to vector<16xi32>
      %add3A_823 = arith.addi %add3A_822, %iota3A_187 : vector<16xi32>
      %swap3A_824 = arith.index_cast %add3A_815 : i32 to index
      %swap3A_825 = tpu.vector_load %arg7[%swap3A_824] masked %ge3A_767 {strides = array<i32>} : memref<2064xi32, #tpu.memory_space<vmem>>, vector<16xi32>, vector<16xi1>
      tpu.vector_store %arg7[%swap3A_824], %add3A_823 masked %ge3A_767 {strides = array<i32>} : memref<2064xi32, #tpu.memory_space<vmem>>, vector<16xi32>, vector<16xi1>
      %add3A_826 = arith.addi %add3A_815, %squeeze3A_778 : i32
      %mul3A_827 = arith.constant 8 : i32
      %mul3A_828 = arith.muli %scan3A_701, %mul3A_827 : i32
      %add3A_829 = arith.constant 3 : i32
      %add3A_830 = arith.addi %mul3A_828, %add3A_829 : i32
      %mul3A_831 = arith.constant 16 : i32
      %mul3A_832 = arith.muli %add3A_830, %mul3A_831 : i32
      %add3A_833 = vector.broadcast %mul3A_832 : i32 to vector<16xi32>
      %add3A_834 = arith.addi %add3A_833, %iota3A_187 : vector<16xi32>
      %swap3A_835 = arith.index_cast %add3A_826 : i32 to index
      %swap3A_836 = tpu.vector_load %arg7[%swap3A_835] masked %ge3A_768 {strides = array<i32>} : memref<2064xi32, #tpu.memory_space<vmem>>, vector<16xi32>, vector<16xi1>
      tpu.vector_store %arg7[%swap3A_835], %add3A_834 masked %ge3A_768 {strides = array<i32>} : memref<2064xi32, #tpu.memory_space<vmem>>, vector<16xi32>, vector<16xi1>
      %add3A_837 = arith.addi %add3A_826, %squeeze3A_781 : i32
      %mul3A_838 = arith.constant 8 : i32
      %mul3A_839 = arith.muli %scan3A_701, %mul3A_838 : i32
      %add3A_840 = arith.constant 4 : i32
      %add3A_841 = arith.addi %mul3A_839, %add3A_840 : i32
      %mul3A_842 = arith.constant 16 : i32
      %mul3A_843 = arith.muli %add3A_841, %mul3A_842 : i32
      %add3A_844 = vector.broadcast %mul3A_843 : i32 to vector<16xi32>
      %add3A_845 = arith.addi %add3A_844, %iota3A_187 : vector<16xi32>
      %swap3A_846 = arith.index_cast %add3A_837 : i32 to index
      %swap3A_847 = tpu.vector_load %arg7[%swap3A_846] masked %ge3A_769 {strides = array<i32>} : memref<2064xi32, #tpu.memory_space<vmem>>, vector<16xi32>, vector<16xi1>
      tpu.vector_store %arg7[%swap3A_846], %add3A_845 masked %ge3A_769 {strides = array<i32>} : memref<2064xi32, #tpu.memory_space<vmem>>, vector<16xi32>, vector<16xi1>
      %add3A_848 = arith.addi %add3A_837, %squeeze3A_784 : i32
      %mul3A_849 = arith.constant 8 : i32
      %mul3A_850 = arith.muli %scan3A_701, %mul3A_849 : i32
      %add3A_851 = arith.constant 5 : i32
      %add3A_852 = arith.addi %mul3A_850, %add3A_851 : i32
      %mul3A_853 = arith.constant 16 : i32
      %mul3A_854 = arith.muli %add3A_852, %mul3A_853 : i32
      %add3A_855 = vector.broadcast %mul3A_854 : i32 to vector<16xi32>
      %add3A_856 = arith.addi %add3A_855, %iota3A_187 : vector<16xi32>
      %swap3A_857 = arith.index_cast %add3A_848 : i32 to index
      %swap3A_858 = tpu.vector_load %arg7[%swap3A_857] masked %ge3A_770 {strides = array<i32>} : memref<2064xi32, #tpu.memory_space<vmem>>, vector<16xi32>, vector<16xi1>
      tpu.vector_store %arg7[%swap3A_857], %add3A_856 masked %ge3A_770 {strides = array<i32>} : memref<2064xi32, #tpu.memory_space<vmem>>, vector<16xi32>, vector<16xi1>
      %add3A_859 = arith.addi %add3A_848, %squeeze3A_787 : i32
      %mul3A_860 = arith.constant 8 : i32
      %mul3A_861 = arith.muli %scan3A_701, %mul3A_860 : i32
      %add3A_862 = arith.constant 6 : i32
      %add3A_863 = arith.addi %mul3A_861, %add3A_862 : i32
      %mul3A_864 = arith.constant 16 : i32
      %mul3A_865 = arith.muli %add3A_863, %mul3A_864 : i32
      %add3A_866 = vector.broadcast %mul3A_865 : i32 to vector<16xi32>
      %add3A_867 = arith.addi %add3A_866, %iota3A_187 : vector<16xi32>
      %swap3A_868 = arith.index_cast %add3A_859 : i32 to index
      %swap3A_869 = tpu.vector_load %arg7[%swap3A_868] masked %ge3A_771 {strides = array<i32>} : memref<2064xi32, #tpu.memory_space<vmem>>, vector<16xi32>, vector<16xi1>
      tpu.vector_store %arg7[%swap3A_868], %add3A_867 masked %ge3A_771 {strides = array<i32>} : memref<2064xi32, #tpu.memory_space<vmem>>, vector<16xi32>, vector<16xi1>
      %add3A_870 = arith.addi %add3A_859, %squeeze3A_790 : i32
      %mul3A_871 = arith.constant 8 : i32
      %mul3A_872 = arith.muli %scan3A_701, %mul3A_871 : i32
      %add3A_873 = arith.constant 7 : i32
      %add3A_874 = arith.addi %mul3A_872, %add3A_873 : i32
      %mul3A_875 = arith.constant 16 : i32
      %mul3A_876 = arith.muli %add3A_874, %mul3A_875 : i32
      %add3A_877 = vector.broadcast %mul3A_876 : i32 to vector<16xi32>
      %add3A_878 = arith.addi %add3A_877, %iota3A_187 : vector<16xi32>
      %swap3A_879 = arith.index_cast %add3A_870 : i32 to index
      %swap3A_880 = tpu.vector_load %arg7[%swap3A_879] masked %ge3A_772 {strides = array<i32>} : memref<2064xi32, #tpu.memory_space<vmem>>, vector<16xi32>, vector<16xi1>
      tpu.vector_store %arg7[%swap3A_879], %add3A_878 masked %ge3A_772 {strides = array<i32>} : memref<2064xi32, #tpu.memory_space<vmem>>, vector<16xi32>, vector<16xi1>
      %add3A_881 = arith.addi %add3A_870, %squeeze3A_793 : i32
      scf.yield %add3A_881 : i32
    }
    %scan3A_263 = arith.constant 16 : i32
    %broadcast_in_dim3A_264 = arith.constant 0 : i32
    %broadcast_in_dim3A_265 = vector.broadcast %broadcast_in_dim3A_264 : i32 to vector<16xi32>
    %swap3A_266 = arith.index_cast %scan3A_262 : i32 to index
    %swap3A_267 = tpu.vector_load %arg7[%swap3A_266] {strides = array<i32>} : memref<2064xi32, #tpu.memory_space<vmem>>, vector<16xi32>,
    tpu.vector_store %arg7[%swap3A_266], %broadcast_in_dim3A_265 {strides = array<i32>} : memref<2064xi32, #tpu.memory_space<vmem>>, vector<16xi32>,
    %jit3A_268 = arith.constant 16 : i32
    %div3A_269 = arith.divsi %scan3A_262, %jit3A_268 : i32
    %sign3A_270 = arith.constant 0 : i32
    %sign3A_271 = arith.cmpi sgt, %scan3A_262, %sign3A_270 : i32
    %sign3A_272 = arith.extui %sign3A_271 : i1 to i32
    %sign3A_273 = arith.constant 0 : i32
    %sign3A_274 = arith.cmpi slt, %scan3A_262, %sign3A_273 : i32
    %sign3A_275 = arith.extui %sign3A_274 : i1 to i32
    %sign3A_276 = arith.subi %sign3A_272, %sign3A_275 : i32
    %sign3A_277 = arith.constant 0 : i32
    %sign3A_278 = arith.cmpi sgt, %jit3A_268, %sign3A_277 : i32
    %sign3A_279 = arith.extui %sign3A_278 : i1 to i32
    %sign3A_280 = arith.constant 0 : i32
    %sign3A_281 = arith.cmpi slt, %jit3A_268, %sign3A_280 : i32
    %sign3A_282 = arith.extui %sign3A_281 : i1 to i32
    %sign3A_283 = arith.subi %sign3A_279, %sign3A_282 : i32
    %ne3A_284 = arith.cmpi ne, %sign3A_276, %sign3A_283 : i32
    %rem3A_285 = arith.remsi %scan3A_262, %jit3A_268 : i32
    %ne3A_286 = arith.constant 0 : i32
    %ne3A_287 = arith.cmpi ne, %rem3A_285, %ne3A_286 : i32
    %and3A_288 = arith.andi %ne3A_284, %ne3A_287 : i1
    %sub3A_289 = arith.constant 1 : i32
    %sub3A_290 = arith.subi %div3A_269, %sub3A_289 : i32
    %select_n3A_291 = arith.select %and3A_288, %sub3A_290, %div3A_269 : i32
    %add3A_292 = arith.constant 1 : i32
    %add3A_293 = arith.addi %select_n3A_291, %add3A_292 : i32
    %while3A_294 = arith.constant 0 : i32
    %while3A_295 = arith.constant 0 : i32
    %while3A_296 = arith.subi %add3A_293, %while3A_294 : i32
    %while3A_297 = arith.addi %while3A_294, %while3A_296 : i32
    %while3A_298 = arith.constant 1 : i32
    %while3A_299 = arith.divsi %while3A_296, %while3A_298 : i32
    %while3A_300 = arith.muli %while3A_299, %while3A_298 : i32
    %while3A_301 = arith.addi %while3A_294, %while3A_300 : i32
    %while3A_302 = arith.constant 1 : i32
    %while3A_303 = scf.for %while3A_701 = %while3A_294 to %while3A_301 step %while3A_302 iter_args(%while3A_702 = %while3A_295) -> (i32)  : i32 {
      %mul3A_703 = arith.constant 16 : i32
      %mul3A_704 = arith.muli %while3A_701, %mul3A_703 : i32
      %get3A = arith.index_cast %mul3A_704 : i32 to index
      %get3A_705 = tpu.vector_load %arg7[%get3A] {strides = array<i32>} : memref<2064xi32, #tpu.memory_space<vmem>>, vector<16xi32>,
      %mul3A_706 = arith.constant 16 : i32
      %mul3A_707 = arith.muli %while3A_701, %mul3A_706 : i32
      %add3A_708 = vector.broadcast %mul3A_707 : i32 to vector<16xi32>
      %add3A_709 = arith.addi %add3A_708, %iota3A_187 : vector<16xi32>
      %lt3A_710 = vector.broadcast %scan3A_262 : i32 to vector<16xi32>
      %lt3A_711 = arith.cmpi slt, %add3A_709, %lt3A_710 : vector<16xi32>
      %shift_right_logical3A = arith.constant 4 : i32
      %shift_right_logical3A_712 = vector.broadcast %shift_right_logical3A : i32 to vector<16xi32>
      %shift_right_logical3A_713 = arith.shrui %get3A_705, %shift_right_logical3A_712 : vector<16xi32>
      %and3A_714 = arith.constant 15 : i32
      %and3A_715 = vector.broadcast %and3A_714 : i32 to vector<16xi32>
      %and3A_716 = arith.andi %get3A_705, %and3A_715 : vector<16xi32>
      %mul3A_717 = arith.constant 256 : i32
      %mul3A_718 = vector.broadcast %mul3A_717 : i32 to vector<16xi32>
      %mul3A_719 = arith.muli %shift_right_logical3A_713, %mul3A_718 : vector<16xi32>
      %add3A_720 = arith.addi %mul3A_719, %and3A_716 : vector<16xi32>
      %add3A_721 = arith.constant 0 : i32
      %add3A_722 = vector.broadcast %add3A_721 : i32 to vector<16xi32>
      %add3A_723 = arith.addi %add3A_720, %add3A_722 : vector<16xi32>
      %gather3A_724 = tpu.vector_load_idx %arg5[%add3A_723] masked %lt3A_711 : memref<32768xf32, #tpu.memory_space<vmem>>[vector<16xi32>], vector<16xf32>, vector<16xi1>
      %ge3A = arith.cmpf oge, %gather3A_724, %neg3A_256 : vector<16xf32>
      %and3A_725 = arith.andi %ge3A, %lt3A_711 : vector<16xi1>
      %all_reduce_population_count3A = tpu.all_reduce %and3A_725 {dim = 0 : i64, kind = #tpu.reduction_kind<sum>} : vector<16xi1> -> vector<16xi32>
      %slice3A = vector.extract_strided_slice %all_reduce_population_count3A {offsets = [0], sizes = [1], strides = [1]} : vector<16xi32> to vector<1xi32>
      %squeeze3A = vector.extract %slice3A[0] : i32 from vector<1xi32>
      %add3A_726 = arith.constant 16 : i32
      %add3A_727 = vector.broadcast %add3A_726 : i32 to vector<16xi32>
      %add3A_728 = arith.addi %add3A_720, %add3A_727 : vector<16xi32>
      %gather3A_729 = tpu.vector_load_idx %arg5[%add3A_728] masked %lt3A_711 : memref<32768xf32, #tpu.memory_space<vmem>>[vector<16xi32>], vector<16xf32>, vector<16xi1>
      %ge3A_730 = arith.cmpf oge, %gather3A_729, %neg3A_256 : vector<16xf32>
      %and3A_731 = arith.andi %ge3A_730, %lt3A_711 : vector<16xi1>
      %all_reduce_population_count3A_732 = tpu.all_reduce %and3A_731 {dim = 0 : i64, kind = #tpu.reduction_kind<sum>} : vector<16xi1> -> vector<16xi32>
      %slice3A_733 = vector.extract_strided_slice %all_reduce_population_count3A_732 {offsets = [0], sizes = [1], strides = [1]} : vector<16xi32> to vector<1xi32>
      %squeeze3A_734 = vector.extract %slice3A_733[0] : i32 from vector<1xi32>
      %add3A_735 = arith.constant 32 : i32
      %add3A_736 = vector.broadcast %add3A_735 : i32 to vector<16xi32>
      %add3A_737 = arith.addi %add3A_720, %add3A_736 : vector<16xi32>
      %gather3A_738 = tpu.vector_load_idx %arg5[%add3A_737] masked %lt3A_711 : memref<32768xf32, #tpu.memory_space<vmem>>[vector<16xi32>], vector<16xf32>, vector<16xi1>
      %ge3A_739 = arith.cmpf oge, %gather3A_738, %neg3A_256 : vector<16xf32>
      %and3A_740 = arith.andi %ge3A_739, %lt3A_711 : vector<16xi1>
      %all_reduce_population_count3A_741 = tpu.all_reduce %and3A_740 {dim = 0 : i64, kind = #tpu.reduction_kind<sum>} : vector<16xi1> -> vector<16xi32>
      %slice3A_742 = vector.extract_strided_slice %all_reduce_population_count3A_741 {offsets = [0], sizes = [1], strides = [1]} : vector<16xi32> to vector<1xi32>
      %squeeze3A_743 = vector.extract %slice3A_742[0] : i32 from vector<1xi32>
      %add3A_744 = arith.constant 48 : i32
      %add3A_745 = vector.broadcast %add3A_744 : i32 to vector<16xi32>
      %add3A_746 = arith.addi %add3A_720, %add3A_745 : vector<16xi32>
      %gather3A_747 = tpu.vector_load_idx %arg5[%add3A_746] masked %lt3A_711 : memref<32768xf32, #tpu.memory_space<vmem>>[vector<16xi32>], vector<16xf32>, vector<16xi1>
      %ge3A_748 = arith.cmpf oge, %gather3A_747, %neg3A_256 : vector<16xf32>
      %and3A_749 = arith.andi %ge3A_748, %lt3A_711 : vector<16xi1>
      %all_reduce_population_count3A_750 = tpu.all_reduce %and3A_749 {dim = 0 : i64, kind = #tpu.reduction_kind<sum>} : vector<16xi1> -> vector<16xi32>
      %slice3A_751 = vector.extract_strided_slice %all_reduce_population_count3A_750 {offsets = [0], sizes = [1], strides = [1]} : vector<16xi32> to vector<1xi32>
      %squeeze3A_752 = vector.extract %slice3A_751[0] : i32 from vector<1xi32>
      %add3A_753 = arith.constant 64 : i32
      %add3A_754 = vector.broadcast %add3A_753 : i32 to vector<16xi32>
      %add3A_755 = arith.addi %add3A_720, %add3A_754 : vector<16xi32>
      %gather3A_756 = tpu.vector_load_idx %arg5[%add3A_755] masked %lt3A_711 : memref<32768xf32, #tpu.memory_space<vmem>>[vector<16xi32>], vector<16xf32>, vector<16xi1>
      %ge3A_757 = arith.cmpf oge, %gather3A_756, %neg3A_256 : vector<16xf32>
      %and3A_758 = arith.andi %ge3A_757, %lt3A_711 : vector<16xi1>
      %all_reduce_population_count3A_759 = tpu.all_reduce %and3A_758 {dim = 0 : i64, kind = #tpu.reduction_kind<sum>} : vector<16xi1> -> vector<16xi32>
      %slice3A_760 = vector.extract_strided_slice %all_reduce_population_count3A_759 {offsets = [0], sizes = [1], strides = [1]} : vector<16xi32> to vector<1xi32>
      %squeeze3A_761 = vector.extract %slice3A_760[0] : i32 from vector<1xi32>
      %add3A_762 = arith.constant 80 : i32
      %add3A_763 = vector.broadcast %add3A_762 : i32 to vector<16xi32>
      %add3A_764 = arith.addi %add3A_720, %add3A_763 : vector<16xi32>
      %gather3A_765 = tpu.vector_load_idx %arg5[%add3A_764] masked %lt3A_711 : memref<32768xf32, #tpu.memory_space<vmem>>[vector<16xi32>], vector<16xf32>, vector<16xi1>
      %ge3A_766 = arith.cmpf oge, %gather3A_765, %neg3A_256 : vector<16xf32>
      %and3A_767 = arith.andi %ge3A_766, %lt3A_711 : vector<16xi1>
      %all_reduce_population_count3A_768 = tpu.all_reduce %and3A_767 {dim = 0 : i64, kind = #tpu.reduction_kind<sum>} : vector<16xi1> -> vector<16xi32>
      %slice3A_769 = vector.extract_strided_slice %all_reduce_population_count3A_768 {offsets = [0], sizes = [1], strides = [1]} : vector<16xi32> to vector<1xi32>
      %squeeze3A_770 = vector.extract %slice3A_769[0] : i32 from vector<1xi32>
      %add3A_771 = arith.constant 96 : i32
      %add3A_772 = vector.broadcast %add3A_771 : i32 to vector<16xi32>
      %add3A_773 = arith.addi %add3A_720, %add3A_772 : vector<16xi32>
      %gather3A_774 = tpu.vector_load_idx %arg5[%add3A_773] masked %lt3A_711 : memref<32768xf32, #tpu.memory_space<vmem>>[vector<16xi32>], vector<16xf32>, vector<16xi1>
      %ge3A_775 = arith.cmpf oge, %gather3A_774, %neg3A_256 : vector<16xf32>
      %and3A_776 = arith.andi %ge3A_775, %lt3A_711 : vector<16xi1>
      %all_reduce_population_count3A_777 = tpu.all_reduce %and3A_776 {dim = 0 : i64, kind = #tpu.reduction_kind<sum>} : vector<16xi1> -> vector<16xi32>
      %slice3A_778 = vector.extract_strided_slice %all_reduce_population_count3A_777 {offsets = [0], sizes = [1], strides = [1]} : vector<16xi32> to vector<1xi32>
      %squeeze3A_779 = vector.extract %slice3A_778[0] : i32 from vector<1xi32>
      %add3A_780 = arith.constant 112 : i32
      %add3A_781 = vector.broadcast %add3A_780 : i32 to vector<16xi32>
      %add3A_782 = arith.addi %add3A_720, %add3A_781 : vector<16xi32>
      %gather3A_783 = tpu.vector_load_idx %arg5[%add3A_782] masked %lt3A_711 : memref<32768xf32, #tpu.memory_space<vmem>>[vector<16xi32>], vector<16xf32>, vector<16xi1>
      %ge3A_784 = arith.cmpf oge, %gather3A_783, %neg3A_256 : vector<16xf32>
      %and3A_785 = arith.andi %ge3A_784, %lt3A_711 : vector<16xi1>
      %all_reduce_population_count3A_786 = tpu.all_reduce %and3A_785 {dim = 0 : i64, kind = #tpu.reduction_kind<sum>} : vector<16xi1> -> vector<16xi32>
      %slice3A_787 = vector.extract_strided_slice %all_reduce_population_count3A_786 {offsets = [0], sizes = [1], strides = [1]} : vector<16xi32> to vector<1xi32>
      %squeeze3A_788 = vector.extract %slice3A_787[0] : i32 from vector<1xi32>
      %add3A_789 = arith.constant 128 : i32
      %add3A_790 = vector.broadcast %add3A_789 : i32 to vector<16xi32>
      %add3A_791 = arith.addi %add3A_720, %add3A_790 : vector<16xi32>
      %gather3A_792 = tpu.vector_load_idx %arg5[%add3A_791] masked %lt3A_711 : memref<32768xf32, #tpu.memory_space<vmem>>[vector<16xi32>], vector<16xf32>, vector<16xi1>
      %ge3A_793 = arith.cmpf oge, %gather3A_792, %neg3A_256 : vector<16xf32>
      %and3A_794 = arith.andi %ge3A_793, %lt3A_711 : vector<16xi1>
      %all_reduce_population_count3A_795 = tpu.all_reduce %and3A_794 {dim = 0 : i64, kind = #tpu.reduction_kind<sum>} : vector<16xi1> -> vector<16xi32>
      %slice3A_796 = vector.extract_strided_slice %all_reduce_population_count3A_795 {offsets = [0], sizes = [1], strides = [1]} : vector<16xi32> to vector<1xi32>
      %squeeze3A_797 = vector.extract %slice3A_796[0] : i32 from vector<1xi32>
      %add3A_798 = arith.constant 144 : i32
      %add3A_799 = vector.broadcast %add3A_798 : i32 to vector<16xi32>
      %add3A_800 = arith.addi %add3A_720, %add3A_799 : vector<16xi32>
      %gather3A_801 = tpu.vector_load_idx %arg5[%add3A_800] masked %lt3A_711 : memref<32768xf32, #tpu.memory_space<vmem>>[vector<16xi32>], vector<16xf32>, vector<16xi1>
      %ge3A_802 = arith.cmpf oge, %gather3A_801, %neg3A_256 : vector<16xf32>
      %and3A_803 = arith.andi %ge3A_802, %lt3A_711 : vector<16xi1>
      %all_reduce_population_count3A_804 = tpu.all_reduce %and3A_803 {dim = 0 : i64, kind = #tpu.reduction_kind<sum>} : vector<16xi1> -> vector<16xi32>
      %slice3A_805 = vector.extract_strided_slice %all_reduce_population_count3A_804 {offsets = [0], sizes = [1], strides = [1]} : vector<16xi32> to vector<1xi32>
      %squeeze3A_806 = vector.extract %slice3A_805[0] : i32 from vector<1xi32>
      %add3A_807 = arith.constant 160 : i32
      %add3A_808 = vector.broadcast %add3A_807 : i32 to vector<16xi32>
      %add3A_809 = arith.addi %add3A_720, %add3A_808 : vector<16xi32>
      %gather3A_810 = tpu.vector_load_idx %arg5[%add3A_809] masked %lt3A_711 : memref<32768xf32, #tpu.memory_space<vmem>>[vector<16xi32>], vector<16xf32>, vector<16xi1>
      %ge3A_811 = arith.cmpf oge, %gather3A_810, %neg3A_256 : vector<16xf32>
      %and3A_812 = arith.andi %ge3A_811, %lt3A_711 : vector<16xi1>
      %all_reduce_population_count3A_813 = tpu.all_reduce %and3A_812 {dim = 0 : i64, kind = #tpu.reduction_kind<sum>} : vector<16xi1> -> vector<16xi32>
      %slice3A_814 = vector.extract_strided_slice %all_reduce_population_count3A_813 {offsets = [0], sizes = [1], strides = [1]} : vector<16xi32> to vector<1xi32>
      %squeeze3A_815 = vector.extract %slice3A_814[0] : i32 from vector<1xi32>
      %add3A_816 = arith.constant 176 : i32
      %add3A_817 = vector.broadcast %add3A_816 : i32 to vector<16xi32>
      %add3A_818 = arith.addi %add3A_720, %add3A_817 : vector<16xi32>
      %gather3A_819 = tpu.vector_load_idx %arg5[%add3A_818] masked %lt3A_711 : memref<32768xf32, #tpu.memory_space<vmem>>[vector<16xi32>], vector<16xf32>, vector<16xi1>
      %ge3A_820 = arith.cmpf oge, %gather3A_819, %neg3A_256 : vector<16xf32>
      %and3A_821 = arith.andi %ge3A_820, %lt3A_711 : vector<16xi1>
      %all_reduce_population_count3A_822 = tpu.all_reduce %and3A_821 {dim = 0 : i64, kind = #tpu.reduction_kind<sum>} : vector<16xi1> -> vector<16xi32>
      %slice3A_823 = vector.extract_strided_slice %all_reduce_population_count3A_822 {offsets = [0], sizes = [1], strides = [1]} : vector<16xi32> to vector<1xi32>
      %squeeze3A_824 = vector.extract %slice3A_823[0] : i32 from vector<1xi32>
      %add3A_825 = arith.constant 192 : i32
      %add3A_826 = vector.broadcast %add3A_825 : i32 to vector<16xi32>
      %add3A_827 = arith.addi %add3A_720, %add3A_826 : vector<16xi32>
      %gather3A_828 = tpu.vector_load_idx %arg5[%add3A_827] masked %lt3A_711 : memref<32768xf32, #tpu.memory_space<vmem>>[vector<16xi32>], vector<16xf32>, vector<16xi1>
      %ge3A_829 = arith.cmpf oge, %gather3A_828, %neg3A_256 : vector<16xf32>
      %and3A_830 = arith.andi %ge3A_829, %lt3A_711 : vector<16xi1>
      %all_reduce_population_count3A_831 = tpu.all_reduce %and3A_830 {dim = 0 : i64, kind = #tpu.reduction_kind<sum>} : vector<16xi1> -> vector<16xi32>
      %slice3A_832 = vector.extract_strided_slice %all_reduce_population_count3A_831 {offsets = [0], sizes = [1], strides = [1]} : vector<16xi32> to vector<1xi32>
      %squeeze3A_833 = vector.extract %slice3A_832[0] : i32 from vector<1xi32>
      %add3A_834 = arith.constant 208 : i32
      %add3A_835 = vector.broadcast %add3A_834 : i32 to vector<16xi32>
      %add3A_836 = arith.addi %add3A_720, %add3A_835 : vector<16xi32>
      %gather3A_837 = tpu.vector_load_idx %arg5[%add3A_836] masked %lt3A_711 : memref<32768xf32, #tpu.memory_space<vmem>>[vector<16xi32>], vector<16xf32>, vector<16xi1>
      %ge3A_838 = arith.cmpf oge, %gather3A_837, %neg3A_256 : vector<16xf32>
      %and3A_839 = arith.andi %ge3A_838, %lt3A_711 : vector<16xi1>
      %all_reduce_population_count3A_840 = tpu.all_reduce %and3A_839 {dim = 0 : i64, kind = #tpu.reduction_kind<sum>} : vector<16xi1> -> vector<16xi32>
      %slice3A_841 = vector.extract_strided_slice %all_reduce_population_count3A_840 {offsets = [0], sizes = [1], strides = [1]} : vector<16xi32> to vector<1xi32>
      %squeeze3A_842 = vector.extract %slice3A_841[0] : i32 from vector<1xi32>
      %add3A_843 = arith.constant 224 : i32
      %add3A_844 = vector.broadcast %add3A_843 : i32 to vector<16xi32>
      %add3A_845 = arith.addi %add3A_720, %add3A_844 : vector<16xi32>
      %gather3A_846 = tpu.vector_load_idx %arg5[%add3A_845] masked %lt3A_711 : memref<32768xf32, #tpu.memory_space<vmem>>[vector<16xi32>], vector<16xf32>, vector<16xi1>
      %ge3A_847 = arith.cmpf oge, %gather3A_846, %neg3A_256 : vector<16xf32>
      %and3A_848 = arith.andi %ge3A_847, %lt3A_711 : vector<16xi1>
      %all_reduce_population_count3A_849 = tpu.all_reduce %and3A_848 {dim = 0 : i64, kind = #tpu.reduction_kind<sum>} : vector<16xi1> -> vector<16xi32>
      %slice3A_850 = vector.extract_strided_slice %all_reduce_population_count3A_849 {offsets = [0], sizes = [1], strides = [1]} : vector<16xi32> to vector<1xi32>
      %squeeze3A_851 = vector.extract %slice3A_850[0] : i32 from vector<1xi32>
      %add3A_852 = arith.constant 240 : i32
      %add3A_853 = vector.broadcast %add3A_852 : i32 to vector<16xi32>
      %add3A_854 = arith.addi %add3A_720, %add3A_853 : vector<16xi32>
      %gather3A_855 = tpu.vector_load_idx %arg5[%add3A_854] masked %lt3A_711 : memref<32768xf32, #tpu.memory_space<vmem>>[vector<16xi32>], vector<16xf32>, vector<16xi1>
      %ge3A_856 = arith.cmpf oge, %gather3A_855, %neg3A_256 : vector<16xf32>
      %and3A_857 = arith.andi %ge3A_856, %lt3A_711 : vector<16xi1>
      %all_reduce_population_count3A_858 = tpu.all_reduce %and3A_857 {dim = 0 : i64, kind = #tpu.reduction_kind<sum>} : vector<16xi1> -> vector<16xi32>
      %slice3A_859 = vector.extract_strided_slice %all_reduce_population_count3A_858 {offsets = [0], sizes = [1], strides = [1]} : vector<16xi32> to vector<1xi32>
      %squeeze3A_860 = vector.extract %slice3A_859[0] : i32 from vector<1xi32>
      %swap3A_861 = arith.index_cast %while3A_702 : i32 to index
      %swap3A_862 = tpu.vector_load %arg8[%swap3A_861] masked %and3A_725 {strides = array<i32>} : memref<32784xf32, #tpu.memory_space<vmem>>, vector<16xf32>, vector<16xi1>
      tpu.vector_store %arg8[%swap3A_861], %gather3A_724 masked %and3A_725 {strides = array<i32>} : memref<32784xf32, #tpu.memory_space<vmem>>, vector<16xf32>, vector<16xi1>
      %add3A_863 = arith.addi %while3A_702, %squeeze3A : i32
      %swap3A_864 = arith.index_cast %add3A_863 : i32 to index
      %swap3A_865 = tpu.vector_load %arg8[%swap3A_864] masked %and3A_731 {strides = array<i32>} : memref<32784xf32, #tpu.memory_space<vmem>>, vector<16xf32>, vector<16xi1>
      tpu.vector_store %arg8[%swap3A_864], %gather3A_729 masked %and3A_731 {strides = array<i32>} : memref<32784xf32, #tpu.memory_space<vmem>>, vector<16xf32>, vector<16xi1>
      %add3A_866 = arith.addi %add3A_863, %squeeze3A_734 : i32
      %swap3A_867 = arith.index_cast %add3A_866 : i32 to index
      %swap3A_868 = tpu.vector_load %arg8[%swap3A_867] masked %and3A_740 {strides = array<i32>} : memref<32784xf32, #tpu.memory_space<vmem>>, vector<16xf32>, vector<16xi1>
      tpu.vector_store %arg8[%swap3A_867], %gather3A_738 masked %and3A_740 {strides = array<i32>} : memref<32784xf32, #tpu.memory_space<vmem>>, vector<16xf32>, vector<16xi1>
      %add3A_869 = arith.addi %add3A_866, %squeeze3A_743 : i32
      %swap3A_870 = arith.index_cast %add3A_869 : i32 to index
      %swap3A_871 = tpu.vector_load %arg8[%swap3A_870] masked %and3A_749 {strides = array<i32>} : memref<32784xf32, #tpu.memory_space<vmem>>, vector<16xf32>, vector<16xi1>
      tpu.vector_store %arg8[%swap3A_870], %gather3A_747 masked %and3A_749 {strides = array<i32>} : memref<32784xf32, #tpu.memory_space<vmem>>, vector<16xf32>, vector<16xi1>
      %add3A_872 = arith.addi %add3A_869, %squeeze3A_752 : i32
      %swap3A_873 = arith.index_cast %add3A_872 : i32 to index
      %swap3A_874 = tpu.vector_load %arg8[%swap3A_873] masked %and3A_758 {strides = array<i32>} : memref<32784xf32, #tpu.memory_space<vmem>>, vector<16xf32>, vector<16xi1>
      tpu.vector_store %arg8[%swap3A_873], %gather3A_756 masked %and3A_758 {strides = array<i32>} : memref<32784xf32, #tpu.memory_space<vmem>>, vector<16xf32>, vector<16xi1>
      %add3A_875 = arith.addi %add3A_872, %squeeze3A_761 : i32
      %swap3A_876 = arith.index_cast %add3A_875 : i32 to index
      %swap3A_877 = tpu.vector_load %arg8[%swap3A_876] masked %and3A_767 {strides = array<i32>} : memref<32784xf32, #tpu.memory_space<vmem>>, vector<16xf32>, vector<16xi1>
      tpu.vector_store %arg8[%swap3A_876], %gather3A_765 masked %and3A_767 {strides = array<i32>} : memref<32784xf32, #tpu.memory_space<vmem>>, vector<16xf32>, vector<16xi1>
      %add3A_878 = arith.addi %add3A_875, %squeeze3A_770 : i32
      %swap3A_879 = arith.index_cast %add3A_878 : i32 to index
      %swap3A_880 = tpu.vector_load %arg8[%swap3A_879] masked %and3A_776 {strides = array<i32>} : memref<32784xf32, #tpu.memory_space<vmem>>, vector<16xf32>, vector<16xi1>
      tpu.vector_store %arg8[%swap3A_879], %gather3A_774 masked %and3A_776 {strides = array<i32>} : memref<32784xf32, #tpu.memory_space<vmem>>, vector<16xf32>, vector<16xi1>
      %add3A_881 = arith.addi %add3A_878, %squeeze3A_779 : i32
      %swap3A_882 = arith.index_cast %add3A_881 : i32 to index
      %swap3A_883 = tpu.vector_load %arg8[%swap3A_882] masked %and3A_785 {strides = array<i32>} : memref<32784xf32, #tpu.memory_space<vmem>>, vector<16xf32>, vector<16xi1>
      tpu.vector_store %arg8[%swap3A_882], %gather3A_783 masked %and3A_785 {strides = array<i32>} : memref<32784xf32, #tpu.memory_space<vmem>>, vector<16xf32>, vector<16xi1>
      %add3A_884 = arith.addi %add3A_881, %squeeze3A_788 : i32
      %swap3A_885 = arith.index_cast %add3A_884 : i32 to index
      %swap3A_886 = tpu.vector_load %arg8[%swap3A_885] masked %and3A_794 {strides = array<i32>} : memref<32784xf32, #tpu.memory_space<vmem>>, vector<16xf32>, vector<16xi1>
      tpu.vector_store %arg8[%swap3A_885], %gather3A_792 masked %and3A_794 {strides = array<i32>} : memref<32784xf32, #tpu.memory_space<vmem>>, vector<16xf32>, vector<16xi1>
      %add3A_887 = arith.addi %add3A_884, %squeeze3A_797 : i32
      %swap3A_888 = arith.index_cast %add3A_887 : i32 to index
      %swap3A_889 = tpu.vector_load %arg8[%swap3A_888] masked %and3A_803 {strides = array<i32>} : memref<32784xf32, #tpu.memory_space<vmem>>, vector<16xf32>, vector<16xi1>
      tpu.vector_store %arg8[%swap3A_888], %gather3A_801 masked %and3A_803 {strides = array<i32>} : memref<32784xf32, #tpu.memory_space<vmem>>, vector<16xf32>, vector<16xi1>
      %add3A_890 = arith.addi %add3A_887, %squeeze3A_806 : i32
      %swap3A_891 = arith.index_cast %add3A_890 : i32 to index
      %swap3A_892 = tpu.vector_load %arg8[%swap3A_891] masked %and3A_812 {strides = array<i32>} : memref<32784xf32, #tpu.memory_space<vmem>>, vector<16xf32>, vector<16xi1>
      tpu.vector_store %arg8[%swap3A_891], %gather3A_810 masked %and3A_812 {strides = array<i32>} : memref<32784xf32, #tpu.memory_space<vmem>>, vector<16xf32>, vector<16xi1>
      %add3A_893 = arith.addi %add3A_890, %squeeze3A_815 : i32
      %swap3A_894 = arith.index_cast %add3A_893 : i32 to index
      %swap3A_895 = tpu.vector_load %arg8[%swap3A_894] masked %and3A_821 {strides = array<i32>} : memref<32784xf32, #tpu.memory_space<vmem>>, vector<16xf32>, vector<16xi1>
      tpu.vector_store %arg8[%swap3A_894], %gather3A_819 masked %and3A_821 {strides = array<i32>} : memref<32784xf32, #tpu.memory_space<vmem>>, vector<16xf32>, vector<16xi1>
      %add3A_896 = arith.addi %add3A_893, %squeeze3A_824 : i32
      %swap3A_897 = arith.index_cast %add3A_896 : i32 to index
      %swap3A_898 = tpu.vector_load %arg8[%swap3A_897] masked %and3A_830 {strides = array<i32>} : memref<32784xf32, #tpu.memory_space<vmem>>, vector<16xf32>, vector<16xi1>
      tpu.vector_store %arg8[%swap3A_897], %gather3A_828 masked %and3A_830 {strides = array<i32>} : memref<32784xf32, #tpu.memory_space<vmem>>, vector<16xf32>, vector<16xi1>
      %add3A_899 = arith.addi %add3A_896, %squeeze3A_833 : i32
      %swap3A_900 = arith.index_cast %add3A_899 : i32 to index
      %swap3A_901 = tpu.vector_load %arg8[%swap3A_900] masked %and3A_839 {strides = array<i32>} : memref<32784xf32, #tpu.memory_space<vmem>>, vector<16xf32>, vector<16xi1>
      tpu.vector_store %arg8[%swap3A_900], %gather3A_837 masked %and3A_839 {strides = array<i32>} : memref<32784xf32, #tpu.memory_space<vmem>>, vector<16xf32>, vector<16xi1>
      %add3A_902 = arith.addi %add3A_899, %squeeze3A_842 : i32
      %swap3A_903 = arith.index_cast %add3A_902 : i32 to index
      %swap3A_904 = tpu.vector_load %arg8[%swap3A_903] masked %and3A_848 {strides = array<i32>} : memref<32784xf32, #tpu.memory_space<vmem>>, vector<16xf32>, vector<16xi1>
      tpu.vector_store %arg8[%swap3A_903], %gather3A_846 masked %and3A_848 {strides = array<i32>} : memref<32784xf32, #tpu.memory_space<vmem>>, vector<16xf32>, vector<16xi1>
      %add3A_905 = arith.addi %add3A_902, %squeeze3A_851 : i32
      %swap3A_906 = arith.index_cast %add3A_905 : i32 to index
      %swap3A_907 = tpu.vector_load %arg8[%swap3A_906] masked %and3A_857 {strides = array<i32>} : memref<32784xf32, #tpu.memory_space<vmem>>, vector<16xf32>, vector<16xi1>
      tpu.vector_store %arg8[%swap3A_906], %gather3A_855 masked %and3A_857 {strides = array<i32>} : memref<32784xf32, #tpu.memory_space<vmem>>, vector<16xf32>, vector<16xi1>
      %add3A_908 = arith.addi %add3A_905, %squeeze3A_860 : i32
      scf.yield %add3A_908 : i32
    }
    %while3A_304 = arith.constant 1 : i32
    %while3A_305 = scf.for %while3A_701 = %while3A_301 to %while3A_297 step %while3A_304 iter_args(%while3A_702 = %while3A_303) -> (i32)  : i32 {
      %mul3A_703 = arith.constant 16 : i32
      %mul3A_704 = arith.muli %while3A_701, %mul3A_703 : i32
      %get3A = arith.index_cast %mul3A_704 : i32 to index
      %get3A_705 = tpu.vector_load %arg7[%get3A] {strides = array<i32>} : memref<2064xi32, #tpu.memory_space<vmem>>, vector<16xi32>,
      %mul3A_706 = arith.constant 16 : i32
      %mul3A_707 = arith.muli %while3A_701, %mul3A_706 : i32
      %add3A_708 = vector.broadcast %mul3A_707 : i32 to vector<16xi32>
      %add3A_709 = arith.addi %add3A_708, %iota3A_187 : vector<16xi32>
      %lt3A_710 = vector.broadcast %scan3A_262 : i32 to vector<16xi32>
      %lt3A_711 = arith.cmpi slt, %add3A_709, %lt3A_710 : vector<16xi32>
      %shift_right_logical3A = arith.constant 4 : i32
      %shift_right_logical3A_712 = vector.broadcast %shift_right_logical3A : i32 to vector<16xi32>
      %shift_right_logical3A_713 = arith.shrui %get3A_705, %shift_right_logical3A_712 : vector<16xi32>
      %and3A_714 = arith.constant 15 : i32
      %and3A_715 = vector.broadcast %and3A_714 : i32 to vector<16xi32>
      %and3A_716 = arith.andi %get3A_705, %and3A_715 : vector<16xi32>
      %mul3A_717 = arith.constant 256 : i32
      %mul3A_718 = vector.broadcast %mul3A_717 : i32 to vector<16xi32>
      %mul3A_719 = arith.muli %shift_right_logical3A_713, %mul3A_718 : vector<16xi32>
      %add3A_720 = arith.addi %mul3A_719, %and3A_716 : vector<16xi32>
      %add3A_721 = arith.constant 0 : i32
      %add3A_722 = vector.broadcast %add3A_721 : i32 to vector<16xi32>
      %add3A_723 = arith.addi %add3A_720, %add3A_722 : vector<16xi32>
      %gather3A_724 = tpu.vector_load_idx %arg5[%add3A_723] masked %lt3A_711 : memref<32768xf32, #tpu.memory_space<vmem>>[vector<16xi32>], vector<16xf32>, vector<16xi1>
      %ge3A = arith.cmpf oge, %gather3A_724, %neg3A_256 : vector<16xf32>
      %and3A_725 = arith.andi %ge3A, %lt3A_711 : vector<16xi1>
      %all_reduce_population_count3A = tpu.all_reduce %and3A_725 {dim = 0 : i64, kind = #tpu.reduction_kind<sum>} : vector<16xi1> -> vector<16xi32>
      %slice3A = vector.extract_strided_slice %all_reduce_population_count3A {offsets = [0], sizes = [1], strides = [1]} : vector<16xi32> to vector<1xi32>
      %squeeze3A = vector.extract %slice3A[0] : i32 from vector<1xi32>
      %add3A_726 = arith.constant 16 : i32
      %add3A_727 = vector.broadcast %add3A_726 : i32 to vector<16xi32>
      %add3A_728 = arith.addi %add3A_720, %add3A_727 : vector<16xi32>
      %gather3A_729 = tpu.vector_load_idx %arg5[%add3A_728] masked %lt3A_711 : memref<32768xf32, #tpu.memory_space<vmem>>[vector<16xi32>], vector<16xf32>, vector<16xi1>
      %ge3A_730 = arith.cmpf oge, %gather3A_729, %neg3A_256 : vector<16xf32>
      %and3A_731 = arith.andi %ge3A_730, %lt3A_711 : vector<16xi1>
      %all_reduce_population_count3A_732 = tpu.all_reduce %and3A_731 {dim = 0 : i64, kind = #tpu.reduction_kind<sum>} : vector<16xi1> -> vector<16xi32>
      %slice3A_733 = vector.extract_strided_slice %all_reduce_population_count3A_732 {offsets = [0], sizes = [1], strides = [1]} : vector<16xi32> to vector<1xi32>
      %squeeze3A_734 = vector.extract %slice3A_733[0] : i32 from vector<1xi32>
      %add3A_735 = arith.constant 32 : i32
      %add3A_736 = vector.broadcast %add3A_735 : i32 to vector<16xi32>
      %add3A_737 = arith.addi %add3A_720, %add3A_736 : vector<16xi32>
      %gather3A_738 = tpu.vector_load_idx %arg5[%add3A_737] masked %lt3A_711 : memref<32768xf32, #tpu.memory_space<vmem>>[vector<16xi32>], vector<16xf32>, vector<16xi1>
      %ge3A_739 = arith.cmpf oge, %gather3A_738, %neg3A_256 : vector<16xf32>
      %and3A_740 = arith.andi %ge3A_739, %lt3A_711 : vector<16xi1>
      %all_reduce_population_count3A_741 = tpu.all_reduce %and3A_740 {dim = 0 : i64, kind = #tpu.reduction_kind<sum>} : vector<16xi1> -> vector<16xi32>
      %slice3A_742 = vector.extract_strided_slice %all_reduce_population_count3A_741 {offsets = [0], sizes = [1], strides = [1]} : vector<16xi32> to vector<1xi32>
      %squeeze3A_743 = vector.extract %slice3A_742[0] : i32 from vector<1xi32>
      %add3A_744 = arith.constant 48 : i32
      %add3A_745 = vector.broadcast %add3A_744 : i32 to vector<16xi32>
      %add3A_746 = arith.addi %add3A_720, %add3A_745 : vector<16xi32>
      %gather3A_747 = tpu.vector_load_idx %arg5[%add3A_746] masked %lt3A_711 : memref<32768xf32, #tpu.memory_space<vmem>>[vector<16xi32>], vector<16xf32>, vector<16xi1>
      %ge3A_748 = arith.cmpf oge, %gather3A_747, %neg3A_256 : vector<16xf32>
      %and3A_749 = arith.andi %ge3A_748, %lt3A_711 : vector<16xi1>
      %all_reduce_population_count3A_750 = tpu.all_reduce %and3A_749 {dim = 0 : i64, kind = #tpu.reduction_kind<sum>} : vector<16xi1> -> vector<16xi32>
      %slice3A_751 = vector.extract_strided_slice %all_reduce_population_count3A_750 {offsets = [0], sizes = [1], strides = [1]} : vector<16xi32> to vector<1xi32>
      %squeeze3A_752 = vector.extract %slice3A_751[0] : i32 from vector<1xi32>
      %add3A_753 = arith.constant 64 : i32
      %add3A_754 = vector.broadcast %add3A_753 : i32 to vector<16xi32>
      %add3A_755 = arith.addi %add3A_720, %add3A_754 : vector<16xi32>
      %gather3A_756 = tpu.vector_load_idx %arg5[%add3A_755] masked %lt3A_711 : memref<32768xf32, #tpu.memory_space<vmem>>[vector<16xi32>], vector<16xf32>, vector<16xi1>
      %ge3A_757 = arith.cmpf oge, %gather3A_756, %neg3A_256 : vector<16xf32>
      %and3A_758 = arith.andi %ge3A_757, %lt3A_711 : vector<16xi1>
      %all_reduce_population_count3A_759 = tpu.all_reduce %and3A_758 {dim = 0 : i64, kind = #tpu.reduction_kind<sum>} : vector<16xi1> -> vector<16xi32>
      %slice3A_760 = vector.extract_strided_slice %all_reduce_population_count3A_759 {offsets = [0], sizes = [1], strides = [1]} : vector<16xi32> to vector<1xi32>
      %squeeze3A_761 = vector.extract %slice3A_760[0] : i32 from vector<1xi32>
      %add3A_762 = arith.constant 80 : i32
      %add3A_763 = vector.broadcast %add3A_762 : i32 to vector<16xi32>
      %add3A_764 = arith.addi %add3A_720, %add3A_763 : vector<16xi32>
      %gather3A_765 = tpu.vector_load_idx %arg5[%add3A_764] masked %lt3A_711 : memref<32768xf32, #tpu.memory_space<vmem>>[vector<16xi32>], vector<16xf32>, vector<16xi1>
      %ge3A_766 = arith.cmpf oge, %gather3A_765, %neg3A_256 : vector<16xf32>
      %and3A_767 = arith.andi %ge3A_766, %lt3A_711 : vector<16xi1>
      %all_reduce_population_count3A_768 = tpu.all_reduce %and3A_767 {dim = 0 : i64, kind = #tpu.reduction_kind<sum>} : vector<16xi1> -> vector<16xi32>
      %slice3A_769 = vector.extract_strided_slice %all_reduce_population_count3A_768 {offsets = [0], sizes = [1], strides = [1]} : vector<16xi32> to vector<1xi32>
      %squeeze3A_770 = vector.extract %slice3A_769[0] : i32 from vector<1xi32>
      %add3A_771 = arith.constant 96 : i32
      %add3A_772 = vector.broadcast %add3A_771 : i32 to vector<16xi32>
      %add3A_773 = arith.addi %add3A_720, %add3A_772 : vector<16xi32>
      %gather3A_774 = tpu.vector_load_idx %arg5[%add3A_773] masked %lt3A_711 : memref<32768xf32, #tpu.memory_space<vmem>>[vector<16xi32>], vector<16xf32>, vector<16xi1>
      %ge3A_775 = arith.cmpf oge, %gather3A_774, %neg3A_256 : vector<16xf32>
      %and3A_776 = arith.andi %ge3A_775, %lt3A_711 : vector<16xi1>
      %all_reduce_population_count3A_777 = tpu.all_reduce %and3A_776 {dim = 0 : i64, kind = #tpu.reduction_kind<sum>} : vector<16xi1> -> vector<16xi32>
      %slice3A_778 = vector.extract_strided_slice %all_reduce_population_count3A_777 {offsets = [0], sizes = [1], strides = [1]} : vector<16xi32> to vector<1xi32>
      %squeeze3A_779 = vector.extract %slice3A_778[0] : i32 from vector<1xi32>
      %add3A_780 = arith.constant 112 : i32
      %add3A_781 = vector.broadcast %add3A_780 : i32 to vector<16xi32>
      %add3A_782 = arith.addi %add3A_720, %add3A_781 : vector<16xi32>
      %gather3A_783 = tpu.vector_load_idx %arg5[%add3A_782] masked %lt3A_711 : memref<32768xf32, #tpu.memory_space<vmem>>[vector<16xi32>], vector<16xf32>, vector<16xi1>
      %ge3A_784 = arith.cmpf oge, %gather3A_783, %neg3A_256 : vector<16xf32>
      %and3A_785 = arith.andi %ge3A_784, %lt3A_711 : vector<16xi1>
      %all_reduce_population_count3A_786 = tpu.all_reduce %and3A_785 {dim = 0 : i64, kind = #tpu.reduction_kind<sum>} : vector<16xi1> -> vector<16xi32>
      %slice3A_787 = vector.extract_strided_slice %all_reduce_population_count3A_786 {offsets = [0], sizes = [1], strides = [1]} : vector<16xi32> to vector<1xi32>
      %squeeze3A_788 = vector.extract %slice3A_787[0] : i32 from vector<1xi32>
      %add3A_789 = arith.constant 128 : i32
      %add3A_790 = vector.broadcast %add3A_789 : i32 to vector<16xi32>
      %add3A_791 = arith.addi %add3A_720, %add3A_790 : vector<16xi32>
      %gather3A_792 = tpu.vector_load_idx %arg5[%add3A_791] masked %lt3A_711 : memref<32768xf32, #tpu.memory_space<vmem>>[vector<16xi32>], vector<16xf32>, vector<16xi1>
      %ge3A_793 = arith.cmpf oge, %gather3A_792, %neg3A_256 : vector<16xf32>
      %and3A_794 = arith.andi %ge3A_793, %lt3A_711 : vector<16xi1>
      %all_reduce_population_count3A_795 = tpu.all_reduce %and3A_794 {dim = 0 : i64, kind = #tpu.reduction_kind<sum>} : vector<16xi1> -> vector<16xi32>
      %slice3A_796 = vector.extract_strided_slice %all_reduce_population_count3A_795 {offsets = [0], sizes = [1], strides = [1]} : vector<16xi32> to vector<1xi32>
      %squeeze3A_797 = vector.extract %slice3A_796[0] : i32 from vector<1xi32>
      %add3A_798 = arith.constant 144 : i32
      %add3A_799 = vector.broadcast %add3A_798 : i32 to vector<16xi32>
      %add3A_800 = arith.addi %add3A_720, %add3A_799 : vector<16xi32>
      %gather3A_801 = tpu.vector_load_idx %arg5[%add3A_800] masked %lt3A_711 : memref<32768xf32, #tpu.memory_space<vmem>>[vector<16xi32>], vector<16xf32>, vector<16xi1>
      %ge3A_802 = arith.cmpf oge, %gather3A_801, %neg3A_256 : vector<16xf32>
      %and3A_803 = arith.andi %ge3A_802, %lt3A_711 : vector<16xi1>
      %all_reduce_population_count3A_804 = tpu.all_reduce %and3A_803 {dim = 0 : i64, kind = #tpu.reduction_kind<sum>} : vector<16xi1> -> vector<16xi32>
      %slice3A_805 = vector.extract_strided_slice %all_reduce_population_count3A_804 {offsets = [0], sizes = [1], strides = [1]} : vector<16xi32> to vector<1xi32>
      %squeeze3A_806 = vector.extract %slice3A_805[0] : i32 from vector<1xi32>
      %add3A_807 = arith.constant 160 : i32
      %add3A_808 = vector.broadcast %add3A_807 : i32 to vector<16xi32>
      %add3A_809 = arith.addi %add3A_720, %add3A_808 : vector<16xi32>
      %gather3A_810 = tpu.vector_load_idx %arg5[%add3A_809] masked %lt3A_711 : memref<32768xf32, #tpu.memory_space<vmem>>[vector<16xi32>], vector<16xf32>, vector<16xi1>
      %ge3A_811 = arith.cmpf oge, %gather3A_810, %neg3A_256 : vector<16xf32>
      %and3A_812 = arith.andi %ge3A_811, %lt3A_711 : vector<16xi1>
      %all_reduce_population_count3A_813 = tpu.all_reduce %and3A_812 {dim = 0 : i64, kind = #tpu.reduction_kind<sum>} : vector<16xi1> -> vector<16xi32>
      %slice3A_814 = vector.extract_strided_slice %all_reduce_population_count3A_813 {offsets = [0], sizes = [1], strides = [1]} : vector<16xi32> to vector<1xi32>
      %squeeze3A_815 = vector.extract %slice3A_814[0] : i32 from vector<1xi32>
      %add3A_816 = arith.constant 176 : i32
      %add3A_817 = vector.broadcast %add3A_816 : i32 to vector<16xi32>
      %add3A_818 = arith.addi %add3A_720, %add3A_817 : vector<16xi32>
      %gather3A_819 = tpu.vector_load_idx %arg5[%add3A_818] masked %lt3A_711 : memref<32768xf32, #tpu.memory_space<vmem>>[vector<16xi32>], vector<16xf32>, vector<16xi1>
      %ge3A_820 = arith.cmpf oge, %gather3A_819, %neg3A_256 : vector<16xf32>
      %and3A_821 = arith.andi %ge3A_820, %lt3A_711 : vector<16xi1>
      %all_reduce_population_count3A_822 = tpu.all_reduce %and3A_821 {dim = 0 : i64, kind = #tpu.reduction_kind<sum>} : vector<16xi1> -> vector<16xi32>
      %slice3A_823 = vector.extract_strided_slice %all_reduce_population_count3A_822 {offsets = [0], sizes = [1], strides = [1]} : vector<16xi32> to vector<1xi32>
      %squeeze3A_824 = vector.extract %slice3A_823[0] : i32 from vector<1xi32>
      %add3A_825 = arith.constant 192 : i32
      %add3A_826 = vector.broadcast %add3A_825 : i32 to vector<16xi32>
      %add3A_827 = arith.addi %add3A_720, %add3A_826 : vector<16xi32>
      %gather3A_828 = tpu.vector_load_idx %arg5[%add3A_827] masked %lt3A_711 : memref<32768xf32, #tpu.memory_space<vmem>>[vector<16xi32>], vector<16xf32>, vector<16xi1>
      %ge3A_829 = arith.cmpf oge, %gather3A_828, %neg3A_256 : vector<16xf32>
      %and3A_830 = arith.andi %ge3A_829, %lt3A_711 : vector<16xi1>
      %all_reduce_population_count3A_831 = tpu.all_reduce %and3A_830 {dim = 0 : i64, kind = #tpu.reduction_kind<sum>} : vector<16xi1> -> vector<16xi32>
      %slice3A_832 = vector.extract_strided_slice %all_reduce_population_count3A_831 {offsets = [0], sizes = [1], strides = [1]} : vector<16xi32> to vector<1xi32>
      %squeeze3A_833 = vector.extract %slice3A_832[0] : i32 from vector<1xi32>
      %add3A_834 = arith.constant 208 : i32
      %add3A_835 = vector.broadcast %add3A_834 : i32 to vector<16xi32>
      %add3A_836 = arith.addi %add3A_720, %add3A_835 : vector<16xi32>
      %gather3A_837 = tpu.vector_load_idx %arg5[%add3A_836] masked %lt3A_711 : memref<32768xf32, #tpu.memory_space<vmem>>[vector<16xi32>], vector<16xf32>, vector<16xi1>
      %ge3A_838 = arith.cmpf oge, %gather3A_837, %neg3A_256 : vector<16xf32>
      %and3A_839 = arith.andi %ge3A_838, %lt3A_711 : vector<16xi1>
      %all_reduce_population_count3A_840 = tpu.all_reduce %and3A_839 {dim = 0 : i64, kind = #tpu.reduction_kind<sum>} : vector<16xi1> -> vector<16xi32>
      %slice3A_841 = vector.extract_strided_slice %all_reduce_population_count3A_840 {offsets = [0], sizes = [1], strides = [1]} : vector<16xi32> to vector<1xi32>
      %squeeze3A_842 = vector.extract %slice3A_841[0] : i32 from vector<1xi32>
      %add3A_843 = arith.constant 224 : i32
      %add3A_844 = vector.broadcast %add3A_843 : i32 to vector<16xi32>
      %add3A_845 = arith.addi %add3A_720, %add3A_844 : vector<16xi32>
      %gather3A_846 = tpu.vector_load_idx %arg5[%add3A_845] masked %lt3A_711 : memref<32768xf32, #tpu.memory_space<vmem>>[vector<16xi32>], vector<16xf32>, vector<16xi1>
      %ge3A_847 = arith.cmpf oge, %gather3A_846, %neg3A_256 : vector<16xf32>
      %and3A_848 = arith.andi %ge3A_847, %lt3A_711 : vector<16xi1>
      %all_reduce_population_count3A_849 = tpu.all_reduce %and3A_848 {dim = 0 : i64, kind = #tpu.reduction_kind<sum>} : vector<16xi1> -> vector<16xi32>
      %slice3A_850 = vector.extract_strided_slice %all_reduce_population_count3A_849 {offsets = [0], sizes = [1], strides = [1]} : vector<16xi32> to vector<1xi32>
      %squeeze3A_851 = vector.extract %slice3A_850[0] : i32 from vector<1xi32>
      %add3A_852 = arith.constant 240 : i32
      %add3A_853 = vector.broadcast %add3A_852 : i32 to vector<16xi32>
      %add3A_854 = arith.addi %add3A_720, %add3A_853 : vector<16xi32>
      %gather3A_855 = tpu.vector_load_idx %arg5[%add3A_854] masked %lt3A_711 : memref<32768xf32, #tpu.memory_space<vmem>>[vector<16xi32>], vector<16xf32>, vector<16xi1>
      %ge3A_856 = arith.cmpf oge, %gather3A_855, %neg3A_256 : vector<16xf32>
      %and3A_857 = arith.andi %ge3A_856, %lt3A_711 : vector<16xi1>
      %all_reduce_population_count3A_858 = tpu.all_reduce %and3A_857 {dim = 0 : i64, kind = #tpu.reduction_kind<sum>} : vector<16xi1> -> vector<16xi32>
      %slice3A_859 = vector.extract_strided_slice %all_reduce_population_count3A_858 {offsets = [0], sizes = [1], strides = [1]} : vector<16xi32> to vector<1xi32>
      %squeeze3A_860 = vector.extract %slice3A_859[0] : i32 from vector<1xi32>
      %swap3A_861 = arith.index_cast %while3A_702 : i32 to index
      %swap3A_862 = tpu.vector_load %arg8[%swap3A_861] masked %and3A_725 {strides = array<i32>} : memref<32784xf32, #tpu.memory_space<vmem>>, vector<16xf32>, vector<16xi1>
      tpu.vector_store %arg8[%swap3A_861], %gather3A_724 masked %and3A_725 {strides = array<i32>} : memref<32784xf32, #tpu.memory_space<vmem>>, vector<16xf32>, vector<16xi1>
      %add3A_863 = arith.addi %while3A_702, %squeeze3A : i32
      %swap3A_864 = arith.index_cast %add3A_863 : i32 to index
      %swap3A_865 = tpu.vector_load %arg8[%swap3A_864] masked %and3A_731 {strides = array<i32>} : memref<32784xf32, #tpu.memory_space<vmem>>, vector<16xf32>, vector<16xi1>
      tpu.vector_store %arg8[%swap3A_864], %gather3A_729 masked %and3A_731 {strides = array<i32>} : memref<32784xf32, #tpu.memory_space<vmem>>, vector<16xf32>, vector<16xi1>
      %add3A_866 = arith.addi %add3A_863, %squeeze3A_734 : i32
      %swap3A_867 = arith.index_cast %add3A_866 : i32 to index
      %swap3A_868 = tpu.vector_load %arg8[%swap3A_867] masked %and3A_740 {strides = array<i32>} : memref<32784xf32, #tpu.memory_space<vmem>>, vector<16xf32>, vector<16xi1>
      tpu.vector_store %arg8[%swap3A_867], %gather3A_738 masked %and3A_740 {strides = array<i32>} : memref<32784xf32, #tpu.memory_space<vmem>>, vector<16xf32>, vector<16xi1>
      %add3A_869 = arith.addi %add3A_866, %squeeze3A_743 : i32
      %swap3A_870 = arith.index_cast %add3A_869 : i32 to index
      %swap3A_871 = tpu.vector_load %arg8[%swap3A_870] masked %and3A_749 {strides = array<i32>} : memref<32784xf32, #tpu.memory_space<vmem>>, vector<16xf32>, vector<16xi1>
      tpu.vector_store %arg8[%swap3A_870], %gather3A_747 masked %and3A_749 {strides = array<i32>} : memref<32784xf32, #tpu.memory_space<vmem>>, vector<16xf32>, vector<16xi1>
      %add3A_872 = arith.addi %add3A_869, %squeeze3A_752 : i32
      %swap3A_873 = arith.index_cast %add3A_872 : i32 to index
      %swap3A_874 = tpu.vector_load %arg8[%swap3A_873] masked %and3A_758 {strides = array<i32>} : memref<32784xf32, #tpu.memory_space<vmem>>, vector<16xf32>, vector<16xi1>
      tpu.vector_store %arg8[%swap3A_873], %gather3A_756 masked %and3A_758 {strides = array<i32>} : memref<32784xf32, #tpu.memory_space<vmem>>, vector<16xf32>, vector<16xi1>
      %add3A_875 = arith.addi %add3A_872, %squeeze3A_761 : i32
      %swap3A_876 = arith.index_cast %add3A_875 : i32 to index
      %swap3A_877 = tpu.vector_load %arg8[%swap3A_876] masked %and3A_767 {strides = array<i32>} : memref<32784xf32, #tpu.memory_space<vmem>>, vector<16xf32>, vector<16xi1>
      tpu.vector_store %arg8[%swap3A_876], %gather3A_765 masked %and3A_767 {strides = array<i32>} : memref<32784xf32, #tpu.memory_space<vmem>>, vector<16xf32>, vector<16xi1>
      %add3A_878 = arith.addi %add3A_875, %squeeze3A_770 : i32
      %swap3A_879 = arith.index_cast %add3A_878 : i32 to index
      %swap3A_880 = tpu.vector_load %arg8[%swap3A_879] masked %and3A_776 {strides = array<i32>} : memref<32784xf32, #tpu.memory_space<vmem>>, vector<16xf32>, vector<16xi1>
      tpu.vector_store %arg8[%swap3A_879], %gather3A_774 masked %and3A_776 {strides = array<i32>} : memref<32784xf32, #tpu.memory_space<vmem>>, vector<16xf32>, vector<16xi1>
      %add3A_881 = arith.addi %add3A_878, %squeeze3A_779 : i32
      %swap3A_882 = arith.index_cast %add3A_881 : i32 to index
      %swap3A_883 = tpu.vector_load %arg8[%swap3A_882] masked %and3A_785 {strides = array<i32>} : memref<32784xf32, #tpu.memory_space<vmem>>, vector<16xf32>, vector<16xi1>
      tpu.vector_store %arg8[%swap3A_882], %gather3A_783 masked %and3A_785 {strides = array<i32>} : memref<32784xf32, #tpu.memory_space<vmem>>, vector<16xf32>, vector<16xi1>
      %add3A_884 = arith.addi %add3A_881, %squeeze3A_788 : i32
      %swap3A_885 = arith.index_cast %add3A_884 : i32 to index
      %swap3A_886 = tpu.vector_load %arg8[%swap3A_885] masked %and3A_794 {strides = array<i32>} : memref<32784xf32, #tpu.memory_space<vmem>>, vector<16xf32>, vector<16xi1>
      tpu.vector_store %arg8[%swap3A_885], %gather3A_792 masked %and3A_794 {strides = array<i32>} : memref<32784xf32, #tpu.memory_space<vmem>>, vector<16xf32>, vector<16xi1>
      %add3A_887 = arith.addi %add3A_884, %squeeze3A_797 : i32
      %swap3A_888 = arith.index_cast %add3A_887 : i32 to index
      %swap3A_889 = tpu.vector_load %arg8[%swap3A_888] masked %and3A_803 {strides = array<i32>} : memref<32784xf32, #tpu.memory_space<vmem>>, vector<16xf32>, vector<16xi1>
      tpu.vector_store %arg8[%swap3A_888], %gather3A_801 masked %and3A_803 {strides = array<i32>} : memref<32784xf32, #tpu.memory_space<vmem>>, vector<16xf32>, vector<16xi1>
      %add3A_890 = arith.addi %add3A_887, %squeeze3A_806 : i32
      %swap3A_891 = arith.index_cast %add3A_890 : i32 to index
      %swap3A_892 = tpu.vector_load %arg8[%swap3A_891] masked %and3A_812 {strides = array<i32>} : memref<32784xf32, #tpu.memory_space<vmem>>, vector<16xf32>, vector<16xi1>
      tpu.vector_store %arg8[%swap3A_891], %gather3A_810 masked %and3A_812 {strides = array<i32>} : memref<32784xf32, #tpu.memory_space<vmem>>, vector<16xf32>, vector<16xi1>
      %add3A_893 = arith.addi %add3A_890, %squeeze3A_815 : i32
      %swap3A_894 = arith.index_cast %add3A_893 : i32 to index
      %swap3A_895 = tpu.vector_load %arg8[%swap3A_894] masked %and3A_821 {strides = array<i32>} : memref<32784xf32, #tpu.memory_space<vmem>>, vector<16xf32>, vector<16xi1>
      tpu.vector_store %arg8[%swap3A_894], %gather3A_819 masked %and3A_821 {strides = array<i32>} : memref<32784xf32, #tpu.memory_space<vmem>>, vector<16xf32>, vector<16xi1>
      %add3A_896 = arith.addi %add3A_893, %squeeze3A_824 : i32
      %swap3A_897 = arith.index_cast %add3A_896 : i32 to index
      %swap3A_898 = tpu.vector_load %arg8[%swap3A_897] masked %and3A_830 {strides = array<i32>} : memref<32784xf32, #tpu.memory_space<vmem>>, vector<16xf32>, vector<16xi1>
      tpu.vector_store %arg8[%swap3A_897], %gather3A_828 masked %and3A_830 {strides = array<i32>} : memref<32784xf32, #tpu.memory_space<vmem>>, vector<16xf32>, vector<16xi1>
      %add3A_899 = arith.addi %add3A_896, %squeeze3A_833 : i32
      %swap3A_900 = arith.index_cast %add3A_899 : i32 to index
      %swap3A_901 = tpu.vector_load %arg8[%swap3A_900] masked %and3A_839 {strides = array<i32>} : memref<32784xf32, #tpu.memory_space<vmem>>, vector<16xf32>, vector<16xi1>
      tpu.vector_store %arg8[%swap3A_900], %gather3A_837 masked %and3A_839 {strides = array<i32>} : memref<32784xf32, #tpu.memory_space<vmem>>, vector<16xf32>, vector<16xi1>
      %add3A_902 = arith.addi %add3A_899, %squeeze3A_842 : i32
      %swap3A_903 = arith.index_cast %add3A_902 : i32 to index
      %swap3A_904 = tpu.vector_load %arg8[%swap3A_903] masked %and3A_848 {strides = array<i32>} : memref<32784xf32, #tpu.memory_space<vmem>>, vector<16xf32>, vector<16xi1>
      tpu.vector_store %arg8[%swap3A_903], %gather3A_846 masked %and3A_848 {strides = array<i32>} : memref<32784xf32, #tpu.memory_space<vmem>>, vector<16xf32>, vector<16xi1>
      %add3A_905 = arith.addi %add3A_902, %squeeze3A_851 : i32
      %swap3A_906 = arith.index_cast %add3A_905 : i32 to index
      %swap3A_907 = tpu.vector_load %arg8[%swap3A_906] masked %and3A_857 {strides = array<i32>} : memref<32784xf32, #tpu.memory_space<vmem>>, vector<16xf32>, vector<16xi1>
      tpu.vector_store %arg8[%swap3A_906], %gather3A_855 masked %and3A_857 {strides = array<i32>} : memref<32784xf32, #tpu.memory_space<vmem>>, vector<16xf32>, vector<16xi1>
      %add3A_908 = arith.addi %add3A_905, %squeeze3A_860 : i32
      scf.yield %add3A_908 : i32
    }
    %swap3A_306 = arith.index_cast %while3A_305 : i32 to index
    %swap3A_307 = tpu.vector_load %arg8[%swap3A_306] {strides = array<i32>} : memref<32784xf32, #tpu.memory_space<vmem>>, vector<16xf32>,
    tpu.vector_store %arg8[%swap3A_306], %broadcast_in_dim3A_186 {strides = array<i32>} : memref<32784xf32, #tpu.memory_space<vmem>>, vector<16xf32>,
    %jit3A_308 = arith.constant 16 : i32
    %div3A_309 = arith.divsi %while3A_305, %jit3A_308 : i32
    %sign3A_310 = arith.constant 0 : i32
    %sign3A_311 = arith.cmpi sgt, %while3A_305, %sign3A_310 : i32
    %sign3A_312 = arith.extui %sign3A_311 : i1 to i32
    %sign3A_313 = arith.constant 0 : i32
    %sign3A_314 = arith.cmpi slt, %while3A_305, %sign3A_313 : i32
    %sign3A_315 = arith.extui %sign3A_314 : i1 to i32
    %sign3A_316 = arith.subi %sign3A_312, %sign3A_315 : i32
    %sign3A_317 = arith.constant 0 : i32
    %sign3A_318 = arith.cmpi sgt, %jit3A_308, %sign3A_317 : i32
    %sign3A_319 = arith.extui %sign3A_318 : i1 to i32
    %sign3A_320 = arith.constant 0 : i32
    %sign3A_321 = arith.cmpi slt, %jit3A_308, %sign3A_320 : i32
    %sign3A_322 = arith.extui %sign3A_321 : i1 to i32
    %sign3A_323 = arith.subi %sign3A_319, %sign3A_322 : i32
    %ne3A_324 = arith.cmpi ne, %sign3A_316, %sign3A_323 : i32
    %rem3A_325 = arith.remsi %while3A_305, %jit3A_308 : i32
    %ne3A_326 = arith.constant 0 : i32
    %ne3A_327 = arith.cmpi ne, %rem3A_325, %ne3A_326 : i32
    %and3A_328 = arith.andi %ne3A_324, %ne3A_327 : i1
    %sub3A_329 = arith.constant 1 : i32
    %sub3A_330 = arith.subi %div3A_309, %sub3A_329 : i32
    %select_n3A_331 = arith.select %and3A_328, %sub3A_330, %div3A_309 : i32
    %add3A_332 = arith.constant 1 : i32
    %add3A_333 = arith.addi %select_n3A_331, %add3A_332 : i32
    %while3A_334 = arith.constant 0 : i32
    %while3A_335 = arith.subi %add3A_333, %while3A_334 : i32
    %while3A_336 = arith.addi %while3A_334, %while3A_335 : i32
    %while3A_337 = arith.constant 1 : i32
    %while3A_338 = arith.divsi %while3A_335, %while3A_337 : i32
    %while3A_339 = arith.muli %while3A_338, %while3A_337 : i32
    %while3A_340 = arith.addi %while3A_334, %while3A_339 : i32
    %while3A_341 = arith.constant 1 : i32
    %while3A_342:2 = scf.for %while3A_701 = %while3A_334 to %while3A_340 step %while3A_341 iter_args(%while3A_702 = %broadcast_in_dim3A_186, %while3A_703 = %broadcast_in_dim3A_186) -> (vector<16xf32>, vector<16xf32>)  : i32 {
      %mul3A_704 = arith.constant 16 : i32
      %mul3A_705 = arith.muli %while3A_701, %mul3A_704 : i32
      %get3A = arith.index_cast %mul3A_705 : i32 to index
      %get3A_706 = tpu.vector_load %arg8[%get3A] {strides = array<i32>} : memref<32784xf32, #tpu.memory_space<vmem>>, vector<16xf32>,
      %masked_sort3A = arith.constant dense<true> : vector<16xi1>
      %masked_sort3A_707, %masked_sort3A_708, %masked_sort3A_709 = tpu.sort %get3A_706, %get3A_706 masked %masked_sort3A {descending = true} : (vector<16xf32>, vector<16xf32>, vector<16xi1>) -> (vector<16xi1>, vector<16xf32>, vector<16xf32>)
      %rev3A = arith.constant 15 : i32
      %rev3A_710 = vector.broadcast %rev3A : i32 to vector<16xi32>
      %rev3A_711 = tpu.iota {dimensions = array<i32: 0>} : vector<16xi32>
      %rev3A_712 = arith.subi %rev3A_710, %rev3A_711 : vector<16xi32>
      %rev3A_713 = tpu.dynamic_gather %masked_sort3A_708[%rev3A_712] in [0] : vector<16xf32>, vector<16xi32> -> vector<16xf32>
      %max3A_714 = arith.maximumf %while3A_702, %rev3A_713 : vector<16xf32>
      %min3A = arith.minimumf %while3A_702, %rev3A_713 : vector<16xf32>
      %masked_sort3A_715 = arith.constant dense<true> : vector<16xi1>
      %masked_sort3A_716, %masked_sort3A_717, %masked_sort3A_718 = tpu.sort %min3A, %min3A masked %masked_sort3A_715 {descending = true} : (vector<16xf32>, vector<16xf32>, vector<16xi1>) -> (vector<16xi1>, vector<16xf32>, vector<16xf32>)
      %rev3A_719 = arith.constant 15 : i32
      %rev3A_720 = vector.broadcast %rev3A_719 : i32 to vector<16xi32>
      %rev3A_721 = tpu.iota {dimensions = array<i32: 0>} : vector<16xi32>
      %rev3A_722 = arith.subi %rev3A_720, %rev3A_721 : vector<16xi32>
      %rev3A_723 = tpu.dynamic_gather %while3A_703[%rev3A_722] in [0] : vector<16xf32>, vector<16xi32> -> vector<16xf32>
      %max3A_724 = arith.maximumf %masked_sort3A_717, %rev3A_723 : vector<16xf32>
      %masked_sort3A_725 = arith.constant dense<true> : vector<16xi1>
      %masked_sort3A_726, %masked_sort3A_727, %masked_sort3A_728 = tpu.sort %max3A_714, %max3A_714 masked %masked_sort3A_725 {descending = true} : (vector<16xf32>, vector<16xf32>, vector<16xi1>) -> (vector<16xi1>, vector<16xf32>, vector<16xf32>)
      %masked_sort3A_729 = arith.constant dense<true> : vector<16xi1>
      %masked_sort3A_730, %masked_sort3A_731, %masked_sort3A_732 = tpu.sort %max3A_724, %max3A_724 masked %masked_sort3A_729 {descending = true} : (vector<16xf32>, vector<16xf32>, vector<16xi1>) -> (vector<16xi1>, vector<16xf32>, vector<16xf32>)
      scf.yield %masked_sort3A_727, %masked_sort3A_731 : vector<16xf32>, vector<16xf32>
    }
    %while3A_343 = arith.constant 1 : i32
    %while3A_344:2 = scf.for %while3A_701 = %while3A_340 to %while3A_336 step %while3A_343 iter_args(%while3A_702 = %while3A_342#0, %while3A_703 = %while3A_342#1) -> (vector<16xf32>, vector<16xf32>)  : i32 {
      %mul3A_704 = arith.constant 16 : i32
      %mul3A_705 = arith.muli %while3A_701, %mul3A_704 : i32
      %get3A = arith.index_cast %mul3A_705 : i32 to index
      %get3A_706 = tpu.vector_load %arg8[%get3A] {strides = array<i32>} : memref<32784xf32, #tpu.memory_space<vmem>>, vector<16xf32>,
      %masked_sort3A = arith.constant dense<true> : vector<16xi1>
      %masked_sort3A_707, %masked_sort3A_708, %masked_sort3A_709 = tpu.sort %get3A_706, %get3A_706 masked %masked_sort3A {descending = true} : (vector<16xf32>, vector<16xf32>, vector<16xi1>) -> (vector<16xi1>, vector<16xf32>, vector<16xf32>)
      %rev3A = arith.constant 15 : i32
      %rev3A_710 = vector.broadcast %rev3A : i32 to vector<16xi32>
      %rev3A_711 = tpu.iota {dimensions = array<i32: 0>} : vector<16xi32>
      %rev3A_712 = arith.subi %rev3A_710, %rev3A_711 : vector<16xi32>
      %rev3A_713 = tpu.dynamic_gather %masked_sort3A_708[%rev3A_712] in [0] : vector<16xf32>, vector<16xi32> -> vector<16xf32>
      %max3A_714 = arith.maximumf %while3A_702, %rev3A_713 : vector<16xf32>
      %min3A = arith.minimumf %while3A_702, %rev3A_713 : vector<16xf32>
      %masked_sort3A_715 = arith.constant dense<true> : vector<16xi1>
      %masked_sort3A_716, %masked_sort3A_717, %masked_sort3A_718 = tpu.sort %min3A, %min3A masked %masked_sort3A_715 {descending = true} : (vector<16xf32>, vector<16xf32>, vector<16xi1>) -> (vector<16xi1>, vector<16xf32>, vector<16xf32>)
      %rev3A_719 = arith.constant 15 : i32
      %rev3A_720 = vector.broadcast %rev3A_719 : i32 to vector<16xi32>
      %rev3A_721 = tpu.iota {dimensions = array<i32: 0>} : vector<16xi32>
      %rev3A_722 = arith.subi %rev3A_720, %rev3A_721 : vector<16xi32>
      %rev3A_723 = tpu.dynamic_gather %while3A_703[%rev3A_722] in [0] : vector<16xf32>, vector<16xi32> -> vector<16xf32>
      %max3A_724 = arith.maximumf %masked_sort3A_717, %rev3A_723 : vector<16xf32>
      %masked_sort3A_725 = arith.constant dense<true> : vector<16xi1>
      %masked_sort3A_726, %masked_sort3A_727, %masked_sort3A_728 = tpu.sort %max3A_714, %max3A_714 masked %masked_sort3A_725 {descending = true} : (vector<16xf32>, vector<16xf32>, vector<16xi1>) -> (vector<16xi1>, vector<16xf32>, vector<16xf32>)
      %masked_sort3A_729 = arith.constant dense<true> : vector<16xi1>
      %masked_sort3A_730, %masked_sort3A_731, %masked_sort3A_732 = tpu.sort %max3A_724, %max3A_724 masked %masked_sort3A_729 {descending = true} : (vector<16xf32>, vector<16xf32>, vector<16xi1>) -> (vector<16xi1>, vector<16xf32>, vector<16xf32>)
      scf.yield %masked_sort3A_727, %masked_sort3A_731 : vector<16xf32>, vector<16xf32>
    }
    %swap3A_345 = arith.constant 32 : index
    %swap3A_346 = tpu.vector_load %arg9[%swap3A_345] {strides = array<i32>} : memref<144xf32, #tpu.memory_space<vmem>>, vector<16xf32>,
    tpu.vector_store %arg9[%swap3A_345], %while3A_344#0 {strides = array<i32>} : memref<144xf32, #tpu.memory_space<vmem>>, vector<16xf32>,
    %swap3A_347 = arith.constant 48 : index
    %swap3A_348 = tpu.vector_load %arg9[%swap3A_347] {strides = array<i32>} : memref<144xf32, #tpu.memory_space<vmem>>, vector<16xf32>,
    tpu.vector_store %arg9[%swap3A_347], %while3A_344#1 {strides = array<i32>} : memref<144xf32, #tpu.memory_space<vmem>>, vector<16xf32>,
    %add3A_349 = arith.constant 2 : i32
    %add3A_350 = arith.addi %mul3A_2, %add3A_349 : i32
    %add3A_351 = arith.constant 1 : i32
    %add3A_352 = arith.addi %add3A_350, %add3A_351 : i32
    %dma_start3A_353 = arith.constant 0 : i32
    %dma_start3A_354 = tpu.memref_slice %arg2[%add3A_352, %dma_start3A_353] : memref<128x32768xf32, #tpu.memory_space<hbm>> -> memref<1x32768xf32, #tpu.memory_space<hbm>>
    %dma_start3A_355 = tpu.memref_squeeze %dma_start3A_354 : memref<1x32768xf32, #tpu.memory_space<hbm>> -> memref<32768xf32, #tpu.memory_space<hbm>>
    %dma_start3A_356 = arith.constant 0 : i32
    %dma_start3A_357 = tpu.memref_slice %arg2[%add3A_352, %dma_start3A_356] : memref<128x32768xf32, #tpu.memory_space<hbm>> -> memref<1x32768xf32, #tpu.memory_space<hbm>>
    %dma_start3A_358 = tpu.memref_squeeze %dma_start3A_357 : memref<1x32768xf32, #tpu.memory_space<hbm>> -> memref<32768xf32, #tpu.memory_space<hbm>>
    tpu.enqueue_dma source(%dma_start3A_358 : memref<32768xf32, #tpu.memory_space<hbm>>) target(%arg5 : memref<32768xf32, #tpu.memory_space<vmem>>) target_semaphore(%arg11 : memref<!tpu.dma_semaphore, #tpu.memory_space<semaphore_mem>>)
    %dma_wait3A_359 = arith.constant 0 : i32
    %dma_wait3A_360 = tpu.memref_slice %arg2[%add3A_172, %dma_wait3A_359] : memref<128x32768xf32, #tpu.memory_space<hbm>> -> memref<1x32768xf32, #tpu.memory_space<hbm>>
    %dma_wait3A_361 = tpu.memref_squeeze %dma_wait3A_360 : memref<1x32768xf32, #tpu.memory_space<hbm>> -> memref<32768xf32, #tpu.memory_space<hbm>>
    %dma_wait3A_362 = arith.constant 0 : i32
    %dma_wait3A_363 = tpu.memref_slice %arg2[%add3A_172, %dma_wait3A_362] : memref<128x32768xf32, #tpu.memory_space<hbm>> -> memref<1x32768xf32, #tpu.memory_space<hbm>>
    %dma_wait3A_364 = tpu.memref_squeeze %dma_wait3A_363 : memref<1x32768xf32, #tpu.memory_space<hbm>> -> memref<32768xf32, #tpu.memory_space<hbm>>
    tpu.wait_dma2 semaphore(%arg10 : memref<!tpu.dma_semaphore, #tpu.memory_space<semaphore_mem>>) src(%dma_wait3A_364 : memref<32768xf32, #tpu.memory_space<hbm>>) dst(%arg4 : memref<32768xf32, #tpu.memory_space<vmem>>)
    %broadcast_in_dim3A_365 = arith.constant 0xFF800000 : f32
    %broadcast_in_dim3A_366 = vector.broadcast %broadcast_in_dim3A_365 : f32 to vector<16xf32>
    %iota3A_367 = tpu.iota {dimensions = array<i32: 0>} : vector<16xi32>
    %scan3A_368 = arith.constant 0 : i32
    %scan3A_369 = arith.constant 128 : i32
    %scan3A_370 = arith.addi %scan3A_368, %scan3A_369 : i32
    %scan3A_371 = arith.constant 1 : i32
    %scan3A_372:2 = scf.for %scan3A_701 = %scan3A_368 to %scan3A_370 step %scan3A_371 iter_args(%scan3A_702 = %broadcast_in_dim3A_366, %scan3A_703 = %broadcast_in_dim3A_366) -> (vector<16xf32>, vector<16xf32>)  : i32 {
      %mul3A_704 = arith.constant 256 : i32
      %mul3A_705 = arith.muli %scan3A_701, %mul3A_704 : i32
      %get3A = arith.index_cast %mul3A_705 : i32 to index
      %get3A_706 = tpu.vector_load %arg4[%get3A] {strides = array<i32>} : memref<32768xf32, #tpu.memory_space<vmem>>, vector<16xf32>,
      %add3A_707 = arith.constant 16 : i32
      %add3A_708 = arith.addi %mul3A_705, %add3A_707 : i32
      %get3A_709 = arith.index_cast %add3A_708 : i32 to index
      %get3A_710 = tpu.vector_load %arg4[%get3A_709] {strides = array<i32>} : memref<32768xf32, #tpu.memory_space<vmem>>, vector<16xf32>,
      %add3A_711 = arith.constant 32 : i32
      %add3A_712 = arith.addi %mul3A_705, %add3A_711 : i32
      %get3A_713 = arith.index_cast %add3A_712 : i32 to index
      %get3A_714 = tpu.vector_load %arg4[%get3A_713] {strides = array<i32>} : memref<32768xf32, #tpu.memory_space<vmem>>, vector<16xf32>,
      %add3A_715 = arith.constant 48 : i32
      %add3A_716 = arith.addi %mul3A_705, %add3A_715 : i32
      %get3A_717 = arith.index_cast %add3A_716 : i32 to index
      %get3A_718 = tpu.vector_load %arg4[%get3A_717] {strides = array<i32>} : memref<32768xf32, #tpu.memory_space<vmem>>, vector<16xf32>,
      %add3A_719 = arith.constant 64 : i32
      %add3A_720 = arith.addi %mul3A_705, %add3A_719 : i32
      %get3A_721 = arith.index_cast %add3A_720 : i32 to index
      %get3A_722 = tpu.vector_load %arg4[%get3A_721] {strides = array<i32>} : memref<32768xf32, #tpu.memory_space<vmem>>, vector<16xf32>,
      %max3A_723 = arith.maximumf %get3A_706, %get3A_722 : vector<16xf32>
      %add3A_724 = arith.constant 80 : i32
      %add3A_725 = arith.addi %mul3A_705, %add3A_724 : i32
      %get3A_726 = arith.index_cast %add3A_725 : i32 to index
      %get3A_727 = tpu.vector_load %arg4[%get3A_726] {strides = array<i32>} : memref<32768xf32, #tpu.memory_space<vmem>>, vector<16xf32>,
      %max3A_728 = arith.maximumf %get3A_710, %get3A_727 : vector<16xf32>
      %add3A_729 = arith.constant 96 : i32
      %add3A_730 = arith.addi %mul3A_705, %add3A_729 : i32
      %get3A_731 = arith.index_cast %add3A_730 : i32 to index
      %get3A_732 = tpu.vector_load %arg4[%get3A_731] {strides = array<i32>} : memref<32768xf32, #tpu.memory_space<vmem>>, vector<16xf32>,
      %max3A_733 = arith.maximumf %get3A_714, %get3A_732 : vector<16xf32>
      %add3A_734 = arith.constant 112 : i32
      %add3A_735 = arith.addi %mul3A_705, %add3A_734 : i32
      %get3A_736 = arith.index_cast %add3A_735 : i32 to index
      %get3A_737 = tpu.vector_load %arg4[%get3A_736] {strides = array<i32>} : memref<32768xf32, #tpu.memory_space<vmem>>, vector<16xf32>,
      %max3A_738 = arith.maximumf %get3A_718, %get3A_737 : vector<16xf32>
      %add3A_739 = arith.constant 128 : i32
      %add3A_740 = arith.addi %mul3A_705, %add3A_739 : i32
      %get3A_741 = arith.index_cast %add3A_740 : i32 to index
      %get3A_742 = tpu.vector_load %arg4[%get3A_741] {strides = array<i32>} : memref<32768xf32, #tpu.memory_space<vmem>>, vector<16xf32>,
      %max3A_743 = arith.maximumf %max3A_723, %get3A_742 : vector<16xf32>
      %add3A_744 = arith.constant 144 : i32
      %add3A_745 = arith.addi %mul3A_705, %add3A_744 : i32
      %get3A_746 = arith.index_cast %add3A_745 : i32 to index
      %get3A_747 = tpu.vector_load %arg4[%get3A_746] {strides = array<i32>} : memref<32768xf32, #tpu.memory_space<vmem>>, vector<16xf32>,
      %max3A_748 = arith.maximumf %max3A_728, %get3A_747 : vector<16xf32>
      %add3A_749 = arith.constant 160 : i32
      %add3A_750 = arith.addi %mul3A_705, %add3A_749 : i32
      %get3A_751 = arith.index_cast %add3A_750 : i32 to index
      %get3A_752 = tpu.vector_load %arg4[%get3A_751] {strides = array<i32>} : memref<32768xf32, #tpu.memory_space<vmem>>, vector<16xf32>,
      %max3A_753 = arith.maximumf %max3A_733, %get3A_752 : vector<16xf32>
      %add3A_754 = arith.constant 176 : i32
      %add3A_755 = arith.addi %mul3A_705, %add3A_754 : i32
      %get3A_756 = arith.index_cast %add3A_755 : i32 to index
      %get3A_757 = tpu.vector_load %arg4[%get3A_756] {strides = array<i32>} : memref<32768xf32, #tpu.memory_space<vmem>>, vector<16xf32>,
      %max3A_758 = arith.maximumf %max3A_738, %get3A_757 : vector<16xf32>
      %add3A_759 = arith.constant 192 : i32
      %add3A_760 = arith.addi %mul3A_705, %add3A_759 : i32
      %get3A_761 = arith.index_cast %add3A_760 : i32 to index
      %get3A_762 = tpu.vector_load %arg4[%get3A_761] {strides = array<i32>} : memref<32768xf32, #tpu.memory_space<vmem>>, vector<16xf32>,
      %max3A_763 = arith.maximumf %max3A_743, %get3A_762 : vector<16xf32>
      %add3A_764 = arith.constant 208 : i32
      %add3A_765 = arith.addi %mul3A_705, %add3A_764 : i32
      %get3A_766 = arith.index_cast %add3A_765 : i32 to index
      %get3A_767 = tpu.vector_load %arg4[%get3A_766] {strides = array<i32>} : memref<32768xf32, #tpu.memory_space<vmem>>, vector<16xf32>,
      %max3A_768 = arith.maximumf %max3A_748, %get3A_767 : vector<16xf32>
      %add3A_769 = arith.constant 224 : i32
      %add3A_770 = arith.addi %mul3A_705, %add3A_769 : i32
      %get3A_771 = arith.index_cast %add3A_770 : i32 to index
      %get3A_772 = tpu.vector_load %arg4[%get3A_771] {strides = array<i32>} : memref<32768xf32, #tpu.memory_space<vmem>>, vector<16xf32>,
      %max3A_773 = arith.maximumf %max3A_753, %get3A_772 : vector<16xf32>
      %add3A_774 = arith.constant 240 : i32
      %add3A_775 = arith.addi %mul3A_705, %add3A_774 : i32
      %get3A_776 = arith.index_cast %add3A_775 : i32 to index
      %get3A_777 = tpu.vector_load %arg4[%get3A_776] {strides = array<i32>} : memref<32768xf32, #tpu.memory_space<vmem>>, vector<16xf32>,
      %max3A_778 = arith.maximumf %max3A_758, %get3A_777 : vector<16xf32>
      %max3A_779 = arith.maximumf %max3A_763, %max3A_768 : vector<16xf32>
      %max3A_780 = arith.maximumf %max3A_773, %max3A_778 : vector<16xf32>
      %max3A_781 = arith.maximumf %max3A_779, %max3A_780 : vector<16xf32>
      %mul3A_782 = arith.constant 16 : i32
      %mul3A_783 = arith.muli %scan3A_701, %mul3A_782 : i32
      %swap3A_784 = arith.index_cast %mul3A_783 : i32 to index
      %swap3A_785 = tpu.vector_load %arg6[%swap3A_784] {strides = array<i32>} : memref<2048xf32, #tpu.memory_space<vmem>>, vector<16xf32>,
      tpu.vector_store %arg6[%swap3A_784], %max3A_781 {strides = array<i32>} : memref<2048xf32, #tpu.memory_space<vmem>>, vector<16xf32>,
      %min3A = arith.minimumf %scan3A_702, %max3A_781 : vector<16xf32>
      %max3A_786 = arith.maximumf %scan3A_702, %max3A_781 : vector<16xf32>
      %max3A_787 = arith.maximumf %scan3A_703, %min3A : vector<16xf32>
      scf.yield %max3A_786, %max3A_787 : vector<16xf32>, vector<16xf32>
    }
    %scan3A_373 = arith.constant 128 : i32
    %neg3A_374 = arith.constant 0.000000e+00 : f32
    %neg3A_375 = vector.broadcast %neg3A_374 : f32 to vector<16xf32>
    %neg3A_376 = arith.subf %neg3A_375, %scan3A_372#1 : vector<16xf32>
    %iota3A_377 = tpu.iota {dimensions = array<i32: 0>} : vector<16xi32>
    %xor3A_378 = arith.constant 8 : i32
    %xor3A_379 = vector.broadcast %xor3A_378 : i32 to vector<16xi32>
    %xor3A_380 = arith.xori %iota3A_377, %xor3A_379 : vector<16xi32>
    %lt3A_381 = arith.constant 0 : i32
    %lt3A_382 = vector.broadcast %lt3A_381 : i32 to vector<16xi32>
    %lt3A_383 = arith.cmpi slt, %xor3A_380, %lt3A_382 : vector<16xi32>
    %add3A_384 = arith.constant 16 : i32
    %add3A_385 = vector.broadcast %add3A_384 : i32 to vector<16xi32>
    %add3A_386 = arith.addi %xor3A_380, %add3A_385 : vector<16xi32>
    %select_n3A_387 = arith.select %lt3A_383, %add3A_386, %xor3A_380 : vector<16xi1>, vector<16xi32>
    %broadcast_in_dim3A_388 = vector.shape_cast %select_n3A_387 : vector<16xi32> to vector<16x1xi32>
    %gather3A_389 = vector.shape_cast %broadcast_in_dim3A_388 : vector<16x1xi32> to vector<16xi32>
    %gather3A_390 = tpu.dynamic_gather %neg3A_376[%gather3A_389] in [0] : vector<16xf32>, vector<16xi32> -> vector<16xf32>
    %max3A_391 = arith.maximumf %neg3A_376, %gather3A_390 : vector<16xf32>
    %xor3A_392 = arith.constant 4 : i32
    %xor3A_393 = vector.broadcast %xor3A_392 : i32 to vector<16xi32>
    %xor3A_394 = arith.xori %iota3A_377, %xor3A_393 : vector<16xi32>
    %lt3A_395 = arith.constant 0 : i32
    %lt3A_396 = vector.broadcast %lt3A_395 : i32 to vector<16xi32>
    %lt3A_397 = arith.cmpi slt, %xor3A_394, %lt3A_396 : vector<16xi32>
    %add3A_398 = arith.constant 16 : i32
    %add3A_399 = vector.broadcast %add3A_398 : i32 to vector<16xi32>
    %add3A_400 = arith.addi %xor3A_394, %add3A_399 : vector<16xi32>
    %select_n3A_401 = arith.select %lt3A_397, %add3A_400, %xor3A_394 : vector<16xi1>, vector<16xi32>
    %broadcast_in_dim3A_402 = vector.shape_cast %select_n3A_401 : vector<16xi32> to vector<16x1xi32>
    %gather3A_403 = vector.shape_cast %broadcast_in_dim3A_402 : vector<16x1xi32> to vector<16xi32>
    %gather3A_404 = tpu.dynamic_gather %max3A_391[%gather3A_403] in [0] : vector<16xf32>, vector<16xi32> -> vector<16xf32>
    %max3A_405 = arith.maximumf %max3A_391, %gather3A_404 : vector<16xf32>
    %xor3A_406 = arith.constant 2 : i32
    %xor3A_407 = vector.broadcast %xor3A_406 : i32 to vector<16xi32>
    %xor3A_408 = arith.xori %iota3A_377, %xor3A_407 : vector<16xi32>
    %lt3A_409 = arith.constant 0 : i32
    %lt3A_410 = vector.broadcast %lt3A_409 : i32 to vector<16xi32>
    %lt3A_411 = arith.cmpi slt, %xor3A_408, %lt3A_410 : vector<16xi32>
    %add3A_412 = arith.constant 16 : i32
    %add3A_413 = vector.broadcast %add3A_412 : i32 to vector<16xi32>
    %add3A_414 = arith.addi %xor3A_408, %add3A_413 : vector<16xi32>
    %select_n3A_415 = arith.select %lt3A_411, %add3A_414, %xor3A_408 : vector<16xi1>, vector<16xi32>
    %broadcast_in_dim3A_416 = vector.shape_cast %select_n3A_415 : vector<16xi32> to vector<16x1xi32>
    %gather3A_417 = vector.shape_cast %broadcast_in_dim3A_416 : vector<16x1xi32> to vector<16xi32>
    %gather3A_418 = tpu.dynamic_gather %max3A_405[%gather3A_417] in [0] : vector<16xf32>, vector<16xi32> -> vector<16xf32>
    %max3A_419 = arith.maximumf %max3A_405, %gather3A_418 : vector<16xf32>
    %xor3A_420 = arith.constant 1 : i32
    %xor3A_421 = vector.broadcast %xor3A_420 : i32 to vector<16xi32>
    %xor3A_422 = arith.xori %iota3A_377, %xor3A_421 : vector<16xi32>
    %lt3A_423 = arith.constant 0 : i32
    %lt3A_424 = vector.broadcast %lt3A_423 : i32 to vector<16xi32>
    %lt3A_425 = arith.cmpi slt, %xor3A_422, %lt3A_424 : vector<16xi32>
    %add3A_426 = arith.constant 16 : i32
    %add3A_427 = vector.broadcast %add3A_426 : i32 to vector<16xi32>
    %add3A_428 = arith.addi %xor3A_422, %add3A_427 : vector<16xi32>
    %select_n3A_429 = arith.select %lt3A_425, %add3A_428, %xor3A_422 : vector<16xi1>, vector<16xi32>
    %broadcast_in_dim3A_430 = vector.shape_cast %select_n3A_429 : vector<16xi32> to vector<16x1xi32>
    %gather3A_431 = vector.shape_cast %broadcast_in_dim3A_430 : vector<16x1xi32> to vector<16xi32>
    %gather3A_432 = tpu.dynamic_gather %max3A_419[%gather3A_431] in [0] : vector<16xf32>, vector<16xi32> -> vector<16xf32>
    %max3A_433 = arith.maximumf %max3A_419, %gather3A_432 : vector<16xf32>
    %neg3A_434 = arith.constant 0.000000e+00 : f32
    %neg3A_435 = vector.broadcast %neg3A_434 : f32 to vector<16xf32>
    %neg3A_436 = arith.subf %neg3A_435, %max3A_433 : vector<16xf32>
    %scan3A_437 = arith.constant 0 : i32
    %scan3A_438 = arith.constant 0 : i32
    %scan3A_439 = arith.constant 16 : i32
    %scan3A_440 = arith.addi %scan3A_438, %scan3A_439 : i32
    %scan3A_441 = arith.constant 1 : i32
    %scan3A_442 = scf.for %scan3A_701 = %scan3A_438 to %scan3A_440 step %scan3A_441 iter_args(%scan3A_702 = %scan3A_437) -> (i32)  : i32 {
      %mul3A_703 = arith.constant 8 : i32
      %mul3A_704 = arith.muli %scan3A_701, %mul3A_703 : i32
      %add3A_705 = arith.constant 0 : i32
      %add3A_706 = arith.addi %mul3A_704, %add3A_705 : i32
      %mul3A_707 = arith.constant 16 : i32
      %mul3A_708 = arith.muli %add3A_706, %mul3A_707 : i32
      %get3A = arith.index_cast %mul3A_708 : i32 to index
      %get3A_709 = tpu.vector_load %arg6[%get3A] {strides = array<i32>} : memref<2048xf32, #tpu.memory_space<vmem>>, vector<16xf32>,
      %mul3A_710 = arith.constant 8 : i32
      %mul3A_711 = arith.muli %scan3A_701, %mul3A_710 : i32
      %add3A_712 = arith.constant 1 : i32
      %add3A_713 = arith.addi %mul3A_711, %add3A_712 : i32
      %mul3A_714 = arith.constant 16 : i32
      %mul3A_715 = arith.muli %add3A_713, %mul3A_714 : i32
      %get3A_716 = arith.index_cast %mul3A_715 : i32 to index
      %get3A_717 = tpu.vector_load %arg6[%get3A_716] {strides = array<i32>} : memref<2048xf32, #tpu.memory_space<vmem>>, vector<16xf32>,
      %mul3A_718 = arith.constant 8 : i32
      %mul3A_719 = arith.muli %scan3A_701, %mul3A_718 : i32
      %add3A_720 = arith.constant 2 : i32
      %add3A_721 = arith.addi %mul3A_719, %add3A_720 : i32
      %mul3A_722 = arith.constant 16 : i32
      %mul3A_723 = arith.muli %add3A_721, %mul3A_722 : i32
      %get3A_724 = arith.index_cast %mul3A_723 : i32 to index
      %get3A_725 = tpu.vector_load %arg6[%get3A_724] {strides = array<i32>} : memref<2048xf32, #tpu.memory_space<vmem>>, vector<16xf32>,
      %mul3A_726 = arith.constant 8 : i32
      %mul3A_727 = arith.muli %scan3A_701, %mul3A_726 : i32
      %add3A_728 = arith.constant 3 : i32
      %add3A_729 = arith.addi %mul3A_727, %add3A_728 : i32
      %mul3A_730 = arith.constant 16 : i32
      %mul3A_731 = arith.muli %add3A_729, %mul3A_730 : i32
      %get3A_732 = arith.index_cast %mul3A_731 : i32 to index
      %get3A_733 = tpu.vector_load %arg6[%get3A_732] {strides = array<i32>} : memref<2048xf32, #tpu.memory_space<vmem>>, vector<16xf32>,
      %mul3A_734 = arith.constant 8 : i32
      %mul3A_735 = arith.muli %scan3A_701, %mul3A_734 : i32
      %add3A_736 = arith.constant 4 : i32
      %add3A_737 = arith.addi %mul3A_735, %add3A_736 : i32
      %mul3A_738 = arith.constant 16 : i32
      %mul3A_739 = arith.muli %add3A_737, %mul3A_738 : i32
      %get3A_740 = arith.index_cast %mul3A_739 : i32 to index
      %get3A_741 = tpu.vector_load %arg6[%get3A_740] {strides = array<i32>} : memref<2048xf32, #tpu.memory_space<vmem>>, vector<16xf32>,
      %mul3A_742 = arith.constant 8 : i32
      %mul3A_743 = arith.muli %scan3A_701, %mul3A_742 : i32
      %add3A_744 = arith.constant 5 : i32
      %add3A_745 = arith.addi %mul3A_743, %add3A_744 : i32
      %mul3A_746 = arith.constant 16 : i32
      %mul3A_747 = arith.muli %add3A_745, %mul3A_746 : i32
      %get3A_748 = arith.index_cast %mul3A_747 : i32 to index
      %get3A_749 = tpu.vector_load %arg6[%get3A_748] {strides = array<i32>} : memref<2048xf32, #tpu.memory_space<vmem>>, vector<16xf32>,
      %mul3A_750 = arith.constant 8 : i32
      %mul3A_751 = arith.muli %scan3A_701, %mul3A_750 : i32
      %add3A_752 = arith.constant 6 : i32
      %add3A_753 = arith.addi %mul3A_751, %add3A_752 : i32
      %mul3A_754 = arith.constant 16 : i32
      %mul3A_755 = arith.muli %add3A_753, %mul3A_754 : i32
      %get3A_756 = arith.index_cast %mul3A_755 : i32 to index
      %get3A_757 = tpu.vector_load %arg6[%get3A_756] {strides = array<i32>} : memref<2048xf32, #tpu.memory_space<vmem>>, vector<16xf32>,
      %mul3A_758 = arith.constant 8 : i32
      %mul3A_759 = arith.muli %scan3A_701, %mul3A_758 : i32
      %add3A_760 = arith.constant 7 : i32
      %add3A_761 = arith.addi %mul3A_759, %add3A_760 : i32
      %mul3A_762 = arith.constant 16 : i32
      %mul3A_763 = arith.muli %add3A_761, %mul3A_762 : i32
      %get3A_764 = arith.index_cast %mul3A_763 : i32 to index
      %get3A_765 = tpu.vector_load %arg6[%get3A_764] {strides = array<i32>} : memref<2048xf32, #tpu.memory_space<vmem>>, vector<16xf32>,
      %ge3A = arith.cmpf oge, %get3A_709, %neg3A_436 : vector<16xf32>
      %ge3A_766 = arith.cmpf oge, %get3A_717, %neg3A_436 : vector<16xf32>
      %ge3A_767 = arith.cmpf oge, %get3A_725, %neg3A_436 : vector<16xf32>
      %ge3A_768 = arith.cmpf oge, %get3A_733, %neg3A_436 : vector<16xf32>
      %ge3A_769 = arith.cmpf oge, %get3A_741, %neg3A_436 : vector<16xf32>
      %ge3A_770 = arith.cmpf oge, %get3A_749, %neg3A_436 : vector<16xf32>
      %ge3A_771 = arith.cmpf oge, %get3A_757, %neg3A_436 : vector<16xf32>
      %ge3A_772 = arith.cmpf oge, %get3A_765, %neg3A_436 : vector<16xf32>
      %all_reduce_population_count3A = tpu.all_reduce %ge3A {dim = 0 : i64, kind = #tpu.reduction_kind<sum>} : vector<16xi1> -> vector<16xi32>
      %slice3A = vector.extract_strided_slice %all_reduce_population_count3A {offsets = [0], sizes = [1], strides = [1]} : vector<16xi32> to vector<1xi32>
      %squeeze3A = vector.extract %slice3A[0] : i32 from vector<1xi32>
      %all_reduce_population_count3A_773 = tpu.all_reduce %ge3A_766 {dim = 0 : i64, kind = #tpu.reduction_kind<sum>} : vector<16xi1> -> vector<16xi32>
      %slice3A_774 = vector.extract_strided_slice %all_reduce_population_count3A_773 {offsets = [0], sizes = [1], strides = [1]} : vector<16xi32> to vector<1xi32>
      %squeeze3A_775 = vector.extract %slice3A_774[0] : i32 from vector<1xi32>
      %all_reduce_population_count3A_776 = tpu.all_reduce %ge3A_767 {dim = 0 : i64, kind = #tpu.reduction_kind<sum>} : vector<16xi1> -> vector<16xi32>
      %slice3A_777 = vector.extract_strided_slice %all_reduce_population_count3A_776 {offsets = [0], sizes = [1], strides = [1]} : vector<16xi32> to vector<1xi32>
      %squeeze3A_778 = vector.extract %slice3A_777[0] : i32 from vector<1xi32>
      %all_reduce_population_count3A_779 = tpu.all_reduce %ge3A_768 {dim = 0 : i64, kind = #tpu.reduction_kind<sum>} : vector<16xi1> -> vector<16xi32>
      %slice3A_780 = vector.extract_strided_slice %all_reduce_population_count3A_779 {offsets = [0], sizes = [1], strides = [1]} : vector<16xi32> to vector<1xi32>
      %squeeze3A_781 = vector.extract %slice3A_780[0] : i32 from vector<1xi32>
      %all_reduce_population_count3A_782 = tpu.all_reduce %ge3A_769 {dim = 0 : i64, kind = #tpu.reduction_kind<sum>} : vector<16xi1> -> vector<16xi32>
      %slice3A_783 = vector.extract_strided_slice %all_reduce_population_count3A_782 {offsets = [0], sizes = [1], strides = [1]} : vector<16xi32> to vector<1xi32>
      %squeeze3A_784 = vector.extract %slice3A_783[0] : i32 from vector<1xi32>
      %all_reduce_population_count3A_785 = tpu.all_reduce %ge3A_770 {dim = 0 : i64, kind = #tpu.reduction_kind<sum>} : vector<16xi1> -> vector<16xi32>
      %slice3A_786 = vector.extract_strided_slice %all_reduce_population_count3A_785 {offsets = [0], sizes = [1], strides = [1]} : vector<16xi32> to vector<1xi32>
      %squeeze3A_787 = vector.extract %slice3A_786[0] : i32 from vector<1xi32>
      %all_reduce_population_count3A_788 = tpu.all_reduce %ge3A_771 {dim = 0 : i64, kind = #tpu.reduction_kind<sum>} : vector<16xi1> -> vector<16xi32>
      %slice3A_789 = vector.extract_strided_slice %all_reduce_population_count3A_788 {offsets = [0], sizes = [1], strides = [1]} : vector<16xi32> to vector<1xi32>
      %squeeze3A_790 = vector.extract %slice3A_789[0] : i32 from vector<1xi32>
      %all_reduce_population_count3A_791 = tpu.all_reduce %ge3A_772 {dim = 0 : i64, kind = #tpu.reduction_kind<sum>} : vector<16xi1> -> vector<16xi32>
      %slice3A_792 = vector.extract_strided_slice %all_reduce_population_count3A_791 {offsets = [0], sizes = [1], strides = [1]} : vector<16xi32> to vector<1xi32>
      %squeeze3A_793 = vector.extract %slice3A_792[0] : i32 from vector<1xi32>
      %mul3A_794 = arith.constant 8 : i32
      %mul3A_795 = arith.muli %scan3A_701, %mul3A_794 : i32
      %add3A_796 = arith.constant 0 : i32
      %add3A_797 = arith.addi %mul3A_795, %add3A_796 : i32
      %mul3A_798 = arith.constant 16 : i32
      %mul3A_799 = arith.muli %add3A_797, %mul3A_798 : i32
      %add3A_800 = vector.broadcast %mul3A_799 : i32 to vector<16xi32>
      %add3A_801 = arith.addi %add3A_800, %iota3A_367 : vector<16xi32>
      %swap3A_802 = arith.index_cast %scan3A_702 : i32 to index
      %swap3A_803 = tpu.vector_load %arg7[%swap3A_802] masked %ge3A {strides = array<i32>} : memref<2064xi32, #tpu.memory_space<vmem>>, vector<16xi32>, vector<16xi1>
      tpu.vector_store %arg7[%swap3A_802], %add3A_801 masked %ge3A {strides = array<i32>} : memref<2064xi32, #tpu.memory_space<vmem>>, vector<16xi32>, vector<16xi1>
      %add3A_804 = arith.addi %scan3A_702, %squeeze3A : i32
      %mul3A_805 = arith.constant 8 : i32
      %mul3A_806 = arith.muli %scan3A_701, %mul3A_805 : i32
      %add3A_807 = arith.constant 1 : i32
      %add3A_808 = arith.addi %mul3A_806, %add3A_807 : i32
      %mul3A_809 = arith.constant 16 : i32
      %mul3A_810 = arith.muli %add3A_808, %mul3A_809 : i32
      %add3A_811 = vector.broadcast %mul3A_810 : i32 to vector<16xi32>
      %add3A_812 = arith.addi %add3A_811, %iota3A_367 : vector<16xi32>
      %swap3A_813 = arith.index_cast %add3A_804 : i32 to index
      %swap3A_814 = tpu.vector_load %arg7[%swap3A_813] masked %ge3A_766 {strides = array<i32>} : memref<2064xi32, #tpu.memory_space<vmem>>, vector<16xi32>, vector<16xi1>
      tpu.vector_store %arg7[%swap3A_813], %add3A_812 masked %ge3A_766 {strides = array<i32>} : memref<2064xi32, #tpu.memory_space<vmem>>, vector<16xi32>, vector<16xi1>
      %add3A_815 = arith.addi %add3A_804, %squeeze3A_775 : i32
      %mul3A_816 = arith.constant 8 : i32
      %mul3A_817 = arith.muli %scan3A_701, %mul3A_816 : i32
      %add3A_818 = arith.constant 2 : i32
      %add3A_819 = arith.addi %mul3A_817, %add3A_818 : i32
      %mul3A_820 = arith.constant 16 : i32
      %mul3A_821 = arith.muli %add3A_819, %mul3A_820 : i32
      %add3A_822 = vector.broadcast %mul3A_821 : i32 to vector<16xi32>
      %add3A_823 = arith.addi %add3A_822, %iota3A_367 : vector<16xi32>
      %swap3A_824 = arith.index_cast %add3A_815 : i32 to index
      %swap3A_825 = tpu.vector_load %arg7[%swap3A_824] masked %ge3A_767 {strides = array<i32>} : memref<2064xi32, #tpu.memory_space<vmem>>, vector<16xi32>, vector<16xi1>
      tpu.vector_store %arg7[%swap3A_824], %add3A_823 masked %ge3A_767 {strides = array<i32>} : memref<2064xi32, #tpu.memory_space<vmem>>, vector<16xi32>, vector<16xi1>
      %add3A_826 = arith.addi %add3A_815, %squeeze3A_778 : i32
      %mul3A_827 = arith.constant 8 : i32
      %mul3A_828 = arith.muli %scan3A_701, %mul3A_827 : i32
      %add3A_829 = arith.constant 3 : i32
      %add3A_830 = arith.addi %mul3A_828, %add3A_829 : i32
      %mul3A_831 = arith.constant 16 : i32
      %mul3A_832 = arith.muli %add3A_830, %mul3A_831 : i32
      %add3A_833 = vector.broadcast %mul3A_832 : i32 to vector<16xi32>
      %add3A_834 = arith.addi %add3A_833, %iota3A_367 : vector<16xi32>
      %swap3A_835 = arith.index_cast %add3A_826 : i32 to index
      %swap3A_836 = tpu.vector_load %arg7[%swap3A_835] masked %ge3A_768 {strides = array<i32>} : memref<2064xi32, #tpu.memory_space<vmem>>, vector<16xi32>, vector<16xi1>
      tpu.vector_store %arg7[%swap3A_835], %add3A_834 masked %ge3A_768 {strides = array<i32>} : memref<2064xi32, #tpu.memory_space<vmem>>, vector<16xi32>, vector<16xi1>
      %add3A_837 = arith.addi %add3A_826, %squeeze3A_781 : i32
      %mul3A_838 = arith.constant 8 : i32
      %mul3A_839 = arith.muli %scan3A_701, %mul3A_838 : i32
      %add3A_840 = arith.constant 4 : i32
      %add3A_841 = arith.addi %mul3A_839, %add3A_840 : i32
      %mul3A_842 = arith.constant 16 : i32
      %mul3A_843 = arith.muli %add3A_841, %mul3A_842 : i32
      %add3A_844 = vector.broadcast %mul3A_843 : i32 to vector<16xi32>
      %add3A_845 = arith.addi %add3A_844, %iota3A_367 : vector<16xi32>
      %swap3A_846 = arith.index_cast %add3A_837 : i32 to index
      %swap3A_847 = tpu.vector_load %arg7[%swap3A_846] masked %ge3A_769 {strides = array<i32>} : memref<2064xi32, #tpu.memory_space<vmem>>, vector<16xi32>, vector<16xi1>
      tpu.vector_store %arg7[%swap3A_846], %add3A_845 masked %ge3A_769 {strides = array<i32>} : memref<2064xi32, #tpu.memory_space<vmem>>, vector<16xi32>, vector<16xi1>
      %add3A_848 = arith.addi %add3A_837, %squeeze3A_784 : i32
      %mul3A_849 = arith.constant 8 : i32
      %mul3A_850 = arith.muli %scan3A_701, %mul3A_849 : i32
      %add3A_851 = arith.constant 5 : i32
      %add3A_852 = arith.addi %mul3A_850, %add3A_851 : i32
      %mul3A_853 = arith.constant 16 : i32
      %mul3A_854 = arith.muli %add3A_852, %mul3A_853 : i32
      %add3A_855 = vector.broadcast %mul3A_854 : i32 to vector<16xi32>
      %add3A_856 = arith.addi %add3A_855, %iota3A_367 : vector<16xi32>
      %swap3A_857 = arith.index_cast %add3A_848 : i32 to index
      %swap3A_858 = tpu.vector_load %arg7[%swap3A_857] masked %ge3A_770 {strides = array<i32>} : memref<2064xi32, #tpu.memory_space<vmem>>, vector<16xi32>, vector<16xi1>
      tpu.vector_store %arg7[%swap3A_857], %add3A_856 masked %ge3A_770 {strides = array<i32>} : memref<2064xi32, #tpu.memory_space<vmem>>, vector<16xi32>, vector<16xi1>
      %add3A_859 = arith.addi %add3A_848, %squeeze3A_787 : i32
      %mul3A_860 = arith.constant 8 : i32
      %mul3A_861 = arith.muli %scan3A_701, %mul3A_860 : i32
      %add3A_862 = arith.constant 6 : i32
      %add3A_863 = arith.addi %mul3A_861, %add3A_862 : i32
      %mul3A_864 = arith.constant 16 : i32
      %mul3A_865 = arith.muli %add3A_863, %mul3A_864 : i32
      %add3A_866 = vector.broadcast %mul3A_865 : i32 to vector<16xi32>
      %add3A_867 = arith.addi %add3A_866, %iota3A_367 : vector<16xi32>
      %swap3A_868 = arith.index_cast %add3A_859 : i32 to index
      %swap3A_869 = tpu.vector_load %arg7[%swap3A_868] masked %ge3A_771 {strides = array<i32>} : memref<2064xi32, #tpu.memory_space<vmem>>, vector<16xi32>, vector<16xi1>
      tpu.vector_store %arg7[%swap3A_868], %add3A_867 masked %ge3A_771 {strides = array<i32>} : memref<2064xi32, #tpu.memory_space<vmem>>, vector<16xi32>, vector<16xi1>
      %add3A_870 = arith.addi %add3A_859, %squeeze3A_790 : i32
      %mul3A_871 = arith.constant 8 : i32
      %mul3A_872 = arith.muli %scan3A_701, %mul3A_871 : i32
      %add3A_873 = arith.constant 7 : i32
      %add3A_874 = arith.addi %mul3A_872, %add3A_873 : i32
      %mul3A_875 = arith.constant 16 : i32
      %mul3A_876 = arith.muli %add3A_874, %mul3A_875 : i32
      %add3A_877 = vector.broadcast %mul3A_876 : i32 to vector<16xi32>
      %add3A_878 = arith.addi %add3A_877, %iota3A_367 : vector<16xi32>
      %swap3A_879 = arith.index_cast %add3A_870 : i32 to index
      %swap3A_880 = tpu.vector_load %arg7[%swap3A_879] masked %ge3A_772 {strides = array<i32>} : memref<2064xi32, #tpu.memory_space<vmem>>, vector<16xi32>, vector<16xi1>
      tpu.vector_store %arg7[%swap3A_879], %add3A_878 masked %ge3A_772 {strides = array<i32>} : memref<2064xi32, #tpu.memory_space<vmem>>, vector<16xi32>, vector<16xi1>
      %add3A_881 = arith.addi %add3A_870, %squeeze3A_793 : i32
      scf.yield %add3A_881 : i32
    }
    %scan3A_443 = arith.constant 16 : i32
    %broadcast_in_dim3A_444 = arith.constant 0 : i32
    %broadcast_in_dim3A_445 = vector.broadcast %broadcast_in_dim3A_444 : i32 to vector<16xi32>
    %swap3A_446 = arith.index_cast %scan3A_442 : i32 to index
    %swap3A_447 = tpu.vector_load %arg7[%swap3A_446] {strides = array<i32>} : memref<2064xi32, #tpu.memory_space<vmem>>, vector<16xi32>,
    tpu.vector_store %arg7[%swap3A_446], %broadcast_in_dim3A_445 {strides = array<i32>} : memref<2064xi32, #tpu.memory_space<vmem>>, vector<16xi32>,
    %jit3A_448 = arith.constant 16 : i32
    %div3A_449 = arith.divsi %scan3A_442, %jit3A_448 : i32
    %sign3A_450 = arith.constant 0 : i32
    %sign3A_451 = arith.cmpi sgt, %scan3A_442, %sign3A_450 : i32
    %sign3A_452 = arith.extui %sign3A_451 : i1 to i32
    %sign3A_453 = arith.constant 0 : i32
    %sign3A_454 = arith.cmpi slt, %scan3A_442, %sign3A_453 : i32
    %sign3A_455 = arith.extui %sign3A_454 : i1 to i32
    %sign3A_456 = arith.subi %sign3A_452, %sign3A_455 : i32
    %sign3A_457 = arith.constant 0 : i32
    %sign3A_458 = arith.cmpi sgt, %jit3A_448, %sign3A_457 : i32
    %sign3A_459 = arith.extui %sign3A_458 : i1 to i32
    %sign3A_460 = arith.constant 0 : i32
    %sign3A_461 = arith.cmpi slt, %jit3A_448, %sign3A_460 : i32
    %sign3A_462 = arith.extui %sign3A_461 : i1 to i32
    %sign3A_463 = arith.subi %sign3A_459, %sign3A_462 : i32
    %ne3A_464 = arith.cmpi ne, %sign3A_456, %sign3A_463 : i32
    %rem3A_465 = arith.remsi %scan3A_442, %jit3A_448 : i32
    %ne3A_466 = arith.constant 0 : i32
    %ne3A_467 = arith.cmpi ne, %rem3A_465, %ne3A_466 : i32
    %and3A_468 = arith.andi %ne3A_464, %ne3A_467 : i1
    %sub3A_469 = arith.constant 1 : i32
    %sub3A_470 = arith.subi %div3A_449, %sub3A_469 : i32
    %select_n3A_471 = arith.select %and3A_468, %sub3A_470, %div3A_449 : i32
    %add3A_472 = arith.constant 1 : i32
    %add3A_473 = arith.addi %select_n3A_471, %add3A_472 : i32
    %while3A_474 = arith.constant 0 : i32
    %while3A_475 = arith.constant 0 : i32
    %while3A_476 = arith.subi %add3A_473, %while3A_474 : i32
    %while3A_477 = arith.addi %while3A_474, %while3A_476 : i32
    %while3A_478 = arith.constant 1 : i32
    %while3A_479 = arith.divsi %while3A_476, %while3A_478 : i32
    %while3A_480 = arith.muli %while3A_479, %while3A_478 : i32
    %while3A_481 = arith.addi %while3A_474, %while3A_480 : i32
    %while3A_482 = arith.constant 1 : i32
    %while3A_483 = scf.for %while3A_701 = %while3A_474 to %while3A_481 step %while3A_482 iter_args(%while3A_702 = %while3A_475) -> (i32)  : i32 {
      %mul3A_703 = arith.constant 16 : i32
      %mul3A_704 = arith.muli %while3A_701, %mul3A_703 : i32
      %get3A = arith.index_cast %mul3A_704 : i32 to index
      %get3A_705 = tpu.vector_load %arg7[%get3A] {strides = array<i32>} : memref<2064xi32, #tpu.memory_space<vmem>>, vector<16xi32>,
      %mul3A_706 = arith.constant 16 : i32
      %mul3A_707 = arith.muli %while3A_701, %mul3A_706 : i32
      %add3A_708 = vector.broadcast %mul3A_707 : i32 to vector<16xi32>
      %add3A_709 = arith.addi %add3A_708, %iota3A_367 : vector<16xi32>
      %lt3A_710 = vector.broadcast %scan3A_442 : i32 to vector<16xi32>
      %lt3A_711 = arith.cmpi slt, %add3A_709, %lt3A_710 : vector<16xi32>
      %shift_right_logical3A = arith.constant 4 : i32
      %shift_right_logical3A_712 = vector.broadcast %shift_right_logical3A : i32 to vector<16xi32>
      %shift_right_logical3A_713 = arith.shrui %get3A_705, %shift_right_logical3A_712 : vector<16xi32>
      %and3A_714 = arith.constant 15 : i32
      %and3A_715 = vector.broadcast %and3A_714 : i32 to vector<16xi32>
      %and3A_716 = arith.andi %get3A_705, %and3A_715 : vector<16xi32>
      %mul3A_717 = arith.constant 256 : i32
      %mul3A_718 = vector.broadcast %mul3A_717 : i32 to vector<16xi32>
      %mul3A_719 = arith.muli %shift_right_logical3A_713, %mul3A_718 : vector<16xi32>
      %add3A_720 = arith.addi %mul3A_719, %and3A_716 : vector<16xi32>
      %add3A_721 = arith.constant 0 : i32
      %add3A_722 = vector.broadcast %add3A_721 : i32 to vector<16xi32>
      %add3A_723 = arith.addi %add3A_720, %add3A_722 : vector<16xi32>
      %gather3A_724 = tpu.vector_load_idx %arg4[%add3A_723] masked %lt3A_711 : memref<32768xf32, #tpu.memory_space<vmem>>[vector<16xi32>], vector<16xf32>, vector<16xi1>
      %ge3A = arith.cmpf oge, %gather3A_724, %neg3A_436 : vector<16xf32>
      %and3A_725 = arith.andi %ge3A, %lt3A_711 : vector<16xi1>
      %all_reduce_population_count3A = tpu.all_reduce %and3A_725 {dim = 0 : i64, kind = #tpu.reduction_kind<sum>} : vector<16xi1> -> vector<16xi32>
      %slice3A = vector.extract_strided_slice %all_reduce_population_count3A {offsets = [0], sizes = [1], strides = [1]} : vector<16xi32> to vector<1xi32>
      %squeeze3A = vector.extract %slice3A[0] : i32 from vector<1xi32>
      %add3A_726 = arith.constant 16 : i32
      %add3A_727 = vector.broadcast %add3A_726 : i32 to vector<16xi32>
      %add3A_728 = arith.addi %add3A_720, %add3A_727 : vector<16xi32>
      %gather3A_729 = tpu.vector_load_idx %arg4[%add3A_728] masked %lt3A_711 : memref<32768xf32, #tpu.memory_space<vmem>>[vector<16xi32>], vector<16xf32>, vector<16xi1>
      %ge3A_730 = arith.cmpf oge, %gather3A_729, %neg3A_436 : vector<16xf32>
      %and3A_731 = arith.andi %ge3A_730, %lt3A_711 : vector<16xi1>
      %all_reduce_population_count3A_732 = tpu.all_reduce %and3A_731 {dim = 0 : i64, kind = #tpu.reduction_kind<sum>} : vector<16xi1> -> vector<16xi32>
      %slice3A_733 = vector.extract_strided_slice %all_reduce_population_count3A_732 {offsets = [0], sizes = [1], strides = [1]} : vector<16xi32> to vector<1xi32>
      %squeeze3A_734 = vector.extract %slice3A_733[0] : i32 from vector<1xi32>
      %add3A_735 = arith.constant 32 : i32
      %add3A_736 = vector.broadcast %add3A_735 : i32 to vector<16xi32>
      %add3A_737 = arith.addi %add3A_720, %add3A_736 : vector<16xi32>
      %gather3A_738 = tpu.vector_load_idx %arg4[%add3A_737] masked %lt3A_711 : memref<32768xf32, #tpu.memory_space<vmem>>[vector<16xi32>], vector<16xf32>, vector<16xi1>
      %ge3A_739 = arith.cmpf oge, %gather3A_738, %neg3A_436 : vector<16xf32>
      %and3A_740 = arith.andi %ge3A_739, %lt3A_711 : vector<16xi1>
      %all_reduce_population_count3A_741 = tpu.all_reduce %and3A_740 {dim = 0 : i64, kind = #tpu.reduction_kind<sum>} : vector<16xi1> -> vector<16xi32>
      %slice3A_742 = vector.extract_strided_slice %all_reduce_population_count3A_741 {offsets = [0], sizes = [1], strides = [1]} : vector<16xi32> to vector<1xi32>
      %squeeze3A_743 = vector.extract %slice3A_742[0] : i32 from vector<1xi32>
      %add3A_744 = arith.constant 48 : i32
      %add3A_745 = vector.broadcast %add3A_744 : i32 to vector<16xi32>
      %add3A_746 = arith.addi %add3A_720, %add3A_745 : vector<16xi32>
      %gather3A_747 = tpu.vector_load_idx %arg4[%add3A_746] masked %lt3A_711 : memref<32768xf32, #tpu.memory_space<vmem>>[vector<16xi32>], vector<16xf32>, vector<16xi1>
      %ge3A_748 = arith.cmpf oge, %gather3A_747, %neg3A_436 : vector<16xf32>
      %and3A_749 = arith.andi %ge3A_748, %lt3A_711 : vector<16xi1>
      %all_reduce_population_count3A_750 = tpu.all_reduce %and3A_749 {dim = 0 : i64, kind = #tpu.reduction_kind<sum>} : vector<16xi1> -> vector<16xi32>
      %slice3A_751 = vector.extract_strided_slice %all_reduce_population_count3A_750 {offsets = [0], sizes = [1], strides = [1]} : vector<16xi32> to vector<1xi32>
      %squeeze3A_752 = vector.extract %slice3A_751[0] : i32 from vector<1xi32>
      %add3A_753 = arith.constant 64 : i32
      %add3A_754 = vector.broadcast %add3A_753 : i32 to vector<16xi32>
      %add3A_755 = arith.addi %add3A_720, %add3A_754 : vector<16xi32>
      %gather3A_756 = tpu.vector_load_idx %arg4[%add3A_755] masked %lt3A_711 : memref<32768xf32, #tpu.memory_space<vmem>>[vector<16xi32>], vector<16xf32>, vector<16xi1>
      %ge3A_757 = arith.cmpf oge, %gather3A_756, %neg3A_436 : vector<16xf32>
      %and3A_758 = arith.andi %ge3A_757, %lt3A_711 : vector<16xi1>
      %all_reduce_population_count3A_759 = tpu.all_reduce %and3A_758 {dim = 0 : i64, kind = #tpu.reduction_kind<sum>} : vector<16xi1> -> vector<16xi32>
      %slice3A_760 = vector.extract_strided_slice %all_reduce_population_count3A_759 {offsets = [0], sizes = [1], strides = [1]} : vector<16xi32> to vector<1xi32>
      %squeeze3A_761 = vector.extract %slice3A_760[0] : i32 from vector<1xi32>
      %add3A_762 = arith.constant 80 : i32
      %add3A_763 = vector.broadcast %add3A_762 : i32 to vector<16xi32>
      %add3A_764 = arith.addi %add3A_720, %add3A_763 : vector<16xi32>
      %gather3A_765 = tpu.vector_load_idx %arg4[%add3A_764] masked %lt3A_711 : memref<32768xf32, #tpu.memory_space<vmem>>[vector<16xi32>], vector<16xf32>, vector<16xi1>
      %ge3A_766 = arith.cmpf oge, %gather3A_765, %neg3A_436 : vector<16xf32>
      %and3A_767 = arith.andi %ge3A_766, %lt3A_711 : vector<16xi1>
      %all_reduce_population_count3A_768 = tpu.all_reduce %and3A_767 {dim = 0 : i64, kind = #tpu.reduction_kind<sum>} : vector<16xi1> -> vector<16xi32>
      %slice3A_769 = vector.extract_strided_slice %all_reduce_population_count3A_768 {offsets = [0], sizes = [1], strides = [1]} : vector<16xi32> to vector<1xi32>
      %squeeze3A_770 = vector.extract %slice3A_769[0] : i32 from vector<1xi32>
      %add3A_771 = arith.constant 96 : i32
      %add3A_772 = vector.broadcast %add3A_771 : i32 to vector<16xi32>
      %add3A_773 = arith.addi %add3A_720, %add3A_772 : vector<16xi32>
      %gather3A_774 = tpu.vector_load_idx %arg4[%add3A_773] masked %lt3A_711 : memref<32768xf32, #tpu.memory_space<vmem>>[vector<16xi32>], vector<16xf32>, vector<16xi1>
      %ge3A_775 = arith.cmpf oge, %gather3A_774, %neg3A_436 : vector<16xf32>
      %and3A_776 = arith.andi %ge3A_775, %lt3A_711 : vector<16xi1>
      %all_reduce_population_count3A_777 = tpu.all_reduce %and3A_776 {dim = 0 : i64, kind = #tpu.reduction_kind<sum>} : vector<16xi1> -> vector<16xi32>
      %slice3A_778 = vector.extract_strided_slice %all_reduce_population_count3A_777 {offsets = [0], sizes = [1], strides = [1]} : vector<16xi32> to vector<1xi32>
      %squeeze3A_779 = vector.extract %slice3A_778[0] : i32 from vector<1xi32>
      %add3A_780 = arith.constant 112 : i32
      %add3A_781 = vector.broadcast %add3A_780 : i32 to vector<16xi32>
      %add3A_782 = arith.addi %add3A_720, %add3A_781 : vector<16xi32>
      %gather3A_783 = tpu.vector_load_idx %arg4[%add3A_782] masked %lt3A_711 : memref<32768xf32, #tpu.memory_space<vmem>>[vector<16xi32>], vector<16xf32>, vector<16xi1>
      %ge3A_784 = arith.cmpf oge, %gather3A_783, %neg3A_436 : vector<16xf32>
      %and3A_785 = arith.andi %ge3A_784, %lt3A_711 : vector<16xi1>
      %all_reduce_population_count3A_786 = tpu.all_reduce %and3A_785 {dim = 0 : i64, kind = #tpu.reduction_kind<sum>} : vector<16xi1> -> vector<16xi32>
      %slice3A_787 = vector.extract_strided_slice %all_reduce_population_count3A_786 {offsets = [0], sizes = [1], strides = [1]} : vector<16xi32> to vector<1xi32>
      %squeeze3A_788 = vector.extract %slice3A_787[0] : i32 from vector<1xi32>
      %add3A_789 = arith.constant 128 : i32
      %add3A_790 = vector.broadcast %add3A_789 : i32 to vector<16xi32>
      %add3A_791 = arith.addi %add3A_720, %add3A_790 : vector<16xi32>
      %gather3A_792 = tpu.vector_load_idx %arg4[%add3A_791] masked %lt3A_711 : memref<32768xf32, #tpu.memory_space<vmem>>[vector<16xi32>], vector<16xf32>, vector<16xi1>
      %ge3A_793 = arith.cmpf oge, %gather3A_792, %neg3A_436 : vector<16xf32>
      %and3A_794 = arith.andi %ge3A_793, %lt3A_711 : vector<16xi1>
      %all_reduce_population_count3A_795 = tpu.all_reduce %and3A_794 {dim = 0 : i64, kind = #tpu.reduction_kind<sum>} : vector<16xi1> -> vector<16xi32>
      %slice3A_796 = vector.extract_strided_slice %all_reduce_population_count3A_795 {offsets = [0], sizes = [1], strides = [1]} : vector<16xi32> to vector<1xi32>
      %squeeze3A_797 = vector.extract %slice3A_796[0] : i32 from vector<1xi32>
      %add3A_798 = arith.constant 144 : i32
      %add3A_799 = vector.broadcast %add3A_798 : i32 to vector<16xi32>
      %add3A_800 = arith.addi %add3A_720, %add3A_799 : vector<16xi32>
      %gather3A_801 = tpu.vector_load_idx %arg4[%add3A_800] masked %lt3A_711 : memref<32768xf32, #tpu.memory_space<vmem>>[vector<16xi32>], vector<16xf32>, vector<16xi1>
      %ge3A_802 = arith.cmpf oge, %gather3A_801, %neg3A_436 : vector<16xf32>
      %and3A_803 = arith.andi %ge3A_802, %lt3A_711 : vector<16xi1>
      %all_reduce_population_count3A_804 = tpu.all_reduce %and3A_803 {dim = 0 : i64, kind = #tpu.reduction_kind<sum>} : vector<16xi1> -> vector<16xi32>
      %slice3A_805 = vector.extract_strided_slice %all_reduce_population_count3A_804 {offsets = [0], sizes = [1], strides = [1]} : vector<16xi32> to vector<1xi32>
      %squeeze3A_806 = vector.extract %slice3A_805[0] : i32 from vector<1xi32>
      %add3A_807 = arith.constant 160 : i32
      %add3A_808 = vector.broadcast %add3A_807 : i32 to vector<16xi32>
      %add3A_809 = arith.addi %add3A_720, %add3A_808 : vector<16xi32>
      %gather3A_810 = tpu.vector_load_idx %arg4[%add3A_809] masked %lt3A_711 : memref<32768xf32, #tpu.memory_space<vmem>>[vector<16xi32>], vector<16xf32>, vector<16xi1>
      %ge3A_811 = arith.cmpf oge, %gather3A_810, %neg3A_436 : vector<16xf32>
      %and3A_812 = arith.andi %ge3A_811, %lt3A_711 : vector<16xi1>
      %all_reduce_population_count3A_813 = tpu.all_reduce %and3A_812 {dim = 0 : i64, kind = #tpu.reduction_kind<sum>} : vector<16xi1> -> vector<16xi32>
      %slice3A_814 = vector.extract_strided_slice %all_reduce_population_count3A_813 {offsets = [0], sizes = [1], strides = [1]} : vector<16xi32> to vector<1xi32>
      %squeeze3A_815 = vector.extract %slice3A_814[0] : i32 from vector<1xi32>
      %add3A_816 = arith.constant 176 : i32
      %add3A_817 = vector.broadcast %add3A_816 : i32 to vector<16xi32>
      %add3A_818 = arith.addi %add3A_720, %add3A_817 : vector<16xi32>
      %gather3A_819 = tpu.vector_load_idx %arg4[%add3A_818] masked %lt3A_711 : memref<32768xf32, #tpu.memory_space<vmem>>[vector<16xi32>], vector<16xf32>, vector<16xi1>
      %ge3A_820 = arith.cmpf oge, %gather3A_819, %neg3A_436 : vector<16xf32>
      %and3A_821 = arith.andi %ge3A_820, %lt3A_711 : vector<16xi1>
      %all_reduce_population_count3A_822 = tpu.all_reduce %and3A_821 {dim = 0 : i64, kind = #tpu.reduction_kind<sum>} : vector<16xi1> -> vector<16xi32>
      %slice3A_823 = vector.extract_strided_slice %all_reduce_population_count3A_822 {offsets = [0], sizes = [1], strides = [1]} : vector<16xi32> to vector<1xi32>
      %squeeze3A_824 = vector.extract %slice3A_823[0] : i32 from vector<1xi32>
      %add3A_825 = arith.constant 192 : i32
      %add3A_826 = vector.broadcast %add3A_825 : i32 to vector<16xi32>
      %add3A_827 = arith.addi %add3A_720, %add3A_826 : vector<16xi32>
      %gather3A_828 = tpu.vector_load_idx %arg4[%add3A_827] masked %lt3A_711 : memref<32768xf32, #tpu.memory_space<vmem>>[vector<16xi32>], vector<16xf32>, vector<16xi1>
      %ge3A_829 = arith.cmpf oge, %gather3A_828, %neg3A_436 : vector<16xf32>
      %and3A_830 = arith.andi %ge3A_829, %lt3A_711 : vector<16xi1>
      %all_reduce_population_count3A_831 = tpu.all_reduce %and3A_830 {dim = 0 : i64, kind = #tpu.reduction_kind<sum>} : vector<16xi1> -> vector<16xi32>
      %slice3A_832 = vector.extract_strided_slice %all_reduce_population_count3A_831 {offsets = [0], sizes = [1], strides = [1]} : vector<16xi32> to vector<1xi32>
      %squeeze3A_833 = vector.extract %slice3A_832[0] : i32 from vector<1xi32>
      %add3A_834 = arith.constant 208 : i32
      %add3A_835 = vector.broadcast %add3A_834 : i32 to vector<16xi32>
      %add3A_836 = arith.addi %add3A_720, %add3A_835 : vector<16xi32>
      %gather3A_837 = tpu.vector_load_idx %arg4[%add3A_836] masked %lt3A_711 : memref<32768xf32, #tpu.memory_space<vmem>>[vector<16xi32>], vector<16xf32>, vector<16xi1>
      %ge3A_838 = arith.cmpf oge, %gather3A_837, %neg3A_436 : vector<16xf32>
      %and3A_839 = arith.andi %ge3A_838, %lt3A_711 : vector<16xi1>
      %all_reduce_population_count3A_840 = tpu.all_reduce %and3A_839 {dim = 0 : i64, kind = #tpu.reduction_kind<sum>} : vector<16xi1> -> vector<16xi32>
      %slice3A_841 = vector.extract_strided_slice %all_reduce_population_count3A_840 {offsets = [0], sizes = [1], strides = [1]} : vector<16xi32> to vector<1xi32>
      %squeeze3A_842 = vector.extract %slice3A_841[0] : i32 from vector<1xi32>
      %add3A_843 = arith.constant 224 : i32
      %add3A_844 = vector.broadcast %add3A_843 : i32 to vector<16xi32>
      %add3A_845 = arith.addi %add3A_720, %add3A_844 : vector<16xi32>
      %gather3A_846 = tpu.vector_load_idx %arg4[%add3A_845] masked %lt3A_711 : memref<32768xf32, #tpu.memory_space<vmem>>[vector<16xi32>], vector<16xf32>, vector<16xi1>
      %ge3A_847 = arith.cmpf oge, %gather3A_846, %neg3A_436 : vector<16xf32>
      %and3A_848 = arith.andi %ge3A_847, %lt3A_711 : vector<16xi1>
      %all_reduce_population_count3A_849 = tpu.all_reduce %and3A_848 {dim = 0 : i64, kind = #tpu.reduction_kind<sum>} : vector<16xi1> -> vector<16xi32>
      %slice3A_850 = vector.extract_strided_slice %all_reduce_population_count3A_849 {offsets = [0], sizes = [1], strides = [1]} : vector<16xi32> to vector<1xi32>
      %squeeze3A_851 = vector.extract %slice3A_850[0] : i32 from vector<1xi32>
      %add3A_852 = arith.constant 240 : i32
      %add3A_853 = vector.broadcast %add3A_852 : i32 to vector<16xi32>
      %add3A_854 = arith.addi %add3A_720, %add3A_853 : vector<16xi32>
      %gather3A_855 = tpu.vector_load_idx %arg4[%add3A_854] masked %lt3A_711 : memref<32768xf32, #tpu.memory_space<vmem>>[vector<16xi32>], vector<16xf32>, vector<16xi1>
      %ge3A_856 = arith.cmpf oge, %gather3A_855, %neg3A_436 : vector<16xf32>
      %and3A_857 = arith.andi %ge3A_856, %lt3A_711 : vector<16xi1>
      %all_reduce_population_count3A_858 = tpu.all_reduce %and3A_857 {dim = 0 : i64, kind = #tpu.reduction_kind<sum>} : vector<16xi1> -> vector<16xi32>
      %slice3A_859 = vector.extract_strided_slice %all_reduce_population_count3A_858 {offsets = [0], sizes = [1], strides = [1]} : vector<16xi32> to vector<1xi32>
      %squeeze3A_860 = vector.extract %slice3A_859[0] : i32 from vector<1xi32>
      %swap3A_861 = arith.index_cast %while3A_702 : i32 to index
      %swap3A_862 = tpu.vector_load %arg8[%swap3A_861] masked %and3A_725 {strides = array<i32>} : memref<32784xf32, #tpu.memory_space<vmem>>, vector<16xf32>, vector<16xi1>
      tpu.vector_store %arg8[%swap3A_861], %gather3A_724 masked %and3A_725 {strides = array<i32>} : memref<32784xf32, #tpu.memory_space<vmem>>, vector<16xf32>, vector<16xi1>
      %add3A_863 = arith.addi %while3A_702, %squeeze3A : i32
      %swap3A_864 = arith.index_cast %add3A_863 : i32 to index
      %swap3A_865 = tpu.vector_load %arg8[%swap3A_864] masked %and3A_731 {strides = array<i32>} : memref<32784xf32, #tpu.memory_space<vmem>>, vector<16xf32>, vector<16xi1>
      tpu.vector_store %arg8[%swap3A_864], %gather3A_729 masked %and3A_731 {strides = array<i32>} : memref<32784xf32, #tpu.memory_space<vmem>>, vector<16xf32>, vector<16xi1>
      %add3A_866 = arith.addi %add3A_863, %squeeze3A_734 : i32
      %swap3A_867 = arith.index_cast %add3A_866 : i32 to index
      %swap3A_868 = tpu.vector_load %arg8[%swap3A_867] masked %and3A_740 {strides = array<i32>} : memref<32784xf32, #tpu.memory_space<vmem>>, vector<16xf32>, vector<16xi1>
      tpu.vector_store %arg8[%swap3A_867], %gather3A_738 masked %and3A_740 {strides = array<i32>} : memref<32784xf32, #tpu.memory_space<vmem>>, vector<16xf32>, vector<16xi1>
      %add3A_869 = arith.addi %add3A_866, %squeeze3A_743 : i32
      %swap3A_870 = arith.index_cast %add3A_869 : i32 to index
      %swap3A_871 = tpu.vector_load %arg8[%swap3A_870] masked %and3A_749 {strides = array<i32>} : memref<32784xf32, #tpu.memory_space<vmem>>, vector<16xf32>, vector<16xi1>
      tpu.vector_store %arg8[%swap3A_870], %gather3A_747 masked %and3A_749 {strides = array<i32>} : memref<32784xf32, #tpu.memory_space<vmem>>, vector<16xf32>, vector<16xi1>
      %add3A_872 = arith.addi %add3A_869, %squeeze3A_752 : i32
      %swap3A_873 = arith.index_cast %add3A_872 : i32 to index
      %swap3A_874 = tpu.vector_load %arg8[%swap3A_873] masked %and3A_758 {strides = array<i32>} : memref<32784xf32, #tpu.memory_space<vmem>>, vector<16xf32>, vector<16xi1>
      tpu.vector_store %arg8[%swap3A_873], %gather3A_756 masked %and3A_758 {strides = array<i32>} : memref<32784xf32, #tpu.memory_space<vmem>>, vector<16xf32>, vector<16xi1>
      %add3A_875 = arith.addi %add3A_872, %squeeze3A_761 : i32
      %swap3A_876 = arith.index_cast %add3A_875 : i32 to index
      %swap3A_877 = tpu.vector_load %arg8[%swap3A_876] masked %and3A_767 {strides = array<i32>} : memref<32784xf32, #tpu.memory_space<vmem>>, vector<16xf32>, vector<16xi1>
      tpu.vector_store %arg8[%swap3A_876], %gather3A_765 masked %and3A_767 {strides = array<i32>} : memref<32784xf32, #tpu.memory_space<vmem>>, vector<16xf32>, vector<16xi1>
      %add3A_878 = arith.addi %add3A_875, %squeeze3A_770 : i32
      %swap3A_879 = arith.index_cast %add3A_878 : i32 to index
      %swap3A_880 = tpu.vector_load %arg8[%swap3A_879] masked %and3A_776 {strides = array<i32>} : memref<32784xf32, #tpu.memory_space<vmem>>, vector<16xf32>, vector<16xi1>
      tpu.vector_store %arg8[%swap3A_879], %gather3A_774 masked %and3A_776 {strides = array<i32>} : memref<32784xf32, #tpu.memory_space<vmem>>, vector<16xf32>, vector<16xi1>
      %add3A_881 = arith.addi %add3A_878, %squeeze3A_779 : i32
      %swap3A_882 = arith.index_cast %add3A_881 : i32 to index
      %swap3A_883 = tpu.vector_load %arg8[%swap3A_882] masked %and3A_785 {strides = array<i32>} : memref<32784xf32, #tpu.memory_space<vmem>>, vector<16xf32>, vector<16xi1>
      tpu.vector_store %arg8[%swap3A_882], %gather3A_783 masked %and3A_785 {strides = array<i32>} : memref<32784xf32, #tpu.memory_space<vmem>>, vector<16xf32>, vector<16xi1>
      %add3A_884 = arith.addi %add3A_881, %squeeze3A_788 : i32
      %swap3A_885 = arith.index_cast %add3A_884 : i32 to index
      %swap3A_886 = tpu.vector_load %arg8[%swap3A_885] masked %and3A_794 {strides = array<i32>} : memref<32784xf32, #tpu.memory_space<vmem>>, vector<16xf32>, vector<16xi1>
      tpu.vector_store %arg8[%swap3A_885], %gather3A_792 masked %and3A_794 {strides = array<i32>} : memref<32784xf32, #tpu.memory_space<vmem>>, vector<16xf32>, vector<16xi1>
      %add3A_887 = arith.addi %add3A_884, %squeeze3A_797 : i32
      %swap3A_888 = arith.index_cast %add3A_887 : i32 to index
      %swap3A_889 = tpu.vector_load %arg8[%swap3A_888] masked %and3A_803 {strides = array<i32>} : memref<32784xf32, #tpu.memory_space<vmem>>, vector<16xf32>, vector<16xi1>
      tpu.vector_store %arg8[%swap3A_888], %gather3A_801 masked %and3A_803 {strides = array<i32>} : memref<32784xf32, #tpu.memory_space<vmem>>, vector<16xf32>, vector<16xi1>
      %add3A_890 = arith.addi %add3A_887, %squeeze3A_806 : i32
      %swap3A_891 = arith.index_cast %add3A_890 : i32 to index
      %swap3A_892 = tpu.vector_load %arg8[%swap3A_891] masked %and3A_812 {strides = array<i32>} : memref<32784xf32, #tpu.memory_space<vmem>>, vector<16xf32>, vector<16xi1>
      tpu.vector_store %arg8[%swap3A_891], %gather3A_810 masked %and3A_812 {strides = array<i32>} : memref<32784xf32, #tpu.memory_space<vmem>>, vector<16xf32>, vector<16xi1>
      %add3A_893 = arith.addi %add3A_890, %squeeze3A_815 : i32
      %swap3A_894 = arith.index_cast %add3A_893 : i32 to index
      %swap3A_895 = tpu.vector_load %arg8[%swap3A_894] masked %and3A_821 {strides = array<i32>} : memref<32784xf32, #tpu.memory_space<vmem>>, vector<16xf32>, vector<16xi1>
      tpu.vector_store %arg8[%swap3A_894], %gather3A_819 masked %and3A_821 {strides = array<i32>} : memref<32784xf32, #tpu.memory_space<vmem>>, vector<16xf32>, vector<16xi1>
      %add3A_896 = arith.addi %add3A_893, %squeeze3A_824 : i32
      %swap3A_897 = arith.index_cast %add3A_896 : i32 to index
      %swap3A_898 = tpu.vector_load %arg8[%swap3A_897] masked %and3A_830 {strides = array<i32>} : memref<32784xf32, #tpu.memory_space<vmem>>, vector<16xf32>, vector<16xi1>
      tpu.vector_store %arg8[%swap3A_897], %gather3A_828 masked %and3A_830 {strides = array<i32>} : memref<32784xf32, #tpu.memory_space<vmem>>, vector<16xf32>, vector<16xi1>
      %add3A_899 = arith.addi %add3A_896, %squeeze3A_833 : i32
      %swap3A_900 = arith.index_cast %add3A_899 : i32 to index
      %swap3A_901 = tpu.vector_load %arg8[%swap3A_900] masked %and3A_839 {strides = array<i32>} : memref<32784xf32, #tpu.memory_space<vmem>>, vector<16xf32>, vector<16xi1>
      tpu.vector_store %arg8[%swap3A_900], %gather3A_837 masked %and3A_839 {strides = array<i32>} : memref<32784xf32, #tpu.memory_space<vmem>>, vector<16xf32>, vector<16xi1>
      %add3A_902 = arith.addi %add3A_899, %squeeze3A_842 : i32
      %swap3A_903 = arith.index_cast %add3A_902 : i32 to index
      %swap3A_904 = tpu.vector_load %arg8[%swap3A_903] masked %and3A_848 {strides = array<i32>} : memref<32784xf32, #tpu.memory_space<vmem>>, vector<16xf32>, vector<16xi1>
      tpu.vector_store %arg8[%swap3A_903], %gather3A_846 masked %and3A_848 {strides = array<i32>} : memref<32784xf32, #tpu.memory_space<vmem>>, vector<16xf32>, vector<16xi1>
      %add3A_905 = arith.addi %add3A_902, %squeeze3A_851 : i32
      %swap3A_906 = arith.index_cast %add3A_905 : i32 to index
      %swap3A_907 = tpu.vector_load %arg8[%swap3A_906] masked %and3A_857 {strides = array<i32>} : memref<32784xf32, #tpu.memory_space<vmem>>, vector<16xf32>, vector<16xi1>
      tpu.vector_store %arg8[%swap3A_906], %gather3A_855 masked %and3A_857 {strides = array<i32>} : memref<32784xf32, #tpu.memory_space<vmem>>, vector<16xf32>, vector<16xi1>
      %add3A_908 = arith.addi %add3A_905, %squeeze3A_860 : i32
      scf.yield %add3A_908 : i32
    }
    %while3A_484 = arith.constant 1 : i32
    %while3A_485 = scf.for %while3A_701 = %while3A_481 to %while3A_477 step %while3A_484 iter_args(%while3A_702 = %while3A_483) -> (i32)  : i32 {
      %mul3A_703 = arith.constant 16 : i32
      %mul3A_704 = arith.muli %while3A_701, %mul3A_703 : i32
      %get3A = arith.index_cast %mul3A_704 : i32 to index
      %get3A_705 = tpu.vector_load %arg7[%get3A] {strides = array<i32>} : memref<2064xi32, #tpu.memory_space<vmem>>, vector<16xi32>,
      %mul3A_706 = arith.constant 16 : i32
      %mul3A_707 = arith.muli %while3A_701, %mul3A_706 : i32
      %add3A_708 = vector.broadcast %mul3A_707 : i32 to vector<16xi32>
      %add3A_709 = arith.addi %add3A_708, %iota3A_367 : vector<16xi32>
      %lt3A_710 = vector.broadcast %scan3A_442 : i32 to vector<16xi32>
      %lt3A_711 = arith.cmpi slt, %add3A_709, %lt3A_710 : vector<16xi32>
      %shift_right_logical3A = arith.constant 4 : i32
      %shift_right_logical3A_712 = vector.broadcast %shift_right_logical3A : i32 to vector<16xi32>
      %shift_right_logical3A_713 = arith.shrui %get3A_705, %shift_right_logical3A_712 : vector<16xi32>
      %and3A_714 = arith.constant 15 : i32
      %and3A_715 = vector.broadcast %and3A_714 : i32 to vector<16xi32>
      %and3A_716 = arith.andi %get3A_705, %and3A_715 : vector<16xi32>
      %mul3A_717 = arith.constant 256 : i32
      %mul3A_718 = vector.broadcast %mul3A_717 : i32 to vector<16xi32>
      %mul3A_719 = arith.muli %shift_right_logical3A_713, %mul3A_718 : vector<16xi32>
      %add3A_720 = arith.addi %mul3A_719, %and3A_716 : vector<16xi32>
      %add3A_721 = arith.constant 0 : i32
      %add3A_722 = vector.broadcast %add3A_721 : i32 to vector<16xi32>
      %add3A_723 = arith.addi %add3A_720, %add3A_722 : vector<16xi32>
      %gather3A_724 = tpu.vector_load_idx %arg4[%add3A_723] masked %lt3A_711 : memref<32768xf32, #tpu.memory_space<vmem>>[vector<16xi32>], vector<16xf32>, vector<16xi1>
      %ge3A = arith.cmpf oge, %gather3A_724, %neg3A_436 : vector<16xf32>
      %and3A_725 = arith.andi %ge3A, %lt3A_711 : vector<16xi1>
      %all_reduce_population_count3A = tpu.all_reduce %and3A_725 {dim = 0 : i64, kind = #tpu.reduction_kind<sum>} : vector<16xi1> -> vector<16xi32>
      %slice3A = vector.extract_strided_slice %all_reduce_population_count3A {offsets = [0], sizes = [1], strides = [1]} : vector<16xi32> to vector<1xi32>
      %squeeze3A = vector.extract %slice3A[0] : i32 from vector<1xi32>
      %add3A_726 = arith.constant 16 : i32
      %add3A_727 = vector.broadcast %add3A_726 : i32 to vector<16xi32>
      %add3A_728 = arith.addi %add3A_720, %add3A_727 : vector<16xi32>
      %gather3A_729 = tpu.vector_load_idx %arg4[%add3A_728] masked %lt3A_711 : memref<32768xf32, #tpu.memory_space<vmem>>[vector<16xi32>], vector<16xf32>, vector<16xi1>
      %ge3A_730 = arith.cmpf oge, %gather3A_729, %neg3A_436 : vector<16xf32>
      %and3A_731 = arith.andi %ge3A_730, %lt3A_711 : vector<16xi1>
      %all_reduce_population_count3A_732 = tpu.all_reduce %and3A_731 {dim = 0 : i64, kind = #tpu.reduction_kind<sum>} : vector<16xi1> -> vector<16xi32>
      %slice3A_733 = vector.extract_strided_slice %all_reduce_population_count3A_732 {offsets = [0], sizes = [1], strides = [1]} : vector<16xi32> to vector<1xi32>
      %squeeze3A_734 = vector.extract %slice3A_733[0] : i32 from vector<1xi32>
      %add3A_735 = arith.constant 32 : i32
      %add3A_736 = vector.broadcast %add3A_735 : i32 to vector<16xi32>
      %add3A_737 = arith.addi %add3A_720, %add3A_736 : vector<16xi32>
      %gather3A_738 = tpu.vector_load_idx %arg4[%add3A_737] masked %lt3A_711 : memref<32768xf32, #tpu.memory_space<vmem>>[vector<16xi32>], vector<16xf32>, vector<16xi1>
      %ge3A_739 = arith.cmpf oge, %gather3A_738, %neg3A_436 : vector<16xf32>
      %and3A_740 = arith.andi %ge3A_739, %lt3A_711 : vector<16xi1>
      %all_reduce_population_count3A_741 = tpu.all_reduce %and3A_740 {dim = 0 : i64, kind = #tpu.reduction_kind<sum>} : vector<16xi1> -> vector<16xi32>
      %slice3A_742 = vector.extract_strided_slice %all_reduce_population_count3A_741 {offsets = [0], sizes = [1], strides = [1]} : vector<16xi32> to vector<1xi32>
      %squeeze3A_743 = vector.extract %slice3A_742[0] : i32 from vector<1xi32>
      %add3A_744 = arith.constant 48 : i32
      %add3A_745 = vector.broadcast %add3A_744 : i32 to vector<16xi32>
      %add3A_746 = arith.addi %add3A_720, %add3A_745 : vector<16xi32>
      %gather3A_747 = tpu.vector_load_idx %arg4[%add3A_746] masked %lt3A_711 : memref<32768xf32, #tpu.memory_space<vmem>>[vector<16xi32>], vector<16xf32>, vector<16xi1>
      %ge3A_748 = arith.cmpf oge, %gather3A_747, %neg3A_436 : vector<16xf32>
      %and3A_749 = arith.andi %ge3A_748, %lt3A_711 : vector<16xi1>
      %all_reduce_population_count3A_750 = tpu.all_reduce %and3A_749 {dim = 0 : i64, kind = #tpu.reduction_kind<sum>} : vector<16xi1> -> vector<16xi32>
      %slice3A_751 = vector.extract_strided_slice %all_reduce_population_count3A_750 {offsets = [0], sizes = [1], strides = [1]} : vector<16xi32> to vector<1xi32>
      %squeeze3A_752 = vector.extract %slice3A_751[0] : i32 from vector<1xi32>
      %add3A_753 = arith.constant 64 : i32
      %add3A_754 = vector.broadcast %add3A_753 : i32 to vector<16xi32>
      %add3A_755 = arith.addi %add3A_720, %add3A_754 : vector<16xi32>
      %gather3A_756 = tpu.vector_load_idx %arg4[%add3A_755] masked %lt3A_711 : memref<32768xf32, #tpu.memory_space<vmem>>[vector<16xi32>], vector<16xf32>, vector<16xi1>
      %ge3A_757 = arith.cmpf oge, %gather3A_756, %neg3A_436 : vector<16xf32>
      %and3A_758 = arith.andi %ge3A_757, %lt3A_711 : vector<16xi1>
      %all_reduce_population_count3A_759 = tpu.all_reduce %and3A_758 {dim = 0 : i64, kind = #tpu.reduction_kind<sum>} : vector<16xi1> -> vector<16xi32>
      %slice3A_760 = vector.extract_strided_slice %all_reduce_population_count3A_759 {offsets = [0], sizes = [1], strides = [1]} : vector<16xi32> to vector<1xi32>
      %squeeze3A_761 = vector.extract %slice3A_760[0] : i32 from vector<1xi32>
      %add3A_762 = arith.constant 80 : i32
      %add3A_763 = vector.broadcast %add3A_762 : i32 to vector<16xi32>
      %add3A_764 = arith.addi %add3A_720, %add3A_763 : vector<16xi32>
      %gather3A_765 = tpu.vector_load_idx %arg4[%add3A_764] masked %lt3A_711 : memref<32768xf32, #tpu.memory_space<vmem>>[vector<16xi32>], vector<16xf32>, vector<16xi1>
      %ge3A_766 = arith.cmpf oge, %gather3A_765, %neg3A_436 : vector<16xf32>
      %and3A_767 = arith.andi %ge3A_766, %lt3A_711 : vector<16xi1>
      %all_reduce_population_count3A_768 = tpu.all_reduce %and3A_767 {dim = 0 : i64, kind = #tpu.reduction_kind<sum>} : vector<16xi1> -> vector<16xi32>
      %slice3A_769 = vector.extract_strided_slice %all_reduce_population_count3A_768 {offsets = [0], sizes = [1], strides = [1]} : vector<16xi32> to vector<1xi32>
      %squeeze3A_770 = vector.extract %slice3A_769[0] : i32 from vector<1xi32>
      %add3A_771 = arith.constant 96 : i32
      %add3A_772 = vector.broadcast %add3A_771 : i32 to vector<16xi32>
      %add3A_773 = arith.addi %add3A_720, %add3A_772 : vector<16xi32>
      %gather3A_774 = tpu.vector_load_idx %arg4[%add3A_773] masked %lt3A_711 : memref<32768xf32, #tpu.memory_space<vmem>>[vector<16xi32>], vector<16xf32>, vector<16xi1>
      %ge3A_775 = arith.cmpf oge, %gather3A_774, %neg3A_436 : vector<16xf32>
      %and3A_776 = arith.andi %ge3A_775, %lt3A_711 : vector<16xi1>
      %all_reduce_population_count3A_777 = tpu.all_reduce %and3A_776 {dim = 0 : i64, kind = #tpu.reduction_kind<sum>} : vector<16xi1> -> vector<16xi32>
      %slice3A_778 = vector.extract_strided_slice %all_reduce_population_count3A_777 {offsets = [0], sizes = [1], strides = [1]} : vector<16xi32> to vector<1xi32>
      %squeeze3A_779 = vector.extract %slice3A_778[0] : i32 from vector<1xi32>
      %add3A_780 = arith.constant 112 : i32
      %add3A_781 = vector.broadcast %add3A_780 : i32 to vector<16xi32>
      %add3A_782 = arith.addi %add3A_720, %add3A_781 : vector<16xi32>
      %gather3A_783 = tpu.vector_load_idx %arg4[%add3A_782] masked %lt3A_711 : memref<32768xf32, #tpu.memory_space<vmem>>[vector<16xi32>], vector<16xf32>, vector<16xi1>
      %ge3A_784 = arith.cmpf oge, %gather3A_783, %neg3A_436 : vector<16xf32>
      %and3A_785 = arith.andi %ge3A_784, %lt3A_711 : vector<16xi1>
      %all_reduce_population_count3A_786 = tpu.all_reduce %and3A_785 {dim = 0 : i64, kind = #tpu.reduction_kind<sum>} : vector<16xi1> -> vector<16xi32>
      %slice3A_787 = vector.extract_strided_slice %all_reduce_population_count3A_786 {offsets = [0], sizes = [1], strides = [1]} : vector<16xi32> to vector<1xi32>
      %squeeze3A_788 = vector.extract %slice3A_787[0] : i32 from vector<1xi32>
      %add3A_789 = arith.constant 128 : i32
      %add3A_790 = vector.broadcast %add3A_789 : i32 to vector<16xi32>
      %add3A_791 = arith.addi %add3A_720, %add3A_790 : vector<16xi32>
      %gather3A_792 = tpu.vector_load_idx %arg4[%add3A_791] masked %lt3A_711 : memref<32768xf32, #tpu.memory_space<vmem>>[vector<16xi32>], vector<16xf32>, vector<16xi1>
      %ge3A_793 = arith.cmpf oge, %gather3A_792, %neg3A_436 : vector<16xf32>
      %and3A_794 = arith.andi %ge3A_793, %lt3A_711 : vector<16xi1>
      %all_reduce_population_count3A_795 = tpu.all_reduce %and3A_794 {dim = 0 : i64, kind = #tpu.reduction_kind<sum>} : vector<16xi1> -> vector<16xi32>
      %slice3A_796 = vector.extract_strided_slice %all_reduce_population_count3A_795 {offsets = [0], sizes = [1], strides = [1]} : vector<16xi32> to vector<1xi32>
      %squeeze3A_797 = vector.extract %slice3A_796[0] : i32 from vector<1xi32>
      %add3A_798 = arith.constant 144 : i32
      %add3A_799 = vector.broadcast %add3A_798 : i32 to vector<16xi32>
      %add3A_800 = arith.addi %add3A_720, %add3A_799 : vector<16xi32>
      %gather3A_801 = tpu.vector_load_idx %arg4[%add3A_800] masked %lt3A_711 : memref<32768xf32, #tpu.memory_space<vmem>>[vector<16xi32>], vector<16xf32>, vector<16xi1>
      %ge3A_802 = arith.cmpf oge, %gather3A_801, %neg3A_436 : vector<16xf32>
      %and3A_803 = arith.andi %ge3A_802, %lt3A_711 : vector<16xi1>
      %all_reduce_population_count3A_804 = tpu.all_reduce %and3A_803 {dim = 0 : i64, kind = #tpu.reduction_kind<sum>} : vector<16xi1> -> vector<16xi32>
      %slice3A_805 = vector.extract_strided_slice %all_reduce_population_count3A_804 {offsets = [0], sizes = [1], strides = [1]} : vector<16xi32> to vector<1xi32>
      %squeeze3A_806 = vector.extract %slice3A_805[0] : i32 from vector<1xi32>
      %add3A_807 = arith.constant 160 : i32
      %add3A_808 = vector.broadcast %add3A_807 : i32 to vector<16xi32>
      %add3A_809 = arith.addi %add3A_720, %add3A_808 : vector<16xi32>
      %gather3A_810 = tpu.vector_load_idx %arg4[%add3A_809] masked %lt3A_711 : memref<32768xf32, #tpu.memory_space<vmem>>[vector<16xi32>], vector<16xf32>, vector<16xi1>
      %ge3A_811 = arith.cmpf oge, %gather3A_810, %neg3A_436 : vector<16xf32>
      %and3A_812 = arith.andi %ge3A_811, %lt3A_711 : vector<16xi1>
      %all_reduce_population_count3A_813 = tpu.all_reduce %and3A_812 {dim = 0 : i64, kind = #tpu.reduction_kind<sum>} : vector<16xi1> -> vector<16xi32>
      %slice3A_814 = vector.extract_strided_slice %all_reduce_population_count3A_813 {offsets = [0], sizes = [1], strides = [1]} : vector<16xi32> to vector<1xi32>
      %squeeze3A_815 = vector.extract %slice3A_814[0] : i32 from vector<1xi32>
      %add3A_816 = arith.constant 176 : i32
      %add3A_817 = vector.broadcast %add3A_816 : i32 to vector<16xi32>
      %add3A_818 = arith.addi %add3A_720, %add3A_817 : vector<16xi32>
      %gather3A_819 = tpu.vector_load_idx %arg4[%add3A_818] masked %lt3A_711 : memref<32768xf32, #tpu.memory_space<vmem>>[vector<16xi32>], vector<16xf32>, vector<16xi1>
      %ge3A_820 = arith.cmpf oge, %gather3A_819, %neg3A_436 : vector<16xf32>
      %and3A_821 = arith.andi %ge3A_820, %lt3A_711 : vector<16xi1>
      %all_reduce_population_count3A_822 = tpu.all_reduce %and3A_821 {dim = 0 : i64, kind = #tpu.reduction_kind<sum>} : vector<16xi1> -> vector<16xi32>
      %slice3A_823 = vector.extract_strided_slice %all_reduce_population_count3A_822 {offsets = [0], sizes = [1], strides = [1]} : vector<16xi32> to vector<1xi32>
      %squeeze3A_824 = vector.extract %slice3A_823[0] : i32 from vector<1xi32>
      %add3A_825 = arith.constant 192 : i32
      %add3A_826 = vector.broadcast %add3A_825 : i32 to vector<16xi32>
      %add3A_827 = arith.addi %add3A_720, %add3A_826 : vector<16xi32>
      %gather3A_828 = tpu.vector_load_idx %arg4[%add3A_827] masked %lt3A_711 : memref<32768xf32, #tpu.memory_space<vmem>>[vector<16xi32>], vector<16xf32>, vector<16xi1>
      %ge3A_829 = arith.cmpf oge, %gather3A_828, %neg3A_436 : vector<16xf32>
      %and3A_830 = arith.andi %ge3A_829, %lt3A_711 : vector<16xi1>
      %all_reduce_population_count3A_831 = tpu.all_reduce %and3A_830 {dim = 0 : i64, kind = #tpu.reduction_kind<sum>} : vector<16xi1> -> vector<16xi32>
      %slice3A_832 = vector.extract_strided_slice %all_reduce_population_count3A_831 {offsets = [0], sizes = [1], strides = [1]} : vector<16xi32> to vector<1xi32>
      %squeeze3A_833 = vector.extract %slice3A_832[0] : i32 from vector<1xi32>
      %add3A_834 = arith.constant 208 : i32
      %add3A_835 = vector.broadcast %add3A_834 : i32 to vector<16xi32>
      %add3A_836 = arith.addi %add3A_720, %add3A_835 : vector<16xi32>
      %gather3A_837 = tpu.vector_load_idx %arg4[%add3A_836] masked %lt3A_711 : memref<32768xf32, #tpu.memory_space<vmem>>[vector<16xi32>], vector<16xf32>, vector<16xi1>
      %ge3A_838 = arith.cmpf oge, %gather3A_837, %neg3A_436 : vector<16xf32>
      %and3A_839 = arith.andi %ge3A_838, %lt3A_711 : vector<16xi1>
      %all_reduce_population_count3A_840 = tpu.all_reduce %and3A_839 {dim = 0 : i64, kind = #tpu.reduction_kind<sum>} : vector<16xi1> -> vector<16xi32>
      %slice3A_841 = vector.extract_strided_slice %all_reduce_population_count3A_840 {offsets = [0], sizes = [1], strides = [1]} : vector<16xi32> to vector<1xi32>
      %squeeze3A_842 = vector.extract %slice3A_841[0] : i32 from vector<1xi32>
      %add3A_843 = arith.constant 224 : i32
      %add3A_844 = vector.broadcast %add3A_843 : i32 to vector<16xi32>
      %add3A_845 = arith.addi %add3A_720, %add3A_844 : vector<16xi32>
      %gather3A_846 = tpu.vector_load_idx %arg4[%add3A_845] masked %lt3A_711 : memref<32768xf32, #tpu.memory_space<vmem>>[vector<16xi32>], vector<16xf32>, vector<16xi1>
      %ge3A_847 = arith.cmpf oge, %gather3A_846, %neg3A_436 : vector<16xf32>
      %and3A_848 = arith.andi %ge3A_847, %lt3A_711 : vector<16xi1>
      %all_reduce_population_count3A_849 = tpu.all_reduce %and3A_848 {dim = 0 : i64, kind = #tpu.reduction_kind<sum>} : vector<16xi1> -> vector<16xi32>
      %slice3A_850 = vector.extract_strided_slice %all_reduce_population_count3A_849 {offsets = [0], sizes = [1], strides = [1]} : vector<16xi32> to vector<1xi32>
      %squeeze3A_851 = vector.extract %slice3A_850[0] : i32 from vector<1xi32>
      %add3A_852 = arith.constant 240 : i32
      %add3A_853 = vector.broadcast %add3A_852 : i32 to vector<16xi32>
      %add3A_854 = arith.addi %add3A_720, %add3A_853 : vector<16xi32>
      %gather3A_855 = tpu.vector_load_idx %arg4[%add3A_854] masked %lt3A_711 : memref<32768xf32, #tpu.memory_space<vmem>>[vector<16xi32>], vector<16xf32>, vector<16xi1>
      %ge3A_856 = arith.cmpf oge, %gather3A_855, %neg3A_436 : vector<16xf32>
      %and3A_857 = arith.andi %ge3A_856, %lt3A_711 : vector<16xi1>
      %all_reduce_population_count3A_858 = tpu.all_reduce %and3A_857 {dim = 0 : i64, kind = #tpu.reduction_kind<sum>} : vector<16xi1> -> vector<16xi32>
      %slice3A_859 = vector.extract_strided_slice %all_reduce_population_count3A_858 {offsets = [0], sizes = [1], strides = [1]} : vector<16xi32> to vector<1xi32>
      %squeeze3A_860 = vector.extract %slice3A_859[0] : i32 from vector<1xi32>
      %swap3A_861 = arith.index_cast %while3A_702 : i32 to index
      %swap3A_862 = tpu.vector_load %arg8[%swap3A_861] masked %and3A_725 {strides = array<i32>} : memref<32784xf32, #tpu.memory_space<vmem>>, vector<16xf32>, vector<16xi1>
      tpu.vector_store %arg8[%swap3A_861], %gather3A_724 masked %and3A_725 {strides = array<i32>} : memref<32784xf32, #tpu.memory_space<vmem>>, vector<16xf32>, vector<16xi1>
      %add3A_863 = arith.addi %while3A_702, %squeeze3A : i32
      %swap3A_864 = arith.index_cast %add3A_863 : i32 to index
      %swap3A_865 = tpu.vector_load %arg8[%swap3A_864] masked %and3A_731 {strides = array<i32>} : memref<32784xf32, #tpu.memory_space<vmem>>, vector<16xf32>, vector<16xi1>
      tpu.vector_store %arg8[%swap3A_864], %gather3A_729 masked %and3A_731 {strides = array<i32>} : memref<32784xf32, #tpu.memory_space<vmem>>, vector<16xf32>, vector<16xi1>
      %add3A_866 = arith.addi %add3A_863, %squeeze3A_734 : i32
      %swap3A_867 = arith.index_cast %add3A_866 : i32 to index
      %swap3A_868 = tpu.vector_load %arg8[%swap3A_867] masked %and3A_740 {strides = array<i32>} : memref<32784xf32, #tpu.memory_space<vmem>>, vector<16xf32>, vector<16xi1>
      tpu.vector_store %arg8[%swap3A_867], %gather3A_738 masked %and3A_740 {strides = array<i32>} : memref<32784xf32, #tpu.memory_space<vmem>>, vector<16xf32>, vector<16xi1>
      %add3A_869 = arith.addi %add3A_866, %squeeze3A_743 : i32
      %swap3A_870 = arith.index_cast %add3A_869 : i32 to index
      %swap3A_871 = tpu.vector_load %arg8[%swap3A_870] masked %and3A_749 {strides = array<i32>} : memref<32784xf32, #tpu.memory_space<vmem>>, vector<16xf32>, vector<16xi1>
      tpu.vector_store %arg8[%swap3A_870], %gather3A_747 masked %and3A_749 {strides = array<i32>} : memref<32784xf32, #tpu.memory_space<vmem>>, vector<16xf32>, vector<16xi1>
      %add3A_872 = arith.addi %add3A_869, %squeeze3A_752 : i32
      %swap3A_873 = arith.index_cast %add3A_872 : i32 to index
      %swap3A_874 = tpu.vector_load %arg8[%swap3A_873] masked %and3A_758 {strides = array<i32>} : memref<32784xf32, #tpu.memory_space<vmem>>, vector<16xf32>, vector<16xi1>
      tpu.vector_store %arg8[%swap3A_873], %gather3A_756 masked %and3A_758 {strides = array<i32>} : memref<32784xf32, #tpu.memory_space<vmem>>, vector<16xf32>, vector<16xi1>
      %add3A_875 = arith.addi %add3A_872, %squeeze3A_761 : i32
      %swap3A_876 = arith.index_cast %add3A_875 : i32 to index
      %swap3A_877 = tpu.vector_load %arg8[%swap3A_876] masked %and3A_767 {strides = array<i32>} : memref<32784xf32, #tpu.memory_space<vmem>>, vector<16xf32>, vector<16xi1>
      tpu.vector_store %arg8[%swap3A_876], %gather3A_765 masked %and3A_767 {strides = array<i32>} : memref<32784xf32, #tpu.memory_space<vmem>>, vector<16xf32>, vector<16xi1>
      %add3A_878 = arith.addi %add3A_875, %squeeze3A_770 : i32
      %swap3A_879 = arith.index_cast %add3A_878 : i32 to index
      %swap3A_880 = tpu.vector_load %arg8[%swap3A_879] masked %and3A_776 {strides = array<i32>} : memref<32784xf32, #tpu.memory_space<vmem>>, vector<16xf32>, vector<16xi1>
      tpu.vector_store %arg8[%swap3A_879], %gather3A_774 masked %and3A_776 {strides = array<i32>} : memref<32784xf32, #tpu.memory_space<vmem>>, vector<16xf32>, vector<16xi1>
      %add3A_881 = arith.addi %add3A_878, %squeeze3A_779 : i32
      %swap3A_882 = arith.index_cast %add3A_881 : i32 to index
      %swap3A_883 = tpu.vector_load %arg8[%swap3A_882] masked %and3A_785 {strides = array<i32>} : memref<32784xf32, #tpu.memory_space<vmem>>, vector<16xf32>, vector<16xi1>
      tpu.vector_store %arg8[%swap3A_882], %gather3A_783 masked %and3A_785 {strides = array<i32>} : memref<32784xf32, #tpu.memory_space<vmem>>, vector<16xf32>, vector<16xi1>
      %add3A_884 = arith.addi %add3A_881, %squeeze3A_788 : i32
      %swap3A_885 = arith.index_cast %add3A_884 : i32 to index
      %swap3A_886 = tpu.vector_load %arg8[%swap3A_885] masked %and3A_794 {strides = array<i32>} : memref<32784xf32, #tpu.memory_space<vmem>>, vector<16xf32>, vector<16xi1>
      tpu.vector_store %arg8[%swap3A_885], %gather3A_792 masked %and3A_794 {strides = array<i32>} : memref<32784xf32, #tpu.memory_space<vmem>>, vector<16xf32>, vector<16xi1>
      %add3A_887 = arith.addi %add3A_884, %squeeze3A_797 : i32
      %swap3A_888 = arith.index_cast %add3A_887 : i32 to index
      %swap3A_889 = tpu.vector_load %arg8[%swap3A_888] masked %and3A_803 {strides = array<i32>} : memref<32784xf32, #tpu.memory_space<vmem>>, vector<16xf32>, vector<16xi1>
      tpu.vector_store %arg8[%swap3A_888], %gather3A_801 masked %and3A_803 {strides = array<i32>} : memref<32784xf32, #tpu.memory_space<vmem>>, vector<16xf32>, vector<16xi1>
      %add3A_890 = arith.addi %add3A_887, %squeeze3A_806 : i32
      %swap3A_891 = arith.index_cast %add3A_890 : i32 to index
      %swap3A_892 = tpu.vector_load %arg8[%swap3A_891] masked %and3A_812 {strides = array<i32>} : memref<32784xf32, #tpu.memory_space<vmem>>, vector<16xf32>, vector<16xi1>
      tpu.vector_store %arg8[%swap3A_891], %gather3A_810 masked %and3A_812 {strides = array<i32>} : memref<32784xf32, #tpu.memory_space<vmem>>, vector<16xf32>, vector<16xi1>
      %add3A_893 = arith.addi %add3A_890, %squeeze3A_815 : i32
      %swap3A_894 = arith.index_cast %add3A_893 : i32 to index
      %swap3A_895 = tpu.vector_load %arg8[%swap3A_894] masked %and3A_821 {strides = array<i32>} : memref<32784xf32, #tpu.memory_space<vmem>>, vector<16xf32>, vector<16xi1>
      tpu.vector_store %arg8[%swap3A_894], %gather3A_819 masked %and3A_821 {strides = array<i32>} : memref<32784xf32, #tpu.memory_space<vmem>>, vector<16xf32>, vector<16xi1>
      %add3A_896 = arith.addi %add3A_893, %squeeze3A_824 : i32
      %swap3A_897 = arith.index_cast %add3A_896 : i32 to index
      %swap3A_898 = tpu.vector_load %arg8[%swap3A_897] masked %and3A_830 {strides = array<i32>} : memref<32784xf32, #tpu.memory_space<vmem>>, vector<16xf32>, vector<16xi1>
      tpu.vector_store %arg8[%swap3A_897], %gather3A_828 masked %and3A_830 {strides = array<i32>} : memref<32784xf32, #tpu.memory_space<vmem>>, vector<16xf32>, vector<16xi1>
      %add3A_899 = arith.addi %add3A_896, %squeeze3A_833 : i32
      %swap3A_900 = arith.index_cast %add3A_899 : i32 to index
      %swap3A_901 = tpu.vector_load %arg8[%swap3A_900] masked %and3A_839 {strides = array<i32>} : memref<32784xf32, #tpu.memory_space<vmem>>, vector<16xf32>, vector<16xi1>
      tpu.vector_store %arg8[%swap3A_900], %gather3A_837 masked %and3A_839 {strides = array<i32>} : memref<32784xf32, #tpu.memory_space<vmem>>, vector<16xf32>, vector<16xi1>
      %add3A_902 = arith.addi %add3A_899, %squeeze3A_842 : i32
      %swap3A_903 = arith.index_cast %add3A_902 : i32 to index
      %swap3A_904 = tpu.vector_load %arg8[%swap3A_903] masked %and3A_848 {strides = array<i32>} : memref<32784xf32, #tpu.memory_space<vmem>>, vector<16xf32>, vector<16xi1>
      tpu.vector_store %arg8[%swap3A_903], %gather3A_846 masked %and3A_848 {strides = array<i32>} : memref<32784xf32, #tpu.memory_space<vmem>>, vector<16xf32>, vector<16xi1>
      %add3A_905 = arith.addi %add3A_902, %squeeze3A_851 : i32
      %swap3A_906 = arith.index_cast %add3A_905 : i32 to index
      %swap3A_907 = tpu.vector_load %arg8[%swap3A_906] masked %and3A_857 {strides = array<i32>} : memref<32784xf32, #tpu.memory_space<vmem>>, vector<16xf32>, vector<16xi1>
      tpu.vector_store %arg8[%swap3A_906], %gather3A_855 masked %and3A_857 {strides = array<i32>} : memref<32784xf32, #tpu.memory_space<vmem>>, vector<16xf32>, vector<16xi1>
      %add3A_908 = arith.addi %add3A_905, %squeeze3A_860 : i32
      scf.yield %add3A_908 : i32
    }
    %swap3A_486 = arith.index_cast %while3A_485 : i32 to index
    %swap3A_487 = tpu.vector_load %arg8[%swap3A_486] {strides = array<i32>} : memref<32784xf32, #tpu.memory_space<vmem>>, vector<16xf32>,
    tpu.vector_store %arg8[%swap3A_486], %broadcast_in_dim3A_366 {strides = array<i32>} : memref<32784xf32, #tpu.memory_space<vmem>>, vector<16xf32>,
    %jit3A_488 = arith.constant 16 : i32
    %div3A_489 = arith.divsi %while3A_485, %jit3A_488 : i32
    %sign3A_490 = arith.constant 0 : i32
    %sign3A_491 = arith.cmpi sgt, %while3A_485, %sign3A_490 : i32
    %sign3A_492 = arith.extui %sign3A_491 : i1 to i32
    %sign3A_493 = arith.constant 0 : i32
    %sign3A_494 = arith.cmpi slt, %while3A_485, %sign3A_493 : i32
    %sign3A_495 = arith.extui %sign3A_494 : i1 to i32
    %sign3A_496 = arith.subi %sign3A_492, %sign3A_495 : i32
    %sign3A_497 = arith.constant 0 : i32
    %sign3A_498 = arith.cmpi sgt, %jit3A_488, %sign3A_497 : i32
    %sign3A_499 = arith.extui %sign3A_498 : i1 to i32
    %sign3A_500 = arith.constant 0 : i32
    %sign3A_501 = arith.cmpi slt, %jit3A_488, %sign3A_500 : i32
    %sign3A_502 = arith.extui %sign3A_501 : i1 to i32
    %sign3A_503 = arith.subi %sign3A_499, %sign3A_502 : i32
    %ne3A_504 = arith.cmpi ne, %sign3A_496, %sign3A_503 : i32
    %rem3A_505 = arith.remsi %while3A_485, %jit3A_488 : i32
    %ne3A_506 = arith.constant 0 : i32
    %ne3A_507 = arith.cmpi ne, %rem3A_505, %ne3A_506 : i32
    %and3A_508 = arith.andi %ne3A_504, %ne3A_507 : i1
    %sub3A_509 = arith.constant 1 : i32
    %sub3A_510 = arith.subi %div3A_489, %sub3A_509 : i32
    %select_n3A_511 = arith.select %and3A_508, %sub3A_510, %div3A_489 : i32
    %add3A_512 = arith.constant 1 : i32
    %add3A_513 = arith.addi %select_n3A_511, %add3A_512 : i32
    %while3A_514 = arith.constant 0 : i32
    %while3A_515 = arith.subi %add3A_513, %while3A_514 : i32
    %while3A_516 = arith.addi %while3A_514, %while3A_515 : i32
    %while3A_517 = arith.constant 1 : i32
    %while3A_518 = arith.divsi %while3A_515, %while3A_517 : i32
    %while3A_519 = arith.muli %while3A_518, %while3A_517 : i32
    %while3A_520 = arith.addi %while3A_514, %while3A_519 : i32
    %while3A_521 = arith.constant 1 : i32
    %while3A_522:2 = scf.for %while3A_701 = %while3A_514 to %while3A_520 step %while3A_521 iter_args(%while3A_702 = %broadcast_in_dim3A_366, %while3A_703 = %broadcast_in_dim3A_366) -> (vector<16xf32>, vector<16xf32>)  : i32 {
      %mul3A_704 = arith.constant 16 : i32
      %mul3A_705 = arith.muli %while3A_701, %mul3A_704 : i32
      %get3A = arith.index_cast %mul3A_705 : i32 to index
      %get3A_706 = tpu.vector_load %arg8[%get3A] {strides = array<i32>} : memref<32784xf32, #tpu.memory_space<vmem>>, vector<16xf32>,
      %masked_sort3A = arith.constant dense<true> : vector<16xi1>
      %masked_sort3A_707, %masked_sort3A_708, %masked_sort3A_709 = tpu.sort %get3A_706, %get3A_706 masked %masked_sort3A {descending = true} : (vector<16xf32>, vector<16xf32>, vector<16xi1>) -> (vector<16xi1>, vector<16xf32>, vector<16xf32>)
      %rev3A = arith.constant 15 : i32
      %rev3A_710 = vector.broadcast %rev3A : i32 to vector<16xi32>
      %rev3A_711 = tpu.iota {dimensions = array<i32: 0>} : vector<16xi32>
      %rev3A_712 = arith.subi %rev3A_710, %rev3A_711 : vector<16xi32>
      %rev3A_713 = tpu.dynamic_gather %masked_sort3A_708[%rev3A_712] in [0] : vector<16xf32>, vector<16xi32> -> vector<16xf32>
      %max3A_714 = arith.maximumf %while3A_702, %rev3A_713 : vector<16xf32>
      %min3A = arith.minimumf %while3A_702, %rev3A_713 : vector<16xf32>
      %masked_sort3A_715 = arith.constant dense<true> : vector<16xi1>
      %masked_sort3A_716, %masked_sort3A_717, %masked_sort3A_718 = tpu.sort %min3A, %min3A masked %masked_sort3A_715 {descending = true} : (vector<16xf32>, vector<16xf32>, vector<16xi1>) -> (vector<16xi1>, vector<16xf32>, vector<16xf32>)
      %rev3A_719 = arith.constant 15 : i32
      %rev3A_720 = vector.broadcast %rev3A_719 : i32 to vector<16xi32>
      %rev3A_721 = tpu.iota {dimensions = array<i32: 0>} : vector<16xi32>
      %rev3A_722 = arith.subi %rev3A_720, %rev3A_721 : vector<16xi32>
      %rev3A_723 = tpu.dynamic_gather %while3A_703[%rev3A_722] in [0] : vector<16xf32>, vector<16xi32> -> vector<16xf32>
      %max3A_724 = arith.maximumf %masked_sort3A_717, %rev3A_723 : vector<16xf32>
      %masked_sort3A_725 = arith.constant dense<true> : vector<16xi1>
      %masked_sort3A_726, %masked_sort3A_727, %masked_sort3A_728 = tpu.sort %max3A_714, %max3A_714 masked %masked_sort3A_725 {descending = true} : (vector<16xf32>, vector<16xf32>, vector<16xi1>) -> (vector<16xi1>, vector<16xf32>, vector<16xf32>)
      %masked_sort3A_729 = arith.constant dense<true> : vector<16xi1>
      %masked_sort3A_730, %masked_sort3A_731, %masked_sort3A_732 = tpu.sort %max3A_724, %max3A_724 masked %masked_sort3A_729 {descending = true} : (vector<16xf32>, vector<16xf32>, vector<16xi1>) -> (vector<16xi1>, vector<16xf32>, vector<16xf32>)
      scf.yield %masked_sort3A_727, %masked_sort3A_731 : vector<16xf32>, vector<16xf32>
    }
    %while3A_523 = arith.constant 1 : i32
    %while3A_524:2 = scf.for %while3A_701 = %while3A_520 to %while3A_516 step %while3A_523 iter_args(%while3A_702 = %while3A_522#0, %while3A_703 = %while3A_522#1) -> (vector<16xf32>, vector<16xf32>)  : i32 {
      %mul3A_704 = arith.constant 16 : i32
      %mul3A_705 = arith.muli %while3A_701, %mul3A_704 : i32
      %get3A = arith.index_cast %mul3A_705 : i32 to index
      %get3A_706 = tpu.vector_load %arg8[%get3A] {strides = array<i32>} : memref<32784xf32, #tpu.memory_space<vmem>>, vector<16xf32>,
      %masked_sort3A = arith.constant dense<true> : vector<16xi1>
      %masked_sort3A_707, %masked_sort3A_708, %masked_sort3A_709 = tpu.sort %get3A_706, %get3A_706 masked %masked_sort3A {descending = true} : (vector<16xf32>, vector<16xf32>, vector<16xi1>) -> (vector<16xi1>, vector<16xf32>, vector<16xf32>)
      %rev3A = arith.constant 15 : i32
      %rev3A_710 = vector.broadcast %rev3A : i32 to vector<16xi32>
      %rev3A_711 = tpu.iota {dimensions = array<i32: 0>} : vector<16xi32>
      %rev3A_712 = arith.subi %rev3A_710, %rev3A_711 : vector<16xi32>
      %rev3A_713 = tpu.dynamic_gather %masked_sort3A_708[%rev3A_712] in [0] : vector<16xf32>, vector<16xi32> -> vector<16xf32>
      %max3A_714 = arith.maximumf %while3A_702, %rev3A_713 : vector<16xf32>
      %min3A = arith.minimumf %while3A_702, %rev3A_713 : vector<16xf32>
      %masked_sort3A_715 = arith.constant dense<true> : vector<16xi1>
      %masked_sort3A_716, %masked_sort3A_717, %masked_sort3A_718 = tpu.sort %min3A, %min3A masked %masked_sort3A_715 {descending = true} : (vector<16xf32>, vector<16xf32>, vector<16xi1>) -> (vector<16xi1>, vector<16xf32>, vector<16xf32>)
      %rev3A_719 = arith.constant 15 : i32
      %rev3A_720 = vector.broadcast %rev3A_719 : i32 to vector<16xi32>
      %rev3A_721 = tpu.iota {dimensions = array<i32: 0>} : vector<16xi32>
      %rev3A_722 = arith.subi %rev3A_720, %rev3A_721 : vector<16xi32>
      %rev3A_723 = tpu.dynamic_gather %while3A_703[%rev3A_722] in [0] : vector<16xf32>, vector<16xi32> -> vector<16xf32>
      %max3A_724 = arith.maximumf %masked_sort3A_717, %rev3A_723 : vector<16xf32>
      %masked_sort3A_725 = arith.constant dense<true> : vector<16xi1>
      %masked_sort3A_726, %masked_sort3A_727, %masked_sort3A_728 = tpu.sort %max3A_714, %max3A_714 masked %masked_sort3A_725 {descending = true} : (vector<16xf32>, vector<16xf32>, vector<16xi1>) -> (vector<16xi1>, vector<16xf32>, vector<16xf32>)
      %masked_sort3A_729 = arith.constant dense<true> : vector<16xi1>
      %masked_sort3A_730, %masked_sort3A_731, %masked_sort3A_732 = tpu.sort %max3A_724, %max3A_724 masked %masked_sort3A_729 {descending = true} : (vector<16xf32>, vector<16xf32>, vector<16xi1>) -> (vector<16xi1>, vector<16xf32>, vector<16xf32>)
      scf.yield %masked_sort3A_727, %masked_sort3A_731 : vector<16xf32>, vector<16xf32>
    }
    %swap3A_525 = arith.constant 64 : index
    %swap3A_526 = tpu.vector_load %arg9[%swap3A_525] {strides = array<i32>} : memref<144xf32, #tpu.memory_space<vmem>>, vector<16xf32>,
    tpu.vector_store %arg9[%swap3A_525], %while3A_524#0 {strides = array<i32>} : memref<144xf32, #tpu.memory_space<vmem>>, vector<16xf32>,
    %swap3A_527 = arith.constant 80 : index
    %swap3A_528 = tpu.vector_load %arg9[%swap3A_527] {strides = array<i32>} : memref<144xf32, #tpu.memory_space<vmem>>, vector<16xf32>,
    tpu.vector_store %arg9[%swap3A_527], %while3A_524#1 {strides = array<i32>} : memref<144xf32, #tpu.memory_space<vmem>>, vector<16xf32>,
    %dma_wait3A_529 = arith.constant 0 : i32
    %dma_wait3A_530 = tpu.memref_slice %arg2[%add3A_352, %dma_wait3A_529] : memref<128x32768xf32, #tpu.memory_space<hbm>> -> memref<1x32768xf32, #tpu.memory_space<hbm>>
    %dma_wait3A_531 = tpu.memref_squeeze %dma_wait3A_530 : memref<1x32768xf32, #tpu.memory_space<hbm>> -> memref<32768xf32, #tpu.memory_space<hbm>>
    %dma_wait3A_532 = arith.constant 0 : i32
    %dma_wait3A_533 = tpu.memref_slice %arg2[%add3A_352, %dma_wait3A_532] : memref<128x32768xf32, #tpu.memory_space<hbm>> -> memref<1x32768xf32, #tpu.memory_space<hbm>>
    %dma_wait3A_534 = tpu.memref_squeeze %dma_wait3A_533 : memref<1x32768xf32, #tpu.memory_space<hbm>> -> memref<32768xf32, #tpu.memory_space<hbm>>
    tpu.wait_dma2 semaphore(%arg11 : memref<!tpu.dma_semaphore, #tpu.memory_space<semaphore_mem>>) src(%dma_wait3A_534 : memref<32768xf32, #tpu.memory_space<hbm>>) dst(%arg5 : memref<32768xf32, #tpu.memory_space<vmem>>)
    %broadcast_in_dim3A_535 = arith.constant 0xFF800000 : f32
    %broadcast_in_dim3A_536 = vector.broadcast %broadcast_in_dim3A_535 : f32 to vector<16xf32>
    %iota3A_537 = tpu.iota {dimensions = array<i32: 0>} : vector<16xi32>
    %scan3A_538 = arith.constant 0 : i32
    %scan3A_539 = arith.constant 128 : i32
    %scan3A_540 = arith.addi %scan3A_538, %scan3A_539 : i32
    %scan3A_541 = arith.constant 1 : i32
    %scan3A_542:2 = scf.for %scan3A_701 = %scan3A_538 to %scan3A_540 step %scan3A_541 iter_args(%scan3A_702 = %broadcast_in_dim3A_536, %scan3A_703 = %broadcast_in_dim3A_536) -> (vector<16xf32>, vector<16xf32>)  : i32 {
      %mul3A_704 = arith.constant 256 : i32
      %mul3A_705 = arith.muli %scan3A_701, %mul3A_704 : i32
      %get3A = arith.index_cast %mul3A_705 : i32 to index
      %get3A_706 = tpu.vector_load %arg5[%get3A] {strides = array<i32>} : memref<32768xf32, #tpu.memory_space<vmem>>, vector<16xf32>,
      %add3A_707 = arith.constant 16 : i32
      %add3A_708 = arith.addi %mul3A_705, %add3A_707 : i32
      %get3A_709 = arith.index_cast %add3A_708 : i32 to index
      %get3A_710 = tpu.vector_load %arg5[%get3A_709] {strides = array<i32>} : memref<32768xf32, #tpu.memory_space<vmem>>, vector<16xf32>,
      %add3A_711 = arith.constant 32 : i32
      %add3A_712 = arith.addi %mul3A_705, %add3A_711 : i32
      %get3A_713 = arith.index_cast %add3A_712 : i32 to index
      %get3A_714 = tpu.vector_load %arg5[%get3A_713] {strides = array<i32>} : memref<32768xf32, #tpu.memory_space<vmem>>, vector<16xf32>,
      %add3A_715 = arith.constant 48 : i32
      %add3A_716 = arith.addi %mul3A_705, %add3A_715 : i32
      %get3A_717 = arith.index_cast %add3A_716 : i32 to index
      %get3A_718 = tpu.vector_load %arg5[%get3A_717] {strides = array<i32>} : memref<32768xf32, #tpu.memory_space<vmem>>, vector<16xf32>,
      %add3A_719 = arith.constant 64 : i32
      %add3A_720 = arith.addi %mul3A_705, %add3A_719 : i32
      %get3A_721 = arith.index_cast %add3A_720 : i32 to index
      %get3A_722 = tpu.vector_load %arg5[%get3A_721] {strides = array<i32>} : memref<32768xf32, #tpu.memory_space<vmem>>, vector<16xf32>,
      %max3A_723 = arith.maximumf %get3A_706, %get3A_722 : vector<16xf32>
      %add3A_724 = arith.constant 80 : i32
      %add3A_725 = arith.addi %mul3A_705, %add3A_724 : i32
      %get3A_726 = arith.index_cast %add3A_725 : i32 to index
      %get3A_727 = tpu.vector_load %arg5[%get3A_726] {strides = array<i32>} : memref<32768xf32, #tpu.memory_space<vmem>>, vector<16xf32>,
      %max3A_728 = arith.maximumf %get3A_710, %get3A_727 : vector<16xf32>
      %add3A_729 = arith.constant 96 : i32
      %add3A_730 = arith.addi %mul3A_705, %add3A_729 : i32
      %get3A_731 = arith.index_cast %add3A_730 : i32 to index
      %get3A_732 = tpu.vector_load %arg5[%get3A_731] {strides = array<i32>} : memref<32768xf32, #tpu.memory_space<vmem>>, vector<16xf32>,
      %max3A_733 = arith.maximumf %get3A_714, %get3A_732 : vector<16xf32>
      %add3A_734 = arith.constant 112 : i32
      %add3A_735 = arith.addi %mul3A_705, %add3A_734 : i32
      %get3A_736 = arith.index_cast %add3A_735 : i32 to index
      %get3A_737 = tpu.vector_load %arg5[%get3A_736] {strides = array<i32>} : memref<32768xf32, #tpu.memory_space<vmem>>, vector<16xf32>,
      %max3A_738 = arith.maximumf %get3A_718, %get3A_737 : vector<16xf32>
      %add3A_739 = arith.constant 128 : i32
      %add3A_740 = arith.addi %mul3A_705, %add3A_739 : i32
      %get3A_741 = arith.index_cast %add3A_740 : i32 to index
      %get3A_742 = tpu.vector_load %arg5[%get3A_741] {strides = array<i32>} : memref<32768xf32, #tpu.memory_space<vmem>>, vector<16xf32>,
      %max3A_743 = arith.maximumf %max3A_723, %get3A_742 : vector<16xf32>
      %add3A_744 = arith.constant 144 : i32
      %add3A_745 = arith.addi %mul3A_705, %add3A_744 : i32
      %get3A_746 = arith.index_cast %add3A_745 : i32 to index
      %get3A_747 = tpu.vector_load %arg5[%get3A_746] {strides = array<i32>} : memref<32768xf32, #tpu.memory_space<vmem>>, vector<16xf32>,
      %max3A_748 = arith.maximumf %max3A_728, %get3A_747 : vector<16xf32>
      %add3A_749 = arith.constant 160 : i32
      %add3A_750 = arith.addi %mul3A_705, %add3A_749 : i32
      %get3A_751 = arith.index_cast %add3A_750 : i32 to index
      %get3A_752 = tpu.vector_load %arg5[%get3A_751] {strides = array<i32>} : memref<32768xf32, #tpu.memory_space<vmem>>, vector<16xf32>,
      %max3A_753 = arith.maximumf %max3A_733, %get3A_752 : vector<16xf32>
      %add3A_754 = arith.constant 176 : i32
      %add3A_755 = arith.addi %mul3A_705, %add3A_754 : i32
      %get3A_756 = arith.index_cast %add3A_755 : i32 to index
      %get3A_757 = tpu.vector_load %arg5[%get3A_756] {strides = array<i32>} : memref<32768xf32, #tpu.memory_space<vmem>>, vector<16xf32>,
      %max3A_758 = arith.maximumf %max3A_738, %get3A_757 : vector<16xf32>
      %add3A_759 = arith.constant 192 : i32
      %add3A_760 = arith.addi %mul3A_705, %add3A_759 : i32
      %get3A_761 = arith.index_cast %add3A_760 : i32 to index
      %get3A_762 = tpu.vector_load %arg5[%get3A_761] {strides = array<i32>} : memref<32768xf32, #tpu.memory_space<vmem>>, vector<16xf32>,
      %max3A_763 = arith.maximumf %max3A_743, %get3A_762 : vector<16xf32>
      %add3A_764 = arith.constant 208 : i32
      %add3A_765 = arith.addi %mul3A_705, %add3A_764 : i32
      %get3A_766 = arith.index_cast %add3A_765 : i32 to index
      %get3A_767 = tpu.vector_load %arg5[%get3A_766] {strides = array<i32>} : memref<32768xf32, #tpu.memory_space<vmem>>, vector<16xf32>,
      %max3A_768 = arith.maximumf %max3A_748, %get3A_767 : vector<16xf32>
      %add3A_769 = arith.constant 224 : i32
      %add3A_770 = arith.addi %mul3A_705, %add3A_769 : i32
      %get3A_771 = arith.index_cast %add3A_770 : i32 to index
      %get3A_772 = tpu.vector_load %arg5[%get3A_771] {strides = array<i32>} : memref<32768xf32, #tpu.memory_space<vmem>>, vector<16xf32>,
      %max3A_773 = arith.maximumf %max3A_753, %get3A_772 : vector<16xf32>
      %add3A_774 = arith.constant 240 : i32
      %add3A_775 = arith.addi %mul3A_705, %add3A_774 : i32
      %get3A_776 = arith.index_cast %add3A_775 : i32 to index
      %get3A_777 = tpu.vector_load %arg5[%get3A_776] {strides = array<i32>} : memref<32768xf32, #tpu.memory_space<vmem>>, vector<16xf32>,
      %max3A_778 = arith.maximumf %max3A_758, %get3A_777 : vector<16xf32>
      %max3A_779 = arith.maximumf %max3A_763, %max3A_768 : vector<16xf32>
      %max3A_780 = arith.maximumf %max3A_773, %max3A_778 : vector<16xf32>
      %max3A_781 = arith.maximumf %max3A_779, %max3A_780 : vector<16xf32>
      %mul3A_782 = arith.constant 16 : i32
      %mul3A_783 = arith.muli %scan3A_701, %mul3A_782 : i32
      %swap3A_784 = arith.index_cast %mul3A_783 : i32 to index
      %swap3A_785 = tpu.vector_load %arg6[%swap3A_784] {strides = array<i32>} : memref<2048xf32, #tpu.memory_space<vmem>>, vector<16xf32>,
      tpu.vector_store %arg6[%swap3A_784], %max3A_781 {strides = array<i32>} : memref<2048xf32, #tpu.memory_space<vmem>>, vector<16xf32>,
      %min3A = arith.minimumf %scan3A_702, %max3A_781 : vector<16xf32>
      %max3A_786 = arith.maximumf %scan3A_702, %max3A_781 : vector<16xf32>
      %max3A_787 = arith.maximumf %scan3A_703, %min3A : vector<16xf32>
      scf.yield %max3A_786, %max3A_787 : vector<16xf32>, vector<16xf32>
    }
    %scan3A_543 = arith.constant 128 : i32
    %neg3A_544 = arith.constant 0.000000e+00 : f32
    %neg3A_545 = vector.broadcast %neg3A_544 : f32 to vector<16xf32>
    %neg3A_546 = arith.subf %neg3A_545, %scan3A_542#1 : vector<16xf32>
    %iota3A_547 = tpu.iota {dimensions = array<i32: 0>} : vector<16xi32>
    %xor3A_548 = arith.constant 8 : i32
    %xor3A_549 = vector.broadcast %xor3A_548 : i32 to vector<16xi32>
    %xor3A_550 = arith.xori %iota3A_547, %xor3A_549 : vector<16xi32>
    %lt3A_551 = arith.constant 0 : i32
    %lt3A_552 = vector.broadcast %lt3A_551 : i32 to vector<16xi32>
    %lt3A_553 = arith.cmpi slt, %xor3A_550, %lt3A_552 : vector<16xi32>
    %add3A_554 = arith.constant 16 : i32
    %add3A_555 = vector.broadcast %add3A_554 : i32 to vector<16xi32>
    %add3A_556 = arith.addi %xor3A_550, %add3A_555 : vector<16xi32>
    %select_n3A_557 = arith.select %lt3A_553, %add3A_556, %xor3A_550 : vector<16xi1>, vector<16xi32>
    %broadcast_in_dim3A_558 = vector.shape_cast %select_n3A_557 : vector<16xi32> to vector<16x1xi32>
    %gather3A_559 = vector.shape_cast %broadcast_in_dim3A_558 : vector<16x1xi32> to vector<16xi32>
    %gather3A_560 = tpu.dynamic_gather %neg3A_546[%gather3A_559] in [0] : vector<16xf32>, vector<16xi32> -> vector<16xf32>
    %max3A_561 = arith.maximumf %neg3A_546, %gather3A_560 : vector<16xf32>
    %xor3A_562 = arith.constant 4 : i32
    %xor3A_563 = vector.broadcast %xor3A_562 : i32 to vector<16xi32>
    %xor3A_564 = arith.xori %iota3A_547, %xor3A_563 : vector<16xi32>
    %lt3A_565 = arith.constant 0 : i32
    %lt3A_566 = vector.broadcast %lt3A_565 : i32 to vector<16xi32>
    %lt3A_567 = arith.cmpi slt, %xor3A_564, %lt3A_566 : vector<16xi32>
    %add3A_568 = arith.constant 16 : i32
    %add3A_569 = vector.broadcast %add3A_568 : i32 to vector<16xi32>
    %add3A_570 = arith.addi %xor3A_564, %add3A_569 : vector<16xi32>
    %select_n3A_571 = arith.select %lt3A_567, %add3A_570, %xor3A_564 : vector<16xi1>, vector<16xi32>
    %broadcast_in_dim3A_572 = vector.shape_cast %select_n3A_571 : vector<16xi32> to vector<16x1xi32>
    %gather3A_573 = vector.shape_cast %broadcast_in_dim3A_572 : vector<16x1xi32> to vector<16xi32>
    %gather3A_574 = tpu.dynamic_gather %max3A_561[%gather3A_573] in [0] : vector<16xf32>, vector<16xi32> -> vector<16xf32>
    %max3A_575 = arith.maximumf %max3A_561, %gather3A_574 : vector<16xf32>
    %xor3A_576 = arith.constant 2 : i32
    %xor3A_577 = vector.broadcast %xor3A_576 : i32 to vector<16xi32>
    %xor3A_578 = arith.xori %iota3A_547, %xor3A_577 : vector<16xi32>
    %lt3A_579 = arith.constant 0 : i32
    %lt3A_580 = vector.broadcast %lt3A_579 : i32 to vector<16xi32>
    %lt3A_581 = arith.cmpi slt, %xor3A_578, %lt3A_580 : vector<16xi32>
    %add3A_582 = arith.constant 16 : i32
    %add3A_583 = vector.broadcast %add3A_582 : i32 to vector<16xi32>
    %add3A_584 = arith.addi %xor3A_578, %add3A_583 : vector<16xi32>
    %select_n3A_585 = arith.select %lt3A_581, %add3A_584, %xor3A_578 : vector<16xi1>, vector<16xi32>
    %broadcast_in_dim3A_586 = vector.shape_cast %select_n3A_585 : vector<16xi32> to vector<16x1xi32>
    %gather3A_587 = vector.shape_cast %broadcast_in_dim3A_586 : vector<16x1xi32> to vector<16xi32>
    %gather3A_588 = tpu.dynamic_gather %max3A_575[%gather3A_587] in [0] : vector<16xf32>, vector<16xi32> -> vector<16xf32>
    %max3A_589 = arith.maximumf %max3A_575, %gather3A_588 : vector<16xf32>
    %xor3A_590 = arith.constant 1 : i32
    %xor3A_591 = vector.broadcast %xor3A_590 : i32 to vector<16xi32>
    %xor3A_592 = arith.xori %iota3A_547, %xor3A_591 : vector<16xi32>
    %lt3A_593 = arith.constant 0 : i32
    %lt3A_594 = vector.broadcast %lt3A_593 : i32 to vector<16xi32>
    %lt3A_595 = arith.cmpi slt, %xor3A_592, %lt3A_594 : vector<16xi32>
    %add3A_596 = arith.constant 16 : i32
    %add3A_597 = vector.broadcast %add3A_596 : i32 to vector<16xi32>
    %add3A_598 = arith.addi %xor3A_592, %add3A_597 : vector<16xi32>
    %select_n3A_599 = arith.select %lt3A_595, %add3A_598, %xor3A_592 : vector<16xi1>, vector<16xi32>
    %broadcast_in_dim3A_600 = vector.shape_cast %select_n3A_599 : vector<16xi32> to vector<16x1xi32>
    %gather3A_601 = vector.shape_cast %broadcast_in_dim3A_600 : vector<16x1xi32> to vector<16xi32>
    %gather3A_602 = tpu.dynamic_gather %max3A_589[%gather3A_601] in [0] : vector<16xf32>, vector<16xi32> -> vector<16xf32>
    %max3A_603 = arith.maximumf %max3A_589, %gather3A_602 : vector<16xf32>
    %neg3A_604 = arith.constant 0.000000e+00 : f32
    %neg3A_605 = vector.broadcast %neg3A_604 : f32 to vector<16xf32>
    %neg3A_606 = arith.subf %neg3A_605, %max3A_603 : vector<16xf32>
    %scan3A_607 = arith.constant 0 : i32
    %scan3A_608 = arith.constant 0 : i32
    %scan3A_609 = arith.constant 16 : i32
    %scan3A_610 = arith.addi %scan3A_608, %scan3A_609 : i32
    %scan3A_611 = arith.constant 1 : i32
    %scan3A_612 = scf.for %scan3A_701 = %scan3A_608 to %scan3A_610 step %scan3A_611 iter_args(%scan3A_702 = %scan3A_607) -> (i32)  : i32 {
      %mul3A_703 = arith.constant 8 : i32
      %mul3A_704 = arith.muli %scan3A_701, %mul3A_703 : i32
      %add3A_705 = arith.constant 0 : i32
      %add3A_706 = arith.addi %mul3A_704, %add3A_705 : i32
      %mul3A_707 = arith.constant 16 : i32
      %mul3A_708 = arith.muli %add3A_706, %mul3A_707 : i32
      %get3A = arith.index_cast %mul3A_708 : i32 to index
      %get3A_709 = tpu.vector_load %arg6[%get3A] {strides = array<i32>} : memref<2048xf32, #tpu.memory_space<vmem>>, vector<16xf32>,
      %mul3A_710 = arith.constant 8 : i32
      %mul3A_711 = arith.muli %scan3A_701, %mul3A_710 : i32
      %add3A_712 = arith.constant 1 : i32
      %add3A_713 = arith.addi %mul3A_711, %add3A_712 : i32
      %mul3A_714 = arith.constant 16 : i32
      %mul3A_715 = arith.muli %add3A_713, %mul3A_714 : i32
      %get3A_716 = arith.index_cast %mul3A_715 : i32 to index
      %get3A_717 = tpu.vector_load %arg6[%get3A_716] {strides = array<i32>} : memref<2048xf32, #tpu.memory_space<vmem>>, vector<16xf32>,
      %mul3A_718 = arith.constant 8 : i32
      %mul3A_719 = arith.muli %scan3A_701, %mul3A_718 : i32
      %add3A_720 = arith.constant 2 : i32
      %add3A_721 = arith.addi %mul3A_719, %add3A_720 : i32
      %mul3A_722 = arith.constant 16 : i32
      %mul3A_723 = arith.muli %add3A_721, %mul3A_722 : i32
      %get3A_724 = arith.index_cast %mul3A_723 : i32 to index
      %get3A_725 = tpu.vector_load %arg6[%get3A_724] {strides = array<i32>} : memref<2048xf32, #tpu.memory_space<vmem>>, vector<16xf32>,
      %mul3A_726 = arith.constant 8 : i32
      %mul3A_727 = arith.muli %scan3A_701, %mul3A_726 : i32
      %add3A_728 = arith.constant 3 : i32
      %add3A_729 = arith.addi %mul3A_727, %add3A_728 : i32
      %mul3A_730 = arith.constant 16 : i32
      %mul3A_731 = arith.muli %add3A_729, %mul3A_730 : i32
      %get3A_732 = arith.index_cast %mul3A_731 : i32 to index
      %get3A_733 = tpu.vector_load %arg6[%get3A_732] {strides = array<i32>} : memref<2048xf32, #tpu.memory_space<vmem>>, vector<16xf32>,
      %mul3A_734 = arith.constant 8 : i32
      %mul3A_735 = arith.muli %scan3A_701, %mul3A_734 : i32
      %add3A_736 = arith.constant 4 : i32
      %add3A_737 = arith.addi %mul3A_735, %add3A_736 : i32
      %mul3A_738 = arith.constant 16 : i32
      %mul3A_739 = arith.muli %add3A_737, %mul3A_738 : i32
      %get3A_740 = arith.index_cast %mul3A_739 : i32 to index
      %get3A_741 = tpu.vector_load %arg6[%get3A_740] {strides = array<i32>} : memref<2048xf32, #tpu.memory_space<vmem>>, vector<16xf32>,
      %mul3A_742 = arith.constant 8 : i32
      %mul3A_743 = arith.muli %scan3A_701, %mul3A_742 : i32
      %add3A_744 = arith.constant 5 : i32
      %add3A_745 = arith.addi %mul3A_743, %add3A_744 : i32
      %mul3A_746 = arith.constant 16 : i32
      %mul3A_747 = arith.muli %add3A_745, %mul3A_746 : i32
      %get3A_748 = arith.index_cast %mul3A_747 : i32 to index
      %get3A_749 = tpu.vector_load %arg6[%get3A_748] {strides = array<i32>} : memref<2048xf32, #tpu.memory_space<vmem>>, vector<16xf32>,
      %mul3A_750 = arith.constant 8 : i32
      %mul3A_751 = arith.muli %scan3A_701, %mul3A_750 : i32
      %add3A_752 = arith.constant 6 : i32
      %add3A_753 = arith.addi %mul3A_751, %add3A_752 : i32
      %mul3A_754 = arith.constant 16 : i32
      %mul3A_755 = arith.muli %add3A_753, %mul3A_754 : i32
      %get3A_756 = arith.index_cast %mul3A_755 : i32 to index
      %get3A_757 = tpu.vector_load %arg6[%get3A_756] {strides = array<i32>} : memref<2048xf32, #tpu.memory_space<vmem>>, vector<16xf32>,
      %mul3A_758 = arith.constant 8 : i32
      %mul3A_759 = arith.muli %scan3A_701, %mul3A_758 : i32
      %add3A_760 = arith.constant 7 : i32
      %add3A_761 = arith.addi %mul3A_759, %add3A_760 : i32
      %mul3A_762 = arith.constant 16 : i32
      %mul3A_763 = arith.muli %add3A_761, %mul3A_762 : i32
      %get3A_764 = arith.index_cast %mul3A_763 : i32 to index
      %get3A_765 = tpu.vector_load %arg6[%get3A_764] {strides = array<i32>} : memref<2048xf32, #tpu.memory_space<vmem>>, vector<16xf32>,
      %ge3A = arith.cmpf oge, %get3A_709, %neg3A_606 : vector<16xf32>
      %ge3A_766 = arith.cmpf oge, %get3A_717, %neg3A_606 : vector<16xf32>
      %ge3A_767 = arith.cmpf oge, %get3A_725, %neg3A_606 : vector<16xf32>
      %ge3A_768 = arith.cmpf oge, %get3A_733, %neg3A_606 : vector<16xf32>
      %ge3A_769 = arith.cmpf oge, %get3A_741, %neg3A_606 : vector<16xf32>
      %ge3A_770 = arith.cmpf oge, %get3A_749, %neg3A_606 : vector<16xf32>
      %ge3A_771 = arith.cmpf oge, %get3A_757, %neg3A_606 : vector<16xf32>
      %ge3A_772 = arith.cmpf oge, %get3A_765, %neg3A_606 : vector<16xf32>
      %all_reduce_population_count3A = tpu.all_reduce %ge3A {dim = 0 : i64, kind = #tpu.reduction_kind<sum>} : vector<16xi1> -> vector<16xi32>
      %slice3A = vector.extract_strided_slice %all_reduce_population_count3A {offsets = [0], sizes = [1], strides = [1]} : vector<16xi32> to vector<1xi32>
      %squeeze3A = vector.extract %slice3A[0] : i32 from vector<1xi32>
      %all_reduce_population_count3A_773 = tpu.all_reduce %ge3A_766 {dim = 0 : i64, kind = #tpu.reduction_kind<sum>} : vector<16xi1> -> vector<16xi32>
      %slice3A_774 = vector.extract_strided_slice %all_reduce_population_count3A_773 {offsets = [0], sizes = [1], strides = [1]} : vector<16xi32> to vector<1xi32>
      %squeeze3A_775 = vector.extract %slice3A_774[0] : i32 from vector<1xi32>
      %all_reduce_population_count3A_776 = tpu.all_reduce %ge3A_767 {dim = 0 : i64, kind = #tpu.reduction_kind<sum>} : vector<16xi1> -> vector<16xi32>
      %slice3A_777 = vector.extract_strided_slice %all_reduce_population_count3A_776 {offsets = [0], sizes = [1], strides = [1]} : vector<16xi32> to vector<1xi32>
      %squeeze3A_778 = vector.extract %slice3A_777[0] : i32 from vector<1xi32>
      %all_reduce_population_count3A_779 = tpu.all_reduce %ge3A_768 {dim = 0 : i64, kind = #tpu.reduction_kind<sum>} : vector<16xi1> -> vector<16xi32>
      %slice3A_780 = vector.extract_strided_slice %all_reduce_population_count3A_779 {offsets = [0], sizes = [1], strides = [1]} : vector<16xi32> to vector<1xi32>
      %squeeze3A_781 = vector.extract %slice3A_780[0] : i32 from vector<1xi32>
      %all_reduce_population_count3A_782 = tpu.all_reduce %ge3A_769 {dim = 0 : i64, kind = #tpu.reduction_kind<sum>} : vector<16xi1> -> vector<16xi32>
      %slice3A_783 = vector.extract_strided_slice %all_reduce_population_count3A_782 {offsets = [0], sizes = [1], strides = [1]} : vector<16xi32> to vector<1xi32>
      %squeeze3A_784 = vector.extract %slice3A_783[0] : i32 from vector<1xi32>
      %all_reduce_population_count3A_785 = tpu.all_reduce %ge3A_770 {dim = 0 : i64, kind = #tpu.reduction_kind<sum>} : vector<16xi1> -> vector<16xi32>
      %slice3A_786 = vector.extract_strided_slice %all_reduce_population_count3A_785 {offsets = [0], sizes = [1], strides = [1]} : vector<16xi32> to vector<1xi32>
      %squeeze3A_787 = vector.extract %slice3A_786[0] : i32 from vector<1xi32>
      %all_reduce_population_count3A_788 = tpu.all_reduce %ge3A_771 {dim = 0 : i64, kind = #tpu.reduction_kind<sum>} : vector<16xi1> -> vector<16xi32>
      %slice3A_789 = vector.extract_strided_slice %all_reduce_population_count3A_788 {offsets = [0], sizes = [1], strides = [1]} : vector<16xi32> to vector<1xi32>
      %squeeze3A_790 = vector.extract %slice3A_789[0] : i32 from vector<1xi32>
      %all_reduce_population_count3A_791 = tpu.all_reduce %ge3A_772 {dim = 0 : i64, kind = #tpu.reduction_kind<sum>} : vector<16xi1> -> vector<16xi32>
      %slice3A_792 = vector.extract_strided_slice %all_reduce_population_count3A_791 {offsets = [0], sizes = [1], strides = [1]} : vector<16xi32> to vector<1xi32>
      %squeeze3A_793 = vector.extract %slice3A_792[0] : i32 from vector<1xi32>
      %mul3A_794 = arith.constant 8 : i32
      %mul3A_795 = arith.muli %scan3A_701, %mul3A_794 : i32
      %add3A_796 = arith.constant 0 : i32
      %add3A_797 = arith.addi %mul3A_795, %add3A_796 : i32
      %mul3A_798 = arith.constant 16 : i32
      %mul3A_799 = arith.muli %add3A_797, %mul3A_798 : i32
      %add3A_800 = vector.broadcast %mul3A_799 : i32 to vector<16xi32>
      %add3A_801 = arith.addi %add3A_800, %iota3A_537 : vector<16xi32>
      %swap3A_802 = arith.index_cast %scan3A_702 : i32 to index
      %swap3A_803 = tpu.vector_load %arg7[%swap3A_802] masked %ge3A {strides = array<i32>} : memref<2064xi32, #tpu.memory_space<vmem>>, vector<16xi32>, vector<16xi1>
      tpu.vector_store %arg7[%swap3A_802], %add3A_801 masked %ge3A {strides = array<i32>} : memref<2064xi32, #tpu.memory_space<vmem>>, vector<16xi32>, vector<16xi1>
      %add3A_804 = arith.addi %scan3A_702, %squeeze3A : i32
      %mul3A_805 = arith.constant 8 : i32
      %mul3A_806 = arith.muli %scan3A_701, %mul3A_805 : i32
      %add3A_807 = arith.constant 1 : i32
      %add3A_808 = arith.addi %mul3A_806, %add3A_807 : i32
      %mul3A_809 = arith.constant 16 : i32
      %mul3A_810 = arith.muli %add3A_808, %mul3A_809 : i32
      %add3A_811 = vector.broadcast %mul3A_810 : i32 to vector<16xi32>
      %add3A_812 = arith.addi %add3A_811, %iota3A_537 : vector<16xi32>
      %swap3A_813 = arith.index_cast %add3A_804 : i32 to index
      %swap3A_814 = tpu.vector_load %arg7[%swap3A_813] masked %ge3A_766 {strides = array<i32>} : memref<2064xi32, #tpu.memory_space<vmem>>, vector<16xi32>, vector<16xi1>
      tpu.vector_store %arg7[%swap3A_813], %add3A_812 masked %ge3A_766 {strides = array<i32>} : memref<2064xi32, #tpu.memory_space<vmem>>, vector<16xi32>, vector<16xi1>
      %add3A_815 = arith.addi %add3A_804, %squeeze3A_775 : i32
      %mul3A_816 = arith.constant 8 : i32
      %mul3A_817 = arith.muli %scan3A_701, %mul3A_816 : i32
      %add3A_818 = arith.constant 2 : i32
      %add3A_819 = arith.addi %mul3A_817, %add3A_818 : i32
      %mul3A_820 = arith.constant 16 : i32
      %mul3A_821 = arith.muli %add3A_819, %mul3A_820 : i32
      %add3A_822 = vector.broadcast %mul3A_821 : i32 to vector<16xi32>
      %add3A_823 = arith.addi %add3A_822, %iota3A_537 : vector<16xi32>
      %swap3A_824 = arith.index_cast %add3A_815 : i32 to index
      %swap3A_825 = tpu.vector_load %arg7[%swap3A_824] masked %ge3A_767 {strides = array<i32>} : memref<2064xi32, #tpu.memory_space<vmem>>, vector<16xi32>, vector<16xi1>
      tpu.vector_store %arg7[%swap3A_824], %add3A_823 masked %ge3A_767 {strides = array<i32>} : memref<2064xi32, #tpu.memory_space<vmem>>, vector<16xi32>, vector<16xi1>
      %add3A_826 = arith.addi %add3A_815, %squeeze3A_778 : i32
      %mul3A_827 = arith.constant 8 : i32
      %mul3A_828 = arith.muli %scan3A_701, %mul3A_827 : i32
      %add3A_829 = arith.constant 3 : i32
      %add3A_830 = arith.addi %mul3A_828, %add3A_829 : i32
      %mul3A_831 = arith.constant 16 : i32
      %mul3A_832 = arith.muli %add3A_830, %mul3A_831 : i32
      %add3A_833 = vector.broadcast %mul3A_832 : i32 to vector<16xi32>
      %add3A_834 = arith.addi %add3A_833, %iota3A_537 : vector<16xi32>
      %swap3A_835 = arith.index_cast %add3A_826 : i32 to index
      %swap3A_836 = tpu.vector_load %arg7[%swap3A_835] masked %ge3A_768 {strides = array<i32>} : memref<2064xi32, #tpu.memory_space<vmem>>, vector<16xi32>, vector<16xi1>
      tpu.vector_store %arg7[%swap3A_835], %add3A_834 masked %ge3A_768 {strides = array<i32>} : memref<2064xi32, #tpu.memory_space<vmem>>, vector<16xi32>, vector<16xi1>
      %add3A_837 = arith.addi %add3A_826, %squeeze3A_781 : i32
      %mul3A_838 = arith.constant 8 : i32
      %mul3A_839 = arith.muli %scan3A_701, %mul3A_838 : i32
      %add3A_840 = arith.constant 4 : i32
      %add3A_841 = arith.addi %mul3A_839, %add3A_840 : i32
      %mul3A_842 = arith.constant 16 : i32
      %mul3A_843 = arith.muli %add3A_841, %mul3A_842 : i32
      %add3A_844 = vector.broadcast %mul3A_843 : i32 to vector<16xi32>
      %add3A_845 = arith.addi %add3A_844, %iota3A_537 : vector<16xi32>
      %swap3A_846 = arith.index_cast %add3A_837 : i32 to index
      %swap3A_847 = tpu.vector_load %arg7[%swap3A_846] masked %ge3A_769 {strides = array<i32>} : memref<2064xi32, #tpu.memory_space<vmem>>, vector<16xi32>, vector<16xi1>
      tpu.vector_store %arg7[%swap3A_846], %add3A_845 masked %ge3A_769 {strides = array<i32>} : memref<2064xi32, #tpu.memory_space<vmem>>, vector<16xi32>, vector<16xi1>
      %add3A_848 = arith.addi %add3A_837, %squeeze3A_784 : i32
      %mul3A_849 = arith.constant 8 : i32
      %mul3A_850 = arith.muli %scan3A_701, %mul3A_849 : i32
      %add3A_851 = arith.constant 5 : i32
      %add3A_852 = arith.addi %mul3A_850, %add3A_851 : i32
      %mul3A_853 = arith.constant 16 : i32
      %mul3A_854 = arith.muli %add3A_852, %mul3A_853 : i32
      %add3A_855 = vector.broadcast %mul3A_854 : i32 to vector<16xi32>
      %add3A_856 = arith.addi %add3A_855, %iota3A_537 : vector<16xi32>
      %swap3A_857 = arith.index_cast %add3A_848 : i32 to index
      %swap3A_858 = tpu.vector_load %arg7[%swap3A_857] masked %ge3A_770 {strides = array<i32>} : memref<2064xi32, #tpu.memory_space<vmem>>, vector<16xi32>, vector<16xi1>
      tpu.vector_store %arg7[%swap3A_857], %add3A_856 masked %ge3A_770 {strides = array<i32>} : memref<2064xi32, #tpu.memory_space<vmem>>, vector<16xi32>, vector<16xi1>
      %add3A_859 = arith.addi %add3A_848, %squeeze3A_787 : i32
      %mul3A_860 = arith.constant 8 : i32
      %mul3A_861 = arith.muli %scan3A_701, %mul3A_860 : i32
      %add3A_862 = arith.constant 6 : i32
      %add3A_863 = arith.addi %mul3A_861, %add3A_862 : i32
      %mul3A_864 = arith.constant 16 : i32
      %mul3A_865 = arith.muli %add3A_863, %mul3A_864 : i32
      %add3A_866 = vector.broadcast %mul3A_865 : i32 to vector<16xi32>
      %add3A_867 = arith.addi %add3A_866, %iota3A_537 : vector<16xi32>
      %swap3A_868 = arith.index_cast %add3A_859 : i32 to index
      %swap3A_869 = tpu.vector_load %arg7[%swap3A_868] masked %ge3A_771 {strides = array<i32>} : memref<2064xi32, #tpu.memory_space<vmem>>, vector<16xi32>, vector<16xi1>
      tpu.vector_store %arg7[%swap3A_868], %add3A_867 masked %ge3A_771 {strides = array<i32>} : memref<2064xi32, #tpu.memory_space<vmem>>, vector<16xi32>, vector<16xi1>
      %add3A_870 = arith.addi %add3A_859, %squeeze3A_790 : i32
      %mul3A_871 = arith.constant 8 : i32
      %mul3A_872 = arith.muli %scan3A_701, %mul3A_871 : i32
      %add3A_873 = arith.constant 7 : i32
      %add3A_874 = arith.addi %mul3A_872, %add3A_873 : i32
      %mul3A_875 = arith.constant 16 : i32
      %mul3A_876 = arith.muli %add3A_874, %mul3A_875 : i32
      %add3A_877 = vector.broadcast %mul3A_876 : i32 to vector<16xi32>
      %add3A_878 = arith.addi %add3A_877, %iota3A_537 : vector<16xi32>
      %swap3A_879 = arith.index_cast %add3A_870 : i32 to index
      %swap3A_880 = tpu.vector_load %arg7[%swap3A_879] masked %ge3A_772 {strides = array<i32>} : memref<2064xi32, #tpu.memory_space<vmem>>, vector<16xi32>, vector<16xi1>
      tpu.vector_store %arg7[%swap3A_879], %add3A_878 masked %ge3A_772 {strides = array<i32>} : memref<2064xi32, #tpu.memory_space<vmem>>, vector<16xi32>, vector<16xi1>
      %add3A_881 = arith.addi %add3A_870, %squeeze3A_793 : i32
      scf.yield %add3A_881 : i32
    }
    %scan3A_613 = arith.constant 16 : i32
    %broadcast_in_dim3A_614 = arith.constant 0 : i32
    %broadcast_in_dim3A_615 = vector.broadcast %broadcast_in_dim3A_614 : i32 to vector<16xi32>
    %swap3A_616 = arith.index_cast %scan3A_612 : i32 to index
    %swap3A_617 = tpu.vector_load %arg7[%swap3A_616] {strides = array<i32>} : memref<2064xi32, #tpu.memory_space<vmem>>, vector<16xi32>,
    tpu.vector_store %arg7[%swap3A_616], %broadcast_in_dim3A_615 {strides = array<i32>} : memref<2064xi32, #tpu.memory_space<vmem>>, vector<16xi32>,
    %jit3A_618 = arith.constant 16 : i32
    %div3A_619 = arith.divsi %scan3A_612, %jit3A_618 : i32
    %sign3A_620 = arith.constant 0 : i32
    %sign3A_621 = arith.cmpi sgt, %scan3A_612, %sign3A_620 : i32
    %sign3A_622 = arith.extui %sign3A_621 : i1 to i32
    %sign3A_623 = arith.constant 0 : i32
    %sign3A_624 = arith.cmpi slt, %scan3A_612, %sign3A_623 : i32
    %sign3A_625 = arith.extui %sign3A_624 : i1 to i32
    %sign3A_626 = arith.subi %sign3A_622, %sign3A_625 : i32
    %sign3A_627 = arith.constant 0 : i32
    %sign3A_628 = arith.cmpi sgt, %jit3A_618, %sign3A_627 : i32
    %sign3A_629 = arith.extui %sign3A_628 : i1 to i32
    %sign3A_630 = arith.constant 0 : i32
    %sign3A_631 = arith.cmpi slt, %jit3A_618, %sign3A_630 : i32
    %sign3A_632 = arith.extui %sign3A_631 : i1 to i32
    %sign3A_633 = arith.subi %sign3A_629, %sign3A_632 : i32
    %ne3A_634 = arith.cmpi ne, %sign3A_626, %sign3A_633 : i32
    %rem3A_635 = arith.remsi %scan3A_612, %jit3A_618 : i32
    %ne3A_636 = arith.constant 0 : i32
    %ne3A_637 = arith.cmpi ne, %rem3A_635, %ne3A_636 : i32
    %and3A_638 = arith.andi %ne3A_634, %ne3A_637 : i1
    %sub3A_639 = arith.constant 1 : i32
    %sub3A_640 = arith.subi %div3A_619, %sub3A_639 : i32
    %select_n3A_641 = arith.select %and3A_638, %sub3A_640, %div3A_619 : i32
    %add3A_642 = arith.constant 1 : i32
    %add3A_643 = arith.addi %select_n3A_641, %add3A_642 : i32
    %while3A_644 = arith.constant 0 : i32
    %while3A_645 = arith.constant 0 : i32
    %while3A_646 = arith.subi %add3A_643, %while3A_644 : i32
    %while3A_647 = arith.addi %while3A_644, %while3A_646 : i32
    %while3A_648 = arith.constant 1 : i32
    %while3A_649 = arith.divsi %while3A_646, %while3A_648 : i32
    %while3A_650 = arith.muli %while3A_649, %while3A_648 : i32
    %while3A_651 = arith.addi %while3A_644, %while3A_650 : i32
    %while3A_652 = arith.constant 1 : i32
    %while3A_653 = scf.for %while3A_701 = %while3A_644 to %while3A_651 step %while3A_652 iter_args(%while3A_702 = %while3A_645) -> (i32)  : i32 {
      %mul3A_703 = arith.constant 16 : i32
      %mul3A_704 = arith.muli %while3A_701, %mul3A_703 : i32
      %get3A = arith.index_cast %mul3A_704 : i32 to index
      %get3A_705 = tpu.vector_load %arg7[%get3A] {strides = array<i32>} : memref<2064xi32, #tpu.memory_space<vmem>>, vector<16xi32>,
      %mul3A_706 = arith.constant 16 : i32
      %mul3A_707 = arith.muli %while3A_701, %mul3A_706 : i32
      %add3A_708 = vector.broadcast %mul3A_707 : i32 to vector<16xi32>
      %add3A_709 = arith.addi %add3A_708, %iota3A_537 : vector<16xi32>
      %lt3A_710 = vector.broadcast %scan3A_612 : i32 to vector<16xi32>
      %lt3A_711 = arith.cmpi slt, %add3A_709, %lt3A_710 : vector<16xi32>
      %shift_right_logical3A = arith.constant 4 : i32
      %shift_right_logical3A_712 = vector.broadcast %shift_right_logical3A : i32 to vector<16xi32>
      %shift_right_logical3A_713 = arith.shrui %get3A_705, %shift_right_logical3A_712 : vector<16xi32>
      %and3A_714 = arith.constant 15 : i32
      %and3A_715 = vector.broadcast %and3A_714 : i32 to vector<16xi32>
      %and3A_716 = arith.andi %get3A_705, %and3A_715 : vector<16xi32>
      %mul3A_717 = arith.constant 256 : i32
      %mul3A_718 = vector.broadcast %mul3A_717 : i32 to vector<16xi32>
      %mul3A_719 = arith.muli %shift_right_logical3A_713, %mul3A_718 : vector<16xi32>
      %add3A_720 = arith.addi %mul3A_719, %and3A_716 : vector<16xi32>
      %add3A_721 = arith.constant 0 : i32
      %add3A_722 = vector.broadcast %add3A_721 : i32 to vector<16xi32>
      %add3A_723 = arith.addi %add3A_720, %add3A_722 : vector<16xi32>
      %gather3A_724 = tpu.vector_load_idx %arg5[%add3A_723] masked %lt3A_711 : memref<32768xf32, #tpu.memory_space<vmem>>[vector<16xi32>], vector<16xf32>, vector<16xi1>
      %ge3A = arith.cmpf oge, %gather3A_724, %neg3A_606 : vector<16xf32>
      %and3A_725 = arith.andi %ge3A, %lt3A_711 : vector<16xi1>
      %all_reduce_population_count3A = tpu.all_reduce %and3A_725 {dim = 0 : i64, kind = #tpu.reduction_kind<sum>} : vector<16xi1> -> vector<16xi32>
      %slice3A = vector.extract_strided_slice %all_reduce_population_count3A {offsets = [0], sizes = [1], strides = [1]} : vector<16xi32> to vector<1xi32>
      %squeeze3A = vector.extract %slice3A[0] : i32 from vector<1xi32>
      %add3A_726 = arith.constant 16 : i32
      %add3A_727 = vector.broadcast %add3A_726 : i32 to vector<16xi32>
      %add3A_728 = arith.addi %add3A_720, %add3A_727 : vector<16xi32>
      %gather3A_729 = tpu.vector_load_idx %arg5[%add3A_728] masked %lt3A_711 : memref<32768xf32, #tpu.memory_space<vmem>>[vector<16xi32>], vector<16xf32>, vector<16xi1>
      %ge3A_730 = arith.cmpf oge, %gather3A_729, %neg3A_606 : vector<16xf32>
      %and3A_731 = arith.andi %ge3A_730, %lt3A_711 : vector<16xi1>
      %all_reduce_population_count3A_732 = tpu.all_reduce %and3A_731 {dim = 0 : i64, kind = #tpu.reduction_kind<sum>} : vector<16xi1> -> vector<16xi32>
      %slice3A_733 = vector.extract_strided_slice %all_reduce_population_count3A_732 {offsets = [0], sizes = [1], strides = [1]} : vector<16xi32> to vector<1xi32>
      %squeeze3A_734 = vector.extract %slice3A_733[0] : i32 from vector<1xi32>
      %add3A_735 = arith.constant 32 : i32
      %add3A_736 = vector.broadcast %add3A_735 : i32 to vector<16xi32>
      %add3A_737 = arith.addi %add3A_720, %add3A_736 : vector<16xi32>
      %gather3A_738 = tpu.vector_load_idx %arg5[%add3A_737] masked %lt3A_711 : memref<32768xf32, #tpu.memory_space<vmem>>[vector<16xi32>], vector<16xf32>, vector<16xi1>
      %ge3A_739 = arith.cmpf oge, %gather3A_738, %neg3A_606 : vector<16xf32>
      %and3A_740 = arith.andi %ge3A_739, %lt3A_711 : vector<16xi1>
      %all_reduce_population_count3A_741 = tpu.all_reduce %and3A_740 {dim = 0 : i64, kind = #tpu.reduction_kind<sum>} : vector<16xi1> -> vector<16xi32>
      %slice3A_742 = vector.extract_strided_slice %all_reduce_population_count3A_741 {offsets = [0], sizes = [1], strides = [1]} : vector<16xi32> to vector<1xi32>
      %squeeze3A_743 = vector.extract %slice3A_742[0] : i32 from vector<1xi32>
      %add3A_744 = arith.constant 48 : i32
      %add3A_745 = vector.broadcast %add3A_744 : i32 to vector<16xi32>
      %add3A_746 = arith.addi %add3A_720, %add3A_745 : vector<16xi32>
      %gather3A_747 = tpu.vector_load_idx %arg5[%add3A_746] masked %lt3A_711 : memref<32768xf32, #tpu.memory_space<vmem>>[vector<16xi32>], vector<16xf32>, vector<16xi1>
      %ge3A_748 = arith.cmpf oge, %gather3A_747, %neg3A_606 : vector<16xf32>
      %and3A_749 = arith.andi %ge3A_748, %lt3A_711 : vector<16xi1>
      %all_reduce_population_count3A_750 = tpu.all_reduce %and3A_749 {dim = 0 : i64, kind = #tpu.reduction_kind<sum>} : vector<16xi1> -> vector<16xi32>
      %slice3A_751 = vector.extract_strided_slice %all_reduce_population_count3A_750 {offsets = [0], sizes = [1], strides = [1]} : vector<16xi32> to vector<1xi32>
      %squeeze3A_752 = vector.extract %slice3A_751[0] : i32 from vector<1xi32>
      %add3A_753 = arith.constant 64 : i32
      %add3A_754 = vector.broadcast %add3A_753 : i32 to vector<16xi32>
      %add3A_755 = arith.addi %add3A_720, %add3A_754 : vector<16xi32>
      %gather3A_756 = tpu.vector_load_idx %arg5[%add3A_755] masked %lt3A_711 : memref<32768xf32, #tpu.memory_space<vmem>>[vector<16xi32>], vector<16xf32>, vector<16xi1>
      %ge3A_757 = arith.cmpf oge, %gather3A_756, %neg3A_606 : vector<16xf32>
      %and3A_758 = arith.andi %ge3A_757, %lt3A_711 : vector<16xi1>
      %all_reduce_population_count3A_759 = tpu.all_reduce %and3A_758 {dim = 0 : i64, kind = #tpu.reduction_kind<sum>} : vector<16xi1> -> vector<16xi32>
      %slice3A_760 = vector.extract_strided_slice %all_reduce_population_count3A_759 {offsets = [0], sizes = [1], strides = [1]} : vector<16xi32> to vector<1xi32>
      %squeeze3A_761 = vector.extract %slice3A_760[0] : i32 from vector<1xi32>
      %add3A_762 = arith.constant 80 : i32
      %add3A_763 = vector.broadcast %add3A_762 : i32 to vector<16xi32>
      %add3A_764 = arith.addi %add3A_720, %add3A_763 : vector<16xi32>
      %gather3A_765 = tpu.vector_load_idx %arg5[%add3A_764] masked %lt3A_711 : memref<32768xf32, #tpu.memory_space<vmem>>[vector<16xi32>], vector<16xf32>, vector<16xi1>
      %ge3A_766 = arith.cmpf oge, %gather3A_765, %neg3A_606 : vector<16xf32>
      %and3A_767 = arith.andi %ge3A_766, %lt3A_711 : vector<16xi1>
      %all_reduce_population_count3A_768 = tpu.all_reduce %and3A_767 {dim = 0 : i64, kind = #tpu.reduction_kind<sum>} : vector<16xi1> -> vector<16xi32>
      %slice3A_769 = vector.extract_strided_slice %all_reduce_population_count3A_768 {offsets = [0], sizes = [1], strides = [1]} : vector<16xi32> to vector<1xi32>
      %squeeze3A_770 = vector.extract %slice3A_769[0] : i32 from vector<1xi32>
      %add3A_771 = arith.constant 96 : i32
      %add3A_772 = vector.broadcast %add3A_771 : i32 to vector<16xi32>
      %add3A_773 = arith.addi %add3A_720, %add3A_772 : vector<16xi32>
      %gather3A_774 = tpu.vector_load_idx %arg5[%add3A_773] masked %lt3A_711 : memref<32768xf32, #tpu.memory_space<vmem>>[vector<16xi32>], vector<16xf32>, vector<16xi1>
      %ge3A_775 = arith.cmpf oge, %gather3A_774, %neg3A_606 : vector<16xf32>
      %and3A_776 = arith.andi %ge3A_775, %lt3A_711 : vector<16xi1>
      %all_reduce_population_count3A_777 = tpu.all_reduce %and3A_776 {dim = 0 : i64, kind = #tpu.reduction_kind<sum>} : vector<16xi1> -> vector<16xi32>
      %slice3A_778 = vector.extract_strided_slice %all_reduce_population_count3A_777 {offsets = [0], sizes = [1], strides = [1]} : vector<16xi32> to vector<1xi32>
      %squeeze3A_779 = vector.extract %slice3A_778[0] : i32 from vector<1xi32>
      %add3A_780 = arith.constant 112 : i32
      %add3A_781 = vector.broadcast %add3A_780 : i32 to vector<16xi32>
      %add3A_782 = arith.addi %add3A_720, %add3A_781 : vector<16xi32>
      %gather3A_783 = tpu.vector_load_idx %arg5[%add3A_782] masked %lt3A_711 : memref<32768xf32, #tpu.memory_space<vmem>>[vector<16xi32>], vector<16xf32>, vector<16xi1>
      %ge3A_784 = arith.cmpf oge, %gather3A_783, %neg3A_606 : vector<16xf32>
      %and3A_785 = arith.andi %ge3A_784, %lt3A_711 : vector<16xi1>
      %all_reduce_population_count3A_786 = tpu.all_reduce %and3A_785 {dim = 0 : i64, kind = #tpu.reduction_kind<sum>} : vector<16xi1> -> vector<16xi32>
      %slice3A_787 = vector.extract_strided_slice %all_reduce_population_count3A_786 {offsets = [0], sizes = [1], strides = [1]} : vector<16xi32> to vector<1xi32>
      %squeeze3A_788 = vector.extract %slice3A_787[0] : i32 from vector<1xi32>
      %add3A_789 = arith.constant 128 : i32
      %add3A_790 = vector.broadcast %add3A_789 : i32 to vector<16xi32>
      %add3A_791 = arith.addi %add3A_720, %add3A_790 : vector<16xi32>
      %gather3A_792 = tpu.vector_load_idx %arg5[%add3A_791] masked %lt3A_711 : memref<32768xf32, #tpu.memory_space<vmem>>[vector<16xi32>], vector<16xf32>, vector<16xi1>
      %ge3A_793 = arith.cmpf oge, %gather3A_792, %neg3A_606 : vector<16xf32>
      %and3A_794 = arith.andi %ge3A_793, %lt3A_711 : vector<16xi1>
      %all_reduce_population_count3A_795 = tpu.all_reduce %and3A_794 {dim = 0 : i64, kind = #tpu.reduction_kind<sum>} : vector<16xi1> -> vector<16xi32>
      %slice3A_796 = vector.extract_strided_slice %all_reduce_population_count3A_795 {offsets = [0], sizes = [1], strides = [1]} : vector<16xi32> to vector<1xi32>
      %squeeze3A_797 = vector.extract %slice3A_796[0] : i32 from vector<1xi32>
      %add3A_798 = arith.constant 144 : i32
      %add3A_799 = vector.broadcast %add3A_798 : i32 to vector<16xi32>
      %add3A_800 = arith.addi %add3A_720, %add3A_799 : vector<16xi32>
      %gather3A_801 = tpu.vector_load_idx %arg5[%add3A_800] masked %lt3A_711 : memref<32768xf32, #tpu.memory_space<vmem>>[vector<16xi32>], vector<16xf32>, vector<16xi1>
      %ge3A_802 = arith.cmpf oge, %gather3A_801, %neg3A_606 : vector<16xf32>
      %and3A_803 = arith.andi %ge3A_802, %lt3A_711 : vector<16xi1>
      %all_reduce_population_count3A_804 = tpu.all_reduce %and3A_803 {dim = 0 : i64, kind = #tpu.reduction_kind<sum>} : vector<16xi1> -> vector<16xi32>
      %slice3A_805 = vector.extract_strided_slice %all_reduce_population_count3A_804 {offsets = [0], sizes = [1], strides = [1]} : vector<16xi32> to vector<1xi32>
      %squeeze3A_806 = vector.extract %slice3A_805[0] : i32 from vector<1xi32>
      %add3A_807 = arith.constant 160 : i32
      %add3A_808 = vector.broadcast %add3A_807 : i32 to vector<16xi32>
      %add3A_809 = arith.addi %add3A_720, %add3A_808 : vector<16xi32>
      %gather3A_810 = tpu.vector_load_idx %arg5[%add3A_809] masked %lt3A_711 : memref<32768xf32, #tpu.memory_space<vmem>>[vector<16xi32>], vector<16xf32>, vector<16xi1>
      %ge3A_811 = arith.cmpf oge, %gather3A_810, %neg3A_606 : vector<16xf32>
      %and3A_812 = arith.andi %ge3A_811, %lt3A_711 : vector<16xi1>
      %all_reduce_population_count3A_813 = tpu.all_reduce %and3A_812 {dim = 0 : i64, kind = #tpu.reduction_kind<sum>} : vector<16xi1> -> vector<16xi32>
      %slice3A_814 = vector.extract_strided_slice %all_reduce_population_count3A_813 {offsets = [0], sizes = [1], strides = [1]} : vector<16xi32> to vector<1xi32>
      %squeeze3A_815 = vector.extract %slice3A_814[0] : i32 from vector<1xi32>
      %add3A_816 = arith.constant 176 : i32
      %add3A_817 = vector.broadcast %add3A_816 : i32 to vector<16xi32>
      %add3A_818 = arith.addi %add3A_720, %add3A_817 : vector<16xi32>
      %gather3A_819 = tpu.vector_load_idx %arg5[%add3A_818] masked %lt3A_711 : memref<32768xf32, #tpu.memory_space<vmem>>[vector<16xi32>], vector<16xf32>, vector<16xi1>
      %ge3A_820 = arith.cmpf oge, %gather3A_819, %neg3A_606 : vector<16xf32>
      %and3A_821 = arith.andi %ge3A_820, %lt3A_711 : vector<16xi1>
      %all_reduce_population_count3A_822 = tpu.all_reduce %and3A_821 {dim = 0 : i64, kind = #tpu.reduction_kind<sum>} : vector<16xi1> -> vector<16xi32>
      %slice3A_823 = vector.extract_strided_slice %all_reduce_population_count3A_822 {offsets = [0], sizes = [1], strides = [1]} : vector<16xi32> to vector<1xi32>
      %squeeze3A_824 = vector.extract %slice3A_823[0] : i32 from vector<1xi32>
      %add3A_825 = arith.constant 192 : i32
      %add3A_826 = vector.broadcast %add3A_825 : i32 to vector<16xi32>
      %add3A_827 = arith.addi %add3A_720, %add3A_826 : vector<16xi32>
      %gather3A_828 = tpu.vector_load_idx %arg5[%add3A_827] masked %lt3A_711 : memref<32768xf32, #tpu.memory_space<vmem>>[vector<16xi32>], vector<16xf32>, vector<16xi1>
      %ge3A_829 = arith.cmpf oge, %gather3A_828, %neg3A_606 : vector<16xf32>
      %and3A_830 = arith.andi %ge3A_829, %lt3A_711 : vector<16xi1>
      %all_reduce_population_count3A_831 = tpu.all_reduce %and3A_830 {dim = 0 : i64, kind = #tpu.reduction_kind<sum>} : vector<16xi1> -> vector<16xi32>
      %slice3A_832 = vector.extract_strided_slice %all_reduce_population_count3A_831 {offsets = [0], sizes = [1], strides = [1]} : vector<16xi32> to vector<1xi32>
      %squeeze3A_833 = vector.extract %slice3A_832[0] : i32 from vector<1xi32>
      %add3A_834 = arith.constant 208 : i32
      %add3A_835 = vector.broadcast %add3A_834 : i32 to vector<16xi32>
      %add3A_836 = arith.addi %add3A_720, %add3A_835 : vector<16xi32>
      %gather3A_837 = tpu.vector_load_idx %arg5[%add3A_836] masked %lt3A_711 : memref<32768xf32, #tpu.memory_space<vmem>>[vector<16xi32>], vector<16xf32>, vector<16xi1>
      %ge3A_838 = arith.cmpf oge, %gather3A_837, %neg3A_606 : vector<16xf32>
      %and3A_839 = arith.andi %ge3A_838, %lt3A_711 : vector<16xi1>
      %all_reduce_population_count3A_840 = tpu.all_reduce %and3A_839 {dim = 0 : i64, kind = #tpu.reduction_kind<sum>} : vector<16xi1> -> vector<16xi32>
      %slice3A_841 = vector.extract_strided_slice %all_reduce_population_count3A_840 {offsets = [0], sizes = [1], strides = [1]} : vector<16xi32> to vector<1xi32>
      %squeeze3A_842 = vector.extract %slice3A_841[0] : i32 from vector<1xi32>
      %add3A_843 = arith.constant 224 : i32
      %add3A_844 = vector.broadcast %add3A_843 : i32 to vector<16xi32>
      %add3A_845 = arith.addi %add3A_720, %add3A_844 : vector<16xi32>
      %gather3A_846 = tpu.vector_load_idx %arg5[%add3A_845] masked %lt3A_711 : memref<32768xf32, #tpu.memory_space<vmem>>[vector<16xi32>], vector<16xf32>, vector<16xi1>
      %ge3A_847 = arith.cmpf oge, %gather3A_846, %neg3A_606 : vector<16xf32>
      %and3A_848 = arith.andi %ge3A_847, %lt3A_711 : vector<16xi1>
      %all_reduce_population_count3A_849 = tpu.all_reduce %and3A_848 {dim = 0 : i64, kind = #tpu.reduction_kind<sum>} : vector<16xi1> -> vector<16xi32>
      %slice3A_850 = vector.extract_strided_slice %all_reduce_population_count3A_849 {offsets = [0], sizes = [1], strides = [1]} : vector<16xi32> to vector<1xi32>
      %squeeze3A_851 = vector.extract %slice3A_850[0] : i32 from vector<1xi32>
      %add3A_852 = arith.constant 240 : i32
      %add3A_853 = vector.broadcast %add3A_852 : i32 to vector<16xi32>
      %add3A_854 = arith.addi %add3A_720, %add3A_853 : vector<16xi32>
      %gather3A_855 = tpu.vector_load_idx %arg5[%add3A_854] masked %lt3A_711 : memref<32768xf32, #tpu.memory_space<vmem>>[vector<16xi32>], vector<16xf32>, vector<16xi1>
      %ge3A_856 = arith.cmpf oge, %gather3A_855, %neg3A_606 : vector<16xf32>
      %and3A_857 = arith.andi %ge3A_856, %lt3A_711 : vector<16xi1>
      %all_reduce_population_count3A_858 = tpu.all_reduce %and3A_857 {dim = 0 : i64, kind = #tpu.reduction_kind<sum>} : vector<16xi1> -> vector<16xi32>
      %slice3A_859 = vector.extract_strided_slice %all_reduce_population_count3A_858 {offsets = [0], sizes = [1], strides = [1]} : vector<16xi32> to vector<1xi32>
      %squeeze3A_860 = vector.extract %slice3A_859[0] : i32 from vector<1xi32>
      %swap3A_861 = arith.index_cast %while3A_702 : i32 to index
      %swap3A_862 = tpu.vector_load %arg8[%swap3A_861] masked %and3A_725 {strides = array<i32>} : memref<32784xf32, #tpu.memory_space<vmem>>, vector<16xf32>, vector<16xi1>
      tpu.vector_store %arg8[%swap3A_861], %gather3A_724 masked %and3A_725 {strides = array<i32>} : memref<32784xf32, #tpu.memory_space<vmem>>, vector<16xf32>, vector<16xi1>
      %add3A_863 = arith.addi %while3A_702, %squeeze3A : i32
      %swap3A_864 = arith.index_cast %add3A_863 : i32 to index
      %swap3A_865 = tpu.vector_load %arg8[%swap3A_864] masked %and3A_731 {strides = array<i32>} : memref<32784xf32, #tpu.memory_space<vmem>>, vector<16xf32>, vector<16xi1>
      tpu.vector_store %arg8[%swap3A_864], %gather3A_729 masked %and3A_731 {strides = array<i32>} : memref<32784xf32, #tpu.memory_space<vmem>>, vector<16xf32>, vector<16xi1>
      %add3A_866 = arith.addi %add3A_863, %squeeze3A_734 : i32
      %swap3A_867 = arith.index_cast %add3A_866 : i32 to index
      %swap3A_868 = tpu.vector_load %arg8[%swap3A_867] masked %and3A_740 {strides = array<i32>} : memref<32784xf32, #tpu.memory_space<vmem>>, vector<16xf32>, vector<16xi1>
      tpu.vector_store %arg8[%swap3A_867], %gather3A_738 masked %and3A_740 {strides = array<i32>} : memref<32784xf32, #tpu.memory_space<vmem>>, vector<16xf32>, vector<16xi1>
      %add3A_869 = arith.addi %add3A_866, %squeeze3A_743 : i32
      %swap3A_870 = arith.index_cast %add3A_869 : i32 to index
      %swap3A_871 = tpu.vector_load %arg8[%swap3A_870] masked %and3A_749 {strides = array<i32>} : memref<32784xf32, #tpu.memory_space<vmem>>, vector<16xf32>, vector<16xi1>
      tpu.vector_store %arg8[%swap3A_870], %gather3A_747 masked %and3A_749 {strides = array<i32>} : memref<32784xf32, #tpu.memory_space<vmem>>, vector<16xf32>, vector<16xi1>
      %add3A_872 = arith.addi %add3A_869, %squeeze3A_752 : i32
      %swap3A_873 = arith.index_cast %add3A_872 : i32 to index
      %swap3A_874 = tpu.vector_load %arg8[%swap3A_873] masked %and3A_758 {strides = array<i32>} : memref<32784xf32, #tpu.memory_space<vmem>>, vector<16xf32>, vector<16xi1>
      tpu.vector_store %arg8[%swap3A_873], %gather3A_756 masked %and3A_758 {strides = array<i32>} : memref<32784xf32, #tpu.memory_space<vmem>>, vector<16xf32>, vector<16xi1>
      %add3A_875 = arith.addi %add3A_872, %squeeze3A_761 : i32
      %swap3A_876 = arith.index_cast %add3A_875 : i32 to index
      %swap3A_877 = tpu.vector_load %arg8[%swap3A_876] masked %and3A_767 {strides = array<i32>} : memref<32784xf32, #tpu.memory_space<vmem>>, vector<16xf32>, vector<16xi1>
      tpu.vector_store %arg8[%swap3A_876], %gather3A_765 masked %and3A_767 {strides = array<i32>} : memref<32784xf32, #tpu.memory_space<vmem>>, vector<16xf32>, vector<16xi1>
      %add3A_878 = arith.addi %add3A_875, %squeeze3A_770 : i32
      %swap3A_879 = arith.index_cast %add3A_878 : i32 to index
      %swap3A_880 = tpu.vector_load %arg8[%swap3A_879] masked %and3A_776 {strides = array<i32>} : memref<32784xf32, #tpu.memory_space<vmem>>, vector<16xf32>, vector<16xi1>
      tpu.vector_store %arg8[%swap3A_879], %gather3A_774 masked %and3A_776 {strides = array<i32>} : memref<32784xf32, #tpu.memory_space<vmem>>, vector<16xf32>, vector<16xi1>
      %add3A_881 = arith.addi %add3A_878, %squeeze3A_779 : i32
      %swap3A_882 = arith.index_cast %add3A_881 : i32 to index
      %swap3A_883 = tpu.vector_load %arg8[%swap3A_882] masked %and3A_785 {strides = array<i32>} : memref<32784xf32, #tpu.memory_space<vmem>>, vector<16xf32>, vector<16xi1>
      tpu.vector_store %arg8[%swap3A_882], %gather3A_783 masked %and3A_785 {strides = array<i32>} : memref<32784xf32, #tpu.memory_space<vmem>>, vector<16xf32>, vector<16xi1>
      %add3A_884 = arith.addi %add3A_881, %squeeze3A_788 : i32
      %swap3A_885 = arith.index_cast %add3A_884 : i32 to index
      %swap3A_886 = tpu.vector_load %arg8[%swap3A_885] masked %and3A_794 {strides = array<i32>} : memref<32784xf32, #tpu.memory_space<vmem>>, vector<16xf32>, vector<16xi1>
      tpu.vector_store %arg8[%swap3A_885], %gather3A_792 masked %and3A_794 {strides = array<i32>} : memref<32784xf32, #tpu.memory_space<vmem>>, vector<16xf32>, vector<16xi1>
      %add3A_887 = arith.addi %add3A_884, %squeeze3A_797 : i32
      %swap3A_888 = arith.index_cast %add3A_887 : i32 to index
      %swap3A_889 = tpu.vector_load %arg8[%swap3A_888] masked %and3A_803 {strides = array<i32>} : memref<32784xf32, #tpu.memory_space<vmem>>, vector<16xf32>, vector<16xi1>
      tpu.vector_store %arg8[%swap3A_888], %gather3A_801 masked %and3A_803 {strides = array<i32>} : memref<32784xf32, #tpu.memory_space<vmem>>, vector<16xf32>, vector<16xi1>
      %add3A_890 = arith.addi %add3A_887, %squeeze3A_806 : i32
      %swap3A_891 = arith.index_cast %add3A_890 : i32 to index
      %swap3A_892 = tpu.vector_load %arg8[%swap3A_891] masked %and3A_812 {strides = array<i32>} : memref<32784xf32, #tpu.memory_space<vmem>>, vector<16xf32>, vector<16xi1>
      tpu.vector_store %arg8[%swap3A_891], %gather3A_810 masked %and3A_812 {strides = array<i32>} : memref<32784xf32, #tpu.memory_space<vmem>>, vector<16xf32>, vector<16xi1>
      %add3A_893 = arith.addi %add3A_890, %squeeze3A_815 : i32
      %swap3A_894 = arith.index_cast %add3A_893 : i32 to index
      %swap3A_895 = tpu.vector_load %arg8[%swap3A_894] masked %and3A_821 {strides = array<i32>} : memref<32784xf32, #tpu.memory_space<vmem>>, vector<16xf32>, vector<16xi1>
      tpu.vector_store %arg8[%swap3A_894], %gather3A_819 masked %and3A_821 {strides = array<i32>} : memref<32784xf32, #tpu.memory_space<vmem>>, vector<16xf32>, vector<16xi1>
      %add3A_896 = arith.addi %add3A_893, %squeeze3A_824 : i32
      %swap3A_897 = arith.index_cast %add3A_896 : i32 to index
      %swap3A_898 = tpu.vector_load %arg8[%swap3A_897] masked %and3A_830 {strides = array<i32>} : memref<32784xf32, #tpu.memory_space<vmem>>, vector<16xf32>, vector<16xi1>
      tpu.vector_store %arg8[%swap3A_897], %gather3A_828 masked %and3A_830 {strides = array<i32>} : memref<32784xf32, #tpu.memory_space<vmem>>, vector<16xf32>, vector<16xi1>
      %add3A_899 = arith.addi %add3A_896, %squeeze3A_833 : i32
      %swap3A_900 = arith.index_cast %add3A_899 : i32 to index
      %swap3A_901 = tpu.vector_load %arg8[%swap3A_900] masked %and3A_839 {strides = array<i32>} : memref<32784xf32, #tpu.memory_space<vmem>>, vector<16xf32>, vector<16xi1>
      tpu.vector_store %arg8[%swap3A_900], %gather3A_837 masked %and3A_839 {strides = array<i32>} : memref<32784xf32, #tpu.memory_space<vmem>>, vector<16xf32>, vector<16xi1>
      %add3A_902 = arith.addi %add3A_899, %squeeze3A_842 : i32
      %swap3A_903 = arith.index_cast %add3A_902 : i32 to index
      %swap3A_904 = tpu.vector_load %arg8[%swap3A_903] masked %and3A_848 {strides = array<i32>} : memref<32784xf32, #tpu.memory_space<vmem>>, vector<16xf32>, vector<16xi1>
      tpu.vector_store %arg8[%swap3A_903], %gather3A_846 masked %and3A_848 {strides = array<i32>} : memref<32784xf32, #tpu.memory_space<vmem>>, vector<16xf32>, vector<16xi1>
      %add3A_905 = arith.addi %add3A_902, %squeeze3A_851 : i32
      %swap3A_906 = arith.index_cast %add3A_905 : i32 to index
      %swap3A_907 = tpu.vector_load %arg8[%swap3A_906] masked %and3A_857 {strides = array<i32>} : memref<32784xf32, #tpu.memory_space<vmem>>, vector<16xf32>, vector<16xi1>
      tpu.vector_store %arg8[%swap3A_906], %gather3A_855 masked %and3A_857 {strides = array<i32>} : memref<32784xf32, #tpu.memory_space<vmem>>, vector<16xf32>, vector<16xi1>
      %add3A_908 = arith.addi %add3A_905, %squeeze3A_860 : i32
      scf.yield %add3A_908 : i32
    }
    %while3A_654 = arith.constant 1 : i32
    %while3A_655 = scf.for %while3A_701 = %while3A_651 to %while3A_647 step %while3A_654 iter_args(%while3A_702 = %while3A_653) -> (i32)  : i32 {
      %mul3A_703 = arith.constant 16 : i32
      %mul3A_704 = arith.muli %while3A_701, %mul3A_703 : i32
      %get3A = arith.index_cast %mul3A_704 : i32 to index
      %get3A_705 = tpu.vector_load %arg7[%get3A] {strides = array<i32>} : memref<2064xi32, #tpu.memory_space<vmem>>, vector<16xi32>,
      %mul3A_706 = arith.constant 16 : i32
      %mul3A_707 = arith.muli %while3A_701, %mul3A_706 : i32
      %add3A_708 = vector.broadcast %mul3A_707 : i32 to vector<16xi32>
      %add3A_709 = arith.addi %add3A_708, %iota3A_537 : vector<16xi32>
      %lt3A_710 = vector.broadcast %scan3A_612 : i32 to vector<16xi32>
      %lt3A_711 = arith.cmpi slt, %add3A_709, %lt3A_710 : vector<16xi32>
      %shift_right_logical3A = arith.constant 4 : i32
      %shift_right_logical3A_712 = vector.broadcast %shift_right_logical3A : i32 to vector<16xi32>
      %shift_right_logical3A_713 = arith.shrui %get3A_705, %shift_right_logical3A_712 : vector<16xi32>
      %and3A_714 = arith.constant 15 : i32
      %and3A_715 = vector.broadcast %and3A_714 : i32 to vector<16xi32>
      %and3A_716 = arith.andi %get3A_705, %and3A_715 : vector<16xi32>
      %mul3A_717 = arith.constant 256 : i32
      %mul3A_718 = vector.broadcast %mul3A_717 : i32 to vector<16xi32>
      %mul3A_719 = arith.muli %shift_right_logical3A_713, %mul3A_718 : vector<16xi32>
      %add3A_720 = arith.addi %mul3A_719, %and3A_716 : vector<16xi32>
      %add3A_721 = arith.constant 0 : i32
      %add3A_722 = vector.broadcast %add3A_721 : i32 to vector<16xi32>
      %add3A_723 = arith.addi %add3A_720, %add3A_722 : vector<16xi32>
      %gather3A_724 = tpu.vector_load_idx %arg5[%add3A_723] masked %lt3A_711 : memref<32768xf32, #tpu.memory_space<vmem>>[vector<16xi32>], vector<16xf32>, vector<16xi1>
      %ge3A = arith.cmpf oge, %gather3A_724, %neg3A_606 : vector<16xf32>
      %and3A_725 = arith.andi %ge3A, %lt3A_711 : vector<16xi1>
      %all_reduce_population_count3A = tpu.all_reduce %and3A_725 {dim = 0 : i64, kind = #tpu.reduction_kind<sum>} : vector<16xi1> -> vector<16xi32>
      %slice3A = vector.extract_strided_slice %all_reduce_population_count3A {offsets = [0], sizes = [1], strides = [1]} : vector<16xi32> to vector<1xi32>
      %squeeze3A = vector.extract %slice3A[0] : i32 from vector<1xi32>
      %add3A_726 = arith.constant 16 : i32
      %add3A_727 = vector.broadcast %add3A_726 : i32 to vector<16xi32>
      %add3A_728 = arith.addi %add3A_720, %add3A_727 : vector<16xi32>
      %gather3A_729 = tpu.vector_load_idx %arg5[%add3A_728] masked %lt3A_711 : memref<32768xf32, #tpu.memory_space<vmem>>[vector<16xi32>], vector<16xf32>, vector<16xi1>
      %ge3A_730 = arith.cmpf oge, %gather3A_729, %neg3A_606 : vector<16xf32>
      %and3A_731 = arith.andi %ge3A_730, %lt3A_711 : vector<16xi1>
      %all_reduce_population_count3A_732 = tpu.all_reduce %and3A_731 {dim = 0 : i64, kind = #tpu.reduction_kind<sum>} : vector<16xi1> -> vector<16xi32>
      %slice3A_733 = vector.extract_strided_slice %all_reduce_population_count3A_732 {offsets = [0], sizes = [1], strides = [1]} : vector<16xi32> to vector<1xi32>
      %squeeze3A_734 = vector.extract %slice3A_733[0] : i32 from vector<1xi32>
      %add3A_735 = arith.constant 32 : i32
      %add3A_736 = vector.broadcast %add3A_735 : i32 to vector<16xi32>
      %add3A_737 = arith.addi %add3A_720, %add3A_736 : vector<16xi32>
      %gather3A_738 = tpu.vector_load_idx %arg5[%add3A_737] masked %lt3A_711 : memref<32768xf32, #tpu.memory_space<vmem>>[vector<16xi32>], vector<16xf32>, vector<16xi1>
      %ge3A_739 = arith.cmpf oge, %gather3A_738, %neg3A_606 : vector<16xf32>
      %and3A_740 = arith.andi %ge3A_739, %lt3A_711 : vector<16xi1>
      %all_reduce_population_count3A_741 = tpu.all_reduce %and3A_740 {dim = 0 : i64, kind = #tpu.reduction_kind<sum>} : vector<16xi1> -> vector<16xi32>
      %slice3A_742 = vector.extract_strided_slice %all_reduce_population_count3A_741 {offsets = [0], sizes = [1], strides = [1]} : vector<16xi32> to vector<1xi32>
      %squeeze3A_743 = vector.extract %slice3A_742[0] : i32 from vector<1xi32>
      %add3A_744 = arith.constant 48 : i32
      %add3A_745 = vector.broadcast %add3A_744 : i32 to vector<16xi32>
      %add3A_746 = arith.addi %add3A_720, %add3A_745 : vector<16xi32>
      %gather3A_747 = tpu.vector_load_idx %arg5[%add3A_746] masked %lt3A_711 : memref<32768xf32, #tpu.memory_space<vmem>>[vector<16xi32>], vector<16xf32>, vector<16xi1>
      %ge3A_748 = arith.cmpf oge, %gather3A_747, %neg3A_606 : vector<16xf32>
      %and3A_749 = arith.andi %ge3A_748, %lt3A_711 : vector<16xi1>
      %all_reduce_population_count3A_750 = tpu.all_reduce %and3A_749 {dim = 0 : i64, kind = #tpu.reduction_kind<sum>} : vector<16xi1> -> vector<16xi32>
      %slice3A_751 = vector.extract_strided_slice %all_reduce_population_count3A_750 {offsets = [0], sizes = [1], strides = [1]} : vector<16xi32> to vector<1xi32>
      %squeeze3A_752 = vector.extract %slice3A_751[0] : i32 from vector<1xi32>
      %add3A_753 = arith.constant 64 : i32
      %add3A_754 = vector.broadcast %add3A_753 : i32 to vector<16xi32>
      %add3A_755 = arith.addi %add3A_720, %add3A_754 : vector<16xi32>
      %gather3A_756 = tpu.vector_load_idx %arg5[%add3A_755] masked %lt3A_711 : memref<32768xf32, #tpu.memory_space<vmem>>[vector<16xi32>], vector<16xf32>, vector<16xi1>
      %ge3A_757 = arith.cmpf oge, %gather3A_756, %neg3A_606 : vector<16xf32>
      %and3A_758 = arith.andi %ge3A_757, %lt3A_711 : vector<16xi1>
      %all_reduce_population_count3A_759 = tpu.all_reduce %and3A_758 {dim = 0 : i64, kind = #tpu.reduction_kind<sum>} : vector<16xi1> -> vector<16xi32>
      %slice3A_760 = vector.extract_strided_slice %all_reduce_population_count3A_759 {offsets = [0], sizes = [1], strides = [1]} : vector<16xi32> to vector<1xi32>
      %squeeze3A_761 = vector.extract %slice3A_760[0] : i32 from vector<1xi32>
      %add3A_762 = arith.constant 80 : i32
      %add3A_763 = vector.broadcast %add3A_762 : i32 to vector<16xi32>
      %add3A_764 = arith.addi %add3A_720, %add3A_763 : vector<16xi32>
      %gather3A_765 = tpu.vector_load_idx %arg5[%add3A_764] masked %lt3A_711 : memref<32768xf32, #tpu.memory_space<vmem>>[vector<16xi32>], vector<16xf32>, vector<16xi1>
      %ge3A_766 = arith.cmpf oge, %gather3A_765, %neg3A_606 : vector<16xf32>
      %and3A_767 = arith.andi %ge3A_766, %lt3A_711 : vector<16xi1>
      %all_reduce_population_count3A_768 = tpu.all_reduce %and3A_767 {dim = 0 : i64, kind = #tpu.reduction_kind<sum>} : vector<16xi1> -> vector<16xi32>
      %slice3A_769 = vector.extract_strided_slice %all_reduce_population_count3A_768 {offsets = [0], sizes = [1], strides = [1]} : vector<16xi32> to vector<1xi32>
      %squeeze3A_770 = vector.extract %slice3A_769[0] : i32 from vector<1xi32>
      %add3A_771 = arith.constant 96 : i32
      %add3A_772 = vector.broadcast %add3A_771 : i32 to vector<16xi32>
      %add3A_773 = arith.addi %add3A_720, %add3A_772 : vector<16xi32>
      %gather3A_774 = tpu.vector_load_idx %arg5[%add3A_773] masked %lt3A_711 : memref<32768xf32, #tpu.memory_space<vmem>>[vector<16xi32>], vector<16xf32>, vector<16xi1>
      %ge3A_775 = arith.cmpf oge, %gather3A_774, %neg3A_606 : vector<16xf32>
      %and3A_776 = arith.andi %ge3A_775, %lt3A_711 : vector<16xi1>
      %all_reduce_population_count3A_777 = tpu.all_reduce %and3A_776 {dim = 0 : i64, kind = #tpu.reduction_kind<sum>} : vector<16xi1> -> vector<16xi32>
      %slice3A_778 = vector.extract_strided_slice %all_reduce_population_count3A_777 {offsets = [0], sizes = [1], strides = [1]} : vector<16xi32> to vector<1xi32>
      %squeeze3A_779 = vector.extract %slice3A_778[0] : i32 from vector<1xi32>
      %add3A_780 = arith.constant 112 : i32
      %add3A_781 = vector.broadcast %add3A_780 : i32 to vector<16xi32>
      %add3A_782 = arith.addi %add3A_720, %add3A_781 : vector<16xi32>
      %gather3A_783 = tpu.vector_load_idx %arg5[%add3A_782] masked %lt3A_711 : memref<32768xf32, #tpu.memory_space<vmem>>[vector<16xi32>], vector<16xf32>, vector<16xi1>
      %ge3A_784 = arith.cmpf oge, %gather3A_783, %neg3A_606 : vector<16xf32>
      %and3A_785 = arith.andi %ge3A_784, %lt3A_711 : vector<16xi1>
      %all_reduce_population_count3A_786 = tpu.all_reduce %and3A_785 {dim = 0 : i64, kind = #tpu.reduction_kind<sum>} : vector<16xi1> -> vector<16xi32>
      %slice3A_787 = vector.extract_strided_slice %all_reduce_population_count3A_786 {offsets = [0], sizes = [1], strides = [1]} : vector<16xi32> to vector<1xi32>
      %squeeze3A_788 = vector.extract %slice3A_787[0] : i32 from vector<1xi32>
      %add3A_789 = arith.constant 128 : i32
      %add3A_790 = vector.broadcast %add3A_789 : i32 to vector<16xi32>
      %add3A_791 = arith.addi %add3A_720, %add3A_790 : vector<16xi32>
      %gather3A_792 = tpu.vector_load_idx %arg5[%add3A_791] masked %lt3A_711 : memref<32768xf32, #tpu.memory_space<vmem>>[vector<16xi32>], vector<16xf32>, vector<16xi1>
      %ge3A_793 = arith.cmpf oge, %gather3A_792, %neg3A_606 : vector<16xf32>
      %and3A_794 = arith.andi %ge3A_793, %lt3A_711 : vector<16xi1>
      %all_reduce_population_count3A_795 = tpu.all_reduce %and3A_794 {dim = 0 : i64, kind = #tpu.reduction_kind<sum>} : vector<16xi1> -> vector<16xi32>
      %slice3A_796 = vector.extract_strided_slice %all_reduce_population_count3A_795 {offsets = [0], sizes = [1], strides = [1]} : vector<16xi32> to vector<1xi32>
      %squeeze3A_797 = vector.extract %slice3A_796[0] : i32 from vector<1xi32>
      %add3A_798 = arith.constant 144 : i32
      %add3A_799 = vector.broadcast %add3A_798 : i32 to vector<16xi32>
      %add3A_800 = arith.addi %add3A_720, %add3A_799 : vector<16xi32>
      %gather3A_801 = tpu.vector_load_idx %arg5[%add3A_800] masked %lt3A_711 : memref<32768xf32, #tpu.memory_space<vmem>>[vector<16xi32>], vector<16xf32>, vector<16xi1>
      %ge3A_802 = arith.cmpf oge, %gather3A_801, %neg3A_606 : vector<16xf32>
      %and3A_803 = arith.andi %ge3A_802, %lt3A_711 : vector<16xi1>
      %all_reduce_population_count3A_804 = tpu.all_reduce %and3A_803 {dim = 0 : i64, kind = #tpu.reduction_kind<sum>} : vector<16xi1> -> vector<16xi32>
      %slice3A_805 = vector.extract_strided_slice %all_reduce_population_count3A_804 {offsets = [0], sizes = [1], strides = [1]} : vector<16xi32> to vector<1xi32>
      %squeeze3A_806 = vector.extract %slice3A_805[0] : i32 from vector<1xi32>
      %add3A_807 = arith.constant 160 : i32
      %add3A_808 = vector.broadcast %add3A_807 : i32 to vector<16xi32>
      %add3A_809 = arith.addi %add3A_720, %add3A_808 : vector<16xi32>
      %gather3A_810 = tpu.vector_load_idx %arg5[%add3A_809] masked %lt3A_711 : memref<32768xf32, #tpu.memory_space<vmem>>[vector<16xi32>], vector<16xf32>, vector<16xi1>
      %ge3A_811 = arith.cmpf oge, %gather3A_810, %neg3A_606 : vector<16xf32>
      %and3A_812 = arith.andi %ge3A_811, %lt3A_711 : vector<16xi1>
      %all_reduce_population_count3A_813 = tpu.all_reduce %and3A_812 {dim = 0 : i64, kind = #tpu.reduction_kind<sum>} : vector<16xi1> -> vector<16xi32>
      %slice3A_814 = vector.extract_strided_slice %all_reduce_population_count3A_813 {offsets = [0], sizes = [1], strides = [1]} : vector<16xi32> to vector<1xi32>
      %squeeze3A_815 = vector.extract %slice3A_814[0] : i32 from vector<1xi32>
      %add3A_816 = arith.constant 176 : i32
      %add3A_817 = vector.broadcast %add3A_816 : i32 to vector<16xi32>
      %add3A_818 = arith.addi %add3A_720, %add3A_817 : vector<16xi32>
      %gather3A_819 = tpu.vector_load_idx %arg5[%add3A_818] masked %lt3A_711 : memref<32768xf32, #tpu.memory_space<vmem>>[vector<16xi32>], vector<16xf32>, vector<16xi1>
      %ge3A_820 = arith.cmpf oge, %gather3A_819, %neg3A_606 : vector<16xf32>
      %and3A_821 = arith.andi %ge3A_820, %lt3A_711 : vector<16xi1>
      %all_reduce_population_count3A_822 = tpu.all_reduce %and3A_821 {dim = 0 : i64, kind = #tpu.reduction_kind<sum>} : vector<16xi1> -> vector<16xi32>
      %slice3A_823 = vector.extract_strided_slice %all_reduce_population_count3A_822 {offsets = [0], sizes = [1], strides = [1]} : vector<16xi32> to vector<1xi32>
      %squeeze3A_824 = vector.extract %slice3A_823[0] : i32 from vector<1xi32>
      %add3A_825 = arith.constant 192 : i32
      %add3A_826 = vector.broadcast %add3A_825 : i32 to vector<16xi32>
      %add3A_827 = arith.addi %add3A_720, %add3A_826 : vector<16xi32>
      %gather3A_828 = tpu.vector_load_idx %arg5[%add3A_827] masked %lt3A_711 : memref<32768xf32, #tpu.memory_space<vmem>>[vector<16xi32>], vector<16xf32>, vector<16xi1>
      %ge3A_829 = arith.cmpf oge, %gather3A_828, %neg3A_606 : vector<16xf32>
      %and3A_830 = arith.andi %ge3A_829, %lt3A_711 : vector<16xi1>
      %all_reduce_population_count3A_831 = tpu.all_reduce %and3A_830 {dim = 0 : i64, kind = #tpu.reduction_kind<sum>} : vector<16xi1> -> vector<16xi32>
      %slice3A_832 = vector.extract_strided_slice %all_reduce_population_count3A_831 {offsets = [0], sizes = [1], strides = [1]} : vector<16xi32> to vector<1xi32>
      %squeeze3A_833 = vector.extract %slice3A_832[0] : i32 from vector<1xi32>
      %add3A_834 = arith.constant 208 : i32
      %add3A_835 = vector.broadcast %add3A_834 : i32 to vector<16xi32>
      %add3A_836 = arith.addi %add3A_720, %add3A_835 : vector<16xi32>
      %gather3A_837 = tpu.vector_load_idx %arg5[%add3A_836] masked %lt3A_711 : memref<32768xf32, #tpu.memory_space<vmem>>[vector<16xi32>], vector<16xf32>, vector<16xi1>
      %ge3A_838 = arith.cmpf oge, %gather3A_837, %neg3A_606 : vector<16xf32>
      %and3A_839 = arith.andi %ge3A_838, %lt3A_711 : vector<16xi1>
      %all_reduce_population_count3A_840 = tpu.all_reduce %and3A_839 {dim = 0 : i64, kind = #tpu.reduction_kind<sum>} : vector<16xi1> -> vector<16xi32>
      %slice3A_841 = vector.extract_strided_slice %all_reduce_population_count3A_840 {offsets = [0], sizes = [1], strides = [1]} : vector<16xi32> to vector<1xi32>
      %squeeze3A_842 = vector.extract %slice3A_841[0] : i32 from vector<1xi32>
      %add3A_843 = arith.constant 224 : i32
      %add3A_844 = vector.broadcast %add3A_843 : i32 to vector<16xi32>
      %add3A_845 = arith.addi %add3A_720, %add3A_844 : vector<16xi32>
      %gather3A_846 = tpu.vector_load_idx %arg5[%add3A_845] masked %lt3A_711 : memref<32768xf32, #tpu.memory_space<vmem>>[vector<16xi32>], vector<16xf32>, vector<16xi1>
      %ge3A_847 = arith.cmpf oge, %gather3A_846, %neg3A_606 : vector<16xf32>
      %and3A_848 = arith.andi %ge3A_847, %lt3A_711 : vector<16xi1>
      %all_reduce_population_count3A_849 = tpu.all_reduce %and3A_848 {dim = 0 : i64, kind = #tpu.reduction_kind<sum>} : vector<16xi1> -> vector<16xi32>
      %slice3A_850 = vector.extract_strided_slice %all_reduce_population_count3A_849 {offsets = [0], sizes = [1], strides = [1]} : vector<16xi32> to vector<1xi32>
      %squeeze3A_851 = vector.extract %slice3A_850[0] : i32 from vector<1xi32>
      %add3A_852 = arith.constant 240 : i32
      %add3A_853 = vector.broadcast %add3A_852 : i32 to vector<16xi32>
      %add3A_854 = arith.addi %add3A_720, %add3A_853 : vector<16xi32>
      %gather3A_855 = tpu.vector_load_idx %arg5[%add3A_854] masked %lt3A_711 : memref<32768xf32, #tpu.memory_space<vmem>>[vector<16xi32>], vector<16xf32>, vector<16xi1>
      %ge3A_856 = arith.cmpf oge, %gather3A_855, %neg3A_606 : vector<16xf32>
      %and3A_857 = arith.andi %ge3A_856, %lt3A_711 : vector<16xi1>
      %all_reduce_population_count3A_858 = tpu.all_reduce %and3A_857 {dim = 0 : i64, kind = #tpu.reduction_kind<sum>} : vector<16xi1> -> vector<16xi32>
      %slice3A_859 = vector.extract_strided_slice %all_reduce_population_count3A_858 {offsets = [0], sizes = [1], strides = [1]} : vector<16xi32> to vector<1xi32>
      %squeeze3A_860 = vector.extract %slice3A_859[0] : i32 from vector<1xi32>
      %swap3A_861 = arith.index_cast %while3A_702 : i32 to index
      %swap3A_862 = tpu.vector_load %arg8[%swap3A_861] masked %and3A_725 {strides = array<i32>} : memref<32784xf32, #tpu.memory_space<vmem>>, vector<16xf32>, vector<16xi1>
      tpu.vector_store %arg8[%swap3A_861], %gather3A_724 masked %and3A_725 {strides = array<i32>} : memref<32784xf32, #tpu.memory_space<vmem>>, vector<16xf32>, vector<16xi1>
      %add3A_863 = arith.addi %while3A_702, %squeeze3A : i32
      %swap3A_864 = arith.index_cast %add3A_863 : i32 to index
      %swap3A_865 = tpu.vector_load %arg8[%swap3A_864] masked %and3A_731 {strides = array<i32>} : memref<32784xf32, #tpu.memory_space<vmem>>, vector<16xf32>, vector<16xi1>
      tpu.vector_store %arg8[%swap3A_864], %gather3A_729 masked %and3A_731 {strides = array<i32>} : memref<32784xf32, #tpu.memory_space<vmem>>, vector<16xf32>, vector<16xi1>
      %add3A_866 = arith.addi %add3A_863, %squeeze3A_734 : i32
      %swap3A_867 = arith.index_cast %add3A_866 : i32 to index
      %swap3A_868 = tpu.vector_load %arg8[%swap3A_867] masked %and3A_740 {strides = array<i32>} : memref<32784xf32, #tpu.memory_space<vmem>>, vector<16xf32>, vector<16xi1>
      tpu.vector_store %arg8[%swap3A_867], %gather3A_738 masked %and3A_740 {strides = array<i32>} : memref<32784xf32, #tpu.memory_space<vmem>>, vector<16xf32>, vector<16xi1>
      %add3A_869 = arith.addi %add3A_866, %squeeze3A_743 : i32
      %swap3A_870 = arith.index_cast %add3A_869 : i32 to index
      %swap3A_871 = tpu.vector_load %arg8[%swap3A_870] masked %and3A_749 {strides = array<i32>} : memref<32784xf32, #tpu.memory_space<vmem>>, vector<16xf32>, vector<16xi1>
      tpu.vector_store %arg8[%swap3A_870], %gather3A_747 masked %and3A_749 {strides = array<i32>} : memref<32784xf32, #tpu.memory_space<vmem>>, vector<16xf32>, vector<16xi1>
      %add3A_872 = arith.addi %add3A_869, %squeeze3A_752 : i32
      %swap3A_873 = arith.index_cast %add3A_872 : i32 to index
      %swap3A_874 = tpu.vector_load %arg8[%swap3A_873] masked %and3A_758 {strides = array<i32>} : memref<32784xf32, #tpu.memory_space<vmem>>, vector<16xf32>, vector<16xi1>
      tpu.vector_store %arg8[%swap3A_873], %gather3A_756 masked %and3A_758 {strides = array<i32>} : memref<32784xf32, #tpu.memory_space<vmem>>, vector<16xf32>, vector<16xi1>
      %add3A_875 = arith.addi %add3A_872, %squeeze3A_761 : i32
      %swap3A_876 = arith.index_cast %add3A_875 : i32 to index
      %swap3A_877 = tpu.vector_load %arg8[%swap3A_876] masked %and3A_767 {strides = array<i32>} : memref<32784xf32, #tpu.memory_space<vmem>>, vector<16xf32>, vector<16xi1>
      tpu.vector_store %arg8[%swap3A_876], %gather3A_765 masked %and3A_767 {strides = array<i32>} : memref<32784xf32, #tpu.memory_space<vmem>>, vector<16xf32>, vector<16xi1>
      %add3A_878 = arith.addi %add3A_875, %squeeze3A_770 : i32
      %swap3A_879 = arith.index_cast %add3A_878 : i32 to index
      %swap3A_880 = tpu.vector_load %arg8[%swap3A_879] masked %and3A_776 {strides = array<i32>} : memref<32784xf32, #tpu.memory_space<vmem>>, vector<16xf32>, vector<16xi1>
      tpu.vector_store %arg8[%swap3A_879], %gather3A_774 masked %and3A_776 {strides = array<i32>} : memref<32784xf32, #tpu.memory_space<vmem>>, vector<16xf32>, vector<16xi1>
      %add3A_881 = arith.addi %add3A_878, %squeeze3A_779 : i32
      %swap3A_882 = arith.index_cast %add3A_881 : i32 to index
      %swap3A_883 = tpu.vector_load %arg8[%swap3A_882] masked %and3A_785 {strides = array<i32>} : memref<32784xf32, #tpu.memory_space<vmem>>, vector<16xf32>, vector<16xi1>
      tpu.vector_store %arg8[%swap3A_882], %gather3A_783 masked %and3A_785 {strides = array<i32>} : memref<32784xf32, #tpu.memory_space<vmem>>, vector<16xf32>, vector<16xi1>
      %add3A_884 = arith.addi %add3A_881, %squeeze3A_788 : i32
      %swap3A_885 = arith.index_cast %add3A_884 : i32 to index
      %swap3A_886 = tpu.vector_load %arg8[%swap3A_885] masked %and3A_794 {strides = array<i32>} : memref<32784xf32, #tpu.memory_space<vmem>>, vector<16xf32>, vector<16xi1>
      tpu.vector_store %arg8[%swap3A_885], %gather3A_792 masked %and3A_794 {strides = array<i32>} : memref<32784xf32, #tpu.memory_space<vmem>>, vector<16xf32>, vector<16xi1>
      %add3A_887 = arith.addi %add3A_884, %squeeze3A_797 : i32
      %swap3A_888 = arith.index_cast %add3A_887 : i32 to index
      %swap3A_889 = tpu.vector_load %arg8[%swap3A_888] masked %and3A_803 {strides = array<i32>} : memref<32784xf32, #tpu.memory_space<vmem>>, vector<16xf32>, vector<16xi1>
      tpu.vector_store %arg8[%swap3A_888], %gather3A_801 masked %and3A_803 {strides = array<i32>} : memref<32784xf32, #tpu.memory_space<vmem>>, vector<16xf32>, vector<16xi1>
      %add3A_890 = arith.addi %add3A_887, %squeeze3A_806 : i32
      %swap3A_891 = arith.index_cast %add3A_890 : i32 to index
      %swap3A_892 = tpu.vector_load %arg8[%swap3A_891] masked %and3A_812 {strides = array<i32>} : memref<32784xf32, #tpu.memory_space<vmem>>, vector<16xf32>, vector<16xi1>
      tpu.vector_store %arg8[%swap3A_891], %gather3A_810 masked %and3A_812 {strides = array<i32>} : memref<32784xf32, #tpu.memory_space<vmem>>, vector<16xf32>, vector<16xi1>
      %add3A_893 = arith.addi %add3A_890, %squeeze3A_815 : i32
      %swap3A_894 = arith.index_cast %add3A_893 : i32 to index
      %swap3A_895 = tpu.vector_load %arg8[%swap3A_894] masked %and3A_821 {strides = array<i32>} : memref<32784xf32, #tpu.memory_space<vmem>>, vector<16xf32>, vector<16xi1>
      tpu.vector_store %arg8[%swap3A_894], %gather3A_819 masked %and3A_821 {strides = array<i32>} : memref<32784xf32, #tpu.memory_space<vmem>>, vector<16xf32>, vector<16xi1>
      %add3A_896 = arith.addi %add3A_893, %squeeze3A_824 : i32
      %swap3A_897 = arith.index_cast %add3A_896 : i32 to index
      %swap3A_898 = tpu.vector_load %arg8[%swap3A_897] masked %and3A_830 {strides = array<i32>} : memref<32784xf32, #tpu.memory_space<vmem>>, vector<16xf32>, vector<16xi1>
      tpu.vector_store %arg8[%swap3A_897], %gather3A_828 masked %and3A_830 {strides = array<i32>} : memref<32784xf32, #tpu.memory_space<vmem>>, vector<16xf32>, vector<16xi1>
      %add3A_899 = arith.addi %add3A_896, %squeeze3A_833 : i32
      %swap3A_900 = arith.index_cast %add3A_899 : i32 to index
      %swap3A_901 = tpu.vector_load %arg8[%swap3A_900] masked %and3A_839 {strides = array<i32>} : memref<32784xf32, #tpu.memory_space<vmem>>, vector<16xf32>, vector<16xi1>
      tpu.vector_store %arg8[%swap3A_900], %gather3A_837 masked %and3A_839 {strides = array<i32>} : memref<32784xf32, #tpu.memory_space<vmem>>, vector<16xf32>, vector<16xi1>
      %add3A_902 = arith.addi %add3A_899, %squeeze3A_842 : i32
      %swap3A_903 = arith.index_cast %add3A_902 : i32 to index
      %swap3A_904 = tpu.vector_load %arg8[%swap3A_903] masked %and3A_848 {strides = array<i32>} : memref<32784xf32, #tpu.memory_space<vmem>>, vector<16xf32>, vector<16xi1>
      tpu.vector_store %arg8[%swap3A_903], %gather3A_846 masked %and3A_848 {strides = array<i32>} : memref<32784xf32, #tpu.memory_space<vmem>>, vector<16xf32>, vector<16xi1>
      %add3A_905 = arith.addi %add3A_902, %squeeze3A_851 : i32
      %swap3A_906 = arith.index_cast %add3A_905 : i32 to index
      %swap3A_907 = tpu.vector_load %arg8[%swap3A_906] masked %and3A_857 {strides = array<i32>} : memref<32784xf32, #tpu.memory_space<vmem>>, vector<16xf32>, vector<16xi1>
      tpu.vector_store %arg8[%swap3A_906], %gather3A_855 masked %and3A_857 {strides = array<i32>} : memref<32784xf32, #tpu.memory_space<vmem>>, vector<16xf32>, vector<16xi1>
      %add3A_908 = arith.addi %add3A_905, %squeeze3A_860 : i32
      scf.yield %add3A_908 : i32
    }
    %swap3A_656 = arith.index_cast %while3A_655 : i32 to index
    %swap3A_657 = tpu.vector_load %arg8[%swap3A_656] {strides = array<i32>} : memref<32784xf32, #tpu.memory_space<vmem>>, vector<16xf32>,
    tpu.vector_store %arg8[%swap3A_656], %broadcast_in_dim3A_536 {strides = array<i32>} : memref<32784xf32, #tpu.memory_space<vmem>>, vector<16xf32>,
    %jit3A_658 = arith.constant 16 : i32
    %div3A_659 = arith.divsi %while3A_655, %jit3A_658 : i32
    %sign3A_660 = arith.constant 0 : i32
    %sign3A_661 = arith.cmpi sgt, %while3A_655, %sign3A_660 : i32
    %sign3A_662 = arith.extui %sign3A_661 : i1 to i32
    %sign3A_663 = arith.constant 0 : i32
    %sign3A_664 = arith.cmpi slt, %while3A_655, %sign3A_663 : i32
    %sign3A_665 = arith.extui %sign3A_664 : i1 to i32
    %sign3A_666 = arith.subi %sign3A_662, %sign3A_665 : i32
    %sign3A_667 = arith.constant 0 : i32
    %sign3A_668 = arith.cmpi sgt, %jit3A_658, %sign3A_667 : i32
    %sign3A_669 = arith.extui %sign3A_668 : i1 to i32
    %sign3A_670 = arith.constant 0 : i32
    %sign3A_671 = arith.cmpi slt, %jit3A_658, %sign3A_670 : i32
    %sign3A_672 = arith.extui %sign3A_671 : i1 to i32
    %sign3A_673 = arith.subi %sign3A_669, %sign3A_672 : i32
    %ne3A_674 = arith.cmpi ne, %sign3A_666, %sign3A_673 : i32
    %rem3A_675 = arith.remsi %while3A_655, %jit3A_658 : i32
    %ne3A_676 = arith.constant 0 : i32
    %ne3A_677 = arith.cmpi ne, %rem3A_675, %ne3A_676 : i32
    %and3A_678 = arith.andi %ne3A_674, %ne3A_677 : i1
    %sub3A_679 = arith.constant 1 : i32
    %sub3A_680 = arith.subi %div3A_659, %sub3A_679 : i32
    %select_n3A_681 = arith.select %and3A_678, %sub3A_680, %div3A_659 : i32
    %add3A_682 = arith.constant 1 : i32
    %add3A_683 = arith.addi %select_n3A_681, %add3A_682 : i32
    %while3A_684 = arith.constant 0 : i32
    %while3A_685 = arith.subi %add3A_683, %while3A_684 : i32
    %while3A_686 = arith.addi %while3A_684, %while3A_685 : i32
    %while3A_687 = arith.constant 1 : i32
    %while3A_688 = arith.divsi %while3A_685, %while3A_687 : i32
    %while3A_689 = arith.muli %while3A_688, %while3A_687 : i32
    %while3A_690 = arith.addi %while3A_684, %while3A_689 : i32
    %while3A_691 = arith.constant 1 : i32
    %while3A_692:2 = scf.for %while3A_701 = %while3A_684 to %while3A_690 step %while3A_691 iter_args(%while3A_702 = %broadcast_in_dim3A_536, %while3A_703 = %broadcast_in_dim3A_536) -> (vector<16xf32>, vector<16xf32>)  : i32 {
      %mul3A_704 = arith.constant 16 : i32
      %mul3A_705 = arith.muli %while3A_701, %mul3A_704 : i32
      %get3A = arith.index_cast %mul3A_705 : i32 to index
      %get3A_706 = tpu.vector_load %arg8[%get3A] {strides = array<i32>} : memref<32784xf32, #tpu.memory_space<vmem>>, vector<16xf32>,
      %masked_sort3A = arith.constant dense<true> : vector<16xi1>
      %masked_sort3A_707, %masked_sort3A_708, %masked_sort3A_709 = tpu.sort %get3A_706, %get3A_706 masked %masked_sort3A {descending = true} : (vector<16xf32>, vector<16xf32>, vector<16xi1>) -> (vector<16xi1>, vector<16xf32>, vector<16xf32>)
      %rev3A = arith.constant 15 : i32
      %rev3A_710 = vector.broadcast %rev3A : i32 to vector<16xi32>
      %rev3A_711 = tpu.iota {dimensions = array<i32: 0>} : vector<16xi32>
      %rev3A_712 = arith.subi %rev3A_710, %rev3A_711 : vector<16xi32>
      %rev3A_713 = tpu.dynamic_gather %masked_sort3A_708[%rev3A_712] in [0] : vector<16xf32>, vector<16xi32> -> vector<16xf32>
      %max3A_714 = arith.maximumf %while3A_702, %rev3A_713 : vector<16xf32>
      %min3A = arith.minimumf %while3A_702, %rev3A_713 : vector<16xf32>
      %masked_sort3A_715 = arith.constant dense<true> : vector<16xi1>
      %masked_sort3A_716, %masked_sort3A_717, %masked_sort3A_718 = tpu.sort %min3A, %min3A masked %masked_sort3A_715 {descending = true} : (vector<16xf32>, vector<16xf32>, vector<16xi1>) -> (vector<16xi1>, vector<16xf32>, vector<16xf32>)
      %rev3A_719 = arith.constant 15 : i32
      %rev3A_720 = vector.broadcast %rev3A_719 : i32 to vector<16xi32>
      %rev3A_721 = tpu.iota {dimensions = array<i32: 0>} : vector<16xi32>
      %rev3A_722 = arith.subi %rev3A_720, %rev3A_721 : vector<16xi32>
      %rev3A_723 = tpu.dynamic_gather %while3A_703[%rev3A_722] in [0] : vector<16xf32>, vector<16xi32> -> vector<16xf32>
      %max3A_724 = arith.maximumf %masked_sort3A_717, %rev3A_723 : vector<16xf32>
      %masked_sort3A_725 = arith.constant dense<true> : vector<16xi1>
      %masked_sort3A_726, %masked_sort3A_727, %masked_sort3A_728 = tpu.sort %max3A_714, %max3A_714 masked %masked_sort3A_725 {descending = true} : (vector<16xf32>, vector<16xf32>, vector<16xi1>) -> (vector<16xi1>, vector<16xf32>, vector<16xf32>)
      %masked_sort3A_729 = arith.constant dense<true> : vector<16xi1>
      %masked_sort3A_730, %masked_sort3A_731, %masked_sort3A_732 = tpu.sort %max3A_724, %max3A_724 masked %masked_sort3A_729 {descending = true} : (vector<16xf32>, vector<16xf32>, vector<16xi1>) -> (vector<16xi1>, vector<16xf32>, vector<16xf32>)
      scf.yield %masked_sort3A_727, %masked_sort3A_731 : vector<16xf32>, vector<16xf32>
    }
    %while3A_693 = arith.constant 1 : i32
    %while3A_694:2 = scf.for %while3A_701 = %while3A_690 to %while3A_686 step %while3A_693 iter_args(%while3A_702 = %while3A_692#0, %while3A_703 = %while3A_692#1) -> (vector<16xf32>, vector<16xf32>)  : i32 {
      %mul3A_704 = arith.constant 16 : i32
      %mul3A_705 = arith.muli %while3A_701, %mul3A_704 : i32
      %get3A = arith.index_cast %mul3A_705 : i32 to index
      %get3A_706 = tpu.vector_load %arg8[%get3A] {strides = array<i32>} : memref<32784xf32, #tpu.memory_space<vmem>>, vector<16xf32>,
      %masked_sort3A = arith.constant dense<true> : vector<16xi1>
      %masked_sort3A_707, %masked_sort3A_708, %masked_sort3A_709 = tpu.sort %get3A_706, %get3A_706 masked %masked_sort3A {descending = true} : (vector<16xf32>, vector<16xf32>, vector<16xi1>) -> (vector<16xi1>, vector<16xf32>, vector<16xf32>)
      %rev3A = arith.constant 15 : i32
      %rev3A_710 = vector.broadcast %rev3A : i32 to vector<16xi32>
      %rev3A_711 = tpu.iota {dimensions = array<i32: 0>} : vector<16xi32>
      %rev3A_712 = arith.subi %rev3A_710, %rev3A_711 : vector<16xi32>
      %rev3A_713 = tpu.dynamic_gather %masked_sort3A_708[%rev3A_712] in [0] : vector<16xf32>, vector<16xi32> -> vector<16xf32>
      %max3A_714 = arith.maximumf %while3A_702, %rev3A_713 : vector<16xf32>
      %min3A = arith.minimumf %while3A_702, %rev3A_713 : vector<16xf32>
      %masked_sort3A_715 = arith.constant dense<true> : vector<16xi1>
      %masked_sort3A_716, %masked_sort3A_717, %masked_sort3A_718 = tpu.sort %min3A, %min3A masked %masked_sort3A_715 {descending = true} : (vector<16xf32>, vector<16xf32>, vector<16xi1>) -> (vector<16xi1>, vector<16xf32>, vector<16xf32>)
      %rev3A_719 = arith.constant 15 : i32
      %rev3A_720 = vector.broadcast %rev3A_719 : i32 to vector<16xi32>
      %rev3A_721 = tpu.iota {dimensions = array<i32: 0>} : vector<16xi32>
      %rev3A_722 = arith.subi %rev3A_720, %rev3A_721 : vector<16xi32>
      %rev3A_723 = tpu.dynamic_gather %while3A_703[%rev3A_722] in [0] : vector<16xf32>, vector<16xi32> -> vector<16xf32>
      %max3A_724 = arith.maximumf %masked_sort3A_717, %rev3A_723 : vector<16xf32>
      %masked_sort3A_725 = arith.constant dense<true> : vector<16xi1>
      %masked_sort3A_726, %masked_sort3A_727, %masked_sort3A_728 = tpu.sort %max3A_714, %max3A_714 masked %masked_sort3A_725 {descending = true} : (vector<16xf32>, vector<16xf32>, vector<16xi1>) -> (vector<16xi1>, vector<16xf32>, vector<16xf32>)
      %masked_sort3A_729 = arith.constant dense<true> : vector<16xi1>
      %masked_sort3A_730, %masked_sort3A_731, %masked_sort3A_732 = tpu.sort %max3A_724, %max3A_724 masked %masked_sort3A_729 {descending = true} : (vector<16xf32>, vector<16xf32>, vector<16xi1>) -> (vector<16xi1>, vector<16xf32>, vector<16xf32>)
      scf.yield %masked_sort3A_727, %masked_sort3A_731 : vector<16xf32>, vector<16xf32>
    }
    %swap3A_695 = arith.constant 96 : index
    %swap3A_696 = tpu.vector_load %arg9[%swap3A_695] {strides = array<i32>} : memref<144xf32, #tpu.memory_space<vmem>>, vector<16xf32>,
    tpu.vector_store %arg9[%swap3A_695], %while3A_694#0 {strides = array<i32>} : memref<144xf32, #tpu.memory_space<vmem>>, vector<16xf32>,
    %swap3A_697 = arith.constant 112 : index
    %swap3A_698 = tpu.vector_load %arg9[%swap3A_697] {strides = array<i32>} : memref<144xf32, #tpu.memory_space<vmem>>, vector<16xf32>,
    tpu.vector_store %arg9[%swap3A_697], %while3A_694#1 {strides = array<i32>} : memref<144xf32, #tpu.memory_space<vmem>>, vector<16xf32>,
    %mul3A_699 = arith.constant 32 : i32
    %mul3A_700 = arith.muli %mul3A_2, %mul3A_699 : i32
    "tpu.region"() ({
      %run_scoped3A = tpu.sem_alloc : memref<!tpu.dma_semaphore, #tpu.memory_space<semaphore_mem>>
      %dma_start3A_701 = arith.constant 0 : i32
      %dma_start3A_702 = tpu.memref_slice %arg9[%dma_start3A_701] : memref<144xf32, #tpu.memory_space<vmem>> -> memref<128xf32, #tpu.memory_space<vmem>>
      %dma_start3A_703 = tpu.memref_slice %arg3[%mul3A_700] : memref<4096xf32, #tpu.memory_space<hbm>> -> memref<128xf32, #tpu.memory_space<hbm>>
      %dma_start3A_704 = tpu.memref_slice %arg3[%mul3A_700] : memref<4096xf32, #tpu.memory_space<hbm>> -> memref<128xf32, #tpu.memory_space<hbm>>
      %dma_start3A_705 = arith.constant 0 : i32
      %dma_start3A_706 = tpu.memref_slice %arg9[%dma_start3A_705] : memref<144xf32, #tpu.memory_space<vmem>> -> memref<128xf32, #tpu.memory_space<vmem>>
      tpu.enqueue_dma source(%dma_start3A_706 : memref<128xf32, #tpu.memory_space<vmem>>) target(%dma_start3A_704 : memref<128xf32, #tpu.memory_space<hbm>>) target_semaphore(%run_scoped3A : memref<!tpu.dma_semaphore, #tpu.memory_space<semaphore_mem>>)
      %dma_wait3A_707 = arith.constant 0 : i32
      %dma_wait3A_708 = tpu.memref_slice %arg9[%dma_wait3A_707] : memref<144xf32, #tpu.memory_space<vmem>> -> memref<128xf32, #tpu.memory_space<vmem>>
      %dma_wait3A_709 = tpu.memref_slice %arg3[%mul3A_700] : memref<4096xf32, #tpu.memory_space<hbm>> -> memref<128xf32, #tpu.memory_space<hbm>>
      %dma_wait3A_710 = tpu.memref_slice %arg3[%mul3A_700] : memref<4096xf32, #tpu.memory_space<hbm>> -> memref<128xf32, #tpu.memory_space<hbm>>
      %dma_wait3A_711 = arith.constant 0 : i32
      %dma_wait3A_712 = tpu.memref_slice %arg9[%dma_wait3A_711] : memref<144xf32, #tpu.memory_space<vmem>> -> memref<128xf32, #tpu.memory_space<vmem>>
      tpu.wait_dma2 semaphore(%run_scoped3A : memref<!tpu.dma_semaphore, #tpu.memory_space<semaphore_mem>>) src(%dma_wait3A_712 : memref<128xf32, #tpu.memory_space<vmem>>) dst(%dma_wait3A_710 : memref<128xf32, #tpu.memory_space<hbm>>)
      tpu.yield
    }) : () -> ()
    return
  }
}

</mosaic_0001>

<sc_bundles>
// kernel: kernel.3.cloned.1.call-start
scs
__scs_entry_jumppad:
0x0: {  	(pc) =	sbr.rel $0x88, $3  }
0x1: {  	(tag) =	ssettag $0x0;
	lr =	simm.s32 $0x1  }
0x2: {  	[smem:$0x3FA0] =	sst lr;
	_ =	strace $0xD0000000  }
0x3: {  	_ = 	snop  }
0x4: {  	_ = 	snop  }
0x5: {  	_ = 	snop  }
0x6: {  	_ = 	snop  }
0x7: {  	_ = 	snop  }
__scs_overlays_trampoline_lowered:
0x8: {  	[smem:$0x3FAF] =	sst s0  }
0x9: {  	[smem:$0x3FB0] =	sst s1  }
0xa: {  	[smem:$0x3FB1] =	sst s2  }
0xb: {  	[smem:$0x3FB2] =	sst s3  }
0xc: {  	[smem:$0x3FB3] =	sst s4  }
0xd: {  	[smem:$0x3FB4] =	sst s5  }
0xe: {  	[smem:$0x3FB5] =	sst s6  }
0xf: {  	[smem:$0x3FB6] =	sst s7  }
0x10: {  	[smem:$0x3FB7] =	sst s8  }
0x11: {  	[smem:$0x3FB8] =	sst s9;
	s0 =	simm.s32 @!p0 $0x0  }
0x12: {  	s1 =	sld [smem:$0x3F9E];
	s0 =	simm.s32 @p0 $0x1  }
0x13: {  	[smem:$0x3FB9] =	sst s0;
	s0 =	simm.s32 @!p1 $0x0  }
0x14: {  	s2 =	sld [smem:$0x3F9D];
	s0 =	simm.s32 @p1 $0x1  }
0x15: {  	[smem:$0x3FBA] =	sst s0;
	s0 =	simm.s32 @!p2 $0x0  }
0x16: {  	s3 =	sld [smem:$0x3FDB];
	s0 =	simm.s32 @p2 $0x1  }
0x17: {  	s4 =	simm.s32 $0x1BF5;
	[smem:$0x3FBC] =	sst s0  }
0x18: {  	s0 =	sld [smem:$0x3F9F];
	_ =	swait.ge [sflag:s4], $0x0  }
0x19: {  	s7 =	sld [smem:$0x3FA0]  }
0x1a: {  	s8 =	sadd.s32 $0xFFFFE003, lr  }
0x1b: {  	s9 =	sadd.s32 $0xFFFFFEF7, lr;
	s5 =	simm.s32 $0xFFFFFFFF;
	p2 =	slt.u32 s8, $0xFFFFF086  }
0x1c: {  	p1 =	slt.u32 s9, $0xF7A;
	s5 =	simm.s32 @!p2 $0x0  }
0x1d: {  	s5 =	simm.s32 @p1 $0x1;
	p0 =	seq.s32 s7, s2  }
0x1e: {  	s7 =	smul.u32 @!p0 $0xF7A, s2;
	p2 =	seq.s32 @!p0 s5, $0x0  }
0x1f: {  	s9 =	smul.u32 $0xF7A, s1;
	s8 =	simm.s32 @!p0 $0x1BF5;
	p2 =	por !p2, p0  }
0x20: {  	[sflag:s8] =	ssyncset.s32 @!p0 $0xFFFFF086;
	s6 =	sadd.s32 @!p0 s3, s7;
	s7 =	simm.s32 @!p0 $0x108  }
0x21: {  	s3 =	sadd.s32 s3, s9;
	s6 =	sadd.s32 @!p0 $0x88, s6;
	s7 =	simm.s32 @p2 $0x1082  }
0x22: {  	[simem:s7], [sflag:s8] =	dma.local @!p0 [hbm:s6], $0xF7A  }
0x23: {  	s9 =	sor.u32 $0xD0000000, s2;
	s6 =	simm.s32 $0x108;
	_ =	swait.ge @!p0 [sflag:s8], $0x0  }
0x24: {  	s3 =	sadd.s32 $0x88, s3;
	s6 =	simm.s32 @!p1 $0x1082;
	[sflag:s4] =	ssyncset.s32 $0xFFFFF086  }
0x25: {  	[simem:s6], [sflag:s4] =	dma.local [hbm:s3], $0xF7A  }
0x26: {  	[smem:$0x3FA0] =	sst s1;
	(tag) =	ssettag s2;
	_ =	strace s9  }
0x27: {  	s1 =	sld [smem:$0x3FB0]  }
0x28: {  	s2 =	sld [smem:$0x3FB1]  }
0x29: {  	s4 =	sld [smem:$0x3FB3]  }
0x2a: {  	p0 =	seq.s32 s5, $0x0;
	s5 =	sld [smem:$0x3FB4]  }
0x2b: {  	s6 =	sld [smem:$0x3FB5]  }
0x2c: {  	s7 =	sld [smem:$0x3FB6]  }
0x2d: {  	s3 =	simm.s32 $0x108;
	s8 =	sld [smem:$0x3FB7]  }
0x2e: {  	s3 =	simm.s32 @!p0 $0x1082;
	s9 =	sld [smem:$0x3FB8]  }
0x2f: {  	lr =	sadd.s32 s0, s3;
	s0 =	sld [smem:$0x3FAF]  }
0x30: {  	s3 =	sld [smem:$0x3FB2]  }
0x31: {  	[smem:$0x3FBB] =	sst s10  }
0x32: {  	s10 =	sld [smem:$0x3FB9];
	_ =	sdelay $0x3  }
0x33: {  	p0 =	seq.s32 s10, $0x1;
	s10 =	sld [smem:$0x3FBB];
	_ =	sdelay $0x3  }
0x34: {  	[smem:$0x3FBB] =	sst s10  }
0x35: {  	s10 =	sld [smem:$0x3FBA];
	_ =	sdelay $0x3  }
0x36: {  	p1 =	seq.s32 s10, $0x1;
	s10 =	sld [smem:$0x3FBB];
	_ =	sdelay $0x3  }
0x37: {  	[smem:$0x3FBB] =	sst s10  }
0x38: {  	s10 =	sld [smem:$0x3FBC]  }
0x39: {  	_ = 	snop;
	(pc) =	sbr.ind lr, $3  }
0x3a: {  	_ = 	snop  }
0x3b: {  	_ = 	snop  }
0x3c: {  	p2 =	seq.s32 s10, $0x1;
	s10 =	sld [smem:$0x3FBB]  }
0x3d: {  	_ =	shalt  }
0x3e: {  	_ =	shalt  }
0x3f: {  	_ =	shalt  }
0x40: {  	_ =	shalt  }
0x41: {  	_ =	shalt  }
0x42: {  	_ =	shalt  }
0x43: {  	_ =	shalt  }
0x44: {  	_ =	shalt  }
0x45: {  	_ =	shalt  }
0x46: {  	_ =	shalt  }
0x47: {  	_ =	shalt  }
0x48: {  	_ =	shalt  }
0x49: {  	_ =	shalt  }
0x4a: {  	_ =	shalt  }
0x4b: {  	_ =	shalt  }
0x4c: {  	_ =	shalt  }
0x4d: {  	_ =	shalt  }
0x4e: {  	_ =	shalt  }
0x4f: {  	_ =	shalt  }
0x50: {  	_ =	shalt  }
0x51: {  	_ =	shalt  }
0x52: {  	_ =	shalt  }
0x53: {  	_ =	shalt  }
0x54: {  	_ =	shalt  }
0x55: {  	_ =	shalt  }
0x56: {  	_ =	shalt  }
0x57: {  	_ =	shalt  }
0x58: {  	_ =	shalt  }
0x59: {  	_ =	shalt  }
0x5a: {  	_ =	shalt  }
0x5b: {  	_ =	shalt  }
0x5c: {  	_ =	shalt  }
0x5d: {  	_ =	shalt  }
0x5e: {  	_ =	shalt  }
0x5f: {  	_ =	shalt  }
0x60: {  	_ =	shalt  }
0x61: {  	_ =	shalt  }
0x62: {  	_ =	shalt  }
0x63: {  	_ =	shalt  }
0x64: {  	_ =	shalt  }
0x65: {  	_ =	shalt  }
0x66: {  	_ =	shalt  }
0x67: {  	_ =	shalt  }
0x68: {  	_ =	shalt  }
0x69: {  	_ =	shalt  }
0x6a: {  	_ =	shalt  }
0x6b: {  	_ =	shalt  }
0x6c: {  	_ =	shalt  }
0x6d: {  	_ =	shalt  }
0x6e: {  	_ =	shalt  }
0x6f: {  	_ =	shalt  }
0x70: {  	_ =	shalt  }
0x71: {  	_ =	shalt  }
0x72: {  	_ =	shalt  }
0x73: {  	_ =	shalt  }
0x74: {  	_ =	shalt  }
0x75: {  	_ =	shalt  }
0x76: {  	_ =	shalt  }
0x77: {  	_ =	shalt  }
0x78: {  	_ =	shalt  }
0x79: {  	_ =	shalt  }
0x7a: {  	_ =	shalt  }
0x7b: {  	_ =	shalt  }
0x7c: {  	_ =	shalt  }
0x7d: {  	_ =	shalt  }
0x7e: {  	_ =	shalt  }
0x7f: {  	_ =	shalt  }
0x80: {  	_ =	shalt  }
0x81: {  	_ =	shalt  }
0x82: {  	_ =	shalt  }
0x83: {  	_ =	shalt  }
0x84: {  	_ =	shalt  }
0x85: {  	_ =	shalt  }
0x86: {  	_ =	shalt  }
0x87: {  	_ =	shalt  }
.Lfunc_end0:
.L_simem_size_0:
called_computation_lowered:
.L_overlay_start_0:
0x88: {  	s2 =	sld [smem:$0x3FD9]  }
0x89: {  	s3 =	sld [smem:$0x3FFE];
	_ =	sdelay $0x1  }
0x8a: {  	s1 =	srdreg.scid  }
0x8b: {  	s0 =	sand.u32 $0x1, s1  }
0x8c: {  	s18 =	sshll.u32 s0, $0xA;
	s2 =	sadd.s32 s3, s2  }
0x8d: {  	s2 =	sadd.s32 s2, s18  }
0x8e: {  	[smem:$0x3FC7] =	sst s2  }
0x8f: {  	_ = 	snop  }
0x90: {  	s2 =	sld [smem:$0x3FC9]  }
0x91: {  	s19 =	sld [smem:$0x3FD0];
	(tm) =	ssettm $0x1  }
0x92: {  	s4 =	sld [smem:$0x3FFB];
	_ =	sdelay $0x3  }
0x93: {  	_ =	strace s4  }
0x94: {  	s4 =	sld [smem:$0x3FFC];
	_ =	sdelay $0x3  }
0x95: {  	_ =	strace s4  }
0x96: {  	s4 =	sld [smem:$0x3FFD];
	_ =	sdelay $0x3  }
0x97: {  	_ =	strace s4  }
0x98: {  	_ =	strace $0x8FFFFFFF  }
0x99: {  	s20 =	sld [smem:$0x3FDB];
	_ =	sdelay $0x1  }
0x9a: {  	s5 =	simm.s32 $_scs_section_size  }
0x9b: {  	s6 =	simm.s32 $_size__tile_overlayer_lowered;
	s7 =	simm.s32 $_tile_overlayer_lowered  }
0x9c: {  	s23 =	simm.s32 $0x1BFF;
	s22 =	sshll.u32 s7, $0x1;
	s4 =	sadd.s32 s5, s20  }
0x9d: {  	s8 =	simm.s32 $0x0;
	s21 =	sshll.u32 s6, $0x1;
	s6 =	sadd.s32 s22, s4  }
0x9e: {  	[timem:s8], [sflag:s23] =	dma.local [hbm:s6], s21  }
0x9f: {  	_ =	swait.ge [sflag:s23], s21  }
0xa0: {  	s5 =	ssub.s32 $0x0, s21;
	[sflag:s23] =	ssyncset.done $0x0  }
0xa1: {  	[sflag:s23] =	ssyncadd.s32 s5;
	_ =	sdelay $0x1  }
0xa2: {  	s24 =	simm.s32 $0x1B8B  }
0xa3: {  	_ =	swait.ge [sflag:s24], $0x1  }
0xa4: {  	[sflag:s24] =	ssyncset.done $0x0  }
0xa5: {  	s25 =	simm.s32 $0x1B8E;
	[sflag:s24] =	ssyncadd.s32 $0xFFFFFFFF  }
0xa6: {  	s26 =	simm.s32 $execute0_lowered;
	[smem:$0x3FD2] =	sst s25  }
0xa7: {  	s5 =	sshll.u32 s26, $0x1;
	_ =	strace $0x80000046;
	[dreg:$0x1] =	wrdreg $0xFFFFFFFF  }
0xa8: {  	s28 =	simm.s32 $_size_execute0_lowered;
	s4 =	sadd.s32 s4, s5;
	[dreg:$0x0] =	wrdreg $0x0  }
0xa9: {  	s5 =	sshll.u32 s28, $0x1;
	[dreg:$0x2] =	wrdreg s4  }
0xaa: {  	[dreg:$0x3] =	wrdreg s5  }
0xab: {  	[dreg:$0x4] =	wrdreg $0xC0  }
0xac: {  	_ =	task [dreg:s8], $0x5FFFF  }
0xad: {  	[dreg:$0x1] =	wrdreg $0xFFFFFFFF  }
0xae: {  	[dreg:$0x0] =	wrdreg $0x60  }
0xaf: {  	[dreg:$0x2] =	wrdreg s2  }
0xb0: {  	[dreg:$0x3] =	wrdreg s19  }
0xb1: {  	[dreg:$0x4] =	wrdreg $0x9  }
0xb2: {  	_ =	task.clear_ibuf [dreg:s8], $0x5FFFF;
	_ =	strace $0x90000046  }
0xb3: {  	s29 =	simm.s32 $0x9;
	_ =	strace $0x80000048  }
0xb4: {  	_ =	swait.ge [sflag:s29], $0x1  }
0xb5: {  	[sflag:s29] =	ssyncadd.s32 $0xFFFFFFFF  }
0xb6: {  	_ =	strace $0x90000048  }
0xb7: {  	_ =	sfence  }
0xb8: {  	s30 =	sld [smem:$0x0];
	_ =	sdelay $0x2  }
0xb9: {  	s31 =	sshll.u32 s1, $0xD;
	s1 =	sshrl.u32 s1, $0x2  }
0xba: {  	s3 =	sand.u32 $0x4000, s31;
	s1 =	sadd.s32 s1, s30  }
0xbb: {  	s0 =	sor.u32 s3, s0;
	s1 =	sshll.u32 s1, $0x11  }
0xbc: {  	s0 =	sor.u32 s1, s0  }
0xbd: {  	s0 =	sadd.s32 $0x8F2B, s0  }
0xbe: {  	[sflag:s0] =	ssyncadd.remote.s32 $0x1  }
0xbf: {  	_ =	sfence.sel $0xFFFF  }
0xc0: {  	[dreg:$0x0] =	wrdreg $0xFFFFFFFF;
	(pc) =	sbr.abs _section_cstart, $3  }
0xc1: {  	[dreg:$0x1] =	wrdreg $0xFFFFFFFF  }
0xc2: {  	_ =	task.clear_ibuf [dreg:s8], $0x2FFFF;
	_ =	strace $0x9FFFFFFF  }
0xc3: {  	(tm) =	ssettm $0x7FFFFFFF  }
tec
execute0_lowered:
.L_overlay_start_1:
0x0: {  	(tag) =	ssettag $0x1  }
0x1: {  	v0 =	vimm.s32 $0xFEDCBA98;
	s3 =	rddreg [dreg:$0x0]  }
0x2: {  	v1 =	vimm.s32 $0x76543210;
	s5 =	rddreg [dreg:$0x1];
	v0 =	vunpack.c.l.s4.s8 v0  }
0x3: {  	v2 =	vimm.s32 $0xBA98FEDC;
	s0 =	rddreg [dreg:$0x2];
	v1 =	vunpack.c.l.s4.s8 v1  }
0x4: {  	s1 =	simm.s32 $0x0;
	s4 =	srdreg.scid;
	s2 =	stileid.u32;
	v3 =	vimm.s32 $0xDCFE98BA;
	v4 =	vimm.s32 $0x54761032;
	v0 =	vunpack.c.0.s8.s32 v0  }
0x5: {  	v5 =	vimm.s32 $0xEFCDAB89;
	v6 =	vimm.s32 $0x67452301;
	s10 =	simm.s32 $0x8000;
	s11 =	simm.s32 $0x1;
	s12 =	simm.s32 $0x80;
	v1 =	vunpack.c.0.s8.s32 v1  }
0x6: {  	s13 =	simm.s32 $0x2;
	s14 =	simm.s32 $0x19100;
	s15 =	simm.s32 $0x3;
	v3 =	vunpack.c.l.s4.s8 v3;
	v4 =	vunpack.c.l.s4.s8 v4;
	v0 =	vand.u32 $0xF, v0  }
0x7: {  	s16 =	simm.s32 $0x0;
	[smem:$0x7FF] =	sst s1;
	s4 =	sand.u32 $0x1, s4;
	v5 =	vunpack.c.l.s4.s8 v5;
	v0 =	vcombine.low v0, v1;
	v1 =	vimm.s32 $0x32107654  }
0x8: {  	v2 =	vunpack.c.l.s4.s8 v2;
	s8 =	sshll.u32 s2, $0xF;
	s30 =	sshll.u32 s2, $0x5;
	v6 =	vunpack.c.l.s4.s8 v6;
	s6 =	ssub.s32 $0x2, s4;
	v1 =	vunpack.c.l.s4.s8 v1  }
.Ltmp0:
0x9: {  	s7 =	sshll.u32 s4, $0x6;
	_ =	strace $0x80000047;
	v3 =	vunpack.c.0.s8.s32 v3;
	v4 =	vunpack.c.0.s8.s32 v4;
	v5 =	vunpack.c.0.s8.s32 v5;
	(pc) =	sbr.rel .LBB2_1-.Ltmp0, $4  }
0xa: {  	s29 =	sshll.u32 s4, $0x4;
	s9 =	sshrl.u32 s6, $0x1;
	s7 =	sor.u32 s7, s8;
	v6 =	vunpack.c.0.s8.s32 v6;
	v7 =	vunpack.c.0.s8.s32 v1;
	v1 =	vlaneseq.u32  }
0xb: {  	v2 =	vunpack.c.0.s8.s32 v2;
	s31 =	sadd.s32 s5, s29;
	s28 =	ssub.s32 s6, s9;
	s3 =	sadd.s32 s3, s7;
	v8 =	vmul.u32 $0xFFFFFFFF, v1  }
0xc: {  	s7 =	sadd.s32 s30, s31;
	s9 =	simm.s32 $0x400;
	s4 =	sadd.s32 $0x10, s3;
	v3 =	vcombine.low v4, v3;
	v4 =	vcombine.low v6, v5  }
0xd: {  	s5 =	sadd.s32 $0x20, s3;
	s6 =	sadd.s32 $0x30, s3;
	s8 =	smax.u32 s28, $0x1;
	v5 =	vimm.s32 $0x0;
	v2 =	vcombine.low v7, v2;
	v6 =	vadd.s32 $0xF, v8  }
.LBB2_63:
0xe: {  	_ = 	snop  }
.LBB2_68:
0xf: {  	v10 =	vmax.f32 @p1 v11, v10;
	v11, _, _ =	vpop @p1 (xrf1)  }
0x10: {  	(xrf1) =	vsort.dscd.msk.f32 @p1 $0xffff, v10, v10;
	v10 =	vpsel p1, v11, v7  }
0x11: {  	v11 =	vmin.f32 @p0 v10, v9;
	(xrf1) =	vsort.dscd.msk.f32 $0xffff, v8, v8  }
0x12: {  	(xrf1) =	vsort.dscd.msk.f32 @p0 $0xffff, v11, v11;
	_ =	sdelay $0x2  }
0x13: {  	v8 =	vmax.f32 @p0 v10, v9  }
0x14: {  	(xrf1) =	vsort.dscd.msk.f32 @p0 $0xffff, v8, v8;
	_ =	sdelay $0x7  }
0x15: {  	v8, _, _ =	vpop @p1 (xrf1)  }
0x16: {  	v8 =	vpsel p1, v8, v7;
	v9, _, _ =	vpop (xrf1)  }
0x17: {  	v8 =	vperm.xlane @p0 v8, v6;
	v10, _, _ =	vpop @p0 (xrf1)  }
0x18: {  	v10 =	vpsel p0, v10, v0  }
0x19: {  	v8 =	vpsel p0, v8, v0  }
0x1a: {  	v8 =	vmax.f32 @p0 v10, v8  }
0x1b: {  	v9 =	vperm.xlane v9, v6;
	v10, _, _ =	vpop @p0 (xrf1);
	(xrf1) =	vsort.dscd.msk.f32 @p0 $0xffff, v8, v8  }
0x1c: {  	v8 =	vpsel p0, v10, v7  }
0x1d: {  	v10 =	vmin.f32 v8, v9  }
0x1e: {  	(xrf1) =	vsort.dscd.msk.f32 $0xffff, v10, v10;
	_ =	sdelay $0xa  }
0x1f: {  	v10, _, _ =	vpop @p0 (xrf1)  }
0x20: {  	v7 =	vpsel p0, v10, v7  }
0x21: {  	v7 =	vperm.xlane v7, v6  }
0x22: {  	v8 =	vmax.f32 v8, v9;
	v9, _, _ =	vpop (xrf1)  }
0x23: {  	(xrf1) =	vsort.dscd.msk.f32 $0xffff, v8, v8;
	v7 =	vmax.f32 v9, v7  }
0x24: {  	(xrf1) =	vsort.dscd.msk.f32 $0xffff, v7, v7;
	_ =	sdelay $0xc  }
0x25: {  	v7, _, _ =	vpop (xrf1)  }
0x26: {  	v8, _, _ =	vpop (xrf1)  }
.LBB2_69:
0x27: {  	s16 =	sadd.s32 $0x1, s16  }
0x28: {  	[tilespmem:$0x19160] =	vst v7;
	p0 =	sne.s32 s16, s8  }
.Ltmp1:
0x29: {  	[tilespmem:$0x19170] =	vst v8;
	(pc) =	sbr.rel @!p0 .LBB2_70-.Ltmp1, $4  }
0x2a: {  	[hbm4b:s7+s1] =	stream.linear.scatter [tilespmem:s14], [sflag:$0x3], $0x80, $0x38;
	[tilespmem:$0x19200] =	vst v63  }
0x2b: {  	_ =	swait.ge [sflag:s15], $0x80  }
0x2c: {  	[sflag:s15] =	ssyncset.done $0x0  }
0x2d: {  	[sflag:s15] =	ssyncadd.s32 $0xFFFFFF80  }
.LBB2_1:
0x2e: {  	[tilespmem:s1], [sflag:$0x1] =	stream.strided.gather [hbm4b:s3+s12], $0x8000, s9, s12, $0x38;
	[tilespmem:$0x19200] =	vst v63  }
0x2f: {  	_ = 	snop  }
0x30: {  	[tilespmem:s10], [sflag:$0x2] =	stream.strided.gather [hbm4b:s4+s12], $0x8000, s9, s12, $0x38;
	[tilespmem:$0x19200] =	vst v63  }
0x31: {  	_ =	swait.ge [sflag:s11], $0x8000  }
0x32: {  	[sflag:s11] =	ssyncset.done $0x0  }
0x33: {  	[sflag:s11] =	ssyncadd.s32 $0xFFFF8000  }
0x34: {  	v11 =	vld [tilespmem:s12+$0x40]  }
0x35: {  	v9 =	vld [tilespmem:s12+$0x50]  }
0x36: {  	v10 =	vld [tilespmem:s12+$0x60]  }
0x37: {  	v14 =	vld [tilespmem:s12+$0x0]  }
0x38: {  	v12 =	vld [tilespmem:s12+$0x10]  }
0x39: {  	v13 =	vld [tilespmem:s12+$0x20]  }
0x3a: {  	v18 =	vld [tilespmem:s12+$0xFFFFFFC0]  }
0x3b: {  	v20 =	vld [tilespmem:s12+$0xFFFFFF80]  }
0x3c: {  	v15 =	vld [tilespmem:s12+$0xFFFFFF90]  }
0x3d: {  	v16 =	vld [tilespmem:s12+$0xFFFFFFD0]  }
0x3e: {  	v17 =	vld [tilespmem:s12+$0xFFFFFFA0]  }
0x3f: {  	v19 =	vld [tilespmem:s12+$0xFFFFFFE0]  }
0x40: {  	v7 =	vimm.f32 $-Inf;
	s19 =	simm.s32 $0x40;
	s18 =	simm.s32 $0x80;
	s17 =	simm.s32 $0x0;
	v8 =	vimm.f32 $-Inf;
	v21 =	vld [tilespmem:s12+$0xFFFFFFB0]  }
.LBB2_2:
0x41: {  	p0 =	sne.s32 s19, $0x1FC0;
	v22 =	vld [tilespmem:s18+$0xFFFFFFF0]  }
0x42: {  	v23 =	vld [tilespmem:s18+$0x30]  }
0x43: {  	v18 =	vmax.f32 v20, v18;
	v20 =	vld [tilespmem:s18+$0x70]  }
0x44: {  	v14 =	vmax.f32 v18, v14  }
0x45: {  	v11 =	vmax.f32 v14, v11  }
0x46: {  	v14 =	vmax.f32 v15, v16;
	v15 =	vmax.f32 v17, v19;
	v16 =	vmax.f32 v21, v22  }
0x47: {  	v12 =	vmax.f32 v14, v12;
	v13 =	vmax.f32 v15, v13;
	v14 =	vmax.f32 v16, v23  }
0x48: {  	v9 =	vmax.f32 v12, v9;
	v10 =	vmax.f32 v13, v10;
	v12 =	vmax.f32 v14, v20  }
0x49: {  	v9 =	vmax.f32 v11, v9;
	v10 =	vmax.f32 v10, v12  }
0x4a: {  	s20 =	sshra.s32 s17, $0x2;
	s17 =	smov.u32 s19;
	v9 =	vmax.f32 v9, v10  }
0x4b: {  	s18 =	sadd.s32 $0x100, s18;
	[tilespmem:s20+$0x10000] =	vst v9;
	v10 =	vmin.f32 v7, v9;
	v7 =	vmax.f32 v7, v9  }
0x4c: {  	v11 =	vld [tilespmem:s18+$0x40];
	v8 =	vmax.f32 v8, v10  }
0x4d: {  	v9 =	vld [tilespmem:s18+$0x50]  }
0x4e: {  	v10 =	vld [tilespmem:s18+$0x60]  }
0x4f: {  	v14 =	vld [tilespmem:s18+$0x0]  }
0x50: {  	v12 =	vld [tilespmem:s18+$0x10]  }
0x51: {  	v13 =	vld [tilespmem:s18+$0x20]  }
0x52: {  	v18 =	vld [tilespmem:s18+$0xFFFFFFC0]  }
0x53: {  	v20 =	vld [tilespmem:s18+$0xFFFFFF80]  }
.Ltmp2:
0x54: {  	v15 =	vld [tilespmem:s18+$0xFFFFFF90];
	(pc) =	sbr.rel @p0 .LBB2_2-.Ltmp2, $4  }
0x55: {  	v16 =	vld [tilespmem:s18+$0xFFFFFFD0]  }
0x56: {  	v17 =	vld [tilespmem:s18+$0xFFFFFFA0]  }
0x57: {  	v19 =	vld [tilespmem:s18+$0xFFFFFFE0]  }
0x58: {  	s19 =	sadd.s32 $0x40, s19;
	v21 =	vld [tilespmem:s18+$0xFFFFFFB0]  }
0x59: {  	v22 =	vld [tilespmem:s18+$0xFFFFFFF0]  }
0x5a: {  	v23 =	vld [tilespmem:s18+$0x30]  }
0x5b: {  	v55 =	vld [tilespmem:s18+$0x70]  }
0x5c: {  	v18 =	vmax.f32 v20, v18  }
0x5d: {  	v14 =	vmax.f32 v18, v14;
	v56 =	vmax.f32 v15, v16  }
0x5e: {  	v11 =	vmax.f32 v14, v11;
	v57 =	vmax.f32 v17, v19;
	v58 =	vmax.f32 v21, v22  }
0x5f: {  	v12 =	vmax.f32 v56, v12;
	v13 =	vmax.f32 v57, v13;
	v59 =	vmax.f32 v58, v23  }
0x60: {  	v9 =	vmax.f32 v12, v9;
	v10 =	vmax.f32 v13, v10;
	v60 =	vmax.f32 v59, v55  }
0x61: {  	v9 =	vmax.f32 v11, v9;
	v10 =	vmax.f32 v10, v60  }
0x62: {  	v9 =	vmax.f32 v9, v10  }
0x63: {  	v7 =	vmin.f32 v7, v9  }
0x64: {  	v7 =	vmax.f32 v8, v7  }
0x65: {  	v7 =	vsub.f32 $0.0e+00, v7;
	_ =	sdelay $0x1  }
0x66: {  	v8 =	vperm.xlane v7, v0;
	_ =	sdelay $0x1  }
0x67: {  	v7 =	vmax.f32 v7, v8  }
0x68: {  	v8 =	vperm.xlane v7, v2;
	_ =	sdelay $0x1  }
0x69: {  	v7 =	vmax.f32 v7, v8  }
0x6a: {  	v8 =	vperm.xlane v7, v3  }
0x6b: {  	s17 =	sshra.s32 s17, $0x2  }
0x6c: {  	[tilespmem:s17+$0x10000] =	vst v9;
	s17 =	simm.s32 $0x10040;
	v7 =	vmax.f32 v7, v8  }
0x6d: {  	v9 =	vld [tilespmem:s17+$0xFFFFFFC0];
	v8 =	vperm.xlane v7, v4  }
0x6e: {  	v10 =	vld [tilespmem:s17+$0xFFFFFFD0]  }
0x6f: {  	v7 =	vmax.f32 v7, v8;
	v8 =	vld [tilespmem:s17+$0xFFFFFFE0]  }
0x70: {  	v11 =	vld [tilespmem:s17+$0xFFFFFFF0];
	v7 =	vsub.f32 $0.0e+00, v7  }
0x71: {  	v61 =	vld [tilespmem:s17+$0x0]  }
0x72: {  	v62 =	vld [tilespmem:s17+$0x10];
	vm7 =	vge.f32 v9, v7  }
0x73: {  	v9 =	vld [tilespmem:s17+$0x20];
	vm6 =	vge.f32 v10, v7;
	v10 =	vmpcnt.ones.xlane vm7  }
0x74: {  	v63 =	vld [tilespmem:s17+$0x30];
	vm5 =	vge.f32 v8, v7;
	v8 =	vmpcnt.ones.xlane vm6  }
0x75: {  	vm4 =	vge.f32 v11, v7;
	v11 =	vmpcnt.ones.xlane vm5;
	(v2sf) =	vpush v10, $0x0  }
0x76: {  	vm3 =	vge.f32 v61, v7;
	v10 =	vmpcnt.ones.xlane vm4;
	(v2sf) =	vpush v8, $0x0  }
0x77: {  	vm2 =	vge.f32 v62, v7;
	v8 =	vmpcnt.ones.xlane vm3;
	(v2sf) =	vpush v11, $0x0  }
0x78: {  	vm1 =	vge.f32 v9, v7;
	v9 =	vmpcnt.ones.xlane vm2;
	(v2sf) =	vpush v10, $0x0  }
0x79: {  	vm0 =	vge.f32 v63, v7;
	v10 =	vmpcnt.ones.xlane vm1;
	(v2sf) =	vpush v8, $0x0  }
0x7a: {  	v8 =	vmpcnt.ones.xlane vm0;
	(v2sf) =	vpush v9, $0x0  }
0x7b: {  	(v2sf) =	vpush v10, $0x0  }
0x7c: {  	(v2sf) =	vpush v8, $0x0;
	_ =	sdelay $0x6  }
0x7d: {  	s28 =	simm.s32 $0x0  }
0x7e: {  	s19 =	simm.s32 $0x0;
	s29 =	simm.s32 $0x10;
	v8 =	vor.u32 s28, v1;
	s20 =	spop (v2sf)  }
0x7f: {  	s30 =	simm.s32 $0x20;
	[tilespmem:s19+$0x10800] =	vst.msk vm7, v8;
	v8 =	vor.u32 s29, v1;
	s20 =	sadd.s32 $0x0, s20;
	s31 =	spop (v2sf)  }
0x80: {  	s21 =	simm.s32 $0x30;
	[tilespmem:s20+$0x10800] =	vst.msk vm6, v8;
	s18 =	sadd.s32 s31, s20;
	v8 =	vor.u32 s30, v1;
	s22 =	spop (v2sf)  }
0x81: {  	s23 =	simm.s32 $0x40;
	[tilespmem:s18+$0x10800] =	vst.msk vm5, v8;
	s18 =	sadd.s32 s22, s18;
	v8 =	vor.u32 s21, v1;
	s24 =	spop (v2sf)  }
0x82: {  	s25 =	simm.s32 $0x50;
	[tilespmem:s18+$0x10800] =	vst.msk vm4, v8;
	s18 =	sadd.s32 s24, s18;
	v8 =	vor.u32 s23, v1;
	s26 =	spop (v2sf)  }
0x83: {  	s28 =	simm.s32 $0x60;
	[tilespmem:s18+$0x10800] =	vst.msk vm3, v8;
	s18 =	sadd.s32 s26, s18;
	v8 =	vor.u32 s25, v1;
	s29 =	spop (v2sf)  }
0x84: {  	s30 =	simm.s32 $0x70;
	[tilespmem:s18+$0x10800] =	vst.msk vm2, v8;
	s19 =	sadd.s32 s29, s18;
	v8 =	vor.u32 s28, v1;
	s31 =	spop (v2sf)  }
0x85: {  	s18 =	simm.s32 $0xF0;
	[tilespmem:s19+$0x10800] =	vst.msk vm1, v8;
	s20 =	sadd.s32 s31, s19;
	v8 =	vor.u32 s30, v1;
	s19 =	spop (v2sf)  }
.LBB2_4:
0x86: {  	p0 =	sne.s32 s18, $0x7F0;
	[tilespmem:s20+$0x10800] =	vst.msk vm0, v8;
	s20 =	sadd.s32 s19, s20;
	s17 =	sadd.s32 $0x80, s17  }
0x87: {  	s19 =	smov.u32 s18;
	s18 =	sadd.s32 $0x80, s18;
	v8 =	vld [tilespmem:s17+$0xFFFFFFC0]  }
0x88: {  	v9 =	vld [tilespmem:s17+$0xFFFFFFD0]  }
0x89: {  	v10 =	vld [tilespmem:s17+$0xFFFFFFE0]  }
0x8a: {  	v11 =	vld [tilespmem:s17+$0xFFFFFFF0]  }
0x8b: {  	v12 =	vld [tilespmem:s17+$0x0]  }
0x8c: {  	v13 =	vld [tilespmem:s17+$0x10];
	vm0 =	vge.f32 v8, v7  }
0x8d: {  	s21 =	sadd.s32 $0xFFFFFF90, s19;
	v8 =	vld [tilespmem:s17+$0x20];
	vm6 =	vge.f32 v9, v7;
	v9 =	vmpcnt.ones.xlane vm0  }
0x8e: {  	v15 =	vor.u32 s21, v1;
	v14 =	vld [tilespmem:s17+$0x30];
	vm5 =	vge.f32 v10, v7;
	v10 =	vmpcnt.ones.xlane vm6  }
0x8f: {  	vm4 =	vge.f32 v11, v7;
	v11 =	vmpcnt.ones.xlane vm5;
	[tilespmem:s20+$0x10800] =	vst.msk vm0, v15;
	(v2sf) =	vpush v9, $0x0  }
0x90: {  	vm3 =	vge.f32 v12, v7;
	v9 =	vmpcnt.ones.xlane vm4;
	(v2sf) =	vpush v10, $0x0  }
0x91: {  	vm2 =	vge.f32 v13, v7;
	v10 =	vmpcnt.ones.xlane vm3;
	(v2sf) =	vpush v11, $0x0  }
0x92: {  	vm1 =	vge.f32 v8, v7;
	v8 =	vmpcnt.ones.xlane vm2;
	(v2sf) =	vpush v9, $0x0  }
0x93: {  	vm0 =	vge.f32 v14, v7;
	v9 =	vmpcnt.ones.xlane vm1;
	(v2sf) =	vpush v10, $0x0  }
0x94: {  	v10 =	vmpcnt.ones.xlane vm0;
	(v2sf) =	vpush v8, $0x0  }
0x95: {  	(v2sf) =	vpush v9, $0x0  }
0x96: {  	(v2sf) =	vpush v10, $0x0;
	_ =	sdelay $0x7  }
0x97: {  	s22 =	sadd.s32 $0xFFFFFFD0, s19;
	s21 =	sadd.s32 $0xFFFFFFA0, s19;
	s23 =	spop (v2sf)  }
0x98: {  	s24 =	sadd.s32 $0xFFFFFFB0, s19;
	v8 =	vor.u32 s21, v1;
	s20 =	sadd.s32 s20, s23;
	s21 =	spop (v2sf)  }
0x99: {  	s23 =	sadd.s32 $0xFFFFFFC0, s19;
	[tilespmem:s20+$0x10800] =	vst.msk vm6, v8;
	s20 =	sadd.s32 s21, s20;
	v8 =	vor.u32 s24, v1;
	s21 =	spop (v2sf)  }
.Ltmp3:
0x9a: {  	[tilespmem:s20+$0x10800] =	vst.msk vm5, v8;
	s20 =	sadd.s32 s21, s20;
	v8 =	vor.u32 s23, v1;
	s21 =	spop (v2sf);
	(pc) =	sbr.rel @p0 .LBB2_4-.Ltmp3, $4  }
0x9b: {  	s23 =	sadd.s32 $0xFFFFFFE0, s19;
	[tilespmem:s20+$0x10800] =	vst.msk vm4, v8;
	s20 =	sadd.s32 s21, s20;
	v8 =	vor.u32 s22, v1;
	s21 =	spop (v2sf)  }
0x9c: {  	s22 =	sadd.s32 $0xFFFFFFF0, s19;
	[tilespmem:s20+$0x10800] =	vst.msk vm3, v8;
	s20 =	sadd.s32 s21, s20;
	v8 =	vor.u32 s23, v1;
	s21 =	spop (v2sf)  }
0x9d: {  	[tilespmem:s20+$0x10800] =	vst.msk vm2, v8;
	s20 =	sadd.s32 s21, s20;
	v8 =	vor.u32 s22, v1;
	s21 =	spop (v2sf)  }
0x9e: {  	[tilespmem:s20+$0x10800] =	vst.msk vm1, v8;
	s20 =	sadd.s32 s21, s20;
	v8 =	vor.u32 s19, v1;
	s19 =	spop (v2sf)  }
0x9f: {  	s21 =	sadd.s32 s19, s20  }
0xa0: {  	s17 =	sand.u32 $0xF, s21  }
0xa1: {  	s18 =	sshra.s32 s21, $0x1F;
	p0 =	slt.s32 s21, $0x1;
	p1 =	sne.s32 s17, $0x0  }
0xa2: {  	s31 =	sshrl.u32 s18, $0x1C;
	p0 =	por !p0, !p1  }
0xa3: {  	s19 =	simm.s32 $0x1;
	s17 =	sadd.s32 s31, s21;
	p0 =	por !p0, !p0  }
0xa4: {  	s18 =	sshra.s32 s17, $0x4;
	s19 =	simm.s32 @!p0 $0x0  }
0xa5: {  	s17 =	ssub.s32 s18, s19  }
0xa6: {  	p1 =	slt.s32 s17, $0x0  }
.Ltmp4:
0xa7: {  	_ = 	snop;
	(pc) =	sbr.rel @p1 .LBB2_6-.Ltmp4, $3  }
0xa8: {  	_ =	sdelay $0x1  }
0xa9: {  	[tilespmem:s20+$0x10800] =	vst.msk vm0, v8  }
0xaa: {  	[tilespmem:s21+$0x10800] =	vst v5  }
0xab: {  	s17 =	simm.s32 $0x10800  }
0xac: {  	v9 =	vld [tilespmem:s17+$0x0];
	_ =	sdelay $0x3  }
0xad: {  	s19 =	simm.s32 $0x0  }
0xae: {  	v8 =	vmov s21;
	v10 =	vor.u32 s19, v1;
	v14 =	vshll.u32 v9, $0x4  }
0xaf: {  	vm9 =	vlt.s32 v10, v8;
	v15 =	vand.u32 $0xF, v9;
	v9 =	vand.u32 $0xFFFFFF00, v14  }
0xb0: {  	v16 =	vor.u32 v15, v9  }
0xb1: {  	v9 =	vor.u32 $0x20, v16  }
0xb2: {  	v11 =	vor.u32 $0x40, v16  }
0xb3: {  	v10 =	vor.u32 $0x30, v16;
	_ =	sdelay $0x1  }
0xb4: {  	v12 =	vor.u32 $0x10, v16;
	v20 =	vld.idx.msk [tilespmem:v16+s1+$0x0], vm9  }
0xb5: {  	v21 =	vld.idx.msk [tilespmem:v9+s1+$0x0], vm9  }
0xb6: {  	v14 =	vor.u32 v14, v15;
	v23 =	vld.idx.msk [tilespmem:v11+s1+$0x0], vm9  }
0xb7: {  	v28 =	vor.u32 $0xF0, v14;
	v13 =	vor.u32 $0x60, v16;
	v17 =	vor.u32 $0xA0, v16;
	v22 =	vld.idx.msk [tilespmem:v10+s1+$0x0], vm9  }
0xb8: {  	v19 =	vor.u32 $0xB0, v16;
	v27 =	vor.u32 $0x90, v16;
	v9 =	vor.u32 $0x50, v16  }
0xb9: {  	v54 =	vor.u32 $0xD0, v16;
	v55 =	vor.u32 $0xC0, v16;
	v15 =	vor.u32 $0xE0, v16;
	v24 =	vld.idx.msk [tilespmem:v12+s1+$0x0], vm9  }
0xba: {  	v11 =	vor.u32 $0x70, v16;
	v12 =	vor.u32 $0x80, v16;
	vm0 =	vge.f32 v20, v7  }
0xbb: {  	vm10 =	vmand vm9, vm0;
	vm0 =	vge.f32 v21, v7;
	vm1 =	vge.f32 v23, v7  }
0xbc: {  	v18 =	vmpcnt.ones.xlane vm10;
	vm12 =	vmand vm9, vm0;
	vm0 =	vge.f32 v22, v7  }
0xbd: {  	v10 =	vld.idx.msk [tilespmem:v9+s1+$0x0], vm9;
	vm11 =	vmand vm9, vm1;
	v9 =	vmpcnt.ones.xlane vm12;
	vm13 =	vmand vm9, vm0  }
0xbe: {  	v14 =	vld.idx.msk [tilespmem:v27+s1+$0x0], vm9;
	vm0 =	vge.f32 v24, v7;
	(v2sf) =	vpush v18, $0x0;
	v18 =	vmpcnt.ones.xlane vm11  }
0xbf: {  	v16 =	vld.idx.msk [tilespmem:v15+s1+$0x0], vm9;
	v25 =	vmpcnt.ones.xlane vm13;
	vm14 =	vmand vm9, vm0;
	(v2sf) =	vpush v9, $0x0  }
0xc0: {  	v9 =	vld.idx.msk [tilespmem:v11+s1+$0x0], vm9;
	v26 =	vmpcnt.ones.xlane vm14;
	(v2sf) =	vpush v18, $0x0  }
0xc1: {  	v11 =	vld.idx.msk [tilespmem:v12+s1+$0x0], vm9;
	(v2sf) =	vpush v25, $0x0  }
0xc2: {  	v18 =	vld.idx.msk [tilespmem:v13+s1+$0x0], vm9;
	(v2sf) =	vpush v26, $0x0  }
0xc3: {  	v12 =	vld.idx.msk [tilespmem:v17+s1+$0x0], vm9;
	vm0 =	vge.f32 v10, v7  }
0xc4: {  	vm5 =	vge.f32 v14, v7;
	v13 =	vld.idx.msk [tilespmem:v19+s1+$0x0], vm9;
	vm0 =	vmand vm9, vm0  }
0xc5: {  	vm8 =	vmand vm9, vm5;
	v19 =	vld.idx.msk [tilespmem:v55+s1+$0x0], vm9;
	v17 =	vmpcnt.ones.xlane vm0  }
0xc6: {  	vm15 =	vge.f32 v16, v7;
	v60 =	vmpcnt.ones.xlane vm8  }
0xc7: {  	v15 =	vld.idx.msk [tilespmem:v28+s1+$0x0], vm9;
	(v2sf) =	vpush v17, $0x0;
	vm2 =	vge.f32 v9, v7;
	vm3 =	vge.f32 v18, v7  }
0xc8: {  	vm1 =	vge.f32 v11, v7;
	v17 =	vld.idx.msk [tilespmem:v54+s1+$0x0], vm9;
	[tilespmem:s19+$0x11080] =	vst.msk vm10, v20;
	vm10 =	vmand vm9, vm15;
	vm6 =	vmand vm9, vm3  }
0xc9: {  	vm1 =	vmand vm9, vm1;
	vm4 =	vmand vm9, vm2;
	v56 =	vmpcnt.ones.xlane vm6  }
0xca: {  	vm7 =	vge.f32 v19, v7;
	vm3 =	vge.f32 v12, v7;
	v58 =	vmpcnt.ones.xlane vm4  }
0xcb: {  	v59 =	vmpcnt.ones.xlane vm1;
	vm7 =	vmand vm9, vm7;
	(v2sf) =	vpush v56, $0x0  }
0xcc: {  	vm2 =	vmand vm9, vm3;
	vm3 =	vge.f32 v13, v7;
	(v2sf) =	vpush v58, $0x0  }
0xcd: {  	v57 =	vmpcnt.ones.xlane vm2;
	vm3 =	vmand vm9, vm3;
	s20 =	spop (v2sf);
	(v2sf) =	vpush v59, $0x0  }
0xce: {  	v29 =	vmpcnt.ones.xlane vm3;
	vm5 =	vge.f32 v17, v7;
	s29 =	spop (v2sf);
	(v2sf) =	vpush v60, $0x0  }
0xcf: {  	v62 =	vmpcnt.ones.xlane vm7;
	vm5 =	vmand vm9, vm5;
	s22 =	spop (v2sf);
	(v2sf) =	vpush v57, $0x0  }
0xd0: {  	s23 =	simm.s32 $0xFFFFFFFF;
	vm15 =	vge.f32 v15, v7;
	v61 =	vmpcnt.ones.xlane vm5;
	s24 =	spop (v2sf);
	(v2sf) =	vpush v29, $0x0  }
0xd1: {  	s23 =	simm.s32 @!p0 $0x0;
	v20 =	vmpcnt.ones.xlane vm10;
	vm9 =	vmand vm9, vm15;
	s31 =	spop (v2sf);
	(v2sf) =	vpush v62, $0x0  }
0xd2: {  	s18 =	sadd.s32 s23, s18;
	v63 =	vmpcnt.ones.xlane vm9;
	(v2sf) =	vpush v61, $0x0  }
0xd3: {  	s18 =	sadd.s32 $0x1, s18;
	(v2sf) =	vpush v20, $0x0  }
0xd4: {  	p0 =	sne.s32 s18, $0x1;
	(v2sf) =	vpush v63, $0x0  }
.Ltmp5:
0xd5: {  	s30 =	sadd.s32 $0x0, s20;
	(pc) =	sbr.rel @!p0 .LBB2_9-.Ltmp5, $4  }
0xd6: {  	[tilespmem:s30+$0x11080] =	vst.msk vm14, v24;
	s19 =	sadd.s32 s30, s31  }
0xd7: {  	[tilespmem:s19+$0x11080] =	vst.msk vm12, v21;
	s19 =	sadd.s32 s19, s29  }
0xd8: {  	s18 =	sadd.s32 $0xFFFFFFFF, s18;
	[tilespmem:s19+$0x11080] =	vst.msk vm13, v22;
	s19 =	sadd.s32 s19, s24  }
0xd9: {  	s21 =	spop (v2sf);
	[tilespmem:s19+$0x11080] =	vst.msk vm11, v23;
	s20 =	sadd.s32 s19, s22;
	s19 =	simm.s32 $0x10  }
.LBB2_8:
0xda: {  	[tilespmem:s20+$0x11080] =	vst.msk vm0, v10;
	s20 =	sadd.s32 s20, s21;
	s17 =	sadd.s32 $0x10, s17;
	s21 =	spop (v2sf)  }
0xdb: {  	p0 =	sne.s32 s18, $0x1;
	[tilespmem:s20+$0x11080] =	vst.msk vm6, v18;
	s20 =	sadd.s32 s20, s21;
	s21 =	spop (v2sf)  }
0xdc: {  	s18 =	sadd.s32 $0xFFFFFFFF, s18;
	[tilespmem:s20+$0x11080] =	vst.msk vm4, v9;
	s20 =	sadd.s32 s20, s21;
	s21 =	spop (v2sf)  }
0xdd: {  	[tilespmem:s20+$0x11080] =	vst.msk vm1, v11;
	s20 =	sadd.s32 s20, s21;
	s21 =	spop (v2sf)  }
0xde: {  	[tilespmem:s20+$0x11080] =	vst.msk vm8, v14;
	s20 =	sadd.s32 s20, s21;
	s21 =	spop (v2sf)  }
0xdf: {  	[tilespmem:s20+$0x11080] =	vst.msk vm2, v12;
	s20 =	sadd.s32 s20, s21;
	s21 =	spop (v2sf)  }
0xe0: {  	[tilespmem:s20+$0x11080] =	vst.msk vm3, v13;
	s20 =	sadd.s32 s20, s21;
	s21 =	spop (v2sf)  }
0xe1: {  	[tilespmem:s20+$0x11080] =	vst.msk vm7, v19;
	s20 =	sadd.s32 s20, s21;
	s21 =	spop (v2sf)  }
0xe2: {  	[tilespmem:s20+$0x11080] =	vst.msk vm5, v17;
	s20 =	sadd.s32 s20, s21;
	s21 =	spop (v2sf)  }
0xe3: {  	[tilespmem:s20+$0x11080] =	vst.msk vm10, v16;
	s20 =	sadd.s32 s20, s21;
	s21 =	spop (v2sf)  }
0xe4: {  	v9 =	vor.u32 s19, v1;
	[tilespmem:s20+$0x11080] =	vst.msk vm9, v15;
	s20 =	sadd.s32 s20, s21  }
0xe5: {  	vm9 =	vlt.s32 v9, v8;
	v10 =	vld [tilespmem:s17+$0x0];
	_ =	sdelay $0x4  }
0xe6: {  	v9 =	vshll.u32 v10, $0x4  }
0xe7: {  	v10 =	vand.u32 $0xF, v10;
	v11 =	vand.u32 $0xFFFFFF00, v9  }
0xe8: {  	v9 =	vor.u32 v9, v10;
	v11 =	vor.u32 v10, v11  }
0xe9: {  	v12 =	vor.u32 $0x10, v11;
	v10 =	vor.u32 $0x20, v11;
	v13 =	vor.u32 $0x30, v11  }
0xea: {  	v14 =	vor.u32 $0x40, v11;
	v19 =	vor.u32 $0xC0, v11;
	v17 =	vor.u32 $0xD0, v11  }
0xeb: {  	v20 =	vor.u32 $0xF0, v9;
	v15 =	vor.u32 $0x50, v11;
	v16 =	vor.u32 $0xE0, v11;
	_ =	sdelay $0x1  }
0xec: {  	v18 =	vor.u32 $0x60, v11;
	v21 =	vld.idx.msk [tilespmem:v11+s1+$0x0], vm9  }
0xed: {  	v9 =	vor.u32 $0x70, v11;
	v22 =	vld.idx.msk [tilespmem:v10+s1+$0x0], vm9  }
0xee: {  	v23 =	vld.idx.msk [tilespmem:v13+s1+$0x0], vm9;
	v13 =	vor.u32 $0x80, v11  }
0xef: {  	v24 =	vld.idx.msk [tilespmem:v14+s1+$0x0], vm9;
	v14 =	vor.u32 $0x90, v11  }
0xf0: {  	v10 =	vld.idx.msk [tilespmem:v15+s1+$0x0], vm9  }
0xf1: {  	v25 =	vld.idx.msk [tilespmem:v12+s1+$0x0], vm9;
	v12 =	vor.u32 $0xA0, v11  }
0xf2: {  	v15 =	vor.u32 $0xB0, v11;
	vm0 =	vge.f32 v21, v7;
	v9 =	vld.idx.msk [tilespmem:v9+s1+$0x0], vm9  }
0xf3: {  	vm3 =	vmand vm9, vm0;
	vm0 =	vge.f32 v22, v7;
	v11 =	vld.idx.msk [tilespmem:v13+s1+$0x0], vm9  }
0xf4: {  	v13 =	vmpcnt.ones.xlane vm3;
	vm11 =	vmand vm9, vm0;
	vm0 =	vge.f32 v23, v7;
	v14 =	vld.idx.msk [tilespmem:v14+s1+$0x0], vm9  }
0xf5: {  	v26 =	vmpcnt.ones.xlane vm11;
	vm12 =	vmand vm9, vm0;
	vm0 =	vge.f32 v24, v7;
	v18 =	vld.idx.msk [tilespmem:v18+s1+$0x0], vm9  }
0xf6: {  	v27 =	vmpcnt.ones.xlane vm12;
	vm13 =	vmand vm9, vm0;
	v12 =	vld.idx.msk [tilespmem:v12+s1+$0x0], vm9;
	(v2sf) =	vpush v13, $0x0  }
0xf7: {  	vm1 =	vge.f32 v10, v7;
	vm0 =	vge.f32 v25, v7;
	v28 =	vmpcnt.ones.xlane vm13;
	v13 =	vld.idx.msk [tilespmem:v15+s1+$0x0], vm9  }
0xf8: {  	vm14 =	vmand vm9, vm0;
	vm0 =	vmand vm9, vm1;
	(v2sf) =	vpush v26, $0x0  }
0xf9: {  	v26 =	vmpcnt.ones.xlane vm14;
	v29 =	vmpcnt.ones.xlane vm0;
	v15 =	vld.idx.msk [tilespmem:v20+s1+$0x0], vm9;
	(v2sf) =	vpush v28, $0x0  }
0xfa: {  	vm2 =	vge.f32 v9, v7;
	vm1 =	vge.f32 v11, v7;
	v16 =	vld.idx.msk [tilespmem:v16+s1+$0x0], vm9;
	(v2sf) =	vpush v27, $0x0  }
0xfb: {  	vm1 =	vmand vm9, vm1;
	vm4 =	vge.f32 v18, v7;
	v17 =	vld.idx.msk [tilespmem:v17+s1+$0x0], vm9;
	(v2sf) =	vpush v26, $0x0  }
0xfc: {  	vm6 =	vmand vm9, vm4;
	vm4 =	vmand vm9, vm2;
	vm2 =	vge.f32 v12, v7;
	v19 =	vld.idx.msk [tilespmem:v19+s1+$0x0], vm9  }
0xfd: {  	vm5 =	vge.f32 v14, v7;
	vm2 =	vmand vm9, vm2;
	vm7 =	vge.f32 v13, v7;
	[tilespmem:s20+$0x11080] =	vst.msk vm3, v21  }
0xfe: {  	v20 =	vmpcnt.ones.xlane vm6;
	v21 =	vmpcnt.ones.xlane vm2;
	vm3 =	vmand vm9, vm7  }
0xff: {  	v26 =	vmpcnt.ones.xlane vm4;
	v27 =	vmpcnt.ones.xlane vm3;
	(v2sf) =	vpush v29, $0x0  }
0x100: {  	v28 =	vmpcnt.ones.xlane vm1;
	vm8 =	vmand vm9, vm5;
	(v2sf) =	vpush v20, $0x0  }
0x101: {  	v20 =	vmpcnt.ones.xlane vm8;
	vm5 =	vge.f32 v17, v7;
	(v2sf) =	vpush v26, $0x0  }
0x102: {  	vm7 =	vge.f32 v19, v7;
	vm5 =	vmand vm9, vm5;
	(v2sf) =	vpush v28, $0x0  }
0x103: {  	vm7 =	vmand vm9, vm7;
	v26 =	vmpcnt.ones.xlane vm5;
	(v2sf) =	vpush v20, $0x0  }
0x104: {  	vm10 =	vge.f32 v16, v7;
	v20 =	vmpcnt.ones.xlane vm7;
	(v2sf) =	vpush v21, $0x0  }
0x105: {  	vm15 =	vge.f32 v15, v7;
	vm10 =	vmand vm9, vm10;
	s21 =	spop (v2sf);
	(v2sf) =	vpush v27, $0x0  }
0x106: {  	vm9 =	vmand vm9, vm15;
	v21 =	vmpcnt.ones.xlane vm10;
	(v2sf) =	vpush v20, $0x0  }
0x107: {  	v20 =	vmpcnt.ones.xlane vm9;
	s22 =	spop (v2sf);
	(v2sf) =	vpush v26, $0x0  }
0x108: {  	s23 =	spop (v2sf);
	(v2sf) =	vpush v21, $0x0  }
0x109: {  	s24 =	spop (v2sf);
	(v2sf) =	vpush v20, $0x0  }
.Ltmp6:
0x10a: {  	s20 =	sadd.s32 s20, s21;
	s21 =	spop (v2sf);
	(pc) =	sbr.rel @p0 .LBB2_8-.Ltmp6, $4  }
0x10b: {  	[tilespmem:s20+$0x11080] =	vst.msk vm14, v25;
	s20 =	sadd.s32 s20, s21  }
0x10c: {  	[tilespmem:s20+$0x11080] =	vst.msk vm11, v22;
	s20 =	sadd.s32 s20, s22  }
0x10d: {  	[tilespmem:s20+$0x11080] =	vst.msk vm12, v23;
	s20 =	sadd.s32 s20, s24  }
0x10e: {  	s19 =	sadd.s32 $0x10, s19;
	[tilespmem:s20+$0x11080] =	vst.msk vm13, v24;
	s20 =	sadd.s32 s20, s23;
	s21 =	spop (v2sf)  }
.LBB2_9:
0x10f: {  	[tilespmem:s20+$0x11080] =	vst.msk vm0, v10;
	s17 =	sadd.s32 s20, s21;
	s18 =	spop (v2sf)  }
0x110: {  	[tilespmem:s17+$0x11080] =	vst.msk vm6, v18;
	s17 =	sadd.s32 s17, s18;
	s22 =	spop (v2sf)  }
0x111: {  	[tilespmem:s17+$0x11080] =	vst.msk vm4, v9;
	s17 =	sadd.s32 s17, s22;
	s23 =	spop (v2sf)  }
0x112: {  	[tilespmem:s17+$0x11080] =	vst.msk vm1, v11;
	s17 =	sadd.s32 s17, s23;
	s24 =	spop (v2sf)  }
0x113: {  	[tilespmem:s17+$0x11080] =	vst.msk vm8, v14;
	s17 =	sadd.s32 s17, s24;
	s25 =	spop (v2sf)  }
0x114: {  	[tilespmem:s17+$0x11080] =	vst.msk vm2, v12;
	s17 =	sadd.s32 s17, s25;
	s26 =	spop (v2sf)  }
.Ltmp7:
0x115: {  	[tilespmem:s17+$0x11080] =	vst.msk vm3, v13;
	s17 =	sadd.s32 s17, s26;
	s28 =	spop (v2sf);
	(pc) =	sbr.rel .LBB2_10-.Ltmp7, $4  }
0x116: {  	[tilespmem:s17+$0x11080] =	vst.msk vm7, v19;
	s17 =	sadd.s32 s17, s28;
	s29 =	spop (v2sf)  }
0x117: {  	[tilespmem:s17+$0x11080] =	vst.msk vm5, v17;
	s17 =	sadd.s32 s17, s29;
	s30 =	spop (v2sf)  }
0x118: {  	[tilespmem:s17+$0x11080] =	vst.msk vm10, v16;
	s17 =	sadd.s32 s17, s30;
	s31 =	spop (v2sf)  }
0x119: {  	[tilespmem:s17+$0x11080] =	vst.msk vm9, v15;
	s17 =	sadd.s32 s17, s31  }
.LBB2_6:
0x11a: {  	s17 =	simm.s32 $0x0  }
.LBB2_10:
0x11b: {  	s18 =	sand.u32 $0xF, s17  }
0x11c: {  	s19 =	sshra.s32 s17, $0x1F;
	p0 =	slt.s32 s17, $0x1;
	p1 =	sne.s32 s18, $0x0  }
0x11d: {  	s31 =	sshrl.u32 s19, $0x1C;
	p0 =	por !p0, !p1  }
0x11e: {  	s19 =	simm.s32 $0x1;
	s18 =	sadd.s32 s31, s17;
	p0 =	por !p0, !p0  }
0x11f: {  	s18 =	sshra.s32 s18, $0x4;
	s19 =	simm.s32 @!p0 $0x0  }
0x120: {  	s19 =	ssub.s32 s18, s19  }
0x121: {  	p1 =	slt.s32 s19, $0x0  }
.Ltmp8:
0x122: {  	_ = 	snop;
	(pc) =	sbr.rel @p1 .LBB2_18-.Ltmp8, $3  }
0x123: {  	_ =	sdelay $0x1  }
0x124: {  	v7 =	vimm.f32 $-Inf  }
0x125: {  	v8 =	vimm.f32 $-Inf;
	v9 =	vimm.f32 $-Inf;
	[tilespmem:s17+$0x11080] =	vst v7  }
0x126: {  	s17 =	simm.s32 $0xFFFFFFFF  }
0x127: {  	s17 =	simm.s32 @!p0 $0x0  }
0x128: {  	s17 =	sadd.s32 s17, s18  }
0x129: {  	s17 =	sadd.s32 $0x1, s17  }
0x12a: {  	p2 =	sne.s32 s17, $0x1  }
.Ltmp9:
0x12b: {  	_ = 	snop;
	(pc) =	sbr.rel @!p2 .LBB2_12-.Ltmp9, $3  }
0x12c: {  	_ =	sdelay $0x1  }
0x12d: {  	s31 =	simm.s32 $0x11080  }
0x12e: {  	v8 =	vimm.f32 $-Inf;
	p1 =	por $0x0, $0x0;
	v9 =	vld [tilespmem:s31+$0x0];
	p0 =	por $0x0, $0x0;
	s17 =	sadd.s32 $0xFFFFFFFF, s17  }
0x12f: {  	_ =	sdelay $0x3  }
0x130: {  	(xrf1) =	vsort.dscd.msk.f32 $0xffff, v9, v9;
	_ =	sdelay $0x9  }
0x131: {  	p2 =	sne.s32 s17, $0x1  }
.Ltmp10:
0x132: {  	_ = 	snop;
	(pc) =	sbr.rel @!p2 .LBB2_14-.Ltmp10, $3  }
0x133: {  	_ =	sdelay $0x1  }
0x134: {  	s19 =	simm.s32 $0x11090;
	v10, _, _ =	vpop (xrf1)  }
0x135: {  	s18 =	sadd.s32 $0xFFFFFFFF, s17;
	p0 =	por $0x1, $0x1;
	v9 =	vld [tilespmem:s19+$0x0];
	v10 =	vperm.xlane v10, v6  }
0x136: {  	_ =	sdelay $0x3  }
0x137: {  	(xrf1) =	vsort.dscd.msk.f32 $0xffff, v9, v9;
	_ =	sdelay $0xb  }
0x138: {  	v11 =	vmin.f32 v8, v10  }
0x139: {  	v9 =	vmax.f32 v8, v10;
	(xrf1) =	vsort.dscd.msk.f32 $0xffff, v11, v11  }
0x13a: {  	v10, _, _ =	vpop (xrf1);
	(xrf1) =	vsort.dscd.msk.f32 $0xffff, v9, v9;
	_ =	sdelay $0x7  }
0x13b: {  	p2 =	sne.s32 s18, $0x1  }
.Ltmp11:
0x13c: {  	_ = 	snop;
	(pc) =	sbr.rel @!p2 .LBB2_17-.Ltmp11, $4  }
0x13d: {  	s17 =	simm.s32 $0x110A0  }
0x13e: {  	v9 =	vld [tilespmem:s17+$0x0]  }
0x13f: {  	v11 =	vperm.xlane v8, v6  }
0x140: {  	s18 =	sadd.s32 $0xFFFFFFFF, s18;
	p1 =	por $0x1, $0x1;
	v10 =	vperm.xlane v10, v6;
	v12, _, _ =	vpop (xrf1)  }
.LBB2_16:
0x141: {  	p2 =	sne.s32 s18, $0x1;
	s18 =	sadd.s32 $0xFFFFFFFF, s18;
	v11 =	vmax.f32 v12, v11;
	v12, _, _ =	vpop (xrf1)  }
0x142: {  	v13 =	vmax.f32 v12, v10;
	v10 =	vmin.f32 v12, v10;
	(xrf1) =	vsort.dscd.msk.f32 $0xffff, v11, v11  }
0x143: {  	(xrf1) =	vsort.dscd.msk.f32 $0xffff, v9, v9  }
0x144: {  	(xrf1) =	vsort.dscd.msk.f32 $0xffff, v10, v10  }
0x145: {  	(xrf1) =	vsort.dscd.msk.f32 $0xffff, v13, v13;
	_ =	sdelay $0x8  }
.Ltmp12:
0x146: {  	(pc) =	sbr.rel @p2 .LBB2_16-.Ltmp12, $4  }
0x147: {  	s17 =	sadd.s32 $0x10, s17  }
0x148: {  	v9 =	vld [tilespmem:s17+$0x0];
	v10, _, _ =	vpop (xrf1)  }
0x149: {  	v12, _, _ =	vpop (xrf1);
	v11 =	vperm.xlane v10, v6  }
0x14a: {  	v10 =	vperm.xlane v12, v6;
	v12, _, _ =	vpop (xrf1)  }
.LBB2_17:
0x14b: {  	v11 =	vmax.f32 @p1 v12, v11;
	v12, _, _ =	vpop @p1 (xrf1)  }
0x14c: {  	(xrf1) =	vsort.dscd.msk.f32 @p1 $0xffff, v11, v11;
	v11 =	vpsel p1, v12, v8  }
0x14d: {  	v12 =	vmin.f32 @p0 v11, v10;
	(xrf1) =	vsort.dscd.msk.f32 $0xffff, v9, v9  }
0x14e: {  	(xrf1) =	vsort.dscd.msk.f32 @p0 $0xffff, v12, v12;
	_ =	sdelay $0x2  }
0x14f: {  	v9 =	vmax.f32 @p0 v11, v10  }
0x150: {  	(xrf1) =	vsort.dscd.msk.f32 @p0 $0xffff, v9, v9;
	_ =	sdelay $0x7  }
0x151: {  	v9, _, _ =	vpop @p1 (xrf1)  }
0x152: {  	v9 =	vpsel p1, v9, v8;
	v10, _, _ =	vpop (xrf1)  }
0x153: {  	v9 =	vperm.xlane @p0 v9, v6;
	v11, _, _ =	vpop @p0 (xrf1)  }
0x154: {  	v11 =	vpsel p0, v11, v0  }
0x155: {  	v9 =	vpsel p0, v9, v0  }
0x156: {  	v9 =	vmax.f32 @p0 v11, v9  }
0x157: {  	v10 =	vperm.xlane v10, v6;
	v11, _, _ =	vpop @p0 (xrf1);
	(xrf1) =	vsort.dscd.msk.f32 @p0 $0xffff, v9, v9  }
0x158: {  	v9 =	vpsel p0, v11, v8  }
0x159: {  	v11 =	vmin.f32 v9, v10  }
0x15a: {  	(xrf1) =	vsort.dscd.msk.f32 $0xffff, v11, v11;
	_ =	sdelay $0xa  }
0x15b: {  	v11, _, _ =	vpop @p0 (xrf1)  }
0x15c: {  	v8 =	vpsel p0, v11, v8  }
0x15d: {  	v8 =	vperm.xlane v8, v6  }
0x15e: {  	v9 =	vmax.f32 v9, v10;
	v10, _, _ =	vpop (xrf1)  }
0x15f: {  	(xrf1) =	vsort.dscd.msk.f32 $0xffff, v9, v9;
	v8 =	vmax.f32 v10, v8  }
0x160: {  	(xrf1) =	vsort.dscd.msk.f32 $0xffff, v8, v8;
	_ =	sdelay $0xc  }
0x161: {  	v8, _, _ =	vpop (xrf1)  }
0x162: {  	v9, _, _ =	vpop (xrf1)  }
.LBB2_18:
0x163: {  	[tilespmem:$0x19100] =	vst v8  }
0x164: {  	[tilespmem:$0x19110] =	vst v9;
	s17 =	simm.s32 $0x0  }
0x165: {  	[tilespmem:s17], [sflag:$0x1] =	stream.strided.gather [hbm4b:s5+s12], $0x8000, s9, s12, $0x38;
	[tilespmem:$0x19200] =	vst v63  }
0x166: {  	_ =	swait.ge [sflag:s13], $0x8000  }
0x167: {  	[sflag:s13] =	ssyncset.done $0x0  }
0x168: {  	s18 =	simm.s32 $0x8080;
	[sflag:s13] =	ssyncadd.s32 $0xFFFF8000  }
0x169: {  	v11 =	vld [tilespmem:s18+$0x40]  }
0x16a: {  	v9 =	vld [tilespmem:s18+$0x50]  }
0x16b: {  	v10 =	vld [tilespmem:s18+$0x60]  }
0x16c: {  	v14 =	vld [tilespmem:s18+$0x0]  }
0x16d: {  	v12 =	vld [tilespmem:s18+$0x10]  }
0x16e: {  	v13 =	vld [tilespmem:s18+$0x20]  }
0x16f: {  	v18 =	vld [tilespmem:s18+$0xFFFFFFC0]  }
0x170: {  	v20 =	vld [tilespmem:s18+$0xFFFFFF80]  }
0x171: {  	v15 =	vld [tilespmem:s18+$0xFFFFFF90]  }
0x172: {  	v16 =	vld [tilespmem:s18+$0xFFFFFFD0]  }
0x173: {  	v17 =	vld [tilespmem:s18+$0xFFFFFFA0]  }
0x174: {  	v19 =	vld [tilespmem:s18+$0xFFFFFFE0]  }
0x175: {  	s19 =	simm.s32 $0x40;
	v8 =	vimm.f32 $-Inf;
	v21 =	vld [tilespmem:s18+$0xFFFFFFB0]  }
.LBB2_19:
0x176: {  	p0 =	sne.s32 s19, $0x1FC0;
	v22 =	vld [tilespmem:s18+$0xFFFFFFF0]  }
0x177: {  	v23 =	vld [tilespmem:s18+$0x30]  }
0x178: {  	v18 =	vmax.f32 v20, v18;
	v20 =	vld [tilespmem:s18+$0x70]  }
0x179: {  	v14 =	vmax.f32 v18, v14  }
0x17a: {  	v11 =	vmax.f32 v14, v11  }
0x17b: {  	v14 =	vmax.f32 v15, v16;
	v15 =	vmax.f32 v17, v19;
	v16 =	vmax.f32 v21, v22  }
0x17c: {  	v12 =	vmax.f32 v14, v12;
	v13 =	vmax.f32 v15, v13;
	v14 =	vmax.f32 v16, v23  }
0x17d: {  	v9 =	vmax.f32 v12, v9;
	v10 =	vmax.f32 v13, v10;
	v12 =	vmax.f32 v14, v20  }
0x17e: {  	v9 =	vmax.f32 v11, v9;
	v10 =	vmax.f32 v10, v12  }
0x17f: {  	s20 =	sshra.s32 s17, $0x2;
	s17 =	smov.u32 s19;
	v9 =	vmax.f32 v9, v10  }
0x180: {  	s18 =	sadd.s32 $0x100, s18;
	[tilespmem:s20+$0x10000] =	vst v9;
	v10 =	vmin.f32 v7, v9;
	v7 =	vmax.f32 v7, v9  }
0x181: {  	v11 =	vld [tilespmem:s18+$0x40];
	v8 =	vmax.f32 v8, v10  }
0x182: {  	v9 =	vld [tilespmem:s18+$0x50]  }
0x183: {  	v10 =	vld [tilespmem:s18+$0x60]  }
0x184: {  	v14 =	vld [tilespmem:s18+$0x0]  }
0x185: {  	v12 =	vld [tilespmem:s18+$0x10]  }
0x186: {  	v13 =	vld [tilespmem:s18+$0x20]  }
0x187: {  	v18 =	vld [tilespmem:s18+$0xFFFFFFC0]  }
0x188: {  	v20 =	vld [tilespmem:s18+$0xFFFFFF80]  }
.Ltmp13:
0x189: {  	v15 =	vld [tilespmem:s18+$0xFFFFFF90];
	(pc) =	sbr.rel @p0 .LBB2_19-.Ltmp13, $4  }
0x18a: {  	v16 =	vld [tilespmem:s18+$0xFFFFFFD0]  }
0x18b: {  	v17 =	vld [tilespmem:s18+$0xFFFFFFA0]  }
0x18c: {  	v19 =	vld [tilespmem:s18+$0xFFFFFFE0]  }
0x18d: {  	s19 =	sadd.s32 $0x40, s19;
	v21 =	vld [tilespmem:s18+$0xFFFFFFB0]  }
0x18e: {  	v22 =	vld [tilespmem:s18+$0xFFFFFFF0]  }
0x18f: {  	v23 =	vld [tilespmem:s18+$0x30]  }
0x190: {  	v55 =	vld [tilespmem:s18+$0x70]  }
0x191: {  	v18 =	vmax.f32 v20, v18  }
0x192: {  	v14 =	vmax.f32 v18, v14;
	v56 =	vmax.f32 v15, v16  }
0x193: {  	v11 =	vmax.f32 v14, v11;
	v57 =	vmax.f32 v17, v19;
	v58 =	vmax.f32 v21, v22  }
0x194: {  	v12 =	vmax.f32 v56, v12;
	v13 =	vmax.f32 v57, v13;
	v59 =	vmax.f32 v58, v23  }
0x195: {  	v9 =	vmax.f32 v12, v9;
	v10 =	vmax.f32 v13, v10;
	v60 =	vmax.f32 v59, v55  }
0x196: {  	v9 =	vmax.f32 v11, v9;
	v10 =	vmax.f32 v10, v60  }
0x197: {  	v9 =	vmax.f32 v9, v10  }
0x198: {  	v7 =	vmin.f32 v7, v9  }
0x199: {  	v7 =	vmax.f32 v8, v7  }
0x19a: {  	v7 =	vsub.f32 $0.0e+00, v7;
	_ =	sdelay $0x1  }
0x19b: {  	v8 =	vperm.xlane v7, v0;
	_ =	sdelay $0x1  }
0x19c: {  	v7 =	vmax.f32 v7, v8  }
0x19d: {  	v8 =	vperm.xlane v7, v2;
	_ =	sdelay $0x1  }
0x19e: {  	v7 =	vmax.f32 v7, v8  }
0x19f: {  	v8 =	vperm.xlane v7, v3  }
0x1a0: {  	s17 =	sshra.s32 s17, $0x2  }
0x1a1: {  	[tilespmem:s17+$0x10000] =	vst v9;
	s17 =	simm.s32 $0x10040;
	v7 =	vmax.f32 v7, v8  }
0x1a2: {  	v9 =	vld [tilespmem:s17+$0xFFFFFFC0];
	v8 =	vperm.xlane v7, v4  }
0x1a3: {  	v10 =	vld [tilespmem:s17+$0xFFFFFFD0]  }
0x1a4: {  	v7 =	vmax.f32 v7, v8;
	v8 =	vld [tilespmem:s17+$0xFFFFFFE0]  }
0x1a5: {  	v11 =	vld [tilespmem:s17+$0xFFFFFFF0];
	v7 =	vsub.f32 $0.0e+00, v7  }
0x1a6: {  	v61 =	vld [tilespmem:s17+$0x0]  }
0x1a7: {  	v62 =	vld [tilespmem:s17+$0x10];
	vm7 =	vge.f32 v9, v7  }
0x1a8: {  	v9 =	vld [tilespmem:s17+$0x20];
	vm6 =	vge.f32 v10, v7;
	v10 =	vmpcnt.ones.xlane vm7  }
0x1a9: {  	v63 =	vld [tilespmem:s17+$0x30];
	vm5 =	vge.f32 v8, v7;
	v8 =	vmpcnt.ones.xlane vm6  }
0x1aa: {  	vm4 =	vge.f32 v11, v7;
	v11 =	vmpcnt.ones.xlane vm5;
	(v2sf) =	vpush v10, $0x0  }
0x1ab: {  	vm3 =	vge.f32 v61, v7;
	v10 =	vmpcnt.ones.xlane vm4;
	(v2sf) =	vpush v8, $0x0  }
0x1ac: {  	vm2 =	vge.f32 v62, v7;
	v8 =	vmpcnt.ones.xlane vm3;
	(v2sf) =	vpush v11, $0x0  }
0x1ad: {  	vm1 =	vge.f32 v9, v7;
	v9 =	vmpcnt.ones.xlane vm2;
	(v2sf) =	vpush v10, $0x0  }
0x1ae: {  	vm0 =	vge.f32 v63, v7;
	v10 =	vmpcnt.ones.xlane vm1;
	(v2sf) =	vpush v8, $0x0  }
0x1af: {  	v8 =	vmpcnt.ones.xlane vm0;
	(v2sf) =	vpush v9, $0x0  }
0x1b0: {  	(v2sf) =	vpush v10, $0x0  }
0x1b1: {  	(v2sf) =	vpush v8, $0x0;
	_ =	sdelay $0x6  }
0x1b2: {  	s28 =	simm.s32 $0x0  }
0x1b3: {  	s19 =	simm.s32 $0x0;
	s29 =	simm.s32 $0x10;
	v8 =	vor.u32 s28, v1;
	s20 =	spop (v2sf)  }
0x1b4: {  	s30 =	simm.s32 $0x20;
	[tilespmem:s19+$0x10800] =	vst.msk vm7, v8;
	v8 =	vor.u32 s29, v1;
	s20 =	sadd.s32 $0x0, s20;
	s31 =	spop (v2sf)  }
0x1b5: {  	s21 =	simm.s32 $0x30;
	[tilespmem:s20+$0x10800] =	vst.msk vm6, v8;
	s18 =	sadd.s32 s31, s20;
	v8 =	vor.u32 s30, v1;
	s22 =	spop (v2sf)  }
0x1b6: {  	s23 =	simm.s32 $0x40;
	[tilespmem:s18+$0x10800] =	vst.msk vm5, v8;
	s18 =	sadd.s32 s22, s18;
	v8 =	vor.u32 s21, v1;
	s24 =	spop (v2sf)  }
0x1b7: {  	s25 =	simm.s32 $0x50;
	[tilespmem:s18+$0x10800] =	vst.msk vm4, v8;
	s18 =	sadd.s32 s24, s18;
	v8 =	vor.u32 s23, v1;
	s26 =	spop (v2sf)  }
0x1b8: {  	s28 =	simm.s32 $0x60;
	[tilespmem:s18+$0x10800] =	vst.msk vm3, v8;
	s18 =	sadd.s32 s26, s18;
	v8 =	vor.u32 s25, v1;
	s29 =	spop (v2sf)  }
0x1b9: {  	s30 =	simm.s32 $0x70;
	[tilespmem:s18+$0x10800] =	vst.msk vm2, v8;
	s19 =	sadd.s32 s29, s18;
	v8 =	vor.u32 s28, v1;
	s31 =	spop (v2sf)  }
0x1ba: {  	s18 =	simm.s32 $0xF0;
	[tilespmem:s19+$0x10800] =	vst.msk vm1, v8;
	s20 =	sadd.s32 s31, s19;
	v8 =	vor.u32 s30, v1;
	s19 =	spop (v2sf)  }
.LBB2_21:
0x1bb: {  	p0 =	sne.s32 s18, $0x7F0;
	[tilespmem:s20+$0x10800] =	vst.msk vm0, v8;
	s20 =	sadd.s32 s19, s20;
	s17 =	sadd.s32 $0x80, s17  }
0x1bc: {  	s19 =	smov.u32 s18;
	s18 =	sadd.s32 $0x80, s18;
	v8 =	vld [tilespmem:s17+$0xFFFFFFC0]  }
0x1bd: {  	v9 =	vld [tilespmem:s17+$0xFFFFFFD0]  }
0x1be: {  	v10 =	vld [tilespmem:s17+$0xFFFFFFE0]  }
0x1bf: {  	v11 =	vld [tilespmem:s17+$0xFFFFFFF0]  }
0x1c0: {  	v12 =	vld [tilespmem:s17+$0x0]  }
0x1c1: {  	v13 =	vld [tilespmem:s17+$0x10];
	vm0 =	vge.f32 v8, v7  }
0x1c2: {  	s21 =	sadd.s32 $0xFFFFFF90, s19;
	v8 =	vld [tilespmem:s17+$0x20];
	vm6 =	vge.f32 v9, v7;
	v9 =	vmpcnt.ones.xlane vm0  }
0x1c3: {  	v15 =	vor.u32 s21, v1;
	v14 =	vld [tilespmem:s17+$0x30];
	vm5 =	vge.f32 v10, v7;
	v10 =	vmpcnt.ones.xlane vm6  }
0x1c4: {  	vm4 =	vge.f32 v11, v7;
	v11 =	vmpcnt.ones.xlane vm5;
	[tilespmem:s20+$0x10800] =	vst.msk vm0, v15;
	(v2sf) =	vpush v9, $0x0  }
0x1c5: {  	vm3 =	vge.f32 v12, v7;
	v9 =	vmpcnt.ones.xlane vm4;
	(v2sf) =	vpush v10, $0x0  }
0x1c6: {  	vm2 =	vge.f32 v13, v7;
	v10 =	vmpcnt.ones.xlane vm3;
	(v2sf) =	vpush v11, $0x0  }
0x1c7: {  	vm1 =	vge.f32 v8, v7;
	v8 =	vmpcnt.ones.xlane vm2;
	(v2sf) =	vpush v9, $0x0  }
0x1c8: {  	vm0 =	vge.f32 v14, v7;
	v9 =	vmpcnt.ones.xlane vm1;
	(v2sf) =	vpush v10, $0x0  }
0x1c9: {  	v10 =	vmpcnt.ones.xlane vm0;
	(v2sf) =	vpush v8, $0x0  }
0x1ca: {  	(v2sf) =	vpush v9, $0x0  }
0x1cb: {  	(v2sf) =	vpush v10, $0x0;
	_ =	sdelay $0x7  }
0x1cc: {  	s22 =	sadd.s32 $0xFFFFFFD0, s19;
	s21 =	sadd.s32 $0xFFFFFFA0, s19;
	s23 =	spop (v2sf)  }
0x1cd: {  	s24 =	sadd.s32 $0xFFFFFFB0, s19;
	v8 =	vor.u32 s21, v1;
	s20 =	sadd.s32 s20, s23;
	s21 =	spop (v2sf)  }
0x1ce: {  	s23 =	sadd.s32 $0xFFFFFFC0, s19;
	[tilespmem:s20+$0x10800] =	vst.msk vm6, v8;
	s20 =	sadd.s32 s21, s20;
	v8 =	vor.u32 s24, v1;
	s21 =	spop (v2sf)  }
.Ltmp14:
0x1cf: {  	[tilespmem:s20+$0x10800] =	vst.msk vm5, v8;
	s20 =	sadd.s32 s21, s20;
	v8 =	vor.u32 s23, v1;
	s21 =	spop (v2sf);
	(pc) =	sbr.rel @p0 .LBB2_21-.Ltmp14, $4  }
0x1d0: {  	s23 =	sadd.s32 $0xFFFFFFE0, s19;
	[tilespmem:s20+$0x10800] =	vst.msk vm4, v8;
	s20 =	sadd.s32 s21, s20;
	v8 =	vor.u32 s22, v1;
	s21 =	spop (v2sf)  }
0x1d1: {  	s22 =	sadd.s32 $0xFFFFFFF0, s19;
	[tilespmem:s20+$0x10800] =	vst.msk vm3, v8;
	s20 =	sadd.s32 s21, s20;
	v8 =	vor.u32 s23, v1;
	s21 =	spop (v2sf)  }
0x1d2: {  	[tilespmem:s20+$0x10800] =	vst.msk vm2, v8;
	s20 =	sadd.s32 s21, s20;
	v8 =	vor.u32 s22, v1;
	s21 =	spop (v2sf)  }
0x1d3: {  	[tilespmem:s20+$0x10800] =	vst.msk vm1, v8;
	s20 =	sadd.s32 s21, s20;
	v8 =	vor.u32 s19, v1;
	s19 =	spop (v2sf)  }
0x1d4: {  	s21 =	sadd.s32 s19, s20  }
0x1d5: {  	s17 =	sand.u32 $0xF, s21  }
0x1d6: {  	s18 =	sshra.s32 s21, $0x1F;
	p0 =	slt.s32 s21, $0x1;
	p1 =	sne.s32 s17, $0x0  }
0x1d7: {  	s31 =	sshrl.u32 s18, $0x1C;
	p0 =	por !p0, !p1  }
0x1d8: {  	s19 =	simm.s32 $0x1;
	s17 =	sadd.s32 s31, s21;
	p0 =	por !p0, !p0  }
0x1d9: {  	s18 =	sshra.s32 s17, $0x4;
	s19 =	simm.s32 @!p0 $0x0  }
0x1da: {  	s17 =	ssub.s32 s18, s19  }
0x1db: {  	p1 =	slt.s32 s17, $0x0  }
.Ltmp15:
0x1dc: {  	_ = 	snop;
	(pc) =	sbr.rel @p1 .LBB2_23-.Ltmp15, $3  }
0x1dd: {  	_ =	sdelay $0x1  }
0x1de: {  	[tilespmem:s20+$0x10800] =	vst.msk vm0, v8  }
0x1df: {  	[tilespmem:s21+$0x10800] =	vst v5  }
0x1e0: {  	s17 =	simm.s32 $0x10800  }
0x1e1: {  	v9 =	vld [tilespmem:s17+$0x0];
	_ =	sdelay $0x3  }
0x1e2: {  	s19 =	simm.s32 $0x0  }
0x1e3: {  	v8 =	vmov s21;
	v10 =	vor.u32 s19, v1;
	v14 =	vshll.u32 v9, $0x4  }
0x1e4: {  	vm9 =	vlt.s32 v10, v8;
	v15 =	vand.u32 $0xF, v9;
	v9 =	vand.u32 $0xFFFFFF00, v14  }
0x1e5: {  	v16 =	vor.u32 v15, v9  }
0x1e6: {  	v9 =	vor.u32 $0x20, v16  }
0x1e7: {  	v11 =	vor.u32 $0x40, v16  }
0x1e8: {  	v10 =	vor.u32 $0x30, v16;
	_ =	sdelay $0x1  }
0x1e9: {  	v12 =	vor.u32 $0x10, v16;
	v20 =	vld.idx.msk [tilespmem:v16+s10+$0x0], vm9  }
0x1ea: {  	v21 =	vld.idx.msk [tilespmem:v9+s10+$0x0], vm9  }
0x1eb: {  	v14 =	vor.u32 v14, v15;
	v23 =	vld.idx.msk [tilespmem:v11+s10+$0x0], vm9  }
0x1ec: {  	v28 =	vor.u32 $0xF0, v14;
	v13 =	vor.u32 $0x60, v16;
	v17 =	vor.u32 $0xA0, v16;
	v22 =	vld.idx.msk [tilespmem:v10+s10+$0x0], vm9  }
0x1ed: {  	v19 =	vor.u32 $0xB0, v16;
	v27 =	vor.u32 $0x90, v16;
	v9 =	vor.u32 $0x50, v16  }
0x1ee: {  	v54 =	vor.u32 $0xD0, v16;
	v55 =	vor.u32 $0xC0, v16;
	v15 =	vor.u32 $0xE0, v16;
	v24 =	vld.idx.msk [tilespmem:v12+s10+$0x0], vm9  }
0x1ef: {  	v11 =	vor.u32 $0x70, v16;
	v12 =	vor.u32 $0x80, v16;
	vm0 =	vge.f32 v20, v7  }
0x1f0: {  	vm10 =	vmand vm9, vm0;
	vm0 =	vge.f32 v21, v7;
	vm1 =	vge.f32 v23, v7  }
0x1f1: {  	v18 =	vmpcnt.ones.xlane vm10;
	vm12 =	vmand vm9, vm0;
	vm0 =	vge.f32 v22, v7  }
0x1f2: {  	v10 =	vld.idx.msk [tilespmem:v9+s10+$0x0], vm9;
	vm11 =	vmand vm9, vm1;
	v9 =	vmpcnt.ones.xlane vm12;
	vm13 =	vmand vm9, vm0  }
0x1f3: {  	v14 =	vld.idx.msk [tilespmem:v27+s10+$0x0], vm9;
	vm0 =	vge.f32 v24, v7;
	(v2sf) =	vpush v18, $0x0;
	v18 =	vmpcnt.ones.xlane vm11  }
0x1f4: {  	v16 =	vld.idx.msk [tilespmem:v15+s10+$0x0], vm9;
	v25 =	vmpcnt.ones.xlane vm13;
	vm14 =	vmand vm9, vm0;
	(v2sf) =	vpush v9, $0x0  }
0x1f5: {  	v9 =	vld.idx.msk [tilespmem:v11+s10+$0x0], vm9;
	v26 =	vmpcnt.ones.xlane vm14;
	(v2sf) =	vpush v18, $0x0  }
0x1f6: {  	v11 =	vld.idx.msk [tilespmem:v12+s10+$0x0], vm9;
	(v2sf) =	vpush v25, $0x0  }
0x1f7: {  	v18 =	vld.idx.msk [tilespmem:v13+s10+$0x0], vm9;
	(v2sf) =	vpush v26, $0x0  }
0x1f8: {  	v12 =	vld.idx.msk [tilespmem:v17+s10+$0x0], vm9;
	vm0 =	vge.f32 v10, v7  }
0x1f9: {  	vm5 =	vge.f32 v14, v7;
	v13 =	vld.idx.msk [tilespmem:v19+s10+$0x0], vm9;
	vm0 =	vmand vm9, vm0  }
0x1fa: {  	vm8 =	vmand vm9, vm5;
	v19 =	vld.idx.msk [tilespmem:v55+s10+$0x0], vm9;
	v17 =	vmpcnt.ones.xlane vm0  }
0x1fb: {  	vm15 =	vge.f32 v16, v7;
	v60 =	vmpcnt.ones.xlane vm8  }
0x1fc: {  	v15 =	vld.idx.msk [tilespmem:v28+s10+$0x0], vm9;
	(v2sf) =	vpush v17, $0x0;
	vm2 =	vge.f32 v9, v7;
	vm3 =	vge.f32 v18, v7  }
0x1fd: {  	vm1 =	vge.f32 v11, v7;
	v17 =	vld.idx.msk [tilespmem:v54+s10+$0x0], vm9;
	[tilespmem:s19+$0x11080] =	vst.msk vm10, v20;
	vm10 =	vmand vm9, vm15;
	vm6 =	vmand vm9, vm3  }
0x1fe: {  	vm1 =	vmand vm9, vm1;
	vm4 =	vmand vm9, vm2;
	v56 =	vmpcnt.ones.xlane vm6  }
0x1ff: {  	vm7 =	vge.f32 v19, v7;
	vm3 =	vge.f32 v12, v7;
	v58 =	vmpcnt.ones.xlane vm4  }
0x200: {  	v59 =	vmpcnt.ones.xlane vm1;
	vm7 =	vmand vm9, vm7;
	(v2sf) =	vpush v56, $0x0  }
0x201: {  	vm2 =	vmand vm9, vm3;
	vm3 =	vge.f32 v13, v7;
	(v2sf) =	vpush v58, $0x0  }
0x202: {  	v57 =	vmpcnt.ones.xlane vm2;
	vm3 =	vmand vm9, vm3;
	s20 =	spop (v2sf);
	(v2sf) =	vpush v59, $0x0  }
0x203: {  	v29 =	vmpcnt.ones.xlane vm3;
	vm5 =	vge.f32 v17, v7;
	s29 =	spop (v2sf);
	(v2sf) =	vpush v60, $0x0  }
0x204: {  	v62 =	vmpcnt.ones.xlane vm7;
	vm5 =	vmand vm9, vm5;
	s22 =	spop (v2sf);
	(v2sf) =	vpush v57, $0x0  }
0x205: {  	s23 =	simm.s32 $0xFFFFFFFF;
	vm15 =	vge.f32 v15, v7;
	v61 =	vmpcnt.ones.xlane vm5;
	s24 =	spop (v2sf);
	(v2sf) =	vpush v29, $0x0  }
0x206: {  	s23 =	simm.s32 @!p0 $0x0;
	v20 =	vmpcnt.ones.xlane vm10;
	vm9 =	vmand vm9, vm15;
	s31 =	spop (v2sf);
	(v2sf) =	vpush v62, $0x0  }
0x207: {  	s18 =	sadd.s32 s23, s18;
	v63 =	vmpcnt.ones.xlane vm9;
	(v2sf) =	vpush v61, $0x0  }
0x208: {  	s18 =	sadd.s32 $0x1, s18;
	(v2sf) =	vpush v20, $0x0  }
0x209: {  	p0 =	sne.s32 s18, $0x1;
	(v2sf) =	vpush v63, $0x0  }
.Ltmp16:
0x20a: {  	s30 =	sadd.s32 $0x0, s20;
	(pc) =	sbr.rel @!p0 .LBB2_26-.Ltmp16, $4  }
0x20b: {  	[tilespmem:s30+$0x11080] =	vst.msk vm14, v24;
	s19 =	sadd.s32 s30, s31  }
0x20c: {  	[tilespmem:s19+$0x11080] =	vst.msk vm12, v21;
	s19 =	sadd.s32 s19, s29  }
0x20d: {  	s18 =	sadd.s32 $0xFFFFFFFF, s18;
	[tilespmem:s19+$0x11080] =	vst.msk vm13, v22;
	s19 =	sadd.s32 s19, s24  }
0x20e: {  	s21 =	spop (v2sf);
	[tilespmem:s19+$0x11080] =	vst.msk vm11, v23;
	s20 =	sadd.s32 s19, s22;
	s19 =	simm.s32 $0x10  }
.LBB2_25:
0x20f: {  	[tilespmem:s20+$0x11080] =	vst.msk vm0, v10;
	s20 =	sadd.s32 s20, s21;
	s17 =	sadd.s32 $0x10, s17;
	s21 =	spop (v2sf)  }
0x210: {  	p0 =	sne.s32 s18, $0x1;
	[tilespmem:s20+$0x11080] =	vst.msk vm6, v18;
	s20 =	sadd.s32 s20, s21;
	s21 =	spop (v2sf)  }
0x211: {  	s18 =	sadd.s32 $0xFFFFFFFF, s18;
	[tilespmem:s20+$0x11080] =	vst.msk vm4, v9;
	s20 =	sadd.s32 s20, s21;
	s21 =	spop (v2sf)  }
0x212: {  	[tilespmem:s20+$0x11080] =	vst.msk vm1, v11;
	s20 =	sadd.s32 s20, s21;
	s21 =	spop (v2sf)  }
0x213: {  	[tilespmem:s20+$0x11080] =	vst.msk vm8, v14;
	s20 =	sadd.s32 s20, s21;
	s21 =	spop (v2sf)  }
0x214: {  	[tilespmem:s20+$0x11080] =	vst.msk vm2, v12;
	s20 =	sadd.s32 s20, s21;
	s21 =	spop (v2sf)  }
0x215: {  	[tilespmem:s20+$0x11080] =	vst.msk vm3, v13;
	s20 =	sadd.s32 s20, s21;
	s21 =	spop (v2sf)  }
0x216: {  	[tilespmem:s20+$0x11080] =	vst.msk vm7, v19;
	s20 =	sadd.s32 s20, s21;
	s21 =	spop (v2sf)  }
0x217: {  	[tilespmem:s20+$0x11080] =	vst.msk vm5, v17;
	s20 =	sadd.s32 s20, s21;
	s21 =	spop (v2sf)  }
0x218: {  	[tilespmem:s20+$0x11080] =	vst.msk vm10, v16;
	s20 =	sadd.s32 s20, s21;
	s21 =	spop (v2sf)  }
0x219: {  	v9 =	vor.u32 s19, v1;
	[tilespmem:s20+$0x11080] =	vst.msk vm9, v15;
	s20 =	sadd.s32 s20, s21  }
0x21a: {  	vm9 =	vlt.s32 v9, v8;
	v10 =	vld [tilespmem:s17+$0x0];
	_ =	sdelay $0x4  }
0x21b: {  	v9 =	vshll.u32 v10, $0x4  }
0x21c: {  	v10 =	vand.u32 $0xF, v10;
	v11 =	vand.u32 $0xFFFFFF00, v9  }
0x21d: {  	v9 =	vor.u32 v9, v10;
	v11 =	vor.u32 v10, v11  }
0x21e: {  	v12 =	vor.u32 $0x10, v11;
	v10 =	vor.u32 $0x20, v11;
	v13 =	vor.u32 $0x30, v11  }
0x21f: {  	v14 =	vor.u32 $0x40, v11;
	v19 =	vor.u32 $0xC0, v11;
	v17 =	vor.u32 $0xD0, v11  }
0x220: {  	v20 =	vor.u32 $0xF0, v9;
	v15 =	vor.u32 $0x50, v11;
	v16 =	vor.u32 $0xE0, v11;
	_ =	sdelay $0x1  }
0x221: {  	v18 =	vor.u32 $0x60, v11;
	v21 =	vld.idx.msk [tilespmem:v11+s10+$0x0], vm9  }
0x222: {  	v9 =	vor.u32 $0x70, v11;
	v22 =	vld.idx.msk [tilespmem:v10+s10+$0x0], vm9  }
0x223: {  	v23 =	vld.idx.msk [tilespmem:v13+s10+$0x0], vm9;
	v13 =	vor.u32 $0x80, v11  }
0x224: {  	v24 =	vld.idx.msk [tilespmem:v14+s10+$0x0], vm9;
	v14 =	vor.u32 $0x90, v11  }
0x225: {  	v10 =	vld.idx.msk [tilespmem:v15+s10+$0x0], vm9  }
0x226: {  	v25 =	vld.idx.msk [tilespmem:v12+s10+$0x0], vm9;
	v12 =	vor.u32 $0xA0, v11  }
0x227: {  	v15 =	vor.u32 $0xB0, v11;
	vm0 =	vge.f32 v21, v7;
	v9 =	vld.idx.msk [tilespmem:v9+s10+$0x0], vm9  }
0x228: {  	vm3 =	vmand vm9, vm0;
	vm0 =	vge.f32 v22, v7;
	v11 =	vld.idx.msk [tilespmem:v13+s10+$0x0], vm9  }
0x229: {  	v13 =	vmpcnt.ones.xlane vm3;
	vm11 =	vmand vm9, vm0;
	vm0 =	vge.f32 v23, v7;
	v14 =	vld.idx.msk [tilespmem:v14+s10+$0x0], vm9  }
0x22a: {  	v26 =	vmpcnt.ones.xlane vm11;
	vm12 =	vmand vm9, vm0;
	vm0 =	vge.f32 v24, v7;
	v18 =	vld.idx.msk [tilespmem:v18+s10+$0x0], vm9  }
0x22b: {  	v27 =	vmpcnt.ones.xlane vm12;
	vm13 =	vmand vm9, vm0;
	v12 =	vld.idx.msk [tilespmem:v12+s10+$0x0], vm9;
	(v2sf) =	vpush v13, $0x0  }
0x22c: {  	vm1 =	vge.f32 v10, v7;
	vm0 =	vge.f32 v25, v7;
	v28 =	vmpcnt.ones.xlane vm13;
	v13 =	vld.idx.msk [tilespmem:v15+s10+$0x0], vm9  }
0x22d: {  	vm14 =	vmand vm9, vm0;
	vm0 =	vmand vm9, vm1;
	(v2sf) =	vpush v26, $0x0  }
0x22e: {  	v26 =	vmpcnt.ones.xlane vm14;
	v29 =	vmpcnt.ones.xlane vm0;
	v15 =	vld.idx.msk [tilespmem:v20+s10+$0x0], vm9;
	(v2sf) =	vpush v28, $0x0  }
0x22f: {  	vm2 =	vge.f32 v9, v7;
	vm1 =	vge.f32 v11, v7;
	v16 =	vld.idx.msk [tilespmem:v16+s10+$0x0], vm9;
	(v2sf) =	vpush v27, $0x0  }
0x230: {  	vm1 =	vmand vm9, vm1;
	vm4 =	vge.f32 v18, v7;
	v17 =	vld.idx.msk [tilespmem:v17+s10+$0x0], vm9;
	(v2sf) =	vpush v26, $0x0  }
0x231: {  	vm6 =	vmand vm9, vm4;
	vm4 =	vmand vm9, vm2;
	vm2 =	vge.f32 v12, v7;
	v19 =	vld.idx.msk [tilespmem:v19+s10+$0x0], vm9  }
0x232: {  	vm5 =	vge.f32 v14, v7;
	vm2 =	vmand vm9, vm2;
	vm7 =	vge.f32 v13, v7;
	[tilespmem:s20+$0x11080] =	vst.msk vm3, v21  }
0x233: {  	v20 =	vmpcnt.ones.xlane vm6;
	v21 =	vmpcnt.ones.xlane vm2;
	vm3 =	vmand vm9, vm7  }
0x234: {  	v26 =	vmpcnt.ones.xlane vm4;
	v27 =	vmpcnt.ones.xlane vm3;
	(v2sf) =	vpush v29, $0x0  }
0x235: {  	v28 =	vmpcnt.ones.xlane vm1;
	vm8 =	vmand vm9, vm5;
	(v2sf) =	vpush v20, $0x0  }
0x236: {  	v20 =	vmpcnt.ones.xlane vm8;
	vm5 =	vge.f32 v17, v7;
	(v2sf) =	vpush v26, $0x0  }
0x237: {  	vm7 =	vge.f32 v19, v7;
	vm5 =	vmand vm9, vm5;
	(v2sf) =	vpush v28, $0x0  }
0x238: {  	vm7 =	vmand vm9, vm7;
	v26 =	vmpcnt.ones.xlane vm5;
	(v2sf) =	vpush v20, $0x0  }
0x239: {  	vm10 =	vge.f32 v16, v7;
	v20 =	vmpcnt.ones.xlane vm7;
	(v2sf) =	vpush v21, $0x0  }
0x23a: {  	vm15 =	vge.f32 v15, v7;
	vm10 =	vmand vm9, vm10;
	s21 =	spop (v2sf);
	(v2sf) =	vpush v27, $0x0  }
0x23b: {  	vm9 =	vmand vm9, vm15;
	v21 =	vmpcnt.ones.xlane vm10;
	(v2sf) =	vpush v20, $0x0  }
0x23c: {  	v20 =	vmpcnt.ones.xlane vm9;
	s22 =	spop (v2sf);
	(v2sf) =	vpush v26, $0x0  }
0x23d: {  	s23 =	spop (v2sf);
	(v2sf) =	vpush v21, $0x0  }
0x23e: {  	s24 =	spop (v2sf);
	(v2sf) =	vpush v20, $0x0  }
.Ltmp17:
0x23f: {  	s20 =	sadd.s32 s20, s21;
	s21 =	spop (v2sf);
	(pc) =	sbr.rel @p0 .LBB2_25-.Ltmp17, $4  }
0x240: {  	[tilespmem:s20+$0x11080] =	vst.msk vm14, v25;
	s20 =	sadd.s32 s20, s21  }
0x241: {  	[tilespmem:s20+$0x11080] =	vst.msk vm11, v22;
	s20 =	sadd.s32 s20, s22  }
0x242: {  	[tilespmem:s20+$0x11080] =	vst.msk vm12, v23;
	s20 =	sadd.s32 s20, s24  }
0x243: {  	s19 =	sadd.s32 $0x10, s19;
	[tilespmem:s20+$0x11080] =	vst.msk vm13, v24;
	s20 =	sadd.s32 s20, s23;
	s21 =	spop (v2sf)  }
.LBB2_26:
0x244: {  	[tilespmem:s20+$0x11080] =	vst.msk vm0, v10;
	s17 =	sadd.s32 s20, s21;
	s18 =	spop (v2sf)  }
0x245: {  	[tilespmem:s17+$0x11080] =	vst.msk vm6, v18;
	s17 =	sadd.s32 s17, s18;
	s22 =	spop (v2sf)  }
0x246: {  	[tilespmem:s17+$0x11080] =	vst.msk vm4, v9;
	s17 =	sadd.s32 s17, s22;
	s23 =	spop (v2sf)  }
0x247: {  	[tilespmem:s17+$0x11080] =	vst.msk vm1, v11;
	s17 =	sadd.s32 s17, s23;
	s24 =	spop (v2sf)  }
0x248: {  	[tilespmem:s17+$0x11080] =	vst.msk vm8, v14;
	s17 =	sadd.s32 s17, s24;
	s25 =	spop (v2sf)  }
0x249: {  	[tilespmem:s17+$0x11080] =	vst.msk vm2, v12;
	s17 =	sadd.s32 s17, s25;
	s26 =	spop (v2sf)  }
.Ltmp18:
0x24a: {  	[tilespmem:s17+$0x11080] =	vst.msk vm3, v13;
	s17 =	sadd.s32 s17, s26;
	s28 =	spop (v2sf);
	(pc) =	sbr.rel .LBB2_27-.Ltmp18, $4  }
0x24b: {  	[tilespmem:s17+$0x11080] =	vst.msk vm7, v19;
	s17 =	sadd.s32 s17, s28;
	s29 =	spop (v2sf)  }
0x24c: {  	[tilespmem:s17+$0x11080] =	vst.msk vm5, v17;
	s17 =	sadd.s32 s17, s29;
	s30 =	spop (v2sf)  }
0x24d: {  	[tilespmem:s17+$0x11080] =	vst.msk vm10, v16;
	s17 =	sadd.s32 s17, s30;
	s31 =	spop (v2sf)  }
0x24e: {  	[tilespmem:s17+$0x11080] =	vst.msk vm9, v15;
	s17 =	sadd.s32 s17, s31  }
.LBB2_23:
0x24f: {  	s17 =	simm.s32 $0x0  }
.LBB2_27:
0x250: {  	s18 =	sand.u32 $0xF, s17  }
0x251: {  	s19 =	sshra.s32 s17, $0x1F;
	p0 =	slt.s32 s17, $0x1;
	p1 =	sne.s32 s18, $0x0  }
0x252: {  	s31 =	sshrl.u32 s19, $0x1C;
	p0 =	por !p0, !p1  }
0x253: {  	s19 =	simm.s32 $0x1;
	s18 =	sadd.s32 s31, s17;
	p0 =	por !p0, !p0  }
0x254: {  	s18 =	sshra.s32 s18, $0x4;
	s19 =	simm.s32 @!p0 $0x0  }
0x255: {  	s19 =	ssub.s32 s18, s19  }
0x256: {  	p1 =	slt.s32 s19, $0x0  }
.Ltmp19:
0x257: {  	_ = 	snop;
	(pc) =	sbr.rel @p1 .LBB2_35-.Ltmp19, $3  }
0x258: {  	_ =	sdelay $0x1  }
0x259: {  	v7 =	vimm.f32 $-Inf  }
0x25a: {  	v8 =	vimm.f32 $-Inf;
	v9 =	vimm.f32 $-Inf;
	[tilespmem:s17+$0x11080] =	vst v7  }
0x25b: {  	s17 =	simm.s32 $0xFFFFFFFF  }
0x25c: {  	s17 =	simm.s32 @!p0 $0x0  }
0x25d: {  	s17 =	sadd.s32 s17, s18  }
0x25e: {  	s17 =	sadd.s32 $0x1, s17  }
0x25f: {  	p2 =	sne.s32 s17, $0x1  }
.Ltmp20:
0x260: {  	_ = 	snop;
	(pc) =	sbr.rel @!p2 .LBB2_29-.Ltmp20, $3  }
0x261: {  	_ =	sdelay $0x1  }
0x262: {  	s31 =	simm.s32 $0x11080  }
0x263: {  	v8 =	vimm.f32 $-Inf;
	p1 =	por $0x0, $0x0;
	v9 =	vld [tilespmem:s31+$0x0];
	p0 =	por $0x0, $0x0;
	s17 =	sadd.s32 $0xFFFFFFFF, s17  }
0x264: {  	_ =	sdelay $0x3  }
0x265: {  	(xrf1) =	vsort.dscd.msk.f32 $0xffff, v9, v9;
	_ =	sdelay $0x9  }
0x266: {  	p2 =	sne.s32 s17, $0x1  }
.Ltmp21:
0x267: {  	_ = 	snop;
	(pc) =	sbr.rel @!p2 .LBB2_31-.Ltmp21, $3  }
0x268: {  	_ =	sdelay $0x1  }
0x269: {  	s19 =	simm.s32 $0x11090;
	v10, _, _ =	vpop (xrf1)  }
0x26a: {  	s18 =	sadd.s32 $0xFFFFFFFF, s17;
	p0 =	por $0x1, $0x1;
	v9 =	vld [tilespmem:s19+$0x0];
	v10 =	vperm.xlane v10, v6  }
0x26b: {  	_ =	sdelay $0x3  }
0x26c: {  	(xrf1) =	vsort.dscd.msk.f32 $0xffff, v9, v9;
	_ =	sdelay $0xb  }
0x26d: {  	v11 =	vmin.f32 v8, v10  }
0x26e: {  	v9 =	vmax.f32 v8, v10;
	(xrf1) =	vsort.dscd.msk.f32 $0xffff, v11, v11  }
0x26f: {  	v10, _, _ =	vpop (xrf1);
	(xrf1) =	vsort.dscd.msk.f32 $0xffff, v9, v9;
	_ =	sdelay $0x7  }
0x270: {  	p2 =	sne.s32 s18, $0x1  }
.Ltmp22:
0x271: {  	_ = 	snop;
	(pc) =	sbr.rel @!p2 .LBB2_34-.Ltmp22, $4  }
0x272: {  	s17 =	simm.s32 $0x110A0  }
0x273: {  	v9 =	vld [tilespmem:s17+$0x0]  }
0x274: {  	v11 =	vperm.xlane v8, v6  }
0x275: {  	s18 =	sadd.s32 $0xFFFFFFFF, s18;
	p1 =	por $0x1, $0x1;
	v10 =	vperm.xlane v10, v6;
	v12, _, _ =	vpop (xrf1)  }
.LBB2_33:
0x276: {  	p2 =	sne.s32 s18, $0x1;
	s18 =	sadd.s32 $0xFFFFFFFF, s18;
	v11 =	vmax.f32 v12, v11;
	v12, _, _ =	vpop (xrf1)  }
0x277: {  	v13 =	vmax.f32 v12, v10;
	v10 =	vmin.f32 v12, v10;
	(xrf1) =	vsort.dscd.msk.f32 $0xffff, v11, v11  }
0x278: {  	(xrf1) =	vsort.dscd.msk.f32 $0xffff, v9, v9  }
0x279: {  	(xrf1) =	vsort.dscd.msk.f32 $0xffff, v10, v10  }
0x27a: {  	(xrf1) =	vsort.dscd.msk.f32 $0xffff, v13, v13;
	_ =	sdelay $0x8  }
.Ltmp23:
0x27b: {  	(pc) =	sbr.rel @p2 .LBB2_33-.Ltmp23, $4  }
0x27c: {  	s17 =	sadd.s32 $0x10, s17  }
0x27d: {  	v9 =	vld [tilespmem:s17+$0x0];
	v10, _, _ =	vpop (xrf1)  }
0x27e: {  	v12, _, _ =	vpop (xrf1);
	v11 =	vperm.xlane v10, v6  }
0x27f: {  	v10 =	vperm.xlane v12, v6;
	v12, _, _ =	vpop (xrf1)  }
.LBB2_34:
0x280: {  	v11 =	vmax.f32 @p1 v12, v11;
	v12, _, _ =	vpop @p1 (xrf1)  }
0x281: {  	(xrf1) =	vsort.dscd.msk.f32 @p1 $0xffff, v11, v11;
	v11 =	vpsel p1, v12, v8  }
0x282: {  	v12 =	vmin.f32 @p0 v11, v10;
	(xrf1) =	vsort.dscd.msk.f32 $0xffff, v9, v9  }
0x283: {  	(xrf1) =	vsort.dscd.msk.f32 @p0 $0xffff, v12, v12;
	_ =	sdelay $0x2  }
0x284: {  	v9 =	vmax.f32 @p0 v11, v10  }
0x285: {  	(xrf1) =	vsort.dscd.msk.f32 @p0 $0xffff, v9, v9;
	_ =	sdelay $0x7  }
0x286: {  	v9, _, _ =	vpop @p1 (xrf1)  }
0x287: {  	v9 =	vpsel p1, v9, v8;
	v10, _, _ =	vpop (xrf1)  }
0x288: {  	v9 =	vperm.xlane @p0 v9, v6;
	v11, _, _ =	vpop @p0 (xrf1)  }
0x289: {  	v11 =	vpsel p0, v11, v0  }
0x28a: {  	v9 =	vpsel p0, v9, v0  }
0x28b: {  	v9 =	vmax.f32 @p0 v11, v9  }
0x28c: {  	v10 =	vperm.xlane v10, v6;
	v11, _, _ =	vpop @p0 (xrf1);
	(xrf1) =	vsort.dscd.msk.f32 @p0 $0xffff, v9, v9  }
0x28d: {  	v9 =	vpsel p0, v11, v8  }
0x28e: {  	v11 =	vmin.f32 v9, v10  }
0x28f: {  	(xrf1) =	vsort.dscd.msk.f32 $0xffff, v11, v11;
	_ =	sdelay $0xa  }
0x290: {  	v11, _, _ =	vpop @p0 (xrf1)  }
0x291: {  	v8 =	vpsel p0, v11, v8  }
0x292: {  	v8 =	vperm.xlane v8, v6  }
0x293: {  	v9 =	vmax.f32 v9, v10;
	v10, _, _ =	vpop (xrf1)  }
0x294: {  	(xrf1) =	vsort.dscd.msk.f32 $0xffff, v9, v9;
	v8 =	vmax.f32 v10, v8  }
0x295: {  	(xrf1) =	vsort.dscd.msk.f32 $0xffff, v8, v8;
	_ =	sdelay $0xc  }
0x296: {  	v8, _, _ =	vpop (xrf1)  }
0x297: {  	v9, _, _ =	vpop (xrf1)  }
.LBB2_35:
0x298: {  	[tilespmem:$0x19120] =	vst v8  }
0x299: {  	[tilespmem:$0x19130] =	vst v9;
	s18 =	simm.s32 $0x80  }
0x29a: {  	[tilespmem:s10], [sflag:$0x2] =	stream.strided.gather [hbm4b:s6+s18], $0x8000, s9, s18, $0x38;
	[tilespmem:$0x19200] =	vst v63  }
0x29b: {  	_ =	swait.ge [sflag:s11], $0x8000  }
0x29c: {  	[sflag:s11] =	ssyncset.done $0x0  }
0x29d: {  	[sflag:s11] =	ssyncadd.s32 $0xFFFF8000  }
0x29e: {  	v11 =	vld [tilespmem:s18+$0x40]  }
0x29f: {  	v9 =	vld [tilespmem:s18+$0x50]  }
0x2a0: {  	v10 =	vld [tilespmem:s18+$0x60]  }
0x2a1: {  	v14 =	vld [tilespmem:s18+$0x0]  }
0x2a2: {  	v12 =	vld [tilespmem:s18+$0x10]  }
0x2a3: {  	v13 =	vld [tilespmem:s18+$0x20]  }
0x2a4: {  	v18 =	vld [tilespmem:s18+$0xFFFFFFC0]  }
0x2a5: {  	v20 =	vld [tilespmem:s18+$0xFFFFFF80]  }
0x2a6: {  	v15 =	vld [tilespmem:s18+$0xFFFFFF90]  }
0x2a7: {  	v16 =	vld [tilespmem:s18+$0xFFFFFFD0]  }
0x2a8: {  	v17 =	vld [tilespmem:s18+$0xFFFFFFA0]  }
0x2a9: {  	v19 =	vld [tilespmem:s18+$0xFFFFFFE0]  }
0x2aa: {  	s17 =	simm.s32 $0x0;
	s19 =	simm.s32 $0x40;
	v8 =	vimm.f32 $-Inf;
	v21 =	vld [tilespmem:s18+$0xFFFFFFB0]  }
.LBB2_36:
0x2ab: {  	p0 =	sne.s32 s19, $0x1FC0;
	v22 =	vld [tilespmem:s18+$0xFFFFFFF0]  }
0x2ac: {  	v23 =	vld [tilespmem:s18+$0x30]  }
0x2ad: {  	v18 =	vmax.f32 v20, v18;
	v20 =	vld [tilespmem:s18+$0x70]  }
0x2ae: {  	v14 =	vmax.f32 v18, v14  }
0x2af: {  	v11 =	vmax.f32 v14, v11  }
0x2b0: {  	v14 =	vmax.f32 v15, v16;
	v15 =	vmax.f32 v17, v19;
	v16 =	vmax.f32 v21, v22  }
0x2b1: {  	v12 =	vmax.f32 v14, v12;
	v13 =	vmax.f32 v15, v13;
	v14 =	vmax.f32 v16, v23  }
0x2b2: {  	v9 =	vmax.f32 v12, v9;
	v10 =	vmax.f32 v13, v10;
	v12 =	vmax.f32 v14, v20  }
0x2b3: {  	v9 =	vmax.f32 v11, v9;
	v10 =	vmax.f32 v10, v12  }
0x2b4: {  	s20 =	sshra.s32 s17, $0x2;
	s17 =	smov.u32 s19;
	v9 =	vmax.f32 v9, v10  }
0x2b5: {  	s18 =	sadd.s32 $0x100, s18;
	[tilespmem:s20+$0x10000] =	vst v9;
	v10 =	vmin.f32 v7, v9;
	v7 =	vmax.f32 v7, v9  }
0x2b6: {  	v11 =	vld [tilespmem:s18+$0x40];
	v8 =	vmax.f32 v8, v10  }
0x2b7: {  	v9 =	vld [tilespmem:s18+$0x50]  }
0x2b8: {  	v10 =	vld [tilespmem:s18+$0x60]  }
0x2b9: {  	v14 =	vld [tilespmem:s18+$0x0]  }
0x2ba: {  	v12 =	vld [tilespmem:s18+$0x10]  }
0x2bb: {  	v13 =	vld [tilespmem:s18+$0x20]  }
0x2bc: {  	v18 =	vld [tilespmem:s18+$0xFFFFFFC0]  }
0x2bd: {  	v20 =	vld [tilespmem:s18+$0xFFFFFF80]  }
.Ltmp24:
0x2be: {  	v15 =	vld [tilespmem:s18+$0xFFFFFF90];
	(pc) =	sbr.rel @p0 .LBB2_36-.Ltmp24, $4  }
0x2bf: {  	v16 =	vld [tilespmem:s18+$0xFFFFFFD0]  }
0x2c0: {  	v17 =	vld [tilespmem:s18+$0xFFFFFFA0]  }
0x2c1: {  	v19 =	vld [tilespmem:s18+$0xFFFFFFE0]  }
0x2c2: {  	s19 =	sadd.s32 $0x40, s19;
	v21 =	vld [tilespmem:s18+$0xFFFFFFB0]  }
0x2c3: {  	v22 =	vld [tilespmem:s18+$0xFFFFFFF0]  }
0x2c4: {  	v23 =	vld [tilespmem:s18+$0x30]  }
0x2c5: {  	v55 =	vld [tilespmem:s18+$0x70]  }
0x2c6: {  	v18 =	vmax.f32 v20, v18  }
0x2c7: {  	v14 =	vmax.f32 v18, v14;
	v56 =	vmax.f32 v15, v16  }
0x2c8: {  	v11 =	vmax.f32 v14, v11;
	v57 =	vmax.f32 v17, v19;
	v58 =	vmax.f32 v21, v22  }
0x2c9: {  	v12 =	vmax.f32 v56, v12;
	v13 =	vmax.f32 v57, v13;
	v59 =	vmax.f32 v58, v23  }
0x2ca: {  	v9 =	vmax.f32 v12, v9;
	v10 =	vmax.f32 v13, v10;
	v60 =	vmax.f32 v59, v55  }
0x2cb: {  	v9 =	vmax.f32 v11, v9;
	v10 =	vmax.f32 v10, v60  }
0x2cc: {  	v9 =	vmax.f32 v9, v10  }
0x2cd: {  	v7 =	vmin.f32 v7, v9  }
0x2ce: {  	v7 =	vmax.f32 v8, v7  }
0x2cf: {  	v7 =	vsub.f32 $0.0e+00, v7;
	_ =	sdelay $0x1  }
0x2d0: {  	v8 =	vperm.xlane v7, v0;
	_ =	sdelay $0x1  }
0x2d1: {  	v7 =	vmax.f32 v7, v8  }
0x2d2: {  	v8 =	vperm.xlane v7, v2;
	_ =	sdelay $0x1  }
0x2d3: {  	v7 =	vmax.f32 v7, v8  }
0x2d4: {  	v8 =	vperm.xlane v7, v3  }
0x2d5: {  	s17 =	sshra.s32 s17, $0x2  }
0x2d6: {  	[tilespmem:s17+$0x10000] =	vst v9;
	s17 =	simm.s32 $0x10040;
	v7 =	vmax.f32 v7, v8  }
0x2d7: {  	v9 =	vld [tilespmem:s17+$0xFFFFFFC0];
	v8 =	vperm.xlane v7, v4  }
0x2d8: {  	v10 =	vld [tilespmem:s17+$0xFFFFFFD0]  }
0x2d9: {  	v7 =	vmax.f32 v7, v8;
	v8 =	vld [tilespmem:s17+$0xFFFFFFE0]  }
0x2da: {  	v11 =	vld [tilespmem:s17+$0xFFFFFFF0];
	v7 =	vsub.f32 $0.0e+00, v7  }
0x2db: {  	v61 =	vld [tilespmem:s17+$0x0]  }
0x2dc: {  	v62 =	vld [tilespmem:s17+$0x10];
	vm7 =	vge.f32 v9, v7  }
0x2dd: {  	v9 =	vld [tilespmem:s17+$0x20];
	vm6 =	vge.f32 v10, v7;
	v10 =	vmpcnt.ones.xlane vm7  }
0x2de: {  	v63 =	vld [tilespmem:s17+$0x30];
	vm5 =	vge.f32 v8, v7;
	v8 =	vmpcnt.ones.xlane vm6  }
0x2df: {  	vm4 =	vge.f32 v11, v7;
	v11 =	vmpcnt.ones.xlane vm5;
	(v2sf) =	vpush v10, $0x0  }
0x2e0: {  	vm3 =	vge.f32 v61, v7;
	v10 =	vmpcnt.ones.xlane vm4;
	(v2sf) =	vpush v8, $0x0  }
0x2e1: {  	vm2 =	vge.f32 v62, v7;
	v8 =	vmpcnt.ones.xlane vm3;
	(v2sf) =	vpush v11, $0x0  }
0x2e2: {  	vm1 =	vge.f32 v9, v7;
	v9 =	vmpcnt.ones.xlane vm2;
	(v2sf) =	vpush v10, $0x0  }
0x2e3: {  	vm0 =	vge.f32 v63, v7;
	v10 =	vmpcnt.ones.xlane vm1;
	(v2sf) =	vpush v8, $0x0  }
0x2e4: {  	v8 =	vmpcnt.ones.xlane vm0;
	(v2sf) =	vpush v9, $0x0  }
0x2e5: {  	(v2sf) =	vpush v10, $0x0  }
0x2e6: {  	(v2sf) =	vpush v8, $0x0;
	_ =	sdelay $0x6  }
0x2e7: {  	s28 =	simm.s32 $0x0  }
0x2e8: {  	s19 =	simm.s32 $0x0;
	s29 =	simm.s32 $0x10;
	v8 =	vor.u32 s28, v1;
	s20 =	spop (v2sf)  }
0x2e9: {  	s30 =	simm.s32 $0x20;
	[tilespmem:s19+$0x10800] =	vst.msk vm7, v8;
	v8 =	vor.u32 s29, v1;
	s20 =	sadd.s32 $0x0, s20;
	s31 =	spop (v2sf)  }
0x2ea: {  	s21 =	simm.s32 $0x30;
	[tilespmem:s20+$0x10800] =	vst.msk vm6, v8;
	s18 =	sadd.s32 s31, s20;
	v8 =	vor.u32 s30, v1;
	s22 =	spop (v2sf)  }
0x2eb: {  	s23 =	simm.s32 $0x40;
	[tilespmem:s18+$0x10800] =	vst.msk vm5, v8;
	s18 =	sadd.s32 s22, s18;
	v8 =	vor.u32 s21, v1;
	s24 =	spop (v2sf)  }
0x2ec: {  	s25 =	simm.s32 $0x50;
	[tilespmem:s18+$0x10800] =	vst.msk vm4, v8;
	s18 =	sadd.s32 s24, s18;
	v8 =	vor.u32 s23, v1;
	s26 =	spop (v2sf)  }
0x2ed: {  	s28 =	simm.s32 $0x60;
	[tilespmem:s18+$0x10800] =	vst.msk vm3, v8;
	s18 =	sadd.s32 s26, s18;
	v8 =	vor.u32 s25, v1;
	s29 =	spop (v2sf)  }
0x2ee: {  	s30 =	simm.s32 $0x70;
	[tilespmem:s18+$0x10800] =	vst.msk vm2, v8;
	s19 =	sadd.s32 s29, s18;
	v8 =	vor.u32 s28, v1;
	s31 =	spop (v2sf)  }
0x2ef: {  	s18 =	simm.s32 $0xF0;
	[tilespmem:s19+$0x10800] =	vst.msk vm1, v8;
	s20 =	sadd.s32 s31, s19;
	v8 =	vor.u32 s30, v1;
	s19 =	spop (v2sf)  }
.LBB2_38:
0x2f0: {  	p0 =	sne.s32 s18, $0x7F0;
	[tilespmem:s20+$0x10800] =	vst.msk vm0, v8;
	s20 =	sadd.s32 s19, s20;
	s17 =	sadd.s32 $0x80, s17  }
0x2f1: {  	s19 =	smov.u32 s18;
	s18 =	sadd.s32 $0x80, s18;
	v8 =	vld [tilespmem:s17+$0xFFFFFFC0]  }
0x2f2: {  	v9 =	vld [tilespmem:s17+$0xFFFFFFD0]  }
0x2f3: {  	v10 =	vld [tilespmem:s17+$0xFFFFFFE0]  }
0x2f4: {  	v11 =	vld [tilespmem:s17+$0xFFFFFFF0]  }
0x2f5: {  	v12 =	vld [tilespmem:s17+$0x0]  }
0x2f6: {  	v13 =	vld [tilespmem:s17+$0x10];
	vm0 =	vge.f32 v8, v7  }
0x2f7: {  	s21 =	sadd.s32 $0xFFFFFF90, s19;
	v8 =	vld [tilespmem:s17+$0x20];
	vm6 =	vge.f32 v9, v7;
	v9 =	vmpcnt.ones.xlane vm0  }
0x2f8: {  	v15 =	vor.u32 s21, v1;
	v14 =	vld [tilespmem:s17+$0x30];
	vm5 =	vge.f32 v10, v7;
	v10 =	vmpcnt.ones.xlane vm6  }
0x2f9: {  	vm4 =	vge.f32 v11, v7;
	v11 =	vmpcnt.ones.xlane vm5;
	[tilespmem:s20+$0x10800] =	vst.msk vm0, v15;
	(v2sf) =	vpush v9, $0x0  }
0x2fa: {  	vm3 =	vge.f32 v12, v7;
	v9 =	vmpcnt.ones.xlane vm4;
	(v2sf) =	vpush v10, $0x0  }
0x2fb: {  	vm2 =	vge.f32 v13, v7;
	v10 =	vmpcnt.ones.xlane vm3;
	(v2sf) =	vpush v11, $0x0  }
0x2fc: {  	vm1 =	vge.f32 v8, v7;
	v8 =	vmpcnt.ones.xlane vm2;
	(v2sf) =	vpush v9, $0x0  }
0x2fd: {  	vm0 =	vge.f32 v14, v7;
	v9 =	vmpcnt.ones.xlane vm1;
	(v2sf) =	vpush v10, $0x0  }
0x2fe: {  	v10 =	vmpcnt.ones.xlane vm0;
	(v2sf) =	vpush v8, $0x0  }
0x2ff: {  	(v2sf) =	vpush v9, $0x0  }
0x300: {  	(v2sf) =	vpush v10, $0x0;
	_ =	sdelay $0x7  }
0x301: {  	s22 =	sadd.s32 $0xFFFFFFD0, s19;
	s21 =	sadd.s32 $0xFFFFFFA0, s19;
	s23 =	spop (v2sf)  }
0x302: {  	s24 =	sadd.s32 $0xFFFFFFB0, s19;
	v8 =	vor.u32 s21, v1;
	s20 =	sadd.s32 s20, s23;
	s21 =	spop (v2sf)  }
0x303: {  	s23 =	sadd.s32 $0xFFFFFFC0, s19;
	[tilespmem:s20+$0x10800] =	vst.msk vm6, v8;
	s20 =	sadd.s32 s21, s20;
	v8 =	vor.u32 s24, v1;
	s21 =	spop (v2sf)  }
.Ltmp25:
0x304: {  	[tilespmem:s20+$0x10800] =	vst.msk vm5, v8;
	s20 =	sadd.s32 s21, s20;
	v8 =	vor.u32 s23, v1;
	s21 =	spop (v2sf);
	(pc) =	sbr.rel @p0 .LBB2_38-.Ltmp25, $4  }
0x305: {  	s23 =	sadd.s32 $0xFFFFFFE0, s19;
	[tilespmem:s20+$0x10800] =	vst.msk vm4, v8;
	s20 =	sadd.s32 s21, s20;
	v8 =	vor.u32 s22, v1;
	s21 =	spop (v2sf)  }
0x306: {  	s22 =	sadd.s32 $0xFFFFFFF0, s19;
	[tilespmem:s20+$0x10800] =	vst.msk vm3, v8;
	s20 =	sadd.s32 s21, s20;
	v8 =	vor.u32 s23, v1;
	s21 =	spop (v2sf)  }
0x307: {  	[tilespmem:s20+$0x10800] =	vst.msk vm2, v8;
	s20 =	sadd.s32 s21, s20;
	v8 =	vor.u32 s22, v1;
	s21 =	spop (v2sf)  }
0x308: {  	[tilespmem:s20+$0x10800] =	vst.msk vm1, v8;
	s20 =	sadd.s32 s21, s20;
	v8 =	vor.u32 s19, v1;
	s19 =	spop (v2sf)  }
0x309: {  	s21 =	sadd.s32 s19, s20  }
0x30a: {  	s17 =	sand.u32 $0xF, s21  }
0x30b: {  	s18 =	sshra.s32 s21, $0x1F;
	p0 =	slt.s32 s21, $0x1;
	p1 =	sne.s32 s17, $0x0  }
0x30c: {  	s31 =	sshrl.u32 s18, $0x1C;
	p0 =	por !p0, !p1  }
0x30d: {  	s19 =	simm.s32 $0x1;
	s17 =	sadd.s32 s31, s21;
	p0 =	por !p0, !p0  }
0x30e: {  	s18 =	sshra.s32 s17, $0x4;
	s19 =	simm.s32 @!p0 $0x0  }
0x30f: {  	s17 =	ssub.s32 s18, s19  }
0x310: {  	p1 =	slt.s32 s17, $0x0  }
.Ltmp26:
0x311: {  	_ = 	snop;
	(pc) =	sbr.rel @p1 .LBB2_40-.Ltmp26, $3  }
0x312: {  	_ =	sdelay $0x1  }
0x313: {  	[tilespmem:s20+$0x10800] =	vst.msk vm0, v8  }
0x314: {  	[tilespmem:s21+$0x10800] =	vst v5  }
0x315: {  	s17 =	simm.s32 $0x10800  }
0x316: {  	v9 =	vld [tilespmem:s17+$0x0];
	_ =	sdelay $0x3  }
0x317: {  	s19 =	simm.s32 $0x0  }
0x318: {  	v8 =	vmov s21;
	v10 =	vor.u32 s19, v1;
	v14 =	vshll.u32 v9, $0x4  }
0x319: {  	vm9 =	vlt.s32 v10, v8;
	v15 =	vand.u32 $0xF, v9;
	v9 =	vand.u32 $0xFFFFFF00, v14  }
0x31a: {  	v16 =	vor.u32 v15, v9  }
0x31b: {  	v9 =	vor.u32 $0x20, v16  }
0x31c: {  	v11 =	vor.u32 $0x40, v16  }
0x31d: {  	v10 =	vor.u32 $0x30, v16;
	_ =	sdelay $0x1  }
0x31e: {  	v12 =	vor.u32 $0x10, v16;
	v20 =	vld.idx.msk [tilespmem:v16+s1+$0x0], vm9  }
0x31f: {  	v21 =	vld.idx.msk [tilespmem:v9+s1+$0x0], vm9  }
0x320: {  	v14 =	vor.u32 v14, v15;
	v23 =	vld.idx.msk [tilespmem:v11+s1+$0x0], vm9  }
0x321: {  	v28 =	vor.u32 $0xF0, v14;
	v13 =	vor.u32 $0x60, v16;
	v17 =	vor.u32 $0xA0, v16;
	v22 =	vld.idx.msk [tilespmem:v10+s1+$0x0], vm9  }
0x322: {  	v19 =	vor.u32 $0xB0, v16;
	v27 =	vor.u32 $0x90, v16;
	v9 =	vor.u32 $0x50, v16  }
0x323: {  	v54 =	vor.u32 $0xD0, v16;
	v55 =	vor.u32 $0xC0, v16;
	v15 =	vor.u32 $0xE0, v16;
	v24 =	vld.idx.msk [tilespmem:v12+s1+$0x0], vm9  }
0x324: {  	v11 =	vor.u32 $0x70, v16;
	v12 =	vor.u32 $0x80, v16;
	vm0 =	vge.f32 v20, v7  }
0x325: {  	vm10 =	vmand vm9, vm0;
	vm0 =	vge.f32 v21, v7;
	vm1 =	vge.f32 v23, v7  }
0x326: {  	v18 =	vmpcnt.ones.xlane vm10;
	vm12 =	vmand vm9, vm0;
	vm0 =	vge.f32 v22, v7  }
0x327: {  	v10 =	vld.idx.msk [tilespmem:v9+s1+$0x0], vm9;
	vm11 =	vmand vm9, vm1;
	v9 =	vmpcnt.ones.xlane vm12;
	vm13 =	vmand vm9, vm0  }
0x328: {  	v14 =	vld.idx.msk [tilespmem:v27+s1+$0x0], vm9;
	vm0 =	vge.f32 v24, v7;
	(v2sf) =	vpush v18, $0x0;
	v18 =	vmpcnt.ones.xlane vm11  }
0x329: {  	v16 =	vld.idx.msk [tilespmem:v15+s1+$0x0], vm9;
	v25 =	vmpcnt.ones.xlane vm13;
	vm14 =	vmand vm9, vm0;
	(v2sf) =	vpush v9, $0x0  }
0x32a: {  	v9 =	vld.idx.msk [tilespmem:v11+s1+$0x0], vm9;
	v26 =	vmpcnt.ones.xlane vm14;
	(v2sf) =	vpush v18, $0x0  }
0x32b: {  	v11 =	vld.idx.msk [tilespmem:v12+s1+$0x0], vm9;
	(v2sf) =	vpush v25, $0x0  }
0x32c: {  	v18 =	vld.idx.msk [tilespmem:v13+s1+$0x0], vm9;
	(v2sf) =	vpush v26, $0x0  }
0x32d: {  	v12 =	vld.idx.msk [tilespmem:v17+s1+$0x0], vm9;
	vm0 =	vge.f32 v10, v7  }
0x32e: {  	vm5 =	vge.f32 v14, v7;
	v13 =	vld.idx.msk [tilespmem:v19+s1+$0x0], vm9;
	vm0 =	vmand vm9, vm0  }
0x32f: {  	vm8 =	vmand vm9, vm5;
	v19 =	vld.idx.msk [tilespmem:v55+s1+$0x0], vm9;
	v17 =	vmpcnt.ones.xlane vm0  }
0x330: {  	vm15 =	vge.f32 v16, v7;
	v60 =	vmpcnt.ones.xlane vm8  }
0x331: {  	v15 =	vld.idx.msk [tilespmem:v28+s1+$0x0], vm9;
	(v2sf) =	vpush v17, $0x0;
	vm2 =	vge.f32 v9, v7;
	vm3 =	vge.f32 v18, v7  }
0x332: {  	vm1 =	vge.f32 v11, v7;
	v17 =	vld.idx.msk [tilespmem:v54+s1+$0x0], vm9;
	[tilespmem:s19+$0x11080] =	vst.msk vm10, v20;
	vm10 =	vmand vm9, vm15;
	vm6 =	vmand vm9, vm3  }
0x333: {  	vm1 =	vmand vm9, vm1;
	vm4 =	vmand vm9, vm2;
	v56 =	vmpcnt.ones.xlane vm6  }
0x334: {  	vm7 =	vge.f32 v19, v7;
	vm3 =	vge.f32 v12, v7;
	v58 =	vmpcnt.ones.xlane vm4  }
0x335: {  	v59 =	vmpcnt.ones.xlane vm1;
	vm7 =	vmand vm9, vm7;
	(v2sf) =	vpush v56, $0x0  }
0x336: {  	vm2 =	vmand vm9, vm3;
	vm3 =	vge.f32 v13, v7;
	(v2sf) =	vpush v58, $0x0  }
0x337: {  	v57 =	vmpcnt.ones.xlane vm2;
	vm3 =	vmand vm9, vm3;
	s20 =	spop (v2sf);
	(v2sf) =	vpush v59, $0x0  }
0x338: {  	v29 =	vmpcnt.ones.xlane vm3;
	vm5 =	vge.f32 v17, v7;
	s29 =	spop (v2sf);
	(v2sf) =	vpush v60, $0x0  }
0x339: {  	v62 =	vmpcnt.ones.xlane vm7;
	vm5 =	vmand vm9, vm5;
	s22 =	spop (v2sf);
	(v2sf) =	vpush v57, $0x0  }
0x33a: {  	s23 =	simm.s32 $0xFFFFFFFF;
	vm15 =	vge.f32 v15, v7;
	v61 =	vmpcnt.ones.xlane vm5;
	s24 =	spop (v2sf);
	(v2sf) =	vpush v29, $0x0  }
0x33b: {  	s23 =	simm.s32 @!p0 $0x0;
	v20 =	vmpcnt.ones.xlane vm10;
	vm9 =	vmand vm9, vm15;
	s31 =	spop (v2sf);
	(v2sf) =	vpush v62, $0x0  }
0x33c: {  	s18 =	sadd.s32 s23, s18;
	v63 =	vmpcnt.ones.xlane vm9;
	(v2sf) =	vpush v61, $0x0  }
0x33d: {  	s18 =	sadd.s32 $0x1, s18;
	(v2sf) =	vpush v20, $0x0  }
0x33e: {  	p0 =	sne.s32 s18, $0x1;
	(v2sf) =	vpush v63, $0x0  }
.Ltmp27:
0x33f: {  	s30 =	sadd.s32 $0x0, s20;
	(pc) =	sbr.rel @!p0 .LBB2_43-.Ltmp27, $4  }
0x340: {  	[tilespmem:s30+$0x11080] =	vst.msk vm14, v24;
	s19 =	sadd.s32 s30, s31  }
0x341: {  	[tilespmem:s19+$0x11080] =	vst.msk vm12, v21;
	s19 =	sadd.s32 s19, s29  }
0x342: {  	s18 =	sadd.s32 $0xFFFFFFFF, s18;
	[tilespmem:s19+$0x11080] =	vst.msk vm13, v22;
	s19 =	sadd.s32 s19, s24  }
0x343: {  	s21 =	spop (v2sf);
	[tilespmem:s19+$0x11080] =	vst.msk vm11, v23;
	s20 =	sadd.s32 s19, s22;
	s19 =	simm.s32 $0x10  }
.LBB2_42:
0x344: {  	[tilespmem:s20+$0x11080] =	vst.msk vm0, v10;
	s20 =	sadd.s32 s20, s21;
	s17 =	sadd.s32 $0x10, s17;
	s21 =	spop (v2sf)  }
0x345: {  	p0 =	sne.s32 s18, $0x1;
	[tilespmem:s20+$0x11080] =	vst.msk vm6, v18;
	s20 =	sadd.s32 s20, s21;
	s21 =	spop (v2sf)  }
0x346: {  	s18 =	sadd.s32 $0xFFFFFFFF, s18;
	[tilespmem:s20+$0x11080] =	vst.msk vm4, v9;
	s20 =	sadd.s32 s20, s21;
	s21 =	spop (v2sf)  }
0x347: {  	[tilespmem:s20+$0x11080] =	vst.msk vm1, v11;
	s20 =	sadd.s32 s20, s21;
	s21 =	spop (v2sf)  }
0x348: {  	[tilespmem:s20+$0x11080] =	vst.msk vm8, v14;
	s20 =	sadd.s32 s20, s21;
	s21 =	spop (v2sf)  }
0x349: {  	[tilespmem:s20+$0x11080] =	vst.msk vm2, v12;
	s20 =	sadd.s32 s20, s21;
	s21 =	spop (v2sf)  }
0x34a: {  	[tilespmem:s20+$0x11080] =	vst.msk vm3, v13;
	s20 =	sadd.s32 s20, s21;
	s21 =	spop (v2sf)  }
0x34b: {  	[tilespmem:s20+$0x11080] =	vst.msk vm7, v19;
	s20 =	sadd.s32 s20, s21;
	s21 =	spop (v2sf)  }
0x34c: {  	[tilespmem:s20+$0x11080] =	vst.msk vm5, v17;
	s20 =	sadd.s32 s20, s21;
	s21 =	spop (v2sf)  }
0x34d: {  	[tilespmem:s20+$0x11080] =	vst.msk vm10, v16;
	s20 =	sadd.s32 s20, s21;
	s21 =	spop (v2sf)  }
0x34e: {  	v9 =	vor.u32 s19, v1;
	[tilespmem:s20+$0x11080] =	vst.msk vm9, v15;
	s20 =	sadd.s32 s20, s21  }
0x34f: {  	vm9 =	vlt.s32 v9, v8;
	v10 =	vld [tilespmem:s17+$0x0];
	_ =	sdelay $0x4  }
0x350: {  	v9 =	vshll.u32 v10, $0x4  }
0x351: {  	v10 =	vand.u32 $0xF, v10;
	v11 =	vand.u32 $0xFFFFFF00, v9  }
0x352: {  	v9 =	vor.u32 v9, v10;
	v11 =	vor.u32 v10, v11  }
0x353: {  	v12 =	vor.u32 $0x10, v11;
	v10 =	vor.u32 $0x20, v11;
	v13 =	vor.u32 $0x30, v11  }
0x354: {  	v14 =	vor.u32 $0x40, v11;
	v19 =	vor.u32 $0xC0, v11;
	v17 =	vor.u32 $0xD0, v11  }
0x355: {  	v20 =	vor.u32 $0xF0, v9;
	v15 =	vor.u32 $0x50, v11;
	v16 =	vor.u32 $0xE0, v11;
	_ =	sdelay $0x1  }
0x356: {  	v18 =	vor.u32 $0x60, v11;
	v21 =	vld.idx.msk [tilespmem:v11+s1+$0x0], vm9  }
0x357: {  	v9 =	vor.u32 $0x70, v11;
	v22 =	vld.idx.msk [tilespmem:v10+s1+$0x0], vm9  }
0x358: {  	v23 =	vld.idx.msk [tilespmem:v13+s1+$0x0], vm9;
	v13 =	vor.u32 $0x80, v11  }
0x359: {  	v24 =	vld.idx.msk [tilespmem:v14+s1+$0x0], vm9;
	v14 =	vor.u32 $0x90, v11  }
0x35a: {  	v10 =	vld.idx.msk [tilespmem:v15+s1+$0x0], vm9  }
0x35b: {  	v25 =	vld.idx.msk [tilespmem:v12+s1+$0x0], vm9;
	v12 =	vor.u32 $0xA0, v11  }
0x35c: {  	v15 =	vor.u32 $0xB0, v11;
	vm0 =	vge.f32 v21, v7;
	v9 =	vld.idx.msk [tilespmem:v9+s1+$0x0], vm9  }
0x35d: {  	vm3 =	vmand vm9, vm0;
	vm0 =	vge.f32 v22, v7;
	v11 =	vld.idx.msk [tilespmem:v13+s1+$0x0], vm9  }
0x35e: {  	v13 =	vmpcnt.ones.xlane vm3;
	vm11 =	vmand vm9, vm0;
	vm0 =	vge.f32 v23, v7;
	v14 =	vld.idx.msk [tilespmem:v14+s1+$0x0], vm9  }
0x35f: {  	v26 =	vmpcnt.ones.xlane vm11;
	vm12 =	vmand vm9, vm0;
	vm0 =	vge.f32 v24, v7;
	v18 =	vld.idx.msk [tilespmem:v18+s1+$0x0], vm9  }
0x360: {  	v27 =	vmpcnt.ones.xlane vm12;
	vm13 =	vmand vm9, vm0;
	v12 =	vld.idx.msk [tilespmem:v12+s1+$0x0], vm9;
	(v2sf) =	vpush v13, $0x0  }
0x361: {  	vm1 =	vge.f32 v10, v7;
	vm0 =	vge.f32 v25, v7;
	v28 =	vmpcnt.ones.xlane vm13;
	v13 =	vld.idx.msk [tilespmem:v15+s1+$0x0], vm9  }
0x362: {  	vm14 =	vmand vm9, vm0;
	vm0 =	vmand vm9, vm1;
	(v2sf) =	vpush v26, $0x0  }
0x363: {  	v26 =	vmpcnt.ones.xlane vm14;
	v29 =	vmpcnt.ones.xlane vm0;
	v15 =	vld.idx.msk [tilespmem:v20+s1+$0x0], vm9;
	(v2sf) =	vpush v28, $0x0  }
0x364: {  	vm2 =	vge.f32 v9, v7;
	vm1 =	vge.f32 v11, v7;
	v16 =	vld.idx.msk [tilespmem:v16+s1+$0x0], vm9;
	(v2sf) =	vpush v27, $0x0  }
0x365: {  	vm1 =	vmand vm9, vm1;
	vm4 =	vge.f32 v18, v7;
	v17 =	vld.idx.msk [tilespmem:v17+s1+$0x0], vm9;
	(v2sf) =	vpush v26, $0x0  }
0x366: {  	vm6 =	vmand vm9, vm4;
	vm4 =	vmand vm9, vm2;
	vm2 =	vge.f32 v12, v7;
	v19 =	vld.idx.msk [tilespmem:v19+s1+$0x0], vm9  }
0x367: {  	vm5 =	vge.f32 v14, v7;
	vm2 =	vmand vm9, vm2;
	vm7 =	vge.f32 v13, v7;
	[tilespmem:s20+$0x11080] =	vst.msk vm3, v21  }
0x368: {  	v20 =	vmpcnt.ones.xlane vm6;
	v21 =	vmpcnt.ones.xlane vm2;
	vm3 =	vmand vm9, vm7  }
0x369: {  	v26 =	vmpcnt.ones.xlane vm4;
	v27 =	vmpcnt.ones.xlane vm3;
	(v2sf) =	vpush v29, $0x0  }
0x36a: {  	v28 =	vmpcnt.ones.xlane vm1;
	vm8 =	vmand vm9, vm5;
	(v2sf) =	vpush v20, $0x0  }
0x36b: {  	v20 =	vmpcnt.ones.xlane vm8;
	vm5 =	vge.f32 v17, v7;
	(v2sf) =	vpush v26, $0x0  }
0x36c: {  	vm7 =	vge.f32 v19, v7;
	vm5 =	vmand vm9, vm5;
	(v2sf) =	vpush v28, $0x0  }
0x36d: {  	vm7 =	vmand vm9, vm7;
	v26 =	vmpcnt.ones.xlane vm5;
	(v2sf) =	vpush v20, $0x0  }
0x36e: {  	vm10 =	vge.f32 v16, v7;
	v20 =	vmpcnt.ones.xlane vm7;
	(v2sf) =	vpush v21, $0x0  }
0x36f: {  	vm15 =	vge.f32 v15, v7;
	vm10 =	vmand vm9, vm10;
	s21 =	spop (v2sf);
	(v2sf) =	vpush v27, $0x0  }
0x370: {  	vm9 =	vmand vm9, vm15;
	v21 =	vmpcnt.ones.xlane vm10;
	(v2sf) =	vpush v20, $0x0  }
0x371: {  	v20 =	vmpcnt.ones.xlane vm9;
	s22 =	spop (v2sf);
	(v2sf) =	vpush v26, $0x0  }
0x372: {  	s23 =	spop (v2sf);
	(v2sf) =	vpush v21, $0x0  }
0x373: {  	s24 =	spop (v2sf);
	(v2sf) =	vpush v20, $0x0  }
.Ltmp28:
0x374: {  	s20 =	sadd.s32 s20, s21;
	s21 =	spop (v2sf);
	(pc) =	sbr.rel @p0 .LBB2_42-.Ltmp28, $4  }
0x375: {  	[tilespmem:s20+$0x11080] =	vst.msk vm14, v25;
	s20 =	sadd.s32 s20, s21  }
0x376: {  	[tilespmem:s20+$0x11080] =	vst.msk vm11, v22;
	s20 =	sadd.s32 s20, s22  }
0x377: {  	[tilespmem:s20+$0x11080] =	vst.msk vm12, v23;
	s20 =	sadd.s32 s20, s24  }
0x378: {  	s19 =	sadd.s32 $0x10, s19;
	[tilespmem:s20+$0x11080] =	vst.msk vm13, v24;
	s20 =	sadd.s32 s20, s23;
	s21 =	spop (v2sf)  }
.LBB2_43:
0x379: {  	[tilespmem:s20+$0x11080] =	vst.msk vm0, v10;
	s17 =	sadd.s32 s20, s21;
	s18 =	spop (v2sf)  }
0x37a: {  	[tilespmem:s17+$0x11080] =	vst.msk vm6, v18;
	s17 =	sadd.s32 s17, s18;
	s22 =	spop (v2sf)  }
0x37b: {  	[tilespmem:s17+$0x11080] =	vst.msk vm4, v9;
	s17 =	sadd.s32 s17, s22;
	s23 =	spop (v2sf)  }
0x37c: {  	[tilespmem:s17+$0x11080] =	vst.msk vm1, v11;
	s17 =	sadd.s32 s17, s23;
	s24 =	spop (v2sf)  }
0x37d: {  	[tilespmem:s17+$0x11080] =	vst.msk vm8, v14;
	s17 =	sadd.s32 s17, s24;
	s25 =	spop (v2sf)  }
0x37e: {  	[tilespmem:s17+$0x11080] =	vst.msk vm2, v12;
	s17 =	sadd.s32 s17, s25;
	s26 =	spop (v2sf)  }
.Ltmp29:
0x37f: {  	[tilespmem:s17+$0x11080] =	vst.msk vm3, v13;
	s17 =	sadd.s32 s17, s26;
	s28 =	spop (v2sf);
	(pc) =	sbr.rel .LBB2_44-.Ltmp29, $4  }
0x380: {  	[tilespmem:s17+$0x11080] =	vst.msk vm7, v19;
	s17 =	sadd.s32 s17, s28;
	s29 =	spop (v2sf)  }
0x381: {  	[tilespmem:s17+$0x11080] =	vst.msk vm5, v17;
	s17 =	sadd.s32 s17, s29;
	s30 =	spop (v2sf)  }
0x382: {  	[tilespmem:s17+$0x11080] =	vst.msk vm10, v16;
	s17 =	sadd.s32 s17, s30;
	s31 =	spop (v2sf)  }
0x383: {  	[tilespmem:s17+$0x11080] =	vst.msk vm9, v15;
	s17 =	sadd.s32 s17, s31  }
.LBB2_40:
0x384: {  	s17 =	simm.s32 $0x0  }
.LBB2_44:
0x385: {  	s18 =	sand.u32 $0xF, s17  }
0x386: {  	s19 =	sshra.s32 s17, $0x1F;
	p0 =	slt.s32 s17, $0x1;
	p1 =	sne.s32 s18, $0x0  }
0x387: {  	s31 =	sshrl.u32 s19, $0x1C;
	p0 =	por !p0, !p1  }
0x388: {  	s19 =	simm.s32 $0x1;
	s18 =	sadd.s32 s31, s17;
	p0 =	por !p0, !p0  }
0x389: {  	s18 =	sshra.s32 s18, $0x4;
	s19 =	simm.s32 @!p0 $0x0  }
0x38a: {  	s19 =	ssub.s32 s18, s19  }
0x38b: {  	p1 =	slt.s32 s19, $0x0  }
.Ltmp30:
0x38c: {  	_ = 	snop;
	(pc) =	sbr.rel @p1 .LBB2_52-.Ltmp30, $3  }
0x38d: {  	_ =	sdelay $0x1  }
0x38e: {  	v7 =	vimm.f32 $-Inf  }
0x38f: {  	v8 =	vimm.f32 $-Inf;
	v9 =	vimm.f32 $-Inf;
	[tilespmem:s17+$0x11080] =	vst v7  }
0x390: {  	s17 =	simm.s32 $0xFFFFFFFF  }
0x391: {  	s17 =	simm.s32 @!p0 $0x0  }
0x392: {  	s17 =	sadd.s32 s17, s18  }
0x393: {  	s17 =	sadd.s32 $0x1, s17  }
0x394: {  	p2 =	sne.s32 s17, $0x1  }
.Ltmp31:
0x395: {  	_ = 	snop;
	(pc) =	sbr.rel @!p2 .LBB2_46-.Ltmp31, $3  }
0x396: {  	_ =	sdelay $0x1  }
0x397: {  	s31 =	simm.s32 $0x11080  }
0x398: {  	v8 =	vimm.f32 $-Inf;
	p1 =	por $0x0, $0x0;
	v9 =	vld [tilespmem:s31+$0x0];
	p0 =	por $0x0, $0x0;
	s17 =	sadd.s32 $0xFFFFFFFF, s17  }
0x399: {  	_ =	sdelay $0x3  }
0x39a: {  	(xrf1) =	vsort.dscd.msk.f32 $0xffff, v9, v9;
	_ =	sdelay $0x9  }
0x39b: {  	p2 =	sne.s32 s17, $0x1  }
.Ltmp32:
0x39c: {  	_ = 	snop;
	(pc) =	sbr.rel @!p2 .LBB2_48-.Ltmp32, $3  }
0x39d: {  	_ =	sdelay $0x1  }
0x39e: {  	s19 =	simm.s32 $0x11090;
	v10, _, _ =	vpop (xrf1)  }
0x39f: {  	s18 =	sadd.s32 $0xFFFFFFFF, s17;
	p0 =	por $0x1, $0x1;
	v9 =	vld [tilespmem:s19+$0x0];
	v10 =	vperm.xlane v10, v6  }
0x3a0: {  	_ =	sdelay $0x3  }
0x3a1: {  	(xrf1) =	vsort.dscd.msk.f32 $0xffff, v9, v9;
	_ =	sdelay $0xb  }
0x3a2: {  	v11 =	vmin.f32 v8, v10  }
0x3a3: {  	v9 =	vmax.f32 v8, v10;
	(xrf1) =	vsort.dscd.msk.f32 $0xffff, v11, v11  }
0x3a4: {  	v10, _, _ =	vpop (xrf1);
	(xrf1) =	vsort.dscd.msk.f32 $0xffff, v9, v9;
	_ =	sdelay $0x7  }
0x3a5: {  	p2 =	sne.s32 s18, $0x1  }
.Ltmp33:
0x3a6: {  	_ = 	snop;
	(pc) =	sbr.rel @!p2 .LBB2_51-.Ltmp33, $4  }
0x3a7: {  	s17 =	simm.s32 $0x110A0  }
0x3a8: {  	v9 =	vld [tilespmem:s17+$0x0]  }
0x3a9: {  	v11 =	vperm.xlane v8, v6  }
0x3aa: {  	s18 =	sadd.s32 $0xFFFFFFFF, s18;
	p1 =	por $0x1, $0x1;
	v10 =	vperm.xlane v10, v6;
	v12, _, _ =	vpop (xrf1)  }
.LBB2_50:
0x3ab: {  	p2 =	sne.s32 s18, $0x1;
	s18 =	sadd.s32 $0xFFFFFFFF, s18;
	v11 =	vmax.f32 v12, v11;
	v12, _, _ =	vpop (xrf1)  }
0x3ac: {  	v13 =	vmax.f32 v12, v10;
	v10 =	vmin.f32 v12, v10;
	(xrf1) =	vsort.dscd.msk.f32 $0xffff, v11, v11  }
0x3ad: {  	(xrf1) =	vsort.dscd.msk.f32 $0xffff, v9, v9  }
0x3ae: {  	(xrf1) =	vsort.dscd.msk.f32 $0xffff, v10, v10  }
0x3af: {  	(xrf1) =	vsort.dscd.msk.f32 $0xffff, v13, v13;
	_ =	sdelay $0x8  }
.Ltmp34:
0x3b0: {  	(pc) =	sbr.rel @p2 .LBB2_50-.Ltmp34, $4  }
0x3b1: {  	s17 =	sadd.s32 $0x10, s17  }
0x3b2: {  	v9 =	vld [tilespmem:s17+$0x0];
	v10, _, _ =	vpop (xrf1)  }
0x3b3: {  	v12, _, _ =	vpop (xrf1);
	v11 =	vperm.xlane v10, v6  }
0x3b4: {  	v10 =	vperm.xlane v12, v6;
	v12, _, _ =	vpop (xrf1)  }
.LBB2_51:
0x3b5: {  	v11 =	vmax.f32 @p1 v12, v11;
	v12, _, _ =	vpop @p1 (xrf1)  }
0x3b6: {  	(xrf1) =	vsort.dscd.msk.f32 @p1 $0xffff, v11, v11;
	v11 =	vpsel p1, v12, v8  }
0x3b7: {  	v12 =	vmin.f32 @p0 v11, v10;
	(xrf1) =	vsort.dscd.msk.f32 $0xffff, v9, v9  }
0x3b8: {  	(xrf1) =	vsort.dscd.msk.f32 @p0 $0xffff, v12, v12;
	_ =	sdelay $0x2  }
0x3b9: {  	v9 =	vmax.f32 @p0 v11, v10  }
0x3ba: {  	(xrf1) =	vsort.dscd.msk.f32 @p0 $0xffff, v9, v9;
	_ =	sdelay $0x7  }
0x3bb: {  	v9, _, _ =	vpop @p1 (xrf1)  }
0x3bc: {  	v9 =	vpsel p1, v9, v8;
	v10, _, _ =	vpop (xrf1)  }
0x3bd: {  	v9 =	vperm.xlane @p0 v9, v6;
	v11, _, _ =	vpop @p0 (xrf1)  }
0x3be: {  	v11 =	vpsel p0, v11, v0  }
0x3bf: {  	v9 =	vpsel p0, v9, v0  }
0x3c0: {  	v9 =	vmax.f32 @p0 v11, v9  }
0x3c1: {  	v10 =	vperm.xlane v10, v6;
	v11, _, _ =	vpop @p0 (xrf1);
	(xrf1) =	vsort.dscd.msk.f32 @p0 $0xffff, v9, v9  }
0x3c2: {  	v9 =	vpsel p0, v11, v8  }
0x3c3: {  	v11 =	vmin.f32 v9, v10  }
0x3c4: {  	(xrf1) =	vsort.dscd.msk.f32 $0xffff, v11, v11;
	_ =	sdelay $0xa  }
0x3c5: {  	v11, _, _ =	vpop @p0 (xrf1)  }
0x3c6: {  	v8 =	vpsel p0, v11, v8  }
0x3c7: {  	v8 =	vperm.xlane v8, v6  }
0x3c8: {  	v9 =	vmax.f32 v9, v10;
	v10, _, _ =	vpop (xrf1)  }
0x3c9: {  	(xrf1) =	vsort.dscd.msk.f32 $0xffff, v9, v9;
	v8 =	vmax.f32 v10, v8  }
0x3ca: {  	(xrf1) =	vsort.dscd.msk.f32 $0xffff, v8, v8;
	_ =	sdelay $0xc  }
0x3cb: {  	v8, _, _ =	vpop (xrf1)  }
0x3cc: {  	v9, _, _ =	vpop (xrf1)  }
.LBB2_52:
0x3cd: {  	[tilespmem:$0x19140] =	vst v8  }
0x3ce: {  	[tilespmem:$0x19150] =	vst v9  }
0x3cf: {  	_ =	swait.ge [sflag:s13], $0x8000  }
0x3d0: {  	[sflag:s13] =	ssyncset.done $0x0  }
0x3d1: {  	s18 =	simm.s32 $0x8080;
	[sflag:s13] =	ssyncadd.s32 $0xFFFF8000  }
0x3d2: {  	v11 =	vld [tilespmem:s18+$0x40]  }
0x3d3: {  	v9 =	vld [tilespmem:s18+$0x50]  }
0x3d4: {  	v10 =	vld [tilespmem:s18+$0x60]  }
0x3d5: {  	v14 =	vld [tilespmem:s18+$0x0]  }
0x3d6: {  	v12 =	vld [tilespmem:s18+$0x10]  }
0x3d7: {  	v13 =	vld [tilespmem:s18+$0x20]  }
0x3d8: {  	v18 =	vld [tilespmem:s18+$0xFFFFFFC0]  }
0x3d9: {  	v20 =	vld [tilespmem:s18+$0xFFFFFF80]  }
0x3da: {  	v15 =	vld [tilespmem:s18+$0xFFFFFF90]  }
0x3db: {  	v16 =	vld [tilespmem:s18+$0xFFFFFFD0]  }
0x3dc: {  	v17 =	vld [tilespmem:s18+$0xFFFFFFA0]  }
0x3dd: {  	v19 =	vld [tilespmem:s18+$0xFFFFFFE0]  }
0x3de: {  	s17 =	simm.s32 $0x0;
	s19 =	simm.s32 $0x40;
	v8 =	vimm.f32 $-Inf;
	v21 =	vld [tilespmem:s18+$0xFFFFFFB0]  }
.LBB2_53:
0x3df: {  	p0 =	sne.s32 s19, $0x1FC0;
	v22 =	vld [tilespmem:s18+$0xFFFFFFF0]  }
0x3e0: {  	v23 =	vld [tilespmem:s18+$0x30]  }
0x3e1: {  	v18 =	vmax.f32 v20, v18;
	v20 =	vld [tilespmem:s18+$0x70]  }
0x3e2: {  	v14 =	vmax.f32 v18, v14  }
0x3e3: {  	v11 =	vmax.f32 v14, v11  }
0x3e4: {  	v14 =	vmax.f32 v15, v16;
	v15 =	vmax.f32 v17, v19;
	v16 =	vmax.f32 v21, v22  }
0x3e5: {  	v12 =	vmax.f32 v14, v12;
	v13 =	vmax.f32 v15, v13;
	v14 =	vmax.f32 v16, v23  }
0x3e6: {  	v9 =	vmax.f32 v12, v9;
	v10 =	vmax.f32 v13, v10;
	v12 =	vmax.f32 v14, v20  }
0x3e7: {  	v9 =	vmax.f32 v11, v9;
	v10 =	vmax.f32 v10, v12  }
0x3e8: {  	s20 =	sshra.s32 s17, $0x2;
	s17 =	smov.u32 s19;
	v9 =	vmax.f32 v9, v10  }
0x3e9: {  	s18 =	sadd.s32 $0x100, s18;
	[tilespmem:s20+$0x10000] =	vst v9;
	v10 =	vmin.f32 v7, v9;
	v7 =	vmax.f32 v7, v9  }
0x3ea: {  	v11 =	vld [tilespmem:s18+$0x40];
	v8 =	vmax.f32 v8, v10  }
0x3eb: {  	v9 =	vld [tilespmem:s18+$0x50]  }
0x3ec: {  	v10 =	vld [tilespmem:s18+$0x60]  }
0x3ed: {  	v14 =	vld [tilespmem:s18+$0x0]  }
0x3ee: {  	v12 =	vld [tilespmem:s18+$0x10]  }
0x3ef: {  	v13 =	vld [tilespmem:s18+$0x20]  }
0x3f0: {  	v18 =	vld [tilespmem:s18+$0xFFFFFFC0]  }
0x3f1: {  	v20 =	vld [tilespmem:s18+$0xFFFFFF80]  }
.Ltmp35:
0x3f2: {  	v15 =	vld [tilespmem:s18+$0xFFFFFF90];
	(pc) =	sbr.rel @p0 .LBB2_53-.Ltmp35, $4  }
0x3f3: {  	v16 =	vld [tilespmem:s18+$0xFFFFFFD0]  }
0x3f4: {  	v17 =	vld [tilespmem:s18+$0xFFFFFFA0]  }
0x3f5: {  	v19 =	vld [tilespmem:s18+$0xFFFFFFE0]  }
0x3f6: {  	s19 =	sadd.s32 $0x40, s19;
	v21 =	vld [tilespmem:s18+$0xFFFFFFB0]  }
0x3f7: {  	v22 =	vld [tilespmem:s18+$0xFFFFFFF0]  }
0x3f8: {  	v23 =	vld [tilespmem:s18+$0x30]  }
0x3f9: {  	v55 =	vld [tilespmem:s18+$0x70]  }
0x3fa: {  	v18 =	vmax.f32 v20, v18  }
0x3fb: {  	v14 =	vmax.f32 v18, v14;
	v56 =	vmax.f32 v15, v16  }
0x3fc: {  	v11 =	vmax.f32 v14, v11;
	v57 =	vmax.f32 v17, v19;
	v58 =	vmax.f32 v21, v22  }
0x3fd: {  	v12 =	vmax.f32 v56, v12;
	v13 =	vmax.f32 v57, v13;
	v59 =	vmax.f32 v58, v23  }
0x3fe: {  	v9 =	vmax.f32 v12, v9;
	v10 =	vmax.f32 v13, v10;
	v60 =	vmax.f32 v59, v55  }
0x3ff: {  	v9 =	vmax.f32 v11, v9;
	v10 =	vmax.f32 v10, v60  }
0x400: {  	v9 =	vmax.f32 v9, v10  }
0x401: {  	v7 =	vmin.f32 v7, v9  }
0x402: {  	v7 =	vmax.f32 v8, v7  }
0x403: {  	v7 =	vsub.f32 $0.0e+00, v7;
	_ =	sdelay $0x1  }
0x404: {  	v8 =	vperm.xlane v7, v0;
	_ =	sdelay $0x1  }
0x405: {  	v7 =	vmax.f32 v7, v8  }
0x406: {  	v8 =	vperm.xlane v7, v2;
	_ =	sdelay $0x1  }
0x407: {  	v7 =	vmax.f32 v7, v8  }
0x408: {  	v8 =	vperm.xlane v7, v3  }
0x409: {  	s17 =	sshra.s32 s17, $0x2  }
0x40a: {  	[tilespmem:s17+$0x10000] =	vst v9;
	s17 =	simm.s32 $0x10040;
	v7 =	vmax.f32 v7, v8  }
0x40b: {  	v9 =	vld [tilespmem:s17+$0xFFFFFFC0];
	v8 =	vperm.xlane v7, v4  }
0x40c: {  	v10 =	vld [tilespmem:s17+$0xFFFFFFD0]  }
0x40d: {  	v7 =	vmax.f32 v7, v8;
	v8 =	vld [tilespmem:s17+$0xFFFFFFE0]  }
0x40e: {  	v11 =	vld [tilespmem:s17+$0xFFFFFFF0];
	v7 =	vsub.f32 $0.0e+00, v7  }
0x40f: {  	v61 =	vld [tilespmem:s17+$0x0]  }
0x410: {  	v62 =	vld [tilespmem:s17+$0x10];
	vm7 =	vge.f32 v9, v7  }
0x411: {  	v9 =	vld [tilespmem:s17+$0x20];
	vm6 =	vge.f32 v10, v7;
	v10 =	vmpcnt.ones.xlane vm7  }
0x412: {  	v63 =	vld [tilespmem:s17+$0x30];
	vm5 =	vge.f32 v8, v7;
	v8 =	vmpcnt.ones.xlane vm6  }
0x413: {  	vm4 =	vge.f32 v11, v7;
	v11 =	vmpcnt.ones.xlane vm5;
	(v2sf) =	vpush v10, $0x0  }
0x414: {  	vm3 =	vge.f32 v61, v7;
	v10 =	vmpcnt.ones.xlane vm4;
	(v2sf) =	vpush v8, $0x0  }
0x415: {  	vm2 =	vge.f32 v62, v7;
	v8 =	vmpcnt.ones.xlane vm3;
	(v2sf) =	vpush v11, $0x0  }
0x416: {  	vm1 =	vge.f32 v9, v7;
	v9 =	vmpcnt.ones.xlane vm2;
	(v2sf) =	vpush v10, $0x0  }
0x417: {  	vm0 =	vge.f32 v63, v7;
	v10 =	vmpcnt.ones.xlane vm1;
	(v2sf) =	vpush v8, $0x0  }
0x418: {  	v8 =	vmpcnt.ones.xlane vm0;
	(v2sf) =	vpush v9, $0x0  }
0x419: {  	(v2sf) =	vpush v10, $0x0  }
0x41a: {  	(v2sf) =	vpush v8, $0x0;
	_ =	sdelay $0x6  }
0x41b: {  	s28 =	simm.s32 $0x0  }
0x41c: {  	s19 =	simm.s32 $0x0;
	s29 =	simm.s32 $0x10;
	v8 =	vor.u32 s28, v1;
	s20 =	spop (v2sf)  }
0x41d: {  	s30 =	simm.s32 $0x20;
	[tilespmem:s19+$0x10800] =	vst.msk vm7, v8;
	v8 =	vor.u32 s29, v1;
	s20 =	sadd.s32 $0x0, s20;
	s31 =	spop (v2sf)  }
0x41e: {  	s21 =	simm.s32 $0x30;
	[tilespmem:s20+$0x10800] =	vst.msk vm6, v8;
	s18 =	sadd.s32 s31, s20;
	v8 =	vor.u32 s30, v1;
	s22 =	spop (v2sf)  }
0x41f: {  	s23 =	simm.s32 $0x40;
	[tilespmem:s18+$0x10800] =	vst.msk vm5, v8;
	s18 =	sadd.s32 s22, s18;
	v8 =	vor.u32 s21, v1;
	s24 =	spop (v2sf)  }
0x420: {  	s25 =	simm.s32 $0x50;
	[tilespmem:s18+$0x10800] =	vst.msk vm4, v8;
	s18 =	sadd.s32 s24, s18;
	v8 =	vor.u32 s23, v1;
	s26 =	spop (v2sf)  }
0x421: {  	s28 =	simm.s32 $0x60;
	[tilespmem:s18+$0x10800] =	vst.msk vm3, v8;
	s18 =	sadd.s32 s26, s18;
	v8 =	vor.u32 s25, v1;
	s29 =	spop (v2sf)  }
0x422: {  	s30 =	simm.s32 $0x70;
	[tilespmem:s18+$0x10800] =	vst.msk vm2, v8;
	s19 =	sadd.s32 s29, s18;
	v8 =	vor.u32 s28, v1;
	s31 =	spop (v2sf)  }
0x423: {  	s18 =	simm.s32 $0xF0;
	[tilespmem:s19+$0x10800] =	vst.msk vm1, v8;
	s20 =	sadd.s32 s31, s19;
	v8 =	vor.u32 s30, v1;
	s19 =	spop (v2sf)  }
.LBB2_55:
0x424: {  	p0 =	sne.s32 s18, $0x7F0;
	[tilespmem:s20+$0x10800] =	vst.msk vm0, v8;
	s20 =	sadd.s32 s19, s20;
	s17 =	sadd.s32 $0x80, s17  }
0x425: {  	s19 =	smov.u32 s18;
	s18 =	sadd.s32 $0x80, s18;
	v8 =	vld [tilespmem:s17+$0xFFFFFFC0]  }
0x426: {  	v9 =	vld [tilespmem:s17+$0xFFFFFFD0]  }
0x427: {  	v10 =	vld [tilespmem:s17+$0xFFFFFFE0]  }
0x428: {  	v11 =	vld [tilespmem:s17+$0xFFFFFFF0]  }
0x429: {  	v12 =	vld [tilespmem:s17+$0x0]  }
0x42a: {  	v13 =	vld [tilespmem:s17+$0x10];
	vm0 =	vge.f32 v8, v7  }
0x42b: {  	s21 =	sadd.s32 $0xFFFFFF90, s19;
	v8 =	vld [tilespmem:s17+$0x20];
	vm6 =	vge.f32 v9, v7;
	v9 =	vmpcnt.ones.xlane vm0  }
0x42c: {  	v15 =	vor.u32 s21, v1;
	v14 =	vld [tilespmem:s17+$0x30];
	vm5 =	vge.f32 v10, v7;
	v10 =	vmpcnt.ones.xlane vm6  }
0x42d: {  	vm4 =	vge.f32 v11, v7;
	v11 =	vmpcnt.ones.xlane vm5;
	[tilespmem:s20+$0x10800] =	vst.msk vm0, v15;
	(v2sf) =	vpush v9, $0x0  }
0x42e: {  	vm3 =	vge.f32 v12, v7;
	v9 =	vmpcnt.ones.xlane vm4;
	(v2sf) =	vpush v10, $0x0  }
0x42f: {  	vm2 =	vge.f32 v13, v7;
	v10 =	vmpcnt.ones.xlane vm3;
	(v2sf) =	vpush v11, $0x0  }
0x430: {  	vm1 =	vge.f32 v8, v7;
	v8 =	vmpcnt.ones.xlane vm2;
	(v2sf) =	vpush v9, $0x0  }
0x431: {  	vm0 =	vge.f32 v14, v7;
	v9 =	vmpcnt.ones.xlane vm1;
	(v2sf) =	vpush v10, $0x0  }
0x432: {  	v10 =	vmpcnt.ones.xlane vm0;
	(v2sf) =	vpush v8, $0x0  }
0x433: {  	(v2sf) =	vpush v9, $0x0  }
0x434: {  	(v2sf) =	vpush v10, $0x0;
	_ =	sdelay $0x7  }
0x435: {  	s22 =	sadd.s32 $0xFFFFFFD0, s19;
	s21 =	sadd.s32 $0xFFFFFFA0, s19;
	s23 =	spop (v2sf)  }
0x436: {  	s24 =	sadd.s32 $0xFFFFFFB0, s19;
	v8 =	vor.u32 s21, v1;
	s20 =	sadd.s32 s20, s23;
	s21 =	spop (v2sf)  }
0x437: {  	s23 =	sadd.s32 $0xFFFFFFC0, s19;
	[tilespmem:s20+$0x10800] =	vst.msk vm6, v8;
	s20 =	sadd.s32 s21, s20;
	v8 =	vor.u32 s24, v1;
	s21 =	spop (v2sf)  }
.Ltmp36:
0x438: {  	[tilespmem:s20+$0x10800] =	vst.msk vm5, v8;
	s20 =	sadd.s32 s21, s20;
	v8 =	vor.u32 s23, v1;
	s21 =	spop (v2sf);
	(pc) =	sbr.rel @p0 .LBB2_55-.Ltmp36, $4  }
0x439: {  	s23 =	sadd.s32 $0xFFFFFFE0, s19;
	[tilespmem:s20+$0x10800] =	vst.msk vm4, v8;
	s20 =	sadd.s32 s21, s20;
	v8 =	vor.u32 s22, v1;
	s21 =	spop (v2sf)  }
0x43a: {  	s22 =	sadd.s32 $0xFFFFFFF0, s19;
	[tilespmem:s20+$0x10800] =	vst.msk vm3, v8;
	s20 =	sadd.s32 s21, s20;
	v8 =	vor.u32 s23, v1;
	s21 =	spop (v2sf)  }
0x43b: {  	[tilespmem:s20+$0x10800] =	vst.msk vm2, v8;
	s20 =	sadd.s32 s21, s20;
	v8 =	vor.u32 s22, v1;
	s21 =	spop (v2sf)  }
0x43c: {  	[tilespmem:s20+$0x10800] =	vst.msk vm1, v8;
	s20 =	sadd.s32 s21, s20;
	v8 =	vor.u32 s19, v1;
	s19 =	spop (v2sf)  }
0x43d: {  	s21 =	sadd.s32 s19, s20  }
0x43e: {  	s17 =	sand.u32 $0xF, s21  }
0x43f: {  	s18 =	sshra.s32 s21, $0x1F;
	p0 =	slt.s32 s21, $0x1;
	p1 =	sne.s32 s17, $0x0  }
0x440: {  	s31 =	sshrl.u32 s18, $0x1C;
	p0 =	por !p0, !p1  }
0x441: {  	s19 =	simm.s32 $0x1;
	s17 =	sadd.s32 s31, s21;
	p0 =	por !p0, !p0  }
0x442: {  	s18 =	sshra.s32 s17, $0x4;
	s19 =	simm.s32 @!p0 $0x0  }
0x443: {  	s17 =	ssub.s32 s18, s19  }
0x444: {  	p1 =	slt.s32 s17, $0x0  }
.Ltmp37:
0x445: {  	_ = 	snop;
	(pc) =	sbr.rel @p1 .LBB2_57-.Ltmp37, $3  }
0x446: {  	_ =	sdelay $0x1  }
0x447: {  	[tilespmem:s20+$0x10800] =	vst.msk vm0, v8  }
0x448: {  	[tilespmem:s21+$0x10800] =	vst v5  }
0x449: {  	s17 =	simm.s32 $0x10800  }
0x44a: {  	v9 =	vld [tilespmem:s17+$0x0];
	_ =	sdelay $0x3  }
0x44b: {  	s19 =	simm.s32 $0x0  }
0x44c: {  	v8 =	vmov s21;
	v10 =	vor.u32 s19, v1;
	v14 =	vshll.u32 v9, $0x4  }
0x44d: {  	vm9 =	vlt.s32 v10, v8;
	v15 =	vand.u32 $0xF, v9;
	v9 =	vand.u32 $0xFFFFFF00, v14  }
0x44e: {  	v16 =	vor.u32 v15, v9  }
0x44f: {  	v9 =	vor.u32 $0x20, v16  }
0x450: {  	v11 =	vor.u32 $0x40, v16  }
0x451: {  	v10 =	vor.u32 $0x30, v16;
	_ =	sdelay $0x1  }
0x452: {  	v12 =	vor.u32 $0x10, v16;
	v20 =	vld.idx.msk [tilespmem:v16+s10+$0x0], vm9  }
0x453: {  	v21 =	vld.idx.msk [tilespmem:v9+s10+$0x0], vm9  }
0x454: {  	v14 =	vor.u32 v14, v15;
	v23 =	vld.idx.msk [tilespmem:v11+s10+$0x0], vm9  }
0x455: {  	v28 =	vor.u32 $0xF0, v14;
	v13 =	vor.u32 $0x60, v16;
	v17 =	vor.u32 $0xA0, v16;
	v22 =	vld.idx.msk [tilespmem:v10+s10+$0x0], vm9  }
0x456: {  	v19 =	vor.u32 $0xB0, v16;
	v27 =	vor.u32 $0x90, v16;
	v9 =	vor.u32 $0x50, v16  }
0x457: {  	v54 =	vor.u32 $0xD0, v16;
	v55 =	vor.u32 $0xC0, v16;
	v15 =	vor.u32 $0xE0, v16;
	v24 =	vld.idx.msk [tilespmem:v12+s10+$0x0], vm9  }
0x458: {  	v11 =	vor.u32 $0x70, v16;
	v12 =	vor.u32 $0x80, v16;
	vm0 =	vge.f32 v20, v7  }
0x459: {  	vm10 =	vmand vm9, vm0;
	vm0 =	vge.f32 v21, v7;
	vm1 =	vge.f32 v23, v7  }
0x45a: {  	v18 =	vmpcnt.ones.xlane vm10;
	vm12 =	vmand vm9, vm0;
	vm0 =	vge.f32 v22, v7  }
0x45b: {  	v10 =	vld.idx.msk [tilespmem:v9+s10+$0x0], vm9;
	vm11 =	vmand vm9, vm1;
	v9 =	vmpcnt.ones.xlane vm12;
	vm13 =	vmand vm9, vm0  }
0x45c: {  	v14 =	vld.idx.msk [tilespmem:v27+s10+$0x0], vm9;
	vm0 =	vge.f32 v24, v7;
	(v2sf) =	vpush v18, $0x0;
	v18 =	vmpcnt.ones.xlane vm11  }
0x45d: {  	v16 =	vld.idx.msk [tilespmem:v15+s10+$0x0], vm9;
	v25 =	vmpcnt.ones.xlane vm13;
	vm14 =	vmand vm9, vm0;
	(v2sf) =	vpush v9, $0x0  }
0x45e: {  	v9 =	vld.idx.msk [tilespmem:v11+s10+$0x0], vm9;
	v26 =	vmpcnt.ones.xlane vm14;
	(v2sf) =	vpush v18, $0x0  }
0x45f: {  	v11 =	vld.idx.msk [tilespmem:v12+s10+$0x0], vm9;
	(v2sf) =	vpush v25, $0x0  }
0x460: {  	v18 =	vld.idx.msk [tilespmem:v13+s10+$0x0], vm9;
	(v2sf) =	vpush v26, $0x0  }
0x461: {  	v12 =	vld.idx.msk [tilespmem:v17+s10+$0x0], vm9;
	vm0 =	vge.f32 v10, v7  }
0x462: {  	vm5 =	vge.f32 v14, v7;
	v13 =	vld.idx.msk [tilespmem:v19+s10+$0x0], vm9;
	vm0 =	vmand vm9, vm0  }
0x463: {  	vm8 =	vmand vm9, vm5;
	v19 =	vld.idx.msk [tilespmem:v55+s10+$0x0], vm9;
	v17 =	vmpcnt.ones.xlane vm0  }
0x464: {  	vm15 =	vge.f32 v16, v7;
	v60 =	vmpcnt.ones.xlane vm8  }
0x465: {  	v15 =	vld.idx.msk [tilespmem:v28+s10+$0x0], vm9;
	(v2sf) =	vpush v17, $0x0;
	vm2 =	vge.f32 v9, v7;
	vm3 =	vge.f32 v18, v7  }
0x466: {  	vm1 =	vge.f32 v11, v7;
	v17 =	vld.idx.msk [tilespmem:v54+s10+$0x0], vm9;
	[tilespmem:s19+$0x11080] =	vst.msk vm10, v20;
	vm10 =	vmand vm9, vm15;
	vm6 =	vmand vm9, vm3  }
0x467: {  	vm1 =	vmand vm9, vm1;
	vm4 =	vmand vm9, vm2;
	v56 =	vmpcnt.ones.xlane vm6  }
0x468: {  	vm7 =	vge.f32 v19, v7;
	vm3 =	vge.f32 v12, v7;
	v58 =	vmpcnt.ones.xlane vm4  }
0x469: {  	v59 =	vmpcnt.ones.xlane vm1;
	vm7 =	vmand vm9, vm7;
	(v2sf) =	vpush v56, $0x0  }
0x46a: {  	vm2 =	vmand vm9, vm3;
	vm3 =	vge.f32 v13, v7;
	(v2sf) =	vpush v58, $0x0  }
0x46b: {  	v57 =	vmpcnt.ones.xlane vm2;
	vm3 =	vmand vm9, vm3;
	s20 =	spop (v2sf);
	(v2sf) =	vpush v59, $0x0  }
0x46c: {  	v29 =	vmpcnt.ones.xlane vm3;
	vm5 =	vge.f32 v17, v7;
	s29 =	spop (v2sf);
	(v2sf) =	vpush v60, $0x0  }
0x46d: {  	v62 =	vmpcnt.ones.xlane vm7;
	vm5 =	vmand vm9, vm5;
	s22 =	spop (v2sf);
	(v2sf) =	vpush v57, $0x0  }
0x46e: {  	s23 =	simm.s32 $0xFFFFFFFF;
	vm15 =	vge.f32 v15, v7;
	v61 =	vmpcnt.ones.xlane vm5;
	s24 =	spop (v2sf);
	(v2sf) =	vpush v29, $0x0  }
0x46f: {  	s23 =	simm.s32 @!p0 $0x0;
	v20 =	vmpcnt.ones.xlane vm10;
	vm9 =	vmand vm9, vm15;
	s31 =	spop (v2sf);
	(v2sf) =	vpush v62, $0x0  }
0x470: {  	s18 =	sadd.s32 s23, s18;
	v63 =	vmpcnt.ones.xlane vm9;
	(v2sf) =	vpush v61, $0x0  }
0x471: {  	s18 =	sadd.s32 $0x1, s18;
	(v2sf) =	vpush v20, $0x0  }
0x472: {  	p0 =	sne.s32 s18, $0x1;
	(v2sf) =	vpush v63, $0x0  }
.Ltmp38:
0x473: {  	s30 =	sadd.s32 $0x0, s20;
	(pc) =	sbr.rel @!p0 .LBB2_60-.Ltmp38, $4  }
0x474: {  	[tilespmem:s30+$0x11080] =	vst.msk vm14, v24;
	s19 =	sadd.s32 s30, s31  }
0x475: {  	[tilespmem:s19+$0x11080] =	vst.msk vm12, v21;
	s19 =	sadd.s32 s19, s29  }
0x476: {  	s18 =	sadd.s32 $0xFFFFFFFF, s18;
	[tilespmem:s19+$0x11080] =	vst.msk vm13, v22;
	s19 =	sadd.s32 s19, s24  }
0x477: {  	s21 =	spop (v2sf);
	[tilespmem:s19+$0x11080] =	vst.msk vm11, v23;
	s20 =	sadd.s32 s19, s22;
	s19 =	simm.s32 $0x10  }
.LBB2_59:
0x478: {  	[tilespmem:s20+$0x11080] =	vst.msk vm0, v10;
	s20 =	sadd.s32 s20, s21;
	s17 =	sadd.s32 $0x10, s17;
	s21 =	spop (v2sf)  }
0x479: {  	p0 =	sne.s32 s18, $0x1;
	[tilespmem:s20+$0x11080] =	vst.msk vm6, v18;
	s20 =	sadd.s32 s20, s21;
	s21 =	spop (v2sf)  }
0x47a: {  	s18 =	sadd.s32 $0xFFFFFFFF, s18;
	[tilespmem:s20+$0x11080] =	vst.msk vm4, v9;
	s20 =	sadd.s32 s20, s21;
	s21 =	spop (v2sf)  }
0x47b: {  	[tilespmem:s20+$0x11080] =	vst.msk vm1, v11;
	s20 =	sadd.s32 s20, s21;
	s21 =	spop (v2sf)  }
0x47c: {  	[tilespmem:s20+$0x11080] =	vst.msk vm8, v14;
	s20 =	sadd.s32 s20, s21;
	s21 =	spop (v2sf)  }
0x47d: {  	[tilespmem:s20+$0x11080] =	vst.msk vm2, v12;
	s20 =	sadd.s32 s20, s21;
	s21 =	spop (v2sf)  }
0x47e: {  	[tilespmem:s20+$0x11080] =	vst.msk vm3, v13;
	s20 =	sadd.s32 s20, s21;
	s21 =	spop (v2sf)  }
0x47f: {  	[tilespmem:s20+$0x11080] =	vst.msk vm7, v19;
	s20 =	sadd.s32 s20, s21;
	s21 =	spop (v2sf)  }
0x480: {  	[tilespmem:s20+$0x11080] =	vst.msk vm5, v17;
	s20 =	sadd.s32 s20, s21;
	s21 =	spop (v2sf)  }
0x481: {  	[tilespmem:s20+$0x11080] =	vst.msk vm10, v16;
	s20 =	sadd.s32 s20, s21;
	s21 =	spop (v2sf)  }
0x482: {  	v9 =	vor.u32 s19, v1;
	[tilespmem:s20+$0x11080] =	vst.msk vm9, v15;
	s20 =	sadd.s32 s20, s21  }
0x483: {  	vm9 =	vlt.s32 v9, v8;
	v10 =	vld [tilespmem:s17+$0x0];
	_ =	sdelay $0x4  }
0x484: {  	v9 =	vshll.u32 v10, $0x4  }
0x485: {  	v10 =	vand.u32 $0xF, v10;
	v11 =	vand.u32 $0xFFFFFF00, v9  }
0x486: {  	v9 =	vor.u32 v9, v10;
	v11 =	vor.u32 v10, v11  }
0x487: {  	v12 =	vor.u32 $0x10, v11;
	v10 =	vor.u32 $0x20, v11;
	v13 =	vor.u32 $0x30, v11  }
0x488: {  	v14 =	vor.u32 $0x40, v11;
	v19 =	vor.u32 $0xC0, v11;
	v17 =	vor.u32 $0xD0, v11  }
0x489: {  	v20 =	vor.u32 $0xF0, v9;
	v15 =	vor.u32 $0x50, v11;
	v16 =	vor.u32 $0xE0, v11;
	_ =	sdelay $0x1  }
0x48a: {  	v18 =	vor.u32 $0x60, v11;
	v21 =	vld.idx.msk [tilespmem:v11+s10+$0x0], vm9  }
0x48b: {  	v9 =	vor.u32 $0x70, v11;
	v22 =	vld.idx.msk [tilespmem:v10+s10+$0x0], vm9  }
0x48c: {  	v23 =	vld.idx.msk [tilespmem:v13+s10+$0x0], vm9;
	v13 =	vor.u32 $0x80, v11  }
0x48d: {  	v24 =	vld.idx.msk [tilespmem:v14+s10+$0x0], vm9;
	v14 =	vor.u32 $0x90, v11  }
0x48e: {  	v10 =	vld.idx.msk [tilespmem:v15+s10+$0x0], vm9  }
0x48f: {  	v25 =	vld.idx.msk [tilespmem:v12+s10+$0x0], vm9;
	v12 =	vor.u32 $0xA0, v11  }
0x490: {  	v15 =	vor.u32 $0xB0, v11;
	vm0 =	vge.f32 v21, v7;
	v9 =	vld.idx.msk [tilespmem:v9+s10+$0x0], vm9  }
0x491: {  	vm3 =	vmand vm9, vm0;
	vm0 =	vge.f32 v22, v7;
	v11 =	vld.idx.msk [tilespmem:v13+s10+$0x0], vm9  }
0x492: {  	v13 =	vmpcnt.ones.xlane vm3;
	vm11 =	vmand vm9, vm0;
	vm0 =	vge.f32 v23, v7;
	v14 =	vld.idx.msk [tilespmem:v14+s10+$0x0], vm9  }
0x493: {  	v26 =	vmpcnt.ones.xlane vm11;
	vm12 =	vmand vm9, vm0;
	vm0 =	vge.f32 v24, v7;
	v18 =	vld.idx.msk [tilespmem:v18+s10+$0x0], vm9  }
0x494: {  	v27 =	vmpcnt.ones.xlane vm12;
	vm13 =	vmand vm9, vm0;
	v12 =	vld.idx.msk [tilespmem:v12+s10+$0x0], vm9;
	(v2sf) =	vpush v13, $0x0  }
0x495: {  	vm1 =	vge.f32 v10, v7;
	vm0 =	vge.f32 v25, v7;
	v28 =	vmpcnt.ones.xlane vm13;
	v13 =	vld.idx.msk [tilespmem:v15+s10+$0x0], vm9  }
0x496: {  	vm14 =	vmand vm9, vm0;
	vm0 =	vmand vm9, vm1;
	(v2sf) =	vpush v26, $0x0  }
0x497: {  	v26 =	vmpcnt.ones.xlane vm14;
	v29 =	vmpcnt.ones.xlane vm0;
	v15 =	vld.idx.msk [tilespmem:v20+s10+$0x0], vm9;
	(v2sf) =	vpush v28, $0x0  }
0x498: {  	vm2 =	vge.f32 v9, v7;
	vm1 =	vge.f32 v11, v7;
	v16 =	vld.idx.msk [tilespmem:v16+s10+$0x0], vm9;
	(v2sf) =	vpush v27, $0x0  }
0x499: {  	vm1 =	vmand vm9, vm1;
	vm4 =	vge.f32 v18, v7;
	v17 =	vld.idx.msk [tilespmem:v17+s10+$0x0], vm9;
	(v2sf) =	vpush v26, $0x0  }
0x49a: {  	vm6 =	vmand vm9, vm4;
	vm4 =	vmand vm9, vm2;
	vm2 =	vge.f32 v12, v7;
	v19 =	vld.idx.msk [tilespmem:v19+s10+$0x0], vm9  }
0x49b: {  	vm5 =	vge.f32 v14, v7;
	vm2 =	vmand vm9, vm2;
	vm7 =	vge.f32 v13, v7;
	[tilespmem:s20+$0x11080] =	vst.msk vm3, v21  }
0x49c: {  	v20 =	vmpcnt.ones.xlane vm6;
	v21 =	vmpcnt.ones.xlane vm2;
	vm3 =	vmand vm9, vm7  }
0x49d: {  	v26 =	vmpcnt.ones.xlane vm4;
	v27 =	vmpcnt.ones.xlane vm3;
	(v2sf) =	vpush v29, $0x0  }
0x49e: {  	v28 =	vmpcnt.ones.xlane vm1;
	vm8 =	vmand vm9, vm5;
	(v2sf) =	vpush v20, $0x0  }
0x49f: {  	v20 =	vmpcnt.ones.xlane vm8;
	vm5 =	vge.f32 v17, v7;
	(v2sf) =	vpush v26, $0x0  }
0x4a0: {  	vm7 =	vge.f32 v19, v7;
	vm5 =	vmand vm9, vm5;
	(v2sf) =	vpush v28, $0x0  }
0x4a1: {  	vm7 =	vmand vm9, vm7;
	v26 =	vmpcnt.ones.xlane vm5;
	(v2sf) =	vpush v20, $0x0  }
0x4a2: {  	vm10 =	vge.f32 v16, v7;
	v20 =	vmpcnt.ones.xlane vm7;
	(v2sf) =	vpush v21, $0x0  }
0x4a3: {  	vm15 =	vge.f32 v15, v7;
	vm10 =	vmand vm9, vm10;
	s21 =	spop (v2sf);
	(v2sf) =	vpush v27, $0x0  }
0x4a4: {  	vm9 =	vmand vm9, vm15;
	v21 =	vmpcnt.ones.xlane vm10;
	(v2sf) =	vpush v20, $0x0  }
0x4a5: {  	v20 =	vmpcnt.ones.xlane vm9;
	s22 =	spop (v2sf);
	(v2sf) =	vpush v26, $0x0  }
0x4a6: {  	s23 =	spop (v2sf);
	(v2sf) =	vpush v21, $0x0  }
0x4a7: {  	s24 =	spop (v2sf);
	(v2sf) =	vpush v20, $0x0  }
.Ltmp39:
0x4a8: {  	s20 =	sadd.s32 s20, s21;
	s21 =	spop (v2sf);
	(pc) =	sbr.rel @p0 .LBB2_59-.Ltmp39, $4  }
0x4a9: {  	[tilespmem:s20+$0x11080] =	vst.msk vm14, v25;
	s20 =	sadd.s32 s20, s21  }
0x4aa: {  	[tilespmem:s20+$0x11080] =	vst.msk vm11, v22;
	s20 =	sadd.s32 s20, s22  }
0x4ab: {  	[tilespmem:s20+$0x11080] =	vst.msk vm12, v23;
	s20 =	sadd.s32 s20, s24  }
0x4ac: {  	s19 =	sadd.s32 $0x10, s19;
	[tilespmem:s20+$0x11080] =	vst.msk vm13, v24;
	s20 =	sadd.s32 s20, s23;
	s21 =	spop (v2sf)  }
.LBB2_60:
0x4ad: {  	[tilespmem:s20+$0x11080] =	vst.msk vm0, v10;
	s17 =	sadd.s32 s20, s21;
	s18 =	spop (v2sf)  }
0x4ae: {  	[tilespmem:s17+$0x11080] =	vst.msk vm6, v18;
	s17 =	sadd.s32 s17, s18;
	s22 =	spop (v2sf)  }
0x4af: {  	[tilespmem:s17+$0x11080] =	vst.msk vm4, v9;
	s17 =	sadd.s32 s17, s22;
	s23 =	spop (v2sf)  }
0x4b0: {  	[tilespmem:s17+$0x11080] =	vst.msk vm1, v11;
	s17 =	sadd.s32 s17, s23;
	s24 =	spop (v2sf)  }
0x4b1: {  	[tilespmem:s17+$0x11080] =	vst.msk vm8, v14;
	s17 =	sadd.s32 s17, s24;
	s25 =	spop (v2sf)  }
0x4b2: {  	[tilespmem:s17+$0x11080] =	vst.msk vm2, v12;
	s17 =	sadd.s32 s17, s25;
	s26 =	spop (v2sf)  }
.Ltmp40:
0x4b3: {  	[tilespmem:s17+$0x11080] =	vst.msk vm3, v13;
	s17 =	sadd.s32 s17, s26;
	s28 =	spop (v2sf);
	(pc) =	sbr.rel .LBB2_61-.Ltmp40, $4  }
0x4b4: {  	[tilespmem:s17+$0x11080] =	vst.msk vm7, v19;
	s17 =	sadd.s32 s17, s28;
	s29 =	spop (v2sf)  }
0x4b5: {  	[tilespmem:s17+$0x11080] =	vst.msk vm5, v17;
	s17 =	sadd.s32 s17, s29;
	s30 =	spop (v2sf)  }
0x4b6: {  	[tilespmem:s17+$0x11080] =	vst.msk vm10, v16;
	s17 =	sadd.s32 s17, s30;
	s31 =	spop (v2sf)  }
0x4b7: {  	[tilespmem:s17+$0x11080] =	vst.msk vm9, v15;
	s17 =	sadd.s32 s17, s31  }
.LBB2_57:
0x4b8: {  	s17 =	simm.s32 $0x0  }
.LBB2_61:
0x4b9: {  	s18 =	sand.u32 $0xF, s17  }
0x4ba: {  	s19 =	sshra.s32 s17, $0x1F;
	p0 =	slt.s32 s17, $0x1;
	p1 =	sne.s32 s18, $0x0  }
0x4bb: {  	s31 =	sshrl.u32 s19, $0x1C;
	p0 =	por !p0, !p1  }
0x4bc: {  	s19 =	simm.s32 $0x1;
	s18 =	sadd.s32 s31, s17;
	p0 =	por !p0, !p0  }
0x4bd: {  	s18 =	sshra.s32 s18, $0x4;
	s19 =	simm.s32 @!p0 $0x0  }
0x4be: {  	s19 =	ssub.s32 s18, s19  }
0x4bf: {  	p1 =	slt.s32 s19, $0x0  }
.Ltmp41:
0x4c0: {  	_ = 	snop;
	(pc) =	sbr.rel @p1 .LBB2_69-.Ltmp41, $3  }
0x4c1: {  	_ =	sdelay $0x1  }
0x4c2: {  	v7 =	vimm.f32 $-Inf  }
0x4c3: {  	v8 =	vimm.f32 $-Inf;
	[tilespmem:s17+$0x11080] =	vst v7  }
0x4c4: {  	s17 =	simm.s32 $0xFFFFFFFF  }
0x4c5: {  	s17 =	simm.s32 @!p0 $0x0  }
0x4c6: {  	s17 =	sadd.s32 s17, s18  }
0x4c7: {  	s17 =	sadd.s32 $0x1, s17  }
0x4c8: {  	p2 =	sne.s32 s17, $0x1  }
.Ltmp42:
0x4c9: {  	_ = 	snop;
	(pc) =	sbr.rel @!p2 .LBB2_63-.Ltmp42, $3  }
0x4ca: {  	s31 =	simm.s32 $0x11080  }
0x4cb: {  	v8 =	vld [tilespmem:s31+$0x0];
	_ =	sdelay $0x1  }
0x4cc: {  	v7 =	vimm.f32 $-Inf;
	p1 =	por $0x0, $0x0;
	p0 =	por $0x0, $0x0;
	s17 =	sadd.s32 $0xFFFFFFFF, s17  }
0x4cd: {  	_ =	sdelay $0x1  }
0x4ce: {  	(xrf1) =	vsort.dscd.msk.f32 $0xffff, v8, v8;
	_ =	sdelay $0x9  }
0x4cf: {  	p2 =	sne.s32 s17, $0x1  }
.Ltmp43:
0x4d0: {  	_ = 	snop;
	(pc) =	sbr.rel @!p2 .LBB2_65-.Ltmp43, $4  }
0x4d1: {  	s19 =	simm.s32 $0x11090  }
0x4d2: {  	v8 =	vld [tilespmem:s19+$0x0]  }
0x4d3: {  	v9, _, _ =	vpop (xrf1)  }
0x4d4: {  	s18 =	sadd.s32 $0xFFFFFFFF, s17;
	p0 =	por $0x1, $0x1;
	v9 =	vperm.xlane v9, v6  }
0x4d5: {  	_ =	sdelay $0x1  }
0x4d6: {  	(xrf1) =	vsort.dscd.msk.f32 $0xffff, v8, v8;
	_ =	sdelay $0xb  }
0x4d7: {  	v10 =	vmin.f32 v7, v9  }
0x4d8: {  	v8 =	vmax.f32 v7, v9;
	(xrf1) =	vsort.dscd.msk.f32 $0xffff, v10, v10  }
0x4d9: {  	v9, _, _ =	vpop (xrf1);
	(xrf1) =	vsort.dscd.msk.f32 $0xffff, v8, v8;
	_ =	sdelay $0x7  }
0x4da: {  	p2 =	sne.s32 s18, $0x1  }
.Ltmp44:
0x4db: {  	_ = 	snop;
	(pc) =	sbr.rel @!p2 .LBB2_68-.Ltmp44, $4  }
0x4dc: {  	s17 =	simm.s32 $0x110A0  }
0x4dd: {  	v8 =	vld [tilespmem:s17+$0x0]  }
0x4de: {  	v10 =	vperm.xlane v7, v6  }
0x4df: {  	s18 =	sadd.s32 $0xFFFFFFFF, s18;
	p1 =	por $0x1, $0x1;
	v9 =	vperm.xlane v9, v6;
	v11, _, _ =	vpop (xrf1)  }
.LBB2_67:
0x4e0: {  	p2 =	sne.s32 s18, $0x1;
	s18 =	sadd.s32 $0xFFFFFFFF, s18;
	v10 =	vmax.f32 v11, v10;
	v11, _, _ =	vpop (xrf1)  }
0x4e1: {  	v12 =	vmax.f32 v11, v9;
	v9 =	vmin.f32 v11, v9;
	(xrf1) =	vsort.dscd.msk.f32 $0xffff, v10, v10  }
0x4e2: {  	(xrf1) =	vsort.dscd.msk.f32 $0xffff, v8, v8  }
0x4e3: {  	(xrf1) =	vsort.dscd.msk.f32 $0xffff, v9, v9  }
0x4e4: {  	(xrf1) =	vsort.dscd.msk.f32 $0xffff, v12, v12;
	_ =	sdelay $0x8  }
.Ltmp45:
0x4e5: {  	(pc) =	sbr.rel @p2 .LBB2_67-.Ltmp45, $4  }
0x4e6: {  	s17 =	sadd.s32 $0x10, s17  }
0x4e7: {  	v8 =	vld [tilespmem:s17+$0x0];
	v9, _, _ =	vpop (xrf1)  }
0x4e8: {  	v11, _, _ =	vpop (xrf1);
	v10 =	vperm.xlane v9, v6  }
0x4e9: {  	v9 =	vperm.xlane v11, v6;
	v11, _, _ =	vpop (xrf1)  }
.Ltmp46:
0x4ea: {  	_ = 	snop;
	(pc) =	sbr.rel .LBB2_68-.Ltmp46, $1  }
0x4eb: {  	_ =	sdelay $0x3  }
.LBB2_12:
.Ltmp47:
0x4ec: {  	(pc) =	sbr.rel .LBB2_17-.Ltmp47, $2  }
0x4ed: {  	_ =	sdelay $0x2  }
0x4ee: {  	_ = 	snop  }
.LBB2_29:
.Ltmp48:
0x4ef: {  	(pc) =	sbr.rel .LBB2_34-.Ltmp48, $2  }
0x4f0: {  	_ =	sdelay $0x2  }
0x4f1: {  	_ = 	snop  }
.LBB2_46:
.Ltmp49:
0x4f2: {  	(pc) =	sbr.rel .LBB2_51-.Ltmp49, $2  }
0x4f3: {  	_ =	sdelay $0x2  }
0x4f4: {  	_ = 	snop  }
.LBB2_14:
.Ltmp50:
0x4f5: {  	(pc) =	sbr.rel .LBB2_17-.Ltmp50, $2  }
0x4f6: {  	_ =	sdelay $0x2  }
0x4f7: {  	_ = 	snop  }
.LBB2_31:
.Ltmp51:
0x4f8: {  	(pc) =	sbr.rel .LBB2_34-.Ltmp51, $2  }
0x4f9: {  	_ =	sdelay $0x2  }
0x4fa: {  	_ = 	snop  }
.LBB2_48:
.Ltmp52:
0x4fb: {  	(pc) =	sbr.rel .LBB2_51-.Ltmp52, $2  }
0x4fc: {  	_ =	sdelay $0x2  }
0x4fd: {  	_ = 	snop  }
.LBB2_65:
.Ltmp53:
0x4fe: {  	(pc) =	sbr.rel .LBB2_68-.Ltmp53, $2  }
0x4ff: {  	_ =	sdelay $0x2  }
0x500: {  	_ = 	snop  }
.LBB2_70:
0x501: {  	_ =	sfence.sel $0x180000  }
0x502: {  	[bflag:$0x0] =	sbarrier.arrive $0xFFFF  }
0x503: {  	p0 =	sne.s32 s2, $0x0;
	_ =	strace $0x90000047  }
0x504: {  	s0 =	sadd.s32 @!p0 $0x100000, s0;
	[bflag:$0x2] =	sbarrier.arrive $0xFFFF  }
0x505: {  	[sflag:s0] =	ssyncadd.tile.s32 @!p0 $0x1;
	_ =	shalt  }
.Lfunc_end2:
_tile_overlayer_lowered:
.L_overlay_start_2:
0x506: {  	(tag) =	ssettag $0x2  }
0x507: {  	s0 =	rddreg [dreg:$0x0];
	s2 =	stileid.u32  }
0x508: {  	s1 =	rddreg [dreg:$0x1];
	p0 =	sne.s32 s2, $0x0  }
0x509: {  	s3 =	rddreg [dreg:$0x2];
	[bflag:$0x3] =	sbarrier.arrive $0xFFFF;
	s2 =	simm.s32 @!p0 $0x1C03  }
0x50a: {  	[timem:s3], [sflag:s2] =	dma.local @!p0 [hbm:s0], s1  }
0x50b: {  	s0 =	simm.s32 @!p0 $0x3  }
0x50c: {  	_ =	swait.ge @!p0 [sflag:s0], s1  }
0x50d: {  	s1 =	ssub.s32 @!p0 $0x0, s1;
	[sflag:s0] =	ssyncset.done @!p0 $0x0  }
0x50e: {  	[sflag:s0] =	ssyncadd.s32 @!p0 s1  }
0x50f: {  	[bflag:$0x3] =	sbarrier.arrive $0xFFFF  }
0x510: {  	_ =	shalt  }

</sc_bundles>
